<compile_context>
chip_gen: v7x
topology: tpu7x:2x2x1
jax: 0.10.2.dev20260603
libtpu: 0.0.44.dev20260713+nightly
codegen_flags: <defaults>
</compile_context>

<pallas_src>
import functools

import numpy as np

import jax
import jax.numpy as jnp
from jax import lax
from jax.experimental import pallas as pl
from jax.experimental.pallas import tpu as pltpu
from jax.experimental.pallas import tpu_sc as plsc

N = 10000
D = 128
E = 320000

NCORES = 2
NSUB = 16
CHUNK = 128
G = 25
NGROUPS = E // (CHUNK * G)
GROUPS_PER_CORE = NGROUPS // NCORES
ITERS = (GROUPS_PER_CORE + NSUB - 1) // NSUB

ECHUNK = 100
EG = 10
ENGROUPS = E // (ECHUNK * EG)
EGROUPS_PER_CORE = ENGROUPS // NCORES
EITERS = (EGROUPS_PER_CORE + NSUB - 1) // NSUB

ROWS_A = 624
ROWS_B = N - 15 * ROWS_A


def _sc_mesh():
    return plsc.VectorSubcoreMesh(core_axis_name="c", subcore_axis_name="s")


def _deg_counts(dst3d):

    @functools.partial(
        pl.kernel,
        out_type=[jax.ShapeDtypeStruct((N,), jnp.float32),
                  jax.ShapeDtypeStruct((N,), jnp.float32)],
        mesh=_sc_mesh(),
        scratch_types=[
            pltpu.VMEM((2, G, CHUNK), jnp.int32),
            pltpu.VMEM((CHUNK,), jnp.float32),
            pltpu.VMEM((ROWS_B,), jnp.float32),
            pltpu.VMEM_SHARED((N,), jnp.float32),
            pltpu.SemaphoreType.DMA,
            pltpu.SemaphoreType.DMA,
        ],
    )
    def k(dst_hbm, out0_hbm, out1_hbm, idx_v, ones_v, zeros_v, deg_sh,
          ssem, isem):
        c = lax.axis_index("c")
        s = lax.axis_index("s")
        for j in range(CHUNK // 16):
            ones_v[pl.ds(j * 16, 16)] = jnp.ones((16,), jnp.float32)

        def zb(t, carry):
            zeros_v[pl.ds(t * jnp.int32(16), 16)] = jnp.zeros((16,),
                                                              jnp.float32)
            return carry

        lax.fori_loop(jnp.int32(0), jnp.int32(ROWS_B // 16), zb, None)

        @pl.when(s < 15)
        def _():
            pltpu.sync_copy(zeros_v.at[pl.ds(0, ROWS_A)],
                            deg_sh.at[pl.ds(s * jnp.int32(ROWS_A), ROWS_A)])

        @pl.when(s == 15)
        def _():
            pltpu.sync_copy(zeros_v,
                            deg_sh.at[pl.ds(jnp.int32(15 * ROWS_A), ROWS_B)])

        plsc.subcore_barrier()

        def idx_fetch(i, p):
            r = c * jnp.int32(GROUPS_PER_CORE) + s + i * jnp.int32(NSUB)
            pltpu.async_copy(dst_hbm.at[r], idx_v.at[p], isem)

        def idx_wait(p):
            pltpu.make_async_copy(dst_hbm.at[jnp.int32(0)], idx_v.at[p],
                                  isem).wait()

        idx_fetch(jnp.int32(0), jnp.int32(0))

        def body(i, carry):
            p = lax.rem(i, jnp.int32(2))
            g = s + i * jnp.int32(NSUB)

            @pl.when(g < jnp.int32(GROUPS_PER_CORE))
            def _():
                idx_wait(p)

                @pl.when(g + jnp.int32(NSUB) < jnp.int32(GROUPS_PER_CORE))
                def _():
                    idx_fetch(i + 1, jnp.int32(1) - p)

                sds = [pltpu.async_copy(
                    ones_v, deg_sh.at[idx_v.at[p, jnp.int32(j)]], ssem,
                    add=True) for j in range(G)]
                for d in sds:
                    d.wait()

            return carry

        lax.fori_loop(jnp.int32(0), jnp.int32(ITERS), body, None)
        plsc.subcore_barrier()

        @pl.when((s == 0) & (c == 0))
        def _():
            pltpu.sync_copy(deg_sh, out0_hbm)

        @pl.when((s == 0) & (c == 1))
        def _():
            pltpu.sync_copy(deg_sh, out1_hbm)

    return k(dst3d)


def _edge_accumulate(src3d, dst3d, h2):

    @functools.partial(
        pl.kernel,
        out_type=jax.ShapeDtypeStruct((NCORES, N, D), jnp.float32),
        mesh=_sc_mesh(),
        scratch_types=[
            pltpu.VMEM((2, EG, ECHUNK), jnp.int32),
            pltpu.VMEM((2, EG, ECHUNK), jnp.int32),
            pltpu.VMEM((ECHUNK, D), jnp.float32),
            pltpu.VMEM((ECHUNK, D), jnp.float32),
            pltpu.VMEM((ECHUNK, D), jnp.float32),
            pltpu.VMEM_SHARED((N, D), jnp.float32),
            pltpu.SemaphoreType.DMA,
            pltpu.SemaphoreType.DMA,
            pltpu.SemaphoreType.DMA,
            pltpu.SemaphoreType.DMA,
            pltpu.SemaphoreType.DMA,
            pltpu.SemaphoreType.DMA,
            pltpu.SemaphoreType.DMA,
            pltpu.SemaphoreType.DMA,
        ],
    )
    def k(src_hbm, dst_hbm, h2_hbm, out_hbm, isrc_v, idst_v, rows_a,
          rows_b, rows_c, acc_sh, gsem_a, gsem_b, gsem_c,
          ssem_a, ssem_b, ssem_c, isem_s, isem_d):
        c = lax.axis_index("c")
        s = lax.axis_index("s")

        def zb(t, carry):
            rows_a[t, pl.ds(0, 16)] = jnp.zeros((16,), jnp.float32)
            for q in range(1, D // 16):
                rows_a[t, pl.ds(q * 16, 16)] = jnp.zeros((16,), jnp.float32)
            return carry

        lax.fori_loop(jnp.int32(0), jnp.int32(ECHUNK), zb, None)

        @pl.when(s < 15)
        def _():
            r0 = s * jnp.int32(ROWS_A)
            for m in range(ROWS_A // ECHUNK):
                pltpu.sync_copy(
                    rows_a,
                    acc_sh.at[pl.ds(r0 + jnp.int32(m * ECHUNK), ECHUNK)])
            pltpu.sync_copy(
                rows_a.at[pl.ds(0, ROWS_A % ECHUNK)],
                acc_sh.at[pl.ds(r0 + jnp.int32(ROWS_A - ROWS_A % ECHUNK),
                                ROWS_A % ECHUNK)])

        @pl.when(s == 15)
        def _():
            r0 = jnp.int32(15 * ROWS_A)
            for m in range(ROWS_B // ECHUNK):
                pltpu.sync_copy(
                    rows_a,
                    acc_sh.at[pl.ds(r0 + jnp.int32(m * ECHUNK), ECHUNK)])
            pltpu.sync_copy(
                rows_a.at[pl.ds(0, ROWS_B % ECHUNK)],
                acc_sh.at[pl.ds(r0 + jnp.int32(ROWS_B - ROWS_B % ECHUNK),
                                ROWS_B % ECHUNK)])

        plsc.subcore_barrier()

        def idx_fetch(i, p):
            r = c * jnp.int32(EGROUPS_PER_CORE) + s + i * jnp.int32(NSUB)
            pltpu.async_copy(src_hbm.at[r], isrc_v.at[p], isem_s)
            pltpu.async_copy(dst_hbm.at[r], idst_v.at[p], isem_d)

        def idx_wait(p):
            pltpu.make_async_copy(src_hbm.at[jnp.int32(0)], isrc_v.at[p],
                                  isem_s).wait()
            pltpu.make_async_copy(dst_hbm.at[jnp.int32(0)], idst_v.at[p],
                                  isem_d).wait()

        idx_fetch(jnp.int32(0), jnp.int32(0))

        def body(i, carry):
            p = lax.rem(i, jnp.int32(2))
            g = s + i * jnp.int32(NSUB)

            @pl.when(g < jnp.int32(EGROUPS_PER_CORE))
            def _():
                idx_wait(p)

                @pl.when(g + jnp.int32(NSUB) < jnp.int32(EGROUPS_PER_CORE))
                def _():
                    idx_fetch(i + 1, jnp.int32(1) - p)

                bufs = (rows_a, rows_b, rows_c)
                gsems = (gsem_a, gsem_b, gsem_c)
                ssems = (ssem_a, ssem_b, ssem_c)

                def gather(j):
                    return pltpu.async_copy(
                        h2_hbm.at[isrc_v.at[p, jnp.int32(j)]], bufs[j % 3],
                        gsems[j % 3])

                def scatter(j):
                    return pltpu.async_copy(
                        bufs[j % 3], acc_sh.at[idst_v.at[p, jnp.int32(j)]],
                        ssems[j % 3], add=True)

                gd = {0: gather(0), 1: gather(1)}
                sd = {}
                for j in range(EG):
                    gd[j].wait()
                    if j >= 1:
                        sd[j - 1].wait()
                    sd[j] = scatter(j)
                    if j + 2 < EG:
                        gd[j + 2] = gather(j + 2)
                sd[EG - 1].wait()

            return carry

        lax.fori_loop(jnp.int32(0), jnp.int32(EITERS), body, None)
        plsc.subcore_barrier()

        @pl.when(s < 15)
        def _():
            r0 = s * jnp.int32(ROWS_A)
            pltpu.sync_copy(acc_sh.at[pl.ds(r0, ROWS_A)],
                            out_hbm.at[c, pl.ds(r0, ROWS_A)])

        @pl.when(s == 15)
        def _():
            r0 = jnp.int32(15 * ROWS_A)
            pltpu.sync_copy(acc_sh.at[pl.ds(r0, ROWS_B)],
                            out_hbm.at[c, pl.ds(r0, ROWS_B)])

    return k(src3d, dst3d, h2)


_I0 = np.int32(0)
_R = 1000


def _tc_prep(x, W, d0, d1):

    def body(x_ref, w_ref, d0_ref, d1_ref, h2_ref):
        dis = lax.rsqrt(1.0 + d0_ref[...] + d1_ref[...])
        h = jnp.dot(x_ref[...], w_ref[...], preferred_element_type=jnp.float32)
        h2_ref[...] = dis * h

    return pl.pallas_call(
        body,
        grid=(N // _R,),
        in_specs=[
            pl.BlockSpec((_R, D), lambda i: (i, _I0)),
            pl.BlockSpec((D, D), lambda i: (_I0, _I0)),
            pl.BlockSpec((_R, 1), lambda i: (i, _I0)),
            pl.BlockSpec((_R, 1), lambda i: (i, _I0)),
        ],
        out_specs=pl.BlockSpec((_R, D), lambda i: (i, _I0)),
        out_shape=jax.ShapeDtypeStruct((N, D), jnp.float32),
    )(x, W, d0, d1)


def _tc_final(accp, h2, d0, d1, b2):
    def body(a_ref, h2_ref, d0_ref, d1_ref, b_ref, o_ref):
        dis = lax.rsqrt(1.0 + d0_ref[...] + d1_ref[...])
        tot = a_ref[0] + a_ref[1] + h2_ref[...]
        o_ref[...] = jnp.maximum(dis * tot + b_ref[...], 0.0)

    return pl.pallas_call(
        body,
        grid=(N // _R,),
        in_specs=[
            pl.BlockSpec((NCORES, _R, D), lambda i: (_I0, i, _I0)),
            pl.BlockSpec((_R, D), lambda i: (i, _I0)),
            pl.BlockSpec((_R, 1), lambda i: (i, _I0)),
            pl.BlockSpec((_R, 1), lambda i: (i, _I0)),
            pl.BlockSpec((1, D), lambda i: (_I0, _I0)),
        ],
        out_specs=pl.BlockSpec((_R, D), lambda i: (i, _I0)),
        out_shape=jax.ShapeDtypeStruct((N, D), jnp.float32),
    )(accp, h2, d0, d1, b2)


def kernel(x, edge_index, cache_name, W, b):
    ei = edge_index.astype(jnp.int32)
    src3d = ei[0].reshape(ENGROUPS, EG, ECHUNK)
    dst3d = ei[1].reshape(ENGROUPS, EG, ECHUNK)
    dst3d_deg = ei[1].reshape(NGROUPS, G, CHUNK)

    d0, d1 = _deg_counts(dst3d_deg)
    d0 = d0.reshape(N, 1)
    d1 = d1.reshape(N, 1)
    h2 = _tc_prep(x.astype(jnp.float32), W.astype(jnp.float32), d0, d1)
    accp = _edge_accumulate(src3d, dst3d, h2)
    out = _tc_final(accp, h2, d0, d1, b.reshape(1, D).astype(jnp.float32))
    return out.astype(W.dtype)

# --- scband reference (transcript-rebuilt; emitter-appended) ---
"""Pipeline reference for scband-shared-encoder-26843545600017 (READ-ONLY COPY).

The authoritative reference and input builder live on the scoring server;
editing this copy changes nothing except your own understanding.
"""

import jax
jax.config.update('jax_enable_x64', True)
import jax.numpy as jnp
import numpy as np

N = 10000
E = 320000
D = 128


def setup_inputs(seed: int = 0) -> dict:
    key = jax.random.key(seed)
    k1, k2, k3 = jax.random.split(key, 3)
    x = jax.random.normal(k1, (N, D), dtype=jnp.float32)
    edge_index = jax.random.randint(k2, (2, E), 0, N, dtype=jnp.int64)
    # learned params of CachedGCNConv(in_feats=128, out_dim=128)
    W = jax.random.normal(k3, (D, D), dtype=jnp.float32) * (1.0 / np.sqrt(D))
    b = jnp.zeros((D,), dtype=jnp.float32)
    cache_name = 0  # original code uses a string cache key; any hashable stand-in works
    return {"x": x, "edge_index": edge_index, "cache_name": cache_name, "W": W, "b": b}


def _gcn_forward(x, edge_index, W, b):
    n = x.shape[0]
    h = x @ W  # linear transform
    src = edge_index[0]
    dst = edge_index[1]
    # add self-loops (GCNConv default)
    loop = jnp.arange(n, dtype=src.dtype)
    src2 = jnp.concatenate([src, loop])
    dst2 = jnp.concatenate([dst, loop])
    # symmetric normalization: deg^{-1/2}[src] * deg^{-1/2}[dst]
    deg = jnp.zeros((n,), dtype=h.dtype).at[dst2].add(jnp.ones_like(dst2, dtype=h.dtype))
    deg_inv_sqrt = jnp.where(deg > 0, jax.lax.rsqrt(deg), 0.0)
    norm = deg_inv_sqrt[src2] * deg_inv_sqrt[dst2]
    # gather messages from source nodes, scatter-add into destination nodes
    msg = norm[:, None] * jnp.take(h, src2, axis=0)
    out = jnp.zeros_like(h).at[dst2].add(msg)
    out = out + b
    return out


def reference(x, edge_index, cache_name, W, b):
    out = _gcn_forward(x, edge_index, W, b)
    return jax.nn.relu(out)

if __name__ == "__main__":
    import jax
    _d = setup_inputs()
    print(jax.jit(kernel)(*tuple(_d.values())))

</pallas_src>

<mosaic_0001>
#map = affine_map<(d0, d1) -> (0, 0, 0)>
#map1 = affine_map<(d0, d1) -> (0)>
module attributes {stable_mosaic.version = 14 : i64} {
  func.func @k(%arg0: i32, %arg1: i32, %arg2: memref<100x25x128xi32, #tpu.memory_space<hbm>>, %arg3: memref<10000xf32, #tpu.memory_space<hbm>>, %arg4: memref<10000xf32, #tpu.memory_space<hbm>>, %arg5: memref<2x25x128xi32, #tpu.memory_space<vmem>>, %arg6: memref<128xf32, #tpu.memory_space<vmem>>, %arg7: memref<640xf32, #tpu.memory_space<vmem>>, %arg8: memref<10000xf32, #tpu.memory_space<vmem_shared>>, %arg9: memref<!tpu.dma_semaphore, #tpu.memory_space<semaphore_mem>>, %arg10: memref<!tpu.dma_semaphore, #tpu.memory_space<semaphore_mem>>) attributes {dimension_semantics = [#tpu.dimension_semantics<core_parallel>, #tpu.dimension_semantics<subcore_parallel>], iteration_bounds = array<i64: 2, 16>, scalar_prefetch = 0 : i64, scratch_operands = 6 : i64, tpu.core_type = #tpu.core_type<sc_vector_subcore>, window_params = [{transform_indices = #map}, {transform_indices = #map1}, {transform_indices = #map1}]} {
    %broadcast_in_dim3A = arith.constant 1.000000e+00 : f32
    %broadcast_in_dim3A_0 = vector.broadcast %broadcast_in_dim3A : f32 to vector<16xf32>
    %swap3A = arith.constant 0 : index
    %swap3A_1 = tpu.vector_load %arg6[%swap3A] {strides = array<i32>} : memref<128xf32, #tpu.memory_space<vmem>>, vector<16xf32>,
    %swap3A_2 = vector.shape_cast %swap3A_1 : vector<16xf32> to vector<16xf32>
    %swap3A_3 = vector.shape_cast %broadcast_in_dim3A_0 : vector<16xf32> to vector<16xf32>
    tpu.vector_store %arg6[%swap3A], %swap3A_3 {strides = array<i32>} : memref<128xf32, #tpu.memory_space<vmem>>, vector<16xf32>,
    %broadcast_in_dim3A_4 = arith.constant 1.000000e+00 : f32
    %broadcast_in_dim3A_5 = vector.broadcast %broadcast_in_dim3A_4 : f32 to vector<16xf32>
    %swap3A_6 = arith.constant 16 : index
    %swap3A_7 = tpu.vector_load %arg6[%swap3A_6] {strides = array<i32>} : memref<128xf32, #tpu.memory_space<vmem>>, vector<16xf32>,
    %swap3A_8 = vector.shape_cast %swap3A_7 : vector<16xf32> to vector<16xf32>
    %swap3A_9 = vector.shape_cast %broadcast_in_dim3A_5 : vector<16xf32> to vector<16xf32>
    tpu.vector_store %arg6[%swap3A_6], %swap3A_9 {strides = array<i32>} : memref<128xf32, #tpu.memory_space<vmem>>, vector<16xf32>,
    %broadcast_in_dim3A_10 = arith.constant 1.000000e+00 : f32
    %broadcast_in_dim3A_11 = vector.broadcast %broadcast_in_dim3A_10 : f32 to vector<16xf32>
    %swap3A_12 = arith.constant 32 : index
    %swap3A_13 = tpu.vector_load %arg6[%swap3A_12] {strides = array<i32>} : memref<128xf32, #tpu.memory_space<vmem>>, vector<16xf32>,
    %swap3A_14 = vector.shape_cast %swap3A_13 : vector<16xf32> to vector<16xf32>
    %swap3A_15 = vector.shape_cast %broadcast_in_dim3A_11 : vector<16xf32> to vector<16xf32>
    tpu.vector_store %arg6[%swap3A_12], %swap3A_15 {strides = array<i32>} : memref<128xf32, #tpu.memory_space<vmem>>, vector<16xf32>,
    %broadcast_in_dim3A_16 = arith.constant 1.000000e+00 : f32
    %broadcast_in_dim3A_17 = vector.broadcast %broadcast_in_dim3A_16 : f32 to vector<16xf32>
    %swap3A_18 = arith.constant 48 : index
    %swap3A_19 = tpu.vector_load %arg6[%swap3A_18] {strides = array<i32>} : memref<128xf32, #tpu.memory_space<vmem>>, vector<16xf32>,
    %swap3A_20 = vector.shape_cast %swap3A_19 : vector<16xf32> to vector<16xf32>
    %swap3A_21 = vector.shape_cast %broadcast_in_dim3A_17 : vector<16xf32> to vector<16xf32>
    tpu.vector_store %arg6[%swap3A_18], %swap3A_21 {strides = array<i32>} : memref<128xf32, #tpu.memory_space<vmem>>, vector<16xf32>,
    %broadcast_in_dim3A_22 = arith.constant 1.000000e+00 : f32
    %broadcast_in_dim3A_23 = vector.broadcast %broadcast_in_dim3A_22 : f32 to vector<16xf32>
    %swap3A_24 = arith.constant 64 : index
    %swap3A_25 = tpu.vector_load %arg6[%swap3A_24] {strides = array<i32>} : memref<128xf32, #tpu.memory_space<vmem>>, vector<16xf32>,
    %swap3A_26 = vector.shape_cast %swap3A_25 : vector<16xf32> to vector<16xf32>
    %swap3A_27 = vector.shape_cast %broadcast_in_dim3A_23 : vector<16xf32> to vector<16xf32>
    tpu.vector_store %arg6[%swap3A_24], %swap3A_27 {strides = array<i32>} : memref<128xf32, #tpu.memory_space<vmem>>, vector<16xf32>,
    %broadcast_in_dim3A_28 = arith.constant 1.000000e+00 : f32
    %broadcast_in_dim3A_29 = vector.broadcast %broadcast_in_dim3A_28 : f32 to vector<16xf32>
    %swap3A_30 = arith.constant 80 : index
    %swap3A_31 = tpu.vector_load %arg6[%swap3A_30] {strides = array<i32>} : memref<128xf32, #tpu.memory_space<vmem>>, vector<16xf32>,
    %swap3A_32 = vector.shape_cast %swap3A_31 : vector<16xf32> to vector<16xf32>
    %swap3A_33 = vector.shape_cast %broadcast_in_dim3A_29 : vector<16xf32> to vector<16xf32>
    tpu.vector_store %arg6[%swap3A_30], %swap3A_33 {strides = array<i32>} : memref<128xf32, #tpu.memory_space<vmem>>, vector<16xf32>,
    %broadcast_in_dim3A_34 = arith.constant 1.000000e+00 : f32
    %broadcast_in_dim3A_35 = vector.broadcast %broadcast_in_dim3A_34 : f32 to vector<16xf32>
    %swap3A_36 = arith.constant 96 : index
    %swap3A_37 = tpu.vector_load %arg6[%swap3A_36] {strides = array<i32>} : memref<128xf32, #tpu.memory_space<vmem>>, vector<16xf32>,
    %swap3A_38 = vector.shape_cast %swap3A_37 : vector<16xf32> to vector<16xf32>
    %swap3A_39 = vector.shape_cast %broadcast_in_dim3A_35 : vector<16xf32> to vector<16xf32>
    tpu.vector_store %arg6[%swap3A_36], %swap3A_39 {strides = array<i32>} : memref<128xf32, #tpu.memory_space<vmem>>, vector<16xf32>,
    %broadcast_in_dim3A_40 = arith.constant 1.000000e+00 : f32
    %broadcast_in_dim3A_41 = vector.broadcast %broadcast_in_dim3A_40 : f32 to vector<16xf32>
    %swap3A_42 = arith.constant 112 : index
    %swap3A_43 = tpu.vector_load %arg6[%swap3A_42] {strides = array<i32>} : memref<128xf32, #tpu.memory_space<vmem>>, vector<16xf32>,
    %swap3A_44 = vector.shape_cast %swap3A_43 : vector<16xf32> to vector<16xf32>
    %swap3A_45 = vector.shape_cast %broadcast_in_dim3A_41 : vector<16xf32> to vector<16xf32>
    tpu.vector_store %arg6[%swap3A_42], %swap3A_45 {strides = array<i32>} : memref<128xf32, #tpu.memory_space<vmem>>, vector<16xf32>,
    %while3A = arith.constant 0 : i32
    %while3A_46 = arith.constant 40 : i32
    %while3A_47 = arith.subi %while3A_46, %while3A : i32
    %while3A_48 = arith.addi %while3A, %while3A_47 : i32
    %while3A_49 = arith.constant 1 : i32
    %while3A_50 = arith.divsi %while3A_47, %while3A_49 : i32
    %while3A_51 = arith.muli %while3A_50, %while3A_49 : i32
    %while3A_52 = arith.addi %while3A, %while3A_51 : i32
    %while3A_53 = arith.constant 1 : i32
    scf.for %while3A_108 = %while3A to %while3A_52 step %while3A_53  : i32 {
      %broadcast_in_dim3A_109 = arith.constant 0.000000e+00 : f32
      %broadcast_in_dim3A_110 = vector.broadcast %broadcast_in_dim3A_109 : f32 to vector<16xf32>
      %mul3A_111 = arith.constant 16 : i32
      %mul3A_112 = arith.muli %while3A_108, %mul3A_111 : i32
      %swap3A_113 = arith.index_cast %mul3A_112 : i32 to index
      %swap3A_114 = tpu.vector_load %arg7[%swap3A_113] {strides = array<i32>} : memref<640xf32, #tpu.memory_space<vmem>>, vector<16xf32>,
      %swap3A_115 = vector.shape_cast %swap3A_114 : vector<16xf32> to vector<16xf32>
      %swap3A_116 = vector.shape_cast %broadcast_in_dim3A_110 : vector<16xf32> to vector<16xf32>
      tpu.vector_store %arg7[%swap3A_113], %swap3A_116 {strides = array<i32>} : memref<640xf32, #tpu.memory_space<vmem>>, vector<16xf32>,
    }
    %while3A_54 = arith.constant 1 : i32
    scf.for %while3A_108 = %while3A_52 to %while3A_48 step %while3A_54  : i32 {
      %broadcast_in_dim3A_109 = arith.constant 0.000000e+00 : f32
      %broadcast_in_dim3A_110 = vector.broadcast %broadcast_in_dim3A_109 : f32 to vector<16xf32>
      %mul3A_111 = arith.constant 16 : i32
      %mul3A_112 = arith.muli %while3A_108, %mul3A_111 : i32
      %swap3A_113 = arith.index_cast %mul3A_112 : i32 to index
      %swap3A_114 = tpu.vector_load %arg7[%swap3A_113] {strides = array<i32>} : memref<640xf32, #tpu.memory_space<vmem>>, vector<16xf32>,
      %swap3A_115 = vector.shape_cast %swap3A_114 : vector<16xf32> to vector<16xf32>
      %swap3A_116 = vector.shape_cast %broadcast_in_dim3A_110 : vector<16xf32> to vector<16xf32>
      tpu.vector_store %arg7[%swap3A_113], %swap3A_116 {strides = array<i32>} : memref<640xf32, #tpu.memory_space<vmem>>, vector<16xf32>,
    }
    %lt3A = arith.constant 15 : i32
    %lt3A_55 = arith.cmpi slt, %arg1, %lt3A : i32
    %convert_element_type3A = arith.extui %lt3A_55 : i1 to i32
    %cond3A = arith.constant 0 : i32
    %cond3A_56 = arith.cmpi ne, %convert_element_type3A, %cond3A : i32
    scf.if %cond3A_56 {
      %mul3A_108 = arith.constant 624 : i32
      %mul3A_109 = arith.muli %arg1, %mul3A_108 : i32
      "tpu.region"() ({
        %run_scoped3A = tpu.sem_alloc : memref<!tpu.dma_semaphore, #tpu.memory_space<semaphore_mem>>
        %dma_start3A_110 = arith.constant 0 : i32
        %dma_start3A_111 = tpu.memref_slice %arg7[%dma_start3A_110] : memref<640xf32, #tpu.memory_space<vmem>> -> memref<624xf32, #tpu.memory_space<vmem>>
        %dma_start3A_112 = tpu.memref_slice %arg8[%mul3A_109] : memref<10000xf32, #tpu.memory_space<vmem_shared>> -> memref<624xf32, #tpu.memory_space<vmem_shared>>
        %dma_start3A_113 = tpu.memref_slice %arg8[%mul3A_109] : memref<10000xf32, #tpu.memory_space<vmem_shared>> -> memref<624xf32, #tpu.memory_space<vmem_shared>>
        %dma_start3A_114 = arith.constant 0 : i32
        %dma_start3A_115 = tpu.memref_slice %arg7[%dma_start3A_114] : memref<640xf32, #tpu.memory_space<vmem>> -> memref<624xf32, #tpu.memory_space<vmem>>
        tpu.enqueue_dma source(%dma_start3A_115 : memref<624xf32, #tpu.memory_space<vmem>>) target(%dma_start3A_113 : memref<624xf32, #tpu.memory_space<vmem_shared>>) target_semaphore(%run_scoped3A : memref<!tpu.dma_semaphore, #tpu.memory_space<semaphore_mem>>)
        %dma_wait3A = arith.constant 0 : i32
        %dma_wait3A_116 = tpu.memref_slice %arg7[%dma_wait3A] : memref<640xf32, #tpu.memory_space<vmem>> -> memref<624xf32, #tpu.memory_space<vmem>>
        %dma_wait3A_117 = tpu.memref_slice %arg8[%mul3A_109] : memref<10000xf32, #tpu.memory_space<vmem_shared>> -> memref<624xf32, #tpu.memory_space<vmem_shared>>
        %dma_wait3A_118 = tpu.memref_slice %arg8[%mul3A_109] : memref<10000xf32, #tpu.memory_space<vmem_shared>> -> memref<624xf32, #tpu.memory_space<vmem_shared>>
        %dma_wait3A_119 = arith.constant 0 : i32
        %dma_wait3A_120 = tpu.memref_slice %arg7[%dma_wait3A_119] : memref<640xf32, #tpu.memory_space<vmem>> -> memref<624xf32, #tpu.memory_space<vmem>>
        tpu.wait_dma2 semaphore(%run_scoped3A : memref<!tpu.dma_semaphore, #tpu.memory_space<semaphore_mem>>) src(%dma_wait3A_120 : memref<624xf32, #tpu.memory_space<vmem>>) dst(%dma_wait3A_118 : memref<624xf32, #tpu.memory_space<vmem_shared>>)
        tpu.yield
      }) : () -> ()
    } else {
    }
    %eq3A = arith.constant 15 : i32
    %eq3A_57 = arith.cmpi eq, %arg1, %eq3A : i32
    %convert_element_type3A_58 = arith.extui %eq3A_57 : i1 to i32
    %cond3A_59 = arith.constant 0 : i32
    %cond3A_60 = arith.cmpi ne, %convert_element_type3A_58, %cond3A_59 : i32
    scf.if %cond3A_60 {
      %run_scoped3A = arith.constant 9360 : i32
      "tpu.region"() ({
        %run_scoped3A_108 = tpu.sem_alloc : memref<!tpu.dma_semaphore, #tpu.memory_space<semaphore_mem>>
        %dma_start3A_109 = tpu.memref_slice %arg8[%run_scoped3A] : memref<10000xf32, #tpu.memory_space<vmem_shared>> -> memref<640xf32, #tpu.memory_space<vmem_shared>>
        %dma_start3A_110 = tpu.memref_slice %arg8[%run_scoped3A] : memref<10000xf32, #tpu.memory_space<vmem_shared>> -> memref<640xf32, #tpu.memory_space<vmem_shared>>
        tpu.enqueue_dma source(%arg7 : memref<640xf32, #tpu.memory_space<vmem>>) target(%dma_start3A_110 : memref<640xf32, #tpu.memory_space<vmem_shared>>) target_semaphore(%run_scoped3A_108 : memref<!tpu.dma_semaphore, #tpu.memory_space<semaphore_mem>>)
        %dma_wait3A = tpu.memref_slice %arg8[%run_scoped3A] : memref<10000xf32, #tpu.memory_space<vmem_shared>> -> memref<640xf32, #tpu.memory_space<vmem_shared>>
        %dma_wait3A_111 = tpu.memref_slice %arg8[%run_scoped3A] : memref<10000xf32, #tpu.memory_space<vmem_shared>> -> memref<640xf32, #tpu.memory_space<vmem_shared>>
        tpu.wait_dma2 semaphore(%run_scoped3A_108 : memref<!tpu.dma_semaphore, #tpu.memory_space<semaphore_mem>>) src(%arg7 : memref<640xf32, #tpu.memory_space<vmem>>) dst(%dma_wait3A_111 : memref<640xf32, #tpu.memory_space<vmem_shared>>)
        tpu.yield
      }) : () -> ()
    } else {
    }
    %barrier3A = arith.constant 0 : index
    tpu.barrier barrier_id(%barrier3A)
    %mul3A = arith.constant 50 : i32
    %mul3A_61 = arith.muli %arg0, %mul3A : i32
    %add3A = arith.addi %mul3A_61, %arg1 : i32
    %mul3A_62 = arith.constant 0 : i32
    %mul3A_63 = arith.constant 16 : i32
    %mul3A_64 = arith.muli %mul3A_62, %mul3A_63 : i32
    %add3A_65 = arith.addi %add3A, %mul3A_64 : i32
    %dma_start3A = arith.constant 0 : i32
    %dma_start3A_66 = arith.constant 0 : i32
    %dma_start3A_67 = arith.constant 0 : i32
    %dma_start3A_68 = tpu.memref_slice %arg5[%dma_start3A, %dma_start3A_66, %dma_start3A_67] : memref<2x25x128xi32, #tpu.memory_space<vmem>> -> memref<1x25x128xi32, #tpu.memory_space<vmem>>
    %dma_start3A_69 = tpu.memref_squeeze %dma_start3A_68 : memref<1x25x128xi32, #tpu.memory_space<vmem>> -> memref<25x128xi32, #tpu.memory_space<vmem>>
    %dma_start3A_70 = arith.constant 0 : i32
    %dma_start3A_71 = arith.constant 0 : i32
    %dma_start3A_72 = tpu.memref_slice %arg2[%add3A_65, %dma_start3A_70, %dma_start3A_71] : memref<100x25x128xi32, #tpu.memory_space<hbm>> -> memref<1x25x128xi32, #tpu.memory_space<hbm>>
    %dma_start3A_73 = tpu.memref_squeeze %dma_start3A_72 : memref<1x25x128xi32, #tpu.memory_space<hbm>> -> memref<25x128xi32, #tpu.memory_space<hbm>>
    %dma_start3A_74 = arith.constant 0 : i32
    %dma_start3A_75 = arith.constant 0 : i32
    %dma_start3A_76 = tpu.memref_slice %arg5[%dma_start3A, %dma_start3A_74, %dma_start3A_75] : memref<2x25x128xi32, #tpu.memory_space<vmem>> -> memref<1x25x128xi32, #tpu.memory_space<vmem>>
    %dma_start3A_77 = tpu.memref_squeeze %dma_start3A_76 : memref<1x25x128xi32, #tpu.memory_space<vmem>> -> memref<25x128xi32, #tpu.memory_space<vmem>>
    %dma_start3A_78 = arith.constant 0 : i32
    %dma_start3A_79 = arith.constant 0 : i32
    %dma_start3A_80 = tpu.memref_slice %arg2[%add3A_65, %dma_start3A_78, %dma_start3A_79] : memref<100x25x128xi32, #tpu.memory_space<hbm>> -> memref<1x25x128xi32, #tpu.memory_space<hbm>>
    %dma_start3A_81 = tpu.memref_squeeze %dma_start3A_80 : memref<1x25x128xi32, #tpu.memory_space<hbm>> -> memref<25x128xi32, #tpu.memory_space<hbm>>
    tpu.enqueue_dma source(%dma_start3A_81 : memref<25x128xi32, #tpu.memory_space<hbm>>) target(%dma_start3A_77 : memref<25x128xi32, #tpu.memory_space<vmem>>) target_semaphore(%arg10 : memref<!tpu.dma_semaphore, #tpu.memory_space<semaphore_mem>>)
    %while3A_82 = arith.constant 0 : i32
    %while3A_83 = arith.constant 4 : i32
    %while3A_84 = arith.subi %while3A_83, %while3A_82 : i32
    %while3A_85 = arith.addi %while3A_82, %while3A_84 : i32
    %while3A_86 = arith.constant 1 : i32
    %while3A_87 = arith.divsi %while3A_84, %while3A_86 : i32
    %while3A_88 = arith.muli %while3A_87, %while3A_86 : i32
    %while3A_89 = arith.addi %while3A_82, %while3A_88 : i32
    %while3A_90 = arith.constant 1 : i32
    scf.for %while3A_108 = %while3A_82 to %while3A_89 step %while3A_90  : i32 {
      %rem3A = arith.constant 2 : i32
      %rem3A_109 = arith.remsi %while3A_108, %rem3A : i32
      %mul3A_110 = arith.constant 16 : i32
      %mul3A_111 = arith.muli %while3A_108, %mul3A_110 : i32
      %add3A_112 = arith.addi %arg1, %mul3A_111 : i32
      %lt3A_113 = arith.constant 50 : i32
      %lt3A_114 = arith.cmpi slt, %add3A_112, %lt3A_113 : i32
      %convert_element_type3A_115 = arith.extui %lt3A_114 : i1 to i32
      %cond3A_116 = arith.constant 0 : i32
      %cond3A_117 = arith.cmpi ne, %convert_element_type3A_115, %cond3A_116 : i32
      scf.if %cond3A_117 {
        %dma_wait3A = arith.constant 0 : i32
        %dma_wait3A_118 = arith.constant 0 : i32
        %dma_wait3A_119 = arith.constant 0 : i32
        %dma_wait3A_120 = tpu.memref_slice %arg5[%rem3A_109, %dma_wait3A_118, %dma_wait3A_119] : memref<2x25x128xi32, #tpu.memory_space<vmem>> -> memref<1x25x128xi32, #tpu.memory_space<vmem>>
        %dma_wait3A_121 = tpu.memref_squeeze %dma_wait3A_120 : memref<1x25x128xi32, #tpu.memory_space<vmem>> -> memref<25x128xi32, #tpu.memory_space<vmem>>
        %dma_wait3A_122 = arith.constant 0 : i32
        %dma_wait3A_123 = arith.constant 0 : i32
        %dma_wait3A_124 = tpu.memref_slice %arg2[%dma_wait3A, %dma_wait3A_122, %dma_wait3A_123] : memref<100x25x128xi32, #tpu.memory_space<hbm>> -> memref<1x25x128xi32, #tpu.memory_space<hbm>>
        %dma_wait3A_125 = tpu.memref_squeeze %dma_wait3A_124 : memref<1x25x128xi32, #tpu.memory_space<hbm>> -> memref<25x128xi32, #tpu.memory_space<hbm>>
        %dma_wait3A_126 = arith.constant 0 : i32
        %dma_wait3A_127 = arith.constant 0 : i32
        %dma_wait3A_128 = tpu.memref_slice %arg5[%rem3A_109, %dma_wait3A_126, %dma_wait3A_127] : memref<2x25x128xi32, #tpu.memory_space<vmem>> -> memref<1x25x128xi32, #tpu.memory_space<vmem>>
        %dma_wait3A_129 = tpu.memref_squeeze %dma_wait3A_128 : memref<1x25x128xi32, #tpu.memory_space<vmem>> -> memref<25x128xi32, #tpu.memory_space<vmem>>
        %dma_wait3A_130 = arith.constant 0 : i32
        %dma_wait3A_131 = arith.constant 0 : i32
        %dma_wait3A_132 = tpu.memref_slice %arg2[%dma_wait3A, %dma_wait3A_130, %dma_wait3A_131] : memref<100x25x128xi32, #tpu.memory_space<hbm>> -> memref<1x25x128xi32, #tpu.memory_space<hbm>>
        %dma_wait3A_133 = tpu.memref_squeeze %dma_wait3A_132 : memref<1x25x128xi32, #tpu.memory_space<hbm>> -> memref<25x128xi32, #tpu.memory_space<hbm>>
        tpu.wait_dma2 semaphore(%arg10 : memref<!tpu.dma_semaphore, #tpu.memory_space<semaphore_mem>>) src(%dma_wait3A_133 : memref<25x128xi32, #tpu.memory_space<hbm>>) dst(%dma_wait3A_129 : memref<25x128xi32, #tpu.memory_space<vmem>>)
        %add3A_134 = arith.constant 16 : i32
        %add3A_135 = arith.addi %add3A_112, %add3A_134 : i32
        %lt3A_136 = arith.constant 50 : i32
        %lt3A_137 = arith.cmpi slt, %add3A_135, %lt3A_136 : i32
        %convert_element_type3A_138 = arith.extui %lt3A_137 : i1 to i32
        %cond3A_139 = arith.constant 0 : i32
        %cond3A_140 = arith.cmpi ne, %convert_element_type3A_138, %cond3A_139 : i32
        scf.if %cond3A_140 {
          %add3A_441 = arith.constant 1 : i32
          %add3A_442 = arith.addi %while3A_108, %add3A_441 : i32
          %sub3A = arith.constant 1 : i32
          %sub3A_443 = arith.subi %sub3A, %rem3A_109 : i32
          %mul3A_444 = arith.constant 50 : i32
          %mul3A_445 = arith.muli %arg0, %mul3A_444 : i32
          %add3A_446 = arith.addi %mul3A_445, %arg1 : i32
          %mul3A_447 = arith.constant 16 : i32
          %mul3A_448 = arith.muli %add3A_442, %mul3A_447 : i32
          %add3A_449 = arith.addi %add3A_446, %mul3A_448 : i32
          %dma_start3A_450 = arith.constant 0 : i32
          %dma_start3A_451 = arith.constant 0 : i32
          %dma_start3A_452 = tpu.memref_slice %arg5[%sub3A_443, %dma_start3A_450, %dma_start3A_451] : memref<2x25x128xi32, #tpu.memory_space<vmem>> -> memref<1x25x128xi32, #tpu.memory_space<vmem>>
          %dma_start3A_453 = tpu.memref_squeeze %dma_start3A_452 : memref<1x25x128xi32, #tpu.memory_space<vmem>> -> memref<25x128xi32, #tpu.memory_space<vmem>>
          %dma_start3A_454 = arith.constant 0 : i32
          %dma_start3A_455 = arith.constant 0 : i32
          %dma_start3A_456 = tpu.memref_slice %arg2[%add3A_449, %dma_start3A_454, %dma_start3A_455] : memref<100x25x128xi32, #tpu.memory_space<hbm>> -> memref<1x25x128xi32, #tpu.memory_space<hbm>>
          %dma_start3A_457 = tpu.memref_squeeze %dma_start3A_456 : memref<1x25x128xi32, #tpu.memory_space<hbm>> -> memref<25x128xi32, #tpu.memory_space<hbm>>
          %dma_start3A_458 = arith.constant 0 : i32
          %dma_start3A_459 = arith.constant 0 : i32
          %dma_start3A_460 = tpu.memref_slice %arg5[%sub3A_443, %dma_start3A_458, %dma_start3A_459] : memref<2x25x128xi32, #tpu.memory_space<vmem>> -> memref<1x25x128xi32, #tpu.memory_space<vmem>>
          %dma_start3A_461 = tpu.memref_squeeze %dma_start3A_460 : memref<1x25x128xi32, #tpu.memory_space<vmem>> -> memref<25x128xi32, #tpu.memory_space<vmem>>
          %dma_start3A_462 = arith.constant 0 : i32
          %dma_start3A_463 = arith.constant 0 : i32
          %dma_start3A_464 = tpu.memref_slice %arg2[%add3A_449, %dma_start3A_462, %dma_start3A_463] : memref<100x25x128xi32, #tpu.memory_space<hbm>> -> memref<1x25x128xi32, #tpu.memory_space<hbm>>
          %dma_start3A_465 = tpu.memref_squeeze %dma_start3A_464 : memref<1x25x128xi32, #tpu.memory_space<hbm>> -> memref<25x128xi32, #tpu.memory_space<hbm>>
          tpu.enqueue_dma source(%dma_start3A_465 : memref<25x128xi32, #tpu.memory_space<hbm>>) target(%dma_start3A_461 : memref<25x128xi32, #tpu.memory_space<vmem>>) target_semaphore(%arg10 : memref<!tpu.dma_semaphore, #tpu.memory_space<semaphore_mem>>)
        } else {
        }
        %dma_start3A_141 = arith.constant 0 : i32
        %dma_start3A_142 = arith.constant 0 : i32
        %dma_start3A_143 = tpu.memref_slice %arg5[%rem3A_109, %dma_start3A_141, %dma_start3A_142] : memref<2x25x128xi32, #tpu.memory_space<vmem>> -> memref<1x1x128xi32, #tpu.memory_space<vmem>>
        %dma_start3A_144 = tpu.memref_squeeze %dma_start3A_143 : memref<1x1x128xi32, #tpu.memory_space<vmem>> -> memref<128xi32, #tpu.memory_space<vmem>>
        %dma_start3A_145 = arith.constant 0 : i32
        %dma_start3A_146 = tpu.memref_slice %arg8[%dma_start3A_145] : memref<10000xf32, #tpu.memory_space<vmem_shared>> -> memref<10000xf32, #tpu.memory_space<vmem_shared>>
        tpu.enqueue_indirect_dma source(%arg6 : memref<128xf32, #tpu.memory_space<vmem>>) target(%dma_start3A_146 : memref<10000xf32, #tpu.memory_space<vmem_shared>>) offsets(%dma_start3A_144 : memref<128xi32, #tpu.memory_space<vmem>>) semaphore(%arg9 : memref<!tpu.dma_semaphore, #tpu.memory_space<semaphore_mem>>) {add = true}
        %dma_start3A_147 = arith.constant 1 : i32
        %dma_start3A_148 = arith.constant 0 : i32
        %dma_start3A_149 = tpu.memref_slice %arg5[%rem3A_109, %dma_start3A_147, %dma_start3A_148] : memref<2x25x128xi32, #tpu.memory_space<vmem>> -> memref<1x1x128xi32, #tpu.memory_space<vmem>>
        %dma_start3A_150 = tpu.memref_squeeze %dma_start3A_149 : memref<1x1x128xi32, #tpu.memory_space<vmem>> -> memref<128xi32, #tpu.memory_space<vmem>>
        %dma_start3A_151 = arith.constant 0 : i32
        %dma_start3A_152 = tpu.memref_slice %arg8[%dma_start3A_151] : memref<10000xf32, #tpu.memory_space<vmem_shared>> -> memref<10000xf32, #tpu.memory_space<vmem_shared>>
        tpu.enqueue_indirect_dma source(%arg6 : memref<128xf32, #tpu.memory_space<vmem>>) target(%dma_start3A_152 : memref<10000xf32, #tpu.memory_space<vmem_shared>>) offsets(%dma_start3A_150 : memref<128xi32, #tpu.memory_space<vmem>>) semaphore(%arg9 : memref<!tpu.dma_semaphore, #tpu.memory_space<semaphore_mem>>) {add = true}
        %dma_start3A_153 = arith.constant 2 : i32
        %dma_start3A_154 = arith.constant 0 : i32
        %dma_start3A_155 = tpu.memref_slice %arg5[%rem3A_109, %dma_start3A_153, %dma_start3A_154] : memref<2x25x128xi32, #tpu.memory_space<vmem>> -> memref<1x1x128xi32, #tpu.memory_space<vmem>>
        %dma_start3A_156 = tpu.memref_squeeze %dma_start3A_155 : memref<1x1x128xi32, #tpu.memory_space<vmem>> -> memref<128xi32, #tpu.memory_space<vmem>>
        %dma_start3A_157 = arith.constant 0 : i32
        %dma_start3A_158 = tpu.memref_slice %arg8[%dma_start3A_157] : memref<10000xf32, #tpu.memory_space<vmem_shared>> -> memref<10000xf32, #tpu.memory_space<vmem_shared>>
        tpu.enqueue_indirect_dma source(%arg6 : memref<128xf32, #tpu.memory_space<vmem>>) target(%dma_start3A_158 : memref<10000xf32, #tpu.memory_space<vmem_shared>>) offsets(%dma_start3A_156 : memref<128xi32, #tpu.memory_space<vmem>>) semaphore(%arg9 : memref<!tpu.dma_semaphore, #tpu.memory_space<semaphore_mem>>) {add = true}
        %dma_start3A_159 = arith.constant 3 : i32
        %dma_start3A_160 = arith.constant 0 : i32
        %dma_start3A_161 = tpu.memref_slice %arg5[%rem3A_109, %dma_start3A_159, %dma_start3A_160] : memref<2x25x128xi32, #tpu.memory_space<vmem>> -> memref<1x1x128xi32, #tpu.memory_space<vmem>>
        %dma_start3A_162 = tpu.memref_squeeze %dma_start3A_161 : memref<1x1x128xi32, #tpu.memory_space<vmem>> -> memref<128xi32, #tpu.memory_space<vmem>>
        %dma_start3A_163 = arith.constant 0 : i32
        %dma_start3A_164 = tpu.memref_slice %arg8[%dma_start3A_163] : memref<10000xf32, #tpu.memory_space<vmem_shared>> -> memref<10000xf32, #tpu.memory_space<vmem_shared>>
        tpu.enqueue_indirect_dma source(%arg6 : memref<128xf32, #tpu.memory_space<vmem>>) target(%dma_start3A_164 : memref<10000xf32, #tpu.memory_space<vmem_shared>>) offsets(%dma_start3A_162 : memref<128xi32, #tpu.memory_space<vmem>>) semaphore(%arg9 : memref<!tpu.dma_semaphore, #tpu.memory_space<semaphore_mem>>) {add = true}
        %dma_start3A_165 = arith.constant 4 : i32
        %dma_start3A_166 = arith.constant 0 : i32
        %dma_start3A_167 = tpu.memref_slice %arg5[%rem3A_109, %dma_start3A_165, %dma_start3A_166] : memref<2x25x128xi32, #tpu.memory_space<vmem>> -> memref<1x1x128xi32, #tpu.memory_space<vmem>>
        %dma_start3A_168 = tpu.memref_squeeze %dma_start3A_167 : memref<1x1x128xi32, #tpu.memory_space<vmem>> -> memref<128xi32, #tpu.memory_space<vmem>>
        %dma_start3A_169 = arith.constant 0 : i32
        %dma_start3A_170 = tpu.memref_slice %arg8[%dma_start3A_169] : memref<10000xf32, #tpu.memory_space<vmem_shared>> -> memref<10000xf32, #tpu.memory_space<vmem_shared>>
        tpu.enqueue_indirect_dma source(%arg6 : memref<128xf32, #tpu.memory_space<vmem>>) target(%dma_start3A_170 : memref<10000xf32, #tpu.memory_space<vmem_shared>>) offsets(%dma_start3A_168 : memref<128xi32, #tpu.memory_space<vmem>>) semaphore(%arg9 : memref<!tpu.dma_semaphore, #tpu.memory_space<semaphore_mem>>) {add = true}
        %dma_start3A_171 = arith.constant 5 : i32
        %dma_start3A_172 = arith.constant 0 : i32
        %dma_start3A_173 = tpu.memref_slice %arg5[%rem3A_109, %dma_start3A_171, %dma_start3A_172] : memref<2x25x128xi32, #tpu.memory_space<vmem>> -> memref<1x1x128xi32, #tpu.memory_space<vmem>>
        %dma_start3A_174 = tpu.memref_squeeze %dma_start3A_173 : memref<1x1x128xi32, #tpu.memory_space<vmem>> -> memref<128xi32, #tpu.memory_space<vmem>>
        %dma_start3A_175 = arith.constant 0 : i32
        %dma_start3A_176 = tpu.memref_slice %arg8[%dma_start3A_175] : memref<10000xf32, #tpu.memory_space<vmem_shared>> -> memref<10000xf32, #tpu.memory_space<vmem_shared>>
        tpu.enqueue_indirect_dma source(%arg6 : memref<128xf32, #tpu.memory_space<vmem>>) target(%dma_start3A_176 : memref<10000xf32, #tpu.memory_space<vmem_shared>>) offsets(%dma_start3A_174 : memref<128xi32, #tpu.memory_space<vmem>>) semaphore(%arg9 : memref<!tpu.dma_semaphore, #tpu.memory_space<semaphore_mem>>) {add = true}
        %dma_start3A_177 = arith.constant 6 : i32
        %dma_start3A_178 = arith.constant 0 : i32
        %dma_start3A_179 = tpu.memref_slice %arg5[%rem3A_109, %dma_start3A_177, %dma_start3A_178] : memref<2x25x128xi32, #tpu.memory_space<vmem>> -> memref<1x1x128xi32, #tpu.memory_space<vmem>>
        %dma_start3A_180 = tpu.memref_squeeze %dma_start3A_179 : memref<1x1x128xi32, #tpu.memory_space<vmem>> -> memref<128xi32, #tpu.memory_space<vmem>>
        %dma_start3A_181 = arith.constant 0 : i32
        %dma_start3A_182 = tpu.memref_slice %arg8[%dma_start3A_181] : memref<10000xf32, #tpu.memory_space<vmem_shared>> -> memref<10000xf32, #tpu.memory_space<vmem_shared>>
        tpu.enqueue_indirect_dma source(%arg6 : memref<128xf32, #tpu.memory_space<vmem>>) target(%dma_start3A_182 : memref<10000xf32, #tpu.memory_space<vmem_shared>>) offsets(%dma_start3A_180 : memref<128xi32, #tpu.memory_space<vmem>>) semaphore(%arg9 : memref<!tpu.dma_semaphore, #tpu.memory_space<semaphore_mem>>) {add = true}
        %dma_start3A_183 = arith.constant 7 : i32
        %dma_start3A_184 = arith.constant 0 : i32
        %dma_start3A_185 = tpu.memref_slice %arg5[%rem3A_109, %dma_start3A_183, %dma_start3A_184] : memref<2x25x128xi32, #tpu.memory_space<vmem>> -> memref<1x1x128xi32, #tpu.memory_space<vmem>>
        %dma_start3A_186 = tpu.memref_squeeze %dma_start3A_185 : memref<1x1x128xi32, #tpu.memory_space<vmem>> -> memref<128xi32, #tpu.memory_space<vmem>>
        %dma_start3A_187 = arith.constant 0 : i32
        %dma_start3A_188 = tpu.memref_slice %arg8[%dma_start3A_187] : memref<10000xf32, #tpu.memory_space<vmem_shared>> -> memref<10000xf32, #tpu.memory_space<vmem_shared>>
        tpu.enqueue_indirect_dma source(%arg6 : memref<128xf32, #tpu.memory_space<vmem>>) target(%dma_start3A_188 : memref<10000xf32, #tpu.memory_space<vmem_shared>>) offsets(%dma_start3A_186 : memref<128xi32, #tpu.memory_space<vmem>>) semaphore(%arg9 : memref<!tpu.dma_semaphore, #tpu.memory_space<semaphore_mem>>) {add = true}
        %dma_start3A_189 = arith.constant 8 : i32
        %dma_start3A_190 = arith.constant 0 : i32
        %dma_start3A_191 = tpu.memref_slice %arg5[%rem3A_109, %dma_start3A_189, %dma_start3A_190] : memref<2x25x128xi32, #tpu.memory_space<vmem>> -> memref<1x1x128xi32, #tpu.memory_space<vmem>>
        %dma_start3A_192 = tpu.memref_squeeze %dma_start3A_191 : memref<1x1x128xi32, #tpu.memory_space<vmem>> -> memref<128xi32, #tpu.memory_space<vmem>>
        %dma_start3A_193 = arith.constant 0 : i32
        %dma_start3A_194 = tpu.memref_slice %arg8[%dma_start3A_193] : memref<10000xf32, #tpu.memory_space<vmem_shared>> -> memref<10000xf32, #tpu.memory_space<vmem_shared>>
        tpu.enqueue_indirect_dma source(%arg6 : memref<128xf32, #tpu.memory_space<vmem>>) target(%dma_start3A_194 : memref<10000xf32, #tpu.memory_space<vmem_shared>>) offsets(%dma_start3A_192 : memref<128xi32, #tpu.memory_space<vmem>>) semaphore(%arg9 : memref<!tpu.dma_semaphore, #tpu.memory_space<semaphore_mem>>) {add = true}
        %dma_start3A_195 = arith.constant 9 : i32
        %dma_start3A_196 = arith.constant 0 : i32
        %dma_start3A_197 = tpu.memref_slice %arg5[%rem3A_109, %dma_start3A_195, %dma_start3A_196] : memref<2x25x128xi32, #tpu.memory_space<vmem>> -> memref<1x1x128xi32, #tpu.memory_space<vmem>>
        %dma_start3A_198 = tpu.memref_squeeze %dma_start3A_197 : memref<1x1x128xi32, #tpu.memory_space<vmem>> -> memref<128xi32, #tpu.memory_space<vmem>>
        %dma_start3A_199 = arith.constant 0 : i32
        %dma_start3A_200 = tpu.memref_slice %arg8[%dma_start3A_199] : memref<10000xf32, #tpu.memory_space<vmem_shared>> -> memref<10000xf32, #tpu.memory_space<vmem_shared>>
        tpu.enqueue_indirect_dma source(%arg6 : memref<128xf32, #tpu.memory_space<vmem>>) target(%dma_start3A_200 : memref<10000xf32, #tpu.memory_space<vmem_shared>>) offsets(%dma_start3A_198 : memref<128xi32, #tpu.memory_space<vmem>>) semaphore(%arg9 : memref<!tpu.dma_semaphore, #tpu.memory_space<semaphore_mem>>) {add = true}
        %dma_start3A_201 = arith.constant 10 : i32
        %dma_start3A_202 = arith.constant 0 : i32
        %dma_start3A_203 = tpu.memref_slice %arg5[%rem3A_109, %dma_start3A_201, %dma_start3A_202] : memref<2x25x128xi32, #tpu.memory_space<vmem>> -> memref<1x1x128xi32, #tpu.memory_space<vmem>>
        %dma_start3A_204 = tpu.memref_squeeze %dma_start3A_203 : memref<1x1x128xi32, #tpu.memory_space<vmem>> -> memref<128xi32, #tpu.memory_space<vmem>>
        %dma_start3A_205 = arith.constant 0 : i32
        %dma_start3A_206 = tpu.memref_slice %arg8[%dma_start3A_205] : memref<10000xf32, #tpu.memory_space<vmem_shared>> -> memref<10000xf32, #tpu.memory_space<vmem_shared>>
        tpu.enqueue_indirect_dma source(%arg6 : memref<128xf32, #tpu.memory_space<vmem>>) target(%dma_start3A_206 : memref<10000xf32, #tpu.memory_space<vmem_shared>>) offsets(%dma_start3A_204 : memref<128xi32, #tpu.memory_space<vmem>>) semaphore(%arg9 : memref<!tpu.dma_semaphore, #tpu.memory_space<semaphore_mem>>) {add = true}
        %dma_start3A_207 = arith.constant 11 : i32
        %dma_start3A_208 = arith.constant 0 : i32
        %dma_start3A_209 = tpu.memref_slice %arg5[%rem3A_109, %dma_start3A_207, %dma_start3A_208] : memref<2x25x128xi32, #tpu.memory_space<vmem>> -> memref<1x1x128xi32, #tpu.memory_space<vmem>>
        %dma_start3A_210 = tpu.memref_squeeze %dma_start3A_209 : memref<1x1x128xi32, #tpu.memory_space<vmem>> -> memref<128xi32, #tpu.memory_space<vmem>>
        %dma_start3A_211 = arith.constant 0 : i32
        %dma_start3A_212 = tpu.memref_slice %arg8[%dma_start3A_211] : memref<10000xf32, #tpu.memory_space<vmem_shared>> -> memref<10000xf32, #tpu.memory_space<vmem_shared>>
        tpu.enqueue_indirect_dma source(%arg6 : memref<128xf32, #tpu.memory_space<vmem>>) target(%dma_start3A_212 : memref<10000xf32, #tpu.memory_space<vmem_shared>>) offsets(%dma_start3A_210 : memref<128xi32, #tpu.memory_space<vmem>>) semaphore(%arg9 : memref<!tpu.dma_semaphore, #tpu.memory_space<semaphore_mem>>) {add = true}
        %dma_start3A_213 = arith.constant 12 : i32
        %dma_start3A_214 = arith.constant 0 : i32
        %dma_start3A_215 = tpu.memref_slice %arg5[%rem3A_109, %dma_start3A_213, %dma_start3A_214] : memref<2x25x128xi32, #tpu.memory_space<vmem>> -> memref<1x1x128xi32, #tpu.memory_space<vmem>>
        %dma_start3A_216 = tpu.memref_squeeze %dma_start3A_215 : memref<1x1x128xi32, #tpu.memory_space<vmem>> -> memref<128xi32, #tpu.memory_space<vmem>>
        %dma_start3A_217 = arith.constant 0 : i32
        %dma_start3A_218 = tpu.memref_slice %arg8[%dma_start3A_217] : memref<10000xf32, #tpu.memory_space<vmem_shared>> -> memref<10000xf32, #tpu.memory_space<vmem_shared>>
        tpu.enqueue_indirect_dma source(%arg6 : memref<128xf32, #tpu.memory_space<vmem>>) target(%dma_start3A_218 : memref<10000xf32, #tpu.memory_space<vmem_shared>>) offsets(%dma_start3A_216 : memref<128xi32, #tpu.memory_space<vmem>>) semaphore(%arg9 : memref<!tpu.dma_semaphore, #tpu.memory_space<semaphore_mem>>) {add = true}
        %dma_start3A_219 = arith.constant 13 : i32
        %dma_start3A_220 = arith.constant 0 : i32
        %dma_start3A_221 = tpu.memref_slice %arg5[%rem3A_109, %dma_start3A_219, %dma_start3A_220] : memref<2x25x128xi32, #tpu.memory_space<vmem>> -> memref<1x1x128xi32, #tpu.memory_space<vmem>>
        %dma_start3A_222 = tpu.memref_squeeze %dma_start3A_221 : memref<1x1x128xi32, #tpu.memory_space<vmem>> -> memref<128xi32, #tpu.memory_space<vmem>>
        %dma_start3A_223 = arith.constant 0 : i32
        %dma_start3A_224 = tpu.memref_slice %arg8[%dma_start3A_223] : memref<10000xf32, #tpu.memory_space<vmem_shared>> -> memref<10000xf32, #tpu.memory_space<vmem_shared>>
        tpu.enqueue_indirect_dma source(%arg6 : memref<128xf32, #tpu.memory_space<vmem>>) target(%dma_start3A_224 : memref<10000xf32, #tpu.memory_space<vmem_shared>>) offsets(%dma_start3A_222 : memref<128xi32, #tpu.memory_space<vmem>>) semaphore(%arg9 : memref<!tpu.dma_semaphore, #tpu.memory_space<semaphore_mem>>) {add = true}
        %dma_start3A_225 = arith.constant 14 : i32
        %dma_start3A_226 = arith.constant 0 : i32
        %dma_start3A_227 = tpu.memref_slice %arg5[%rem3A_109, %dma_start3A_225, %dma_start3A_226] : memref<2x25x128xi32, #tpu.memory_space<vmem>> -> memref<1x1x128xi32, #tpu.memory_space<vmem>>
        %dma_start3A_228 = tpu.memref_squeeze %dma_start3A_227 : memref<1x1x128xi32, #tpu.memory_space<vmem>> -> memref<128xi32, #tpu.memory_space<vmem>>
        %dma_start3A_229 = arith.constant 0 : i32
        %dma_start3A_230 = tpu.memref_slice %arg8[%dma_start3A_229] : memref<10000xf32, #tpu.memory_space<vmem_shared>> -> memref<10000xf32, #tpu.memory_space<vmem_shared>>
        tpu.enqueue_indirect_dma source(%arg6 : memref<128xf32, #tpu.memory_space<vmem>>) target(%dma_start3A_230 : memref<10000xf32, #tpu.memory_space<vmem_shared>>) offsets(%dma_start3A_228 : memref<128xi32, #tpu.memory_space<vmem>>) semaphore(%arg9 : memref<!tpu.dma_semaphore, #tpu.memory_space<semaphore_mem>>) {add = true}
        %dma_start3A_231 = arith.constant 15 : i32
        %dma_start3A_232 = arith.constant 0 : i32
        %dma_start3A_233 = tpu.memref_slice %arg5[%rem3A_109, %dma_start3A_231, %dma_start3A_232] : memref<2x25x128xi32, #tpu.memory_space<vmem>> -> memref<1x1x128xi32, #tpu.memory_space<vmem>>
        %dma_start3A_234 = tpu.memref_squeeze %dma_start3A_233 : memref<1x1x128xi32, #tpu.memory_space<vmem>> -> memref<128xi32, #tpu.memory_space<vmem>>
        %dma_start3A_235 = arith.constant 0 : i32
        %dma_start3A_236 = tpu.memref_slice %arg8[%dma_start3A_235] : memref<10000xf32, #tpu.memory_space<vmem_shared>> -> memref<10000xf32, #tpu.memory_space<vmem_shared>>
        tpu.enqueue_indirect_dma source(%arg6 : memref<128xf32, #tpu.memory_space<vmem>>) target(%dma_start3A_236 : memref<10000xf32, #tpu.memory_space<vmem_shared>>) offsets(%dma_start3A_234 : memref<128xi32, #tpu.memory_space<vmem>>) semaphore(%arg9 : memref<!tpu.dma_semaphore, #tpu.memory_space<semaphore_mem>>) {add = true}
        %dma_start3A_237 = arith.constant 16 : i32
        %dma_start3A_238 = arith.constant 0 : i32
        %dma_start3A_239 = tpu.memref_slice %arg5[%rem3A_109, %dma_start3A_237, %dma_start3A_238] : memref<2x25x128xi32, #tpu.memory_space<vmem>> -> memref<1x1x128xi32, #tpu.memory_space<vmem>>
        %dma_start3A_240 = tpu.memref_squeeze %dma_start3A_239 : memref<1x1x128xi32, #tpu.memory_space<vmem>> -> memref<128xi32, #tpu.memory_space<vmem>>
        %dma_start3A_241 = arith.constant 0 : i32
        %dma_start3A_242 = tpu.memref_slice %arg8[%dma_start3A_241] : memref<10000xf32, #tpu.memory_space<vmem_shared>> -> memref<10000xf32, #tpu.memory_space<vmem_shared>>
        tpu.enqueue_indirect_dma source(%arg6 : memref<128xf32, #tpu.memory_space<vmem>>) target(%dma_start3A_242 : memref<10000xf32, #tpu.memory_space<vmem_shared>>) offsets(%dma_start3A_240 : memref<128xi32, #tpu.memory_space<vmem>>) semaphore(%arg9 : memref<!tpu.dma_semaphore, #tpu.memory_space<semaphore_mem>>) {add = true}
        %dma_start3A_243 = arith.constant 17 : i32
        %dma_start3A_244 = arith.constant 0 : i32
        %dma_start3A_245 = tpu.memref_slice %arg5[%rem3A_109, %dma_start3A_243, %dma_start3A_244] : memref<2x25x128xi32, #tpu.memory_space<vmem>> -> memref<1x1x128xi32, #tpu.memory_space<vmem>>
        %dma_start3A_246 = tpu.memref_squeeze %dma_start3A_245 : memref<1x1x128xi32, #tpu.memory_space<vmem>> -> memref<128xi32, #tpu.memory_space<vmem>>
        %dma_start3A_247 = arith.constant 0 : i32
        %dma_start3A_248 = tpu.memref_slice %arg8[%dma_start3A_247] : memref<10000xf32, #tpu.memory_space<vmem_shared>> -> memref<10000xf32, #tpu.memory_space<vmem_shared>>
        tpu.enqueue_indirect_dma source(%arg6 : memref<128xf32, #tpu.memory_space<vmem>>) target(%dma_start3A_248 : memref<10000xf32, #tpu.memory_space<vmem_shared>>) offsets(%dma_start3A_246 : memref<128xi32, #tpu.memory_space<vmem>>) semaphore(%arg9 : memref<!tpu.dma_semaphore, #tpu.memory_space<semaphore_mem>>) {add = true}
        %dma_start3A_249 = arith.constant 18 : i32
        %dma_start3A_250 = arith.constant 0 : i32
        %dma_start3A_251 = tpu.memref_slice %arg5[%rem3A_109, %dma_start3A_249, %dma_start3A_250] : memref<2x25x128xi32, #tpu.memory_space<vmem>> -> memref<1x1x128xi32, #tpu.memory_space<vmem>>
        %dma_start3A_252 = tpu.memref_squeeze %dma_start3A_251 : memref<1x1x128xi32, #tpu.memory_space<vmem>> -> memref<128xi32, #tpu.memory_space<vmem>>
        %dma_start3A_253 = arith.constant 0 : i32
        %dma_start3A_254 = tpu.memref_slice %arg8[%dma_start3A_253] : memref<10000xf32, #tpu.memory_space<vmem_shared>> -> memref<10000xf32, #tpu.memory_space<vmem_shared>>
        tpu.enqueue_indirect_dma source(%arg6 : memref<128xf32, #tpu.memory_space<vmem>>) target(%dma_start3A_254 : memref<10000xf32, #tpu.memory_space<vmem_shared>>) offsets(%dma_start3A_252 : memref<128xi32, #tpu.memory_space<vmem>>) semaphore(%arg9 : memref<!tpu.dma_semaphore, #tpu.memory_space<semaphore_mem>>) {add = true}
        %dma_start3A_255 = arith.constant 19 : i32
        %dma_start3A_256 = arith.constant 0 : i32
        %dma_start3A_257 = tpu.memref_slice %arg5[%rem3A_109, %dma_start3A_255, %dma_start3A_256] : memref<2x25x128xi32, #tpu.memory_space<vmem>> -> memref<1x1x128xi32, #tpu.memory_space<vmem>>
        %dma_start3A_258 = tpu.memref_squeeze %dma_start3A_257 : memref<1x1x128xi32, #tpu.memory_space<vmem>> -> memref<128xi32, #tpu.memory_space<vmem>>
        %dma_start3A_259 = arith.constant 0 : i32
        %dma_start3A_260 = tpu.memref_slice %arg8[%dma_start3A_259] : memref<10000xf32, #tpu.memory_space<vmem_shared>> -> memref<10000xf32, #tpu.memory_space<vmem_shared>>
        tpu.enqueue_indirect_dma source(%arg6 : memref<128xf32, #tpu.memory_space<vmem>>) target(%dma_start3A_260 : memref<10000xf32, #tpu.memory_space<vmem_shared>>) offsets(%dma_start3A_258 : memref<128xi32, #tpu.memory_space<vmem>>) semaphore(%arg9 : memref<!tpu.dma_semaphore, #tpu.memory_space<semaphore_mem>>) {add = true}
        %dma_start3A_261 = arith.constant 20 : i32
        %dma_start3A_262 = arith.constant 0 : i32
        %dma_start3A_263 = tpu.memref_slice %arg5[%rem3A_109, %dma_start3A_261, %dma_start3A_262] : memref<2x25x128xi32, #tpu.memory_space<vmem>> -> memref<1x1x128xi32, #tpu.memory_space<vmem>>
        %dma_start3A_264 = tpu.memref_squeeze %dma_start3A_263 : memref<1x1x128xi32, #tpu.memory_space<vmem>> -> memref<128xi32, #tpu.memory_space<vmem>>
        %dma_start3A_265 = arith.constant 0 : i32
        %dma_start3A_266 = tpu.memref_slice %arg8[%dma_start3A_265] : memref<10000xf32, #tpu.memory_space<vmem_shared>> -> memref<10000xf32, #tpu.memory_space<vmem_shared>>
        tpu.enqueue_indirect_dma source(%arg6 : memref<128xf32, #tpu.memory_space<vmem>>) target(%dma_start3A_266 : memref<10000xf32, #tpu.memory_space<vmem_shared>>) offsets(%dma_start3A_264 : memref<128xi32, #tpu.memory_space<vmem>>) semaphore(%arg9 : memref<!tpu.dma_semaphore, #tpu.memory_space<semaphore_mem>>) {add = true}
        %dma_start3A_267 = arith.constant 21 : i32
        %dma_start3A_268 = arith.constant 0 : i32
        %dma_start3A_269 = tpu.memref_slice %arg5[%rem3A_109, %dma_start3A_267, %dma_start3A_268] : memref<2x25x128xi32, #tpu.memory_space<vmem>> -> memref<1x1x128xi32, #tpu.memory_space<vmem>>
        %dma_start3A_270 = tpu.memref_squeeze %dma_start3A_269 : memref<1x1x128xi32, #tpu.memory_space<vmem>> -> memref<128xi32, #tpu.memory_space<vmem>>
        %dma_start3A_271 = arith.constant 0 : i32
        %dma_start3A_272 = tpu.memref_slice %arg8[%dma_start3A_271] : memref<10000xf32, #tpu.memory_space<vmem_shared>> -> memref<10000xf32, #tpu.memory_space<vmem_shared>>
        tpu.enqueue_indirect_dma source(%arg6 : memref<128xf32, #tpu.memory_space<vmem>>) target(%dma_start3A_272 : memref<10000xf32, #tpu.memory_space<vmem_shared>>) offsets(%dma_start3A_270 : memref<128xi32, #tpu.memory_space<vmem>>) semaphore(%arg9 : memref<!tpu.dma_semaphore, #tpu.memory_space<semaphore_mem>>) {add = true}
        %dma_start3A_273 = arith.constant 22 : i32
        %dma_start3A_274 = arith.constant 0 : i32
        %dma_start3A_275 = tpu.memref_slice %arg5[%rem3A_109, %dma_start3A_273, %dma_start3A_274] : memref<2x25x128xi32, #tpu.memory_space<vmem>> -> memref<1x1x128xi32, #tpu.memory_space<vmem>>
        %dma_start3A_276 = tpu.memref_squeeze %dma_start3A_275 : memref<1x1x128xi32, #tpu.memory_space<vmem>> -> memref<128xi32, #tpu.memory_space<vmem>>
        %dma_start3A_277 = arith.constant 0 : i32
        %dma_start3A_278 = tpu.memref_slice %arg8[%dma_start3A_277] : memref<10000xf32, #tpu.memory_space<vmem_shared>> -> memref<10000xf32, #tpu.memory_space<vmem_shared>>
        tpu.enqueue_indirect_dma source(%arg6 : memref<128xf32, #tpu.memory_space<vmem>>) target(%dma_start3A_278 : memref<10000xf32, #tpu.memory_space<vmem_shared>>) offsets(%dma_start3A_276 : memref<128xi32, #tpu.memory_space<vmem>>) semaphore(%arg9 : memref<!tpu.dma_semaphore, #tpu.memory_space<semaphore_mem>>) {add = true}
        %dma_start3A_279 = arith.constant 23 : i32
        %dma_start3A_280 = arith.constant 0 : i32
        %dma_start3A_281 = tpu.memref_slice %arg5[%rem3A_109, %dma_start3A_279, %dma_start3A_280] : memref<2x25x128xi32, #tpu.memory_space<vmem>> -> memref<1x1x128xi32, #tpu.memory_space<vmem>>
        %dma_start3A_282 = tpu.memref_squeeze %dma_start3A_281 : memref<1x1x128xi32, #tpu.memory_space<vmem>> -> memref<128xi32, #tpu.memory_space<vmem>>
        %dma_start3A_283 = arith.constant 0 : i32
        %dma_start3A_284 = tpu.memref_slice %arg8[%dma_start3A_283] : memref<10000xf32, #tpu.memory_space<vmem_shared>> -> memref<10000xf32, #tpu.memory_space<vmem_shared>>
        tpu.enqueue_indirect_dma source(%arg6 : memref<128xf32, #tpu.memory_space<vmem>>) target(%dma_start3A_284 : memref<10000xf32, #tpu.memory_space<vmem_shared>>) offsets(%dma_start3A_282 : memref<128xi32, #tpu.memory_space<vmem>>) semaphore(%arg9 : memref<!tpu.dma_semaphore, #tpu.memory_space<semaphore_mem>>) {add = true}
        %dma_start3A_285 = arith.constant 24 : i32
        %dma_start3A_286 = arith.constant 0 : i32
        %dma_start3A_287 = tpu.memref_slice %arg5[%rem3A_109, %dma_start3A_285, %dma_start3A_286] : memref<2x25x128xi32, #tpu.memory_space<vmem>> -> memref<1x1x128xi32, #tpu.memory_space<vmem>>
        %dma_start3A_288 = tpu.memref_squeeze %dma_start3A_287 : memref<1x1x128xi32, #tpu.memory_space<vmem>> -> memref<128xi32, #tpu.memory_space<vmem>>
        %dma_start3A_289 = arith.constant 0 : i32
        %dma_start3A_290 = tpu.memref_slice %arg8[%dma_start3A_289] : memref<10000xf32, #tpu.memory_space<vmem_shared>> -> memref<10000xf32, #tpu.memory_space<vmem_shared>>
        tpu.enqueue_indirect_dma source(%arg6 : memref<128xf32, #tpu.memory_space<vmem>>) target(%dma_start3A_290 : memref<10000xf32, #tpu.memory_space<vmem_shared>>) offsets(%dma_start3A_288 : memref<128xi32, #tpu.memory_space<vmem>>) semaphore(%arg9 : memref<!tpu.dma_semaphore, #tpu.memory_space<semaphore_mem>>) {add = true}
        %dma_wait3A_291 = arith.constant 0 : i32
        %dma_wait3A_292 = arith.constant 0 : i32
        %dma_wait3A_293 = tpu.memref_slice %arg5[%rem3A_109, %dma_wait3A_291, %dma_wait3A_292] : memref<2x25x128xi32, #tpu.memory_space<vmem>> -> memref<1x1x128xi32, #tpu.memory_space<vmem>>
        %dma_wait3A_294 = tpu.memref_squeeze %dma_wait3A_293 : memref<1x1x128xi32, #tpu.memory_space<vmem>> -> memref<128xi32, #tpu.memory_space<vmem>>
        %dma_wait3A_295 = arith.constant 0 : i32
        %dma_wait3A_296 = tpu.memref_slice %arg8[%dma_wait3A_295] : memref<10000xf32, #tpu.memory_space<vmem_shared>> -> memref<10000xf32, #tpu.memory_space<vmem_shared>>
        tpu.wait_indirect_dma semaphore(%arg9 : memref<!tpu.dma_semaphore, #tpu.memory_space<semaphore_mem>>) src(%arg6 : memref<128xf32, #tpu.memory_space<vmem>>) dst(%dma_wait3A_296 : memref<10000xf32, #tpu.memory_space<vmem_shared>>)
        %dma_wait3A_297 = arith.constant 1 : i32
        %dma_wait3A_298 = arith.constant 0 : i32
        %dma_wait3A_299 = tpu.memref_slice %arg5[%rem3A_109, %dma_wait3A_297, %dma_wait3A_298] : memref<2x25x128xi32, #tpu.memory_space<vmem>> -> memref<1x1x128xi32, #tpu.memory_space<vmem>>
        %dma_wait3A_300 = tpu.memref_squeeze %dma_wait3A_299 : memref<1x1x128xi32, #tpu.memory_space<vmem>> -> memref<128xi32, #tpu.memory_space<vmem>>
        %dma_wait3A_301 = arith.constant 0 : i32
        %dma_wait3A_302 = tpu.memref_slice %arg8[%dma_wait3A_301] : memref<10000xf32, #tpu.memory_space<vmem_shared>> -> memref<10000xf32, #tpu.memory_space<vmem_shared>>
        tpu.wait_indirect_dma semaphore(%arg9 : memref<!tpu.dma_semaphore, #tpu.memory_space<semaphore_mem>>) src(%arg6 : memref<128xf32, #tpu.memory_space<vmem>>) dst(%dma_wait3A_302 : memref<10000xf32, #tpu.memory_space<vmem_shared>>)
        %dma_wait3A_303 = arith.constant 2 : i32
        %dma_wait3A_304 = arith.constant 0 : i32
        %dma_wait3A_305 = tpu.memref_slice %arg5[%rem3A_109, %dma_wait3A_303, %dma_wait3A_304] : memref<2x25x128xi32, #tpu.memory_space<vmem>> -> memref<1x1x128xi32, #tpu.memory_space<vmem>>
        %dma_wait3A_306 = tpu.memref_squeeze %dma_wait3A_305 : memref<1x1x128xi32, #tpu.memory_space<vmem>> -> memref<128xi32, #tpu.memory_space<vmem>>
        %dma_wait3A_307 = arith.constant 0 : i32
        %dma_wait3A_308 = tpu.memref_slice %arg8[%dma_wait3A_307] : memref<10000xf32, #tpu.memory_space<vmem_shared>> -> memref<10000xf32, #tpu.memory_space<vmem_shared>>
        tpu.wait_indirect_dma semaphore(%arg9 : memref<!tpu.dma_semaphore, #tpu.memory_space<semaphore_mem>>) src(%arg6 : memref<128xf32, #tpu.memory_space<vmem>>) dst(%dma_wait3A_308 : memref<10000xf32, #tpu.memory_space<vmem_shared>>)
        %dma_wait3A_309 = arith.constant 3 : i32
        %dma_wait3A_310 = arith.constant 0 : i32
        %dma_wait3A_311 = tpu.memref_slice %arg5[%rem3A_109, %dma_wait3A_309, %dma_wait3A_310] : memref<2x25x128xi32, #tpu.memory_space<vmem>> -> memref<1x1x128xi32, #tpu.memory_space<vmem>>
        %dma_wait3A_312 = tpu.memref_squeeze %dma_wait3A_311 : memref<1x1x128xi32, #tpu.memory_space<vmem>> -> memref<128xi32, #tpu.memory_space<vmem>>
        %dma_wait3A_313 = arith.constant 0 : i32
        %dma_wait3A_314 = tpu.memref_slice %arg8[%dma_wait3A_313] : memref<10000xf32, #tpu.memory_space<vmem_shared>> -> memref<10000xf32, #tpu.memory_space<vmem_shared>>
        tpu.wait_indirect_dma semaphore(%arg9 : memref<!tpu.dma_semaphore, #tpu.memory_space<semaphore_mem>>) src(%arg6 : memref<128xf32, #tpu.memory_space<vmem>>) dst(%dma_wait3A_314 : memref<10000xf32, #tpu.memory_space<vmem_shared>>)
        %dma_wait3A_315 = arith.constant 4 : i32
        %dma_wait3A_316 = arith.constant 0 : i32
        %dma_wait3A_317 = tpu.memref_slice %arg5[%rem3A_109, %dma_wait3A_315, %dma_wait3A_316] : memref<2x25x128xi32, #tpu.memory_space<vmem>> -> memref<1x1x128xi32, #tpu.memory_space<vmem>>
        %dma_wait3A_318 = tpu.memref_squeeze %dma_wait3A_317 : memref<1x1x128xi32, #tpu.memory_space<vmem>> -> memref<128xi32, #tpu.memory_space<vmem>>
        %dma_wait3A_319 = arith.constant 0 : i32
        %dma_wait3A_320 = tpu.memref_slice %arg8[%dma_wait3A_319] : memref<10000xf32, #tpu.memory_space<vmem_shared>> -> memref<10000xf32, #tpu.memory_space<vmem_shared>>
        tpu.wait_indirect_dma semaphore(%arg9 : memref<!tpu.dma_semaphore, #tpu.memory_space<semaphore_mem>>) src(%arg6 : memref<128xf32, #tpu.memory_space<vmem>>) dst(%dma_wait3A_320 : memref<10000xf32, #tpu.memory_space<vmem_shared>>)
        %dma_wait3A_321 = arith.constant 5 : i32
        %dma_wait3A_322 = arith.constant 0 : i32
        %dma_wait3A_323 = tpu.memref_slice %arg5[%rem3A_109, %dma_wait3A_321, %dma_wait3A_322] : memref<2x25x128xi32, #tpu.memory_space<vmem>> -> memref<1x1x128xi32, #tpu.memory_space<vmem>>
        %dma_wait3A_324 = tpu.memref_squeeze %dma_wait3A_323 : memref<1x1x128xi32, #tpu.memory_space<vmem>> -> memref<128xi32, #tpu.memory_space<vmem>>
        %dma_wait3A_325 = arith.constant 0 : i32
        %dma_wait3A_326 = tpu.memref_slice %arg8[%dma_wait3A_325] : memref<10000xf32, #tpu.memory_space<vmem_shared>> -> memref<10000xf32, #tpu.memory_space<vmem_shared>>
        tpu.wait_indirect_dma semaphore(%arg9 : memref<!tpu.dma_semaphore, #tpu.memory_space<semaphore_mem>>) src(%arg6 : memref<128xf32, #tpu.memory_space<vmem>>) dst(%dma_wait3A_326 : memref<10000xf32, #tpu.memory_space<vmem_shared>>)
        %dma_wait3A_327 = arith.constant 6 : i32
        %dma_wait3A_328 = arith.constant 0 : i32
        %dma_wait3A_329 = tpu.memref_slice %arg5[%rem3A_109, %dma_wait3A_327, %dma_wait3A_328] : memref<2x25x128xi32, #tpu.memory_space<vmem>> -> memref<1x1x128xi32, #tpu.memory_space<vmem>>
        %dma_wait3A_330 = tpu.memref_squeeze %dma_wait3A_329 : memref<1x1x128xi32, #tpu.memory_space<vmem>> -> memref<128xi32, #tpu.memory_space<vmem>>
        %dma_wait3A_331 = arith.constant 0 : i32
        %dma_wait3A_332 = tpu.memref_slice %arg8[%dma_wait3A_331] : memref<10000xf32, #tpu.memory_space<vmem_shared>> -> memref<10000xf32, #tpu.memory_space<vmem_shared>>
        tpu.wait_indirect_dma semaphore(%arg9 : memref<!tpu.dma_semaphore, #tpu.memory_space<semaphore_mem>>) src(%arg6 : memref<128xf32, #tpu.memory_space<vmem>>) dst(%dma_wait3A_332 : memref<10000xf32, #tpu.memory_space<vmem_shared>>)
        %dma_wait3A_333 = arith.constant 7 : i32
        %dma_wait3A_334 = arith.constant 0 : i32
        %dma_wait3A_335 = tpu.memref_slice %arg5[%rem3A_109, %dma_wait3A_333, %dma_wait3A_334] : memref<2x25x128xi32, #tpu.memory_space<vmem>> -> memref<1x1x128xi32, #tpu.memory_space<vmem>>
        %dma_wait3A_336 = tpu.memref_squeeze %dma_wait3A_335 : memref<1x1x128xi32, #tpu.memory_space<vmem>> -> memref<128xi32, #tpu.memory_space<vmem>>
        %dma_wait3A_337 = arith.constant 0 : i32
        %dma_wait3A_338 = tpu.memref_slice %arg8[%dma_wait3A_337] : memref<10000xf32, #tpu.memory_space<vmem_shared>> -> memref<10000xf32, #tpu.memory_space<vmem_shared>>
        tpu.wait_indirect_dma semaphore(%arg9 : memref<!tpu.dma_semaphore, #tpu.memory_space<semaphore_mem>>) src(%arg6 : memref<128xf32, #tpu.memory_space<vmem>>) dst(%dma_wait3A_338 : memref<10000xf32, #tpu.memory_space<vmem_shared>>)
        %dma_wait3A_339 = arith.constant 8 : i32
        %dma_wait3A_340 = arith.constant 0 : i32
        %dma_wait3A_341 = tpu.memref_slice %arg5[%rem3A_109, %dma_wait3A_339, %dma_wait3A_340] : memref<2x25x128xi32, #tpu.memory_space<vmem>> -> memref<1x1x128xi32, #tpu.memory_space<vmem>>
        %dma_wait3A_342 = tpu.memref_squeeze %dma_wait3A_341 : memref<1x1x128xi32, #tpu.memory_space<vmem>> -> memref<128xi32, #tpu.memory_space<vmem>>
        %dma_wait3A_343 = arith.constant 0 : i32
        %dma_wait3A_344 = tpu.memref_slice %arg8[%dma_wait3A_343] : memref<10000xf32, #tpu.memory_space<vmem_shared>> -> memref<10000xf32, #tpu.memory_space<vmem_shared>>
        tpu.wait_indirect_dma semaphore(%arg9 : memref<!tpu.dma_semaphore, #tpu.memory_space<semaphore_mem>>) src(%arg6 : memref<128xf32, #tpu.memory_space<vmem>>) dst(%dma_wait3A_344 : memref<10000xf32, #tpu.memory_space<vmem_shared>>)
        %dma_wait3A_345 = arith.constant 9 : i32
        %dma_wait3A_346 = arith.constant 0 : i32
        %dma_wait3A_347 = tpu.memref_slice %arg5[%rem3A_109, %dma_wait3A_345, %dma_wait3A_346] : memref<2x25x128xi32, #tpu.memory_space<vmem>> -> memref<1x1x128xi32, #tpu.memory_space<vmem>>
        %dma_wait3A_348 = tpu.memref_squeeze %dma_wait3A_347 : memref<1x1x128xi32, #tpu.memory_space<vmem>> -> memref<128xi32, #tpu.memory_space<vmem>>
        %dma_wait3A_349 = arith.constant 0 : i32
        %dma_wait3A_350 = tpu.memref_slice %arg8[%dma_wait3A_349] : memref<10000xf32, #tpu.memory_space<vmem_shared>> -> memref<10000xf32, #tpu.memory_space<vmem_shared>>
        tpu.wait_indirect_dma semaphore(%arg9 : memref<!tpu.dma_semaphore, #tpu.memory_space<semaphore_mem>>) src(%arg6 : memref<128xf32, #tpu.memory_space<vmem>>) dst(%dma_wait3A_350 : memref<10000xf32, #tpu.memory_space<vmem_shared>>)
        %dma_wait3A_351 = arith.constant 10 : i32
        %dma_wait3A_352 = arith.constant 0 : i32
        %dma_wait3A_353 = tpu.memref_slice %arg5[%rem3A_109, %dma_wait3A_351, %dma_wait3A_352] : memref<2x25x128xi32, #tpu.memory_space<vmem>> -> memref<1x1x128xi32, #tpu.memory_space<vmem>>
        %dma_wait3A_354 = tpu.memref_squeeze %dma_wait3A_353 : memref<1x1x128xi32, #tpu.memory_space<vmem>> -> memref<128xi32, #tpu.memory_space<vmem>>
        %dma_wait3A_355 = arith.constant 0 : i32
        %dma_wait3A_356 = tpu.memref_slice %arg8[%dma_wait3A_355] : memref<10000xf32, #tpu.memory_space<vmem_shared>> -> memref<10000xf32, #tpu.memory_space<vmem_shared>>
        tpu.wait_indirect_dma semaphore(%arg9 : memref<!tpu.dma_semaphore, #tpu.memory_space<semaphore_mem>>) src(%arg6 : memref<128xf32, #tpu.memory_space<vmem>>) dst(%dma_wait3A_356 : memref<10000xf32, #tpu.memory_space<vmem_shared>>)
        %dma_wait3A_357 = arith.constant 11 : i32
        %dma_wait3A_358 = arith.constant 0 : i32
        %dma_wait3A_359 = tpu.memref_slice %arg5[%rem3A_109, %dma_wait3A_357, %dma_wait3A_358] : memref<2x25x128xi32, #tpu.memory_space<vmem>> -> memref<1x1x128xi32, #tpu.memory_space<vmem>>
        %dma_wait3A_360 = tpu.memref_squeeze %dma_wait3A_359 : memref<1x1x128xi32, #tpu.memory_space<vmem>> -> memref<128xi32, #tpu.memory_space<vmem>>
        %dma_wait3A_361 = arith.constant 0 : i32
        %dma_wait3A_362 = tpu.memref_slice %arg8[%dma_wait3A_361] : memref<10000xf32, #tpu.memory_space<vmem_shared>> -> memref<10000xf32, #tpu.memory_space<vmem_shared>>
        tpu.wait_indirect_dma semaphore(%arg9 : memref<!tpu.dma_semaphore, #tpu.memory_space<semaphore_mem>>) src(%arg6 : memref<128xf32, #tpu.memory_space<vmem>>) dst(%dma_wait3A_362 : memref<10000xf32, #tpu.memory_space<vmem_shared>>)
        %dma_wait3A_363 = arith.constant 12 : i32
        %dma_wait3A_364 = arith.constant 0 : i32
        %dma_wait3A_365 = tpu.memref_slice %arg5[%rem3A_109, %dma_wait3A_363, %dma_wait3A_364] : memref<2x25x128xi32, #tpu.memory_space<vmem>> -> memref<1x1x128xi32, #tpu.memory_space<vmem>>
        %dma_wait3A_366 = tpu.memref_squeeze %dma_wait3A_365 : memref<1x1x128xi32, #tpu.memory_space<vmem>> -> memref<128xi32, #tpu.memory_space<vmem>>
        %dma_wait3A_367 = arith.constant 0 : i32
        %dma_wait3A_368 = tpu.memref_slice %arg8[%dma_wait3A_367] : memref<10000xf32, #tpu.memory_space<vmem_shared>> -> memref<10000xf32, #tpu.memory_space<vmem_shared>>
        tpu.wait_indirect_dma semaphore(%arg9 : memref<!tpu.dma_semaphore, #tpu.memory_space<semaphore_mem>>) src(%arg6 : memref<128xf32, #tpu.memory_space<vmem>>) dst(%dma_wait3A_368 : memref<10000xf32, #tpu.memory_space<vmem_shared>>)
        %dma_wait3A_369 = arith.constant 13 : i32
        %dma_wait3A_370 = arith.constant 0 : i32
        %dma_wait3A_371 = tpu.memref_slice %arg5[%rem3A_109, %dma_wait3A_369, %dma_wait3A_370] : memref<2x25x128xi32, #tpu.memory_space<vmem>> -> memref<1x1x128xi32, #tpu.memory_space<vmem>>
        %dma_wait3A_372 = tpu.memref_squeeze %dma_wait3A_371 : memref<1x1x128xi32, #tpu.memory_space<vmem>> -> memref<128xi32, #tpu.memory_space<vmem>>
        %dma_wait3A_373 = arith.constant 0 : i32
        %dma_wait3A_374 = tpu.memref_slice %arg8[%dma_wait3A_373] : memref<10000xf32, #tpu.memory_space<vmem_shared>> -> memref<10000xf32, #tpu.memory_space<vmem_shared>>
        tpu.wait_indirect_dma semaphore(%arg9 : memref<!tpu.dma_semaphore, #tpu.memory_space<semaphore_mem>>) src(%arg6 : memref<128xf32, #tpu.memory_space<vmem>>) dst(%dma_wait3A_374 : memref<10000xf32, #tpu.memory_space<vmem_shared>>)
        %dma_wait3A_375 = arith.constant 14 : i32
        %dma_wait3A_376 = arith.constant 0 : i32
        %dma_wait3A_377 = tpu.memref_slice %arg5[%rem3A_109, %dma_wait3A_375, %dma_wait3A_376] : memref<2x25x128xi32, #tpu.memory_space<vmem>> -> memref<1x1x128xi32, #tpu.memory_space<vmem>>
        %dma_wait3A_378 = tpu.memref_squeeze %dma_wait3A_377 : memref<1x1x128xi32, #tpu.memory_space<vmem>> -> memref<128xi32, #tpu.memory_space<vmem>>
        %dma_wait3A_379 = arith.constant 0 : i32
        %dma_wait3A_380 = tpu.memref_slice %arg8[%dma_wait3A_379] : memref<10000xf32, #tpu.memory_space<vmem_shared>> -> memref<10000xf32, #tpu.memory_space<vmem_shared>>
        tpu.wait_indirect_dma semaphore(%arg9 : memref<!tpu.dma_semaphore, #tpu.memory_space<semaphore_mem>>) src(%arg6 : memref<128xf32, #tpu.memory_space<vmem>>) dst(%dma_wait3A_380 : memref<10000xf32, #tpu.memory_space<vmem_shared>>)
        %dma_wait3A_381 = arith.constant 15 : i32
        %dma_wait3A_382 = arith.constant 0 : i32
        %dma_wait3A_383 = tpu.memref_slice %arg5[%rem3A_109, %dma_wait3A_381, %dma_wait3A_382] : memref<2x25x128xi32, #tpu.memory_space<vmem>> -> memref<1x1x128xi32, #tpu.memory_space<vmem>>
        %dma_wait3A_384 = tpu.memref_squeeze %dma_wait3A_383 : memref<1x1x128xi32, #tpu.memory_space<vmem>> -> memref<128xi32, #tpu.memory_space<vmem>>
        %dma_wait3A_385 = arith.constant 0 : i32
        %dma_wait3A_386 = tpu.memref_slice %arg8[%dma_wait3A_385] : memref<10000xf32, #tpu.memory_space<vmem_shared>> -> memref<10000xf32, #tpu.memory_space<vmem_shared>>
        tpu.wait_indirect_dma semaphore(%arg9 : memref<!tpu.dma_semaphore, #tpu.memory_space<semaphore_mem>>) src(%arg6 : memref<128xf32, #tpu.memory_space<vmem>>) dst(%dma_wait3A_386 : memref<10000xf32, #tpu.memory_space<vmem_shared>>)
        %dma_wait3A_387 = arith.constant 16 : i32
        %dma_wait3A_388 = arith.constant 0 : i32
        %dma_wait3A_389 = tpu.memref_slice %arg5[%rem3A_109, %dma_wait3A_387, %dma_wait3A_388] : memref<2x25x128xi32, #tpu.memory_space<vmem>> -> memref<1x1x128xi32, #tpu.memory_space<vmem>>
        %dma_wait3A_390 = tpu.memref_squeeze %dma_wait3A_389 : memref<1x1x128xi32, #tpu.memory_space<vmem>> -> memref<128xi32, #tpu.memory_space<vmem>>
        %dma_wait3A_391 = arith.constant 0 : i32
        %dma_wait3A_392 = tpu.memref_slice %arg8[%dma_wait3A_391] : memref<10000xf32, #tpu.memory_space<vmem_shared>> -> memref<10000xf32, #tpu.memory_space<vmem_shared>>
        tpu.wait_indirect_dma semaphore(%arg9 : memref<!tpu.dma_semaphore, #tpu.memory_space<semaphore_mem>>) src(%arg6 : memref<128xf32, #tpu.memory_space<vmem>>) dst(%dma_wait3A_392 : memref<10000xf32, #tpu.memory_space<vmem_shared>>)
        %dma_wait3A_393 = arith.constant 17 : i32
        %dma_wait3A_394 = arith.constant 0 : i32
        %dma_wait3A_395 = tpu.memref_slice %arg5[%rem3A_109, %dma_wait3A_393, %dma_wait3A_394] : memref<2x25x128xi32, #tpu.memory_space<vmem>> -> memref<1x1x128xi32, #tpu.memory_space<vmem>>
        %dma_wait3A_396 = tpu.memref_squeeze %dma_wait3A_395 : memref<1x1x128xi32, #tpu.memory_space<vmem>> -> memref<128xi32, #tpu.memory_space<vmem>>
        %dma_wait3A_397 = arith.constant 0 : i32
        %dma_wait3A_398 = tpu.memref_slice %arg8[%dma_wait3A_397] : memref<10000xf32, #tpu.memory_space<vmem_shared>> -> memref<10000xf32, #tpu.memory_space<vmem_shared>>
        tpu.wait_indirect_dma semaphore(%arg9 : memref<!tpu.dma_semaphore, #tpu.memory_space<semaphore_mem>>) src(%arg6 : memref<128xf32, #tpu.memory_space<vmem>>) dst(%dma_wait3A_398 : memref<10000xf32, #tpu.memory_space<vmem_shared>>)
        %dma_wait3A_399 = arith.constant 18 : i32
        %dma_wait3A_400 = arith.constant 0 : i32
        %dma_wait3A_401 = tpu.memref_slice %arg5[%rem3A_109, %dma_wait3A_399, %dma_wait3A_400] : memref<2x25x128xi32, #tpu.memory_space<vmem>> -> memref<1x1x128xi32, #tpu.memory_space<vmem>>
        %dma_wait3A_402 = tpu.memref_squeeze %dma_wait3A_401 : memref<1x1x128xi32, #tpu.memory_space<vmem>> -> memref<128xi32, #tpu.memory_space<vmem>>
        %dma_wait3A_403 = arith.constant 0 : i32
        %dma_wait3A_404 = tpu.memref_slice %arg8[%dma_wait3A_403] : memref<10000xf32, #tpu.memory_space<vmem_shared>> -> memref<10000xf32, #tpu.memory_space<vmem_shared>>
        tpu.wait_indirect_dma semaphore(%arg9 : memref<!tpu.dma_semaphore, #tpu.memory_space<semaphore_mem>>) src(%arg6 : memref<128xf32, #tpu.memory_space<vmem>>) dst(%dma_wait3A_404 : memref<10000xf32, #tpu.memory_space<vmem_shared>>)
        %dma_wait3A_405 = arith.constant 19 : i32
        %dma_wait3A_406 = arith.constant 0 : i32
        %dma_wait3A_407 = tpu.memref_slice %arg5[%rem3A_109, %dma_wait3A_405, %dma_wait3A_406] : memref<2x25x128xi32, #tpu.memory_space<vmem>> -> memref<1x1x128xi32, #tpu.memory_space<vmem>>
        %dma_wait3A_408 = tpu.memref_squeeze %dma_wait3A_407 : memref<1x1x128xi32, #tpu.memory_space<vmem>> -> memref<128xi32, #tpu.memory_space<vmem>>
        %dma_wait3A_409 = arith.constant 0 : i32
        %dma_wait3A_410 = tpu.memref_slice %arg8[%dma_wait3A_409] : memref<10000xf32, #tpu.memory_space<vmem_shared>> -> memref<10000xf32, #tpu.memory_space<vmem_shared>>
        tpu.wait_indirect_dma semaphore(%arg9 : memref<!tpu.dma_semaphore, #tpu.memory_space<semaphore_mem>>) src(%arg6 : memref<128xf32, #tpu.memory_space<vmem>>) dst(%dma_wait3A_410 : memref<10000xf32, #tpu.memory_space<vmem_shared>>)
        %dma_wait3A_411 = arith.constant 20 : i32
        %dma_wait3A_412 = arith.constant 0 : i32
        %dma_wait3A_413 = tpu.memref_slice %arg5[%rem3A_109, %dma_wait3A_411, %dma_wait3A_412] : memref<2x25x128xi32, #tpu.memory_space<vmem>> -> memref<1x1x128xi32, #tpu.memory_space<vmem>>
        %dma_wait3A_414 = tpu.memref_squeeze %dma_wait3A_413 : memref<1x1x128xi32, #tpu.memory_space<vmem>> -> memref<128xi32, #tpu.memory_space<vmem>>
        %dma_wait3A_415 = arith.constant 0 : i32
        %dma_wait3A_416 = tpu.memref_slice %arg8[%dma_wait3A_415] : memref<10000xf32, #tpu.memory_space<vmem_shared>> -> memref<10000xf32, #tpu.memory_space<vmem_shared>>
        tpu.wait_indirect_dma semaphore(%arg9 : memref<!tpu.dma_semaphore, #tpu.memory_space<semaphore_mem>>) src(%arg6 : memref<128xf32, #tpu.memory_space<vmem>>) dst(%dma_wait3A_416 : memref<10000xf32, #tpu.memory_space<vmem_shared>>)
        %dma_wait3A_417 = arith.constant 21 : i32
        %dma_wait3A_418 = arith.constant 0 : i32
        %dma_wait3A_419 = tpu.memref_slice %arg5[%rem3A_109, %dma_wait3A_417, %dma_wait3A_418] : memref<2x25x128xi32, #tpu.memory_space<vmem>> -> memref<1x1x128xi32, #tpu.memory_space<vmem>>
        %dma_wait3A_420 = tpu.memref_squeeze %dma_wait3A_419 : memref<1x1x128xi32, #tpu.memory_space<vmem>> -> memref<128xi32, #tpu.memory_space<vmem>>
        %dma_wait3A_421 = arith.constant 0 : i32
        %dma_wait3A_422 = tpu.memref_slice %arg8[%dma_wait3A_421] : memref<10000xf32, #tpu.memory_space<vmem_shared>> -> memref<10000xf32, #tpu.memory_space<vmem_shared>>
        tpu.wait_indirect_dma semaphore(%arg9 : memref<!tpu.dma_semaphore, #tpu.memory_space<semaphore_mem>>) src(%arg6 : memref<128xf32, #tpu.memory_space<vmem>>) dst(%dma_wait3A_422 : memref<10000xf32, #tpu.memory_space<vmem_shared>>)
        %dma_wait3A_423 = arith.constant 22 : i32
        %dma_wait3A_424 = arith.constant 0 : i32
        %dma_wait3A_425 = tpu.memref_slice %arg5[%rem3A_109, %dma_wait3A_423, %dma_wait3A_424] : memref<2x25x128xi32, #tpu.memory_space<vmem>> -> memref<1x1x128xi32, #tpu.memory_space<vmem>>
        %dma_wait3A_426 = tpu.memref_squeeze %dma_wait3A_425 : memref<1x1x128xi32, #tpu.memory_space<vmem>> -> memref<128xi32, #tpu.memory_space<vmem>>
        %dma_wait3A_427 = arith.constant 0 : i32
        %dma_wait3A_428 = tpu.memref_slice %arg8[%dma_wait3A_427] : memref<10000xf32, #tpu.memory_space<vmem_shared>> -> memref<10000xf32, #tpu.memory_space<vmem_shared>>
        tpu.wait_indirect_dma semaphore(%arg9 : memref<!tpu.dma_semaphore, #tpu.memory_space<semaphore_mem>>) src(%arg6 : memref<128xf32, #tpu.memory_space<vmem>>) dst(%dma_wait3A_428 : memref<10000xf32, #tpu.memory_space<vmem_shared>>)
        %dma_wait3A_429 = arith.constant 23 : i32
        %dma_wait3A_430 = arith.constant 0 : i32
        %dma_wait3A_431 = tpu.memref_slice %arg5[%rem3A_109, %dma_wait3A_429, %dma_wait3A_430] : memref<2x25x128xi32, #tpu.memory_space<vmem>> -> memref<1x1x128xi32, #tpu.memory_space<vmem>>
        %dma_wait3A_432 = tpu.memref_squeeze %dma_wait3A_431 : memref<1x1x128xi32, #tpu.memory_space<vmem>> -> memref<128xi32, #tpu.memory_space<vmem>>
        %dma_wait3A_433 = arith.constant 0 : i32
        %dma_wait3A_434 = tpu.memref_slice %arg8[%dma_wait3A_433] : memref<10000xf32, #tpu.memory_space<vmem_shared>> -> memref<10000xf32, #tpu.memory_space<vmem_shared>>
        tpu.wait_indirect_dma semaphore(%arg9 : memref<!tpu.dma_semaphore, #tpu.memory_space<semaphore_mem>>) src(%arg6 : memref<128xf32, #tpu.memory_space<vmem>>) dst(%dma_wait3A_434 : memref<10000xf32, #tpu.memory_space<vmem_shared>>)
        %dma_wait3A_435 = arith.constant 24 : i32
        %dma_wait3A_436 = arith.constant 0 : i32
        %dma_wait3A_437 = tpu.memref_slice %arg5[%rem3A_109, %dma_wait3A_435, %dma_wait3A_436] : memref<2x25x128xi32, #tpu.memory_space<vmem>> -> memref<1x1x128xi32, #tpu.memory_space<vmem>>
        %dma_wait3A_438 = tpu.memref_squeeze %dma_wait3A_437 : memref<1x1x128xi32, #tpu.memory_space<vmem>> -> memref<128xi32, #tpu.memory_space<vmem>>
        %dma_wait3A_439 = arith.constant 0 : i32
        %dma_wait3A_440 = tpu.memref_slice %arg8[%dma_wait3A_439] : memref<10000xf32, #tpu.memory_space<vmem_shared>> -> memref<10000xf32, #tpu.memory_space<vmem_shared>>
        tpu.wait_indirect_dma semaphore(%arg9 : memref<!tpu.dma_semaphore, #tpu.memory_space<semaphore_mem>>) src(%arg6 : memref<128xf32, #tpu.memory_space<vmem>>) dst(%dma_wait3A_440 : memref<10000xf32, #tpu.memory_space<vmem_shared>>)
      } else {
      }
    }
    %while3A_91 = arith.constant 1 : i32
    scf.for %while3A_108 = %while3A_89 to %while3A_85 step %while3A_91  : i32 {
      %rem3A = arith.constant 2 : i32
      %rem3A_109 = arith.remsi %while3A_108, %rem3A : i32
      %mul3A_110 = arith.constant 16 : i32
      %mul3A_111 = arith.muli %while3A_108, %mul3A_110 : i32
      %add3A_112 = arith.addi %arg1, %mul3A_111 : i32
      %lt3A_113 = arith.constant 50 : i32
      %lt3A_114 = arith.cmpi slt, %add3A_112, %lt3A_113 : i32
      %convert_element_type3A_115 = arith.extui %lt3A_114 : i1 to i32
      %cond3A_116 = arith.constant 0 : i32
      %cond3A_117 = arith.cmpi ne, %convert_element_type3A_115, %cond3A_116 : i32
      scf.if %cond3A_117 {
        %dma_wait3A = arith.constant 0 : i32
        %dma_wait3A_118 = arith.constant 0 : i32
        %dma_wait3A_119 = arith.constant 0 : i32
        %dma_wait3A_120 = tpu.memref_slice %arg5[%rem3A_109, %dma_wait3A_118, %dma_wait3A_119] : memref<2x25x128xi32, #tpu.memory_space<vmem>> -> memref<1x25x128xi32, #tpu.memory_space<vmem>>
        %dma_wait3A_121 = tpu.memref_squeeze %dma_wait3A_120 : memref<1x25x128xi32, #tpu.memory_space<vmem>> -> memref<25x128xi32, #tpu.memory_space<vmem>>
        %dma_wait3A_122 = arith.constant 0 : i32
        %dma_wait3A_123 = arith.constant 0 : i32
        %dma_wait3A_124 = tpu.memref_slice %arg2[%dma_wait3A, %dma_wait3A_122, %dma_wait3A_123] : memref<100x25x128xi32, #tpu.memory_space<hbm>> -> memref<1x25x128xi32, #tpu.memory_space<hbm>>
        %dma_wait3A_125 = tpu.memref_squeeze %dma_wait3A_124 : memref<1x25x128xi32, #tpu.memory_space<hbm>> -> memref<25x128xi32, #tpu.memory_space<hbm>>
        %dma_wait3A_126 = arith.constant 0 : i32
        %dma_wait3A_127 = arith.constant 0 : i32
        %dma_wait3A_128 = tpu.memref_slice %arg5[%rem3A_109, %dma_wait3A_126, %dma_wait3A_127] : memref<2x25x128xi32, #tpu.memory_space<vmem>> -> memref<1x25x128xi32, #tpu.memory_space<vmem>>
        %dma_wait3A_129 = tpu.memref_squeeze %dma_wait3A_128 : memref<1x25x128xi32, #tpu.memory_space<vmem>> -> memref<25x128xi32, #tpu.memory_space<vmem>>
        %dma_wait3A_130 = arith.constant 0 : i32
        %dma_wait3A_131 = arith.constant 0 : i32
        %dma_wait3A_132 = tpu.memref_slice %arg2[%dma_wait3A, %dma_wait3A_130, %dma_wait3A_131] : memref<100x25x128xi32, #tpu.memory_space<hbm>> -> memref<1x25x128xi32, #tpu.memory_space<hbm>>
        %dma_wait3A_133 = tpu.memref_squeeze %dma_wait3A_132 : memref<1x25x128xi32, #tpu.memory_space<hbm>> -> memref<25x128xi32, #tpu.memory_space<hbm>>
        tpu.wait_dma2 semaphore(%arg10 : memref<!tpu.dma_semaphore, #tpu.memory_space<semaphore_mem>>) src(%dma_wait3A_133 : memref<25x128xi32, #tpu.memory_space<hbm>>) dst(%dma_wait3A_129 : memref<25x128xi32, #tpu.memory_space<vmem>>)
        %add3A_134 = arith.constant 16 : i32
        %add3A_135 = arith.addi %add3A_112, %add3A_134 : i32
        %lt3A_136 = arith.constant 50 : i32
        %lt3A_137 = arith.cmpi slt, %add3A_135, %lt3A_136 : i32
        %convert_element_type3A_138 = arith.extui %lt3A_137 : i1 to i32
        %cond3A_139 = arith.constant 0 : i32
        %cond3A_140 = arith.cmpi ne, %convert_element_type3A_138, %cond3A_139 : i32
        scf.if %cond3A_140 {
          %add3A_441 = arith.constant 1 : i32
          %add3A_442 = arith.addi %while3A_108, %add3A_441 : i32
          %sub3A = arith.constant 1 : i32
          %sub3A_443 = arith.subi %sub3A, %rem3A_109 : i32
          %mul3A_444 = arith.constant 50 : i32
          %mul3A_445 = arith.muli %arg0, %mul3A_444 : i32
          %add3A_446 = arith.addi %mul3A_445, %arg1 : i32
          %mul3A_447 = arith.constant 16 : i32
          %mul3A_448 = arith.muli %add3A_442, %mul3A_447 : i32
          %add3A_449 = arith.addi %add3A_446, %mul3A_448 : i32
          %dma_start3A_450 = arith.constant 0 : i32
          %dma_start3A_451 = arith.constant 0 : i32
          %dma_start3A_452 = tpu.memref_slice %arg5[%sub3A_443, %dma_start3A_450, %dma_start3A_451] : memref<2x25x128xi32, #tpu.memory_space<vmem>> -> memref<1x25x128xi32, #tpu.memory_space<vmem>>
          %dma_start3A_453 = tpu.memref_squeeze %dma_start3A_452 : memref<1x25x128xi32, #tpu.memory_space<vmem>> -> memref<25x128xi32, #tpu.memory_space<vmem>>
          %dma_start3A_454 = arith.constant 0 : i32
          %dma_start3A_455 = arith.constant 0 : i32
          %dma_start3A_456 = tpu.memref_slice %arg2[%add3A_449, %dma_start3A_454, %dma_start3A_455] : memref<100x25x128xi32, #tpu.memory_space<hbm>> -> memref<1x25x128xi32, #tpu.memory_space<hbm>>
          %dma_start3A_457 = tpu.memref_squeeze %dma_start3A_456 : memref<1x25x128xi32, #tpu.memory_space<hbm>> -> memref<25x128xi32, #tpu.memory_space<hbm>>
          %dma_start3A_458 = arith.constant 0 : i32
          %dma_start3A_459 = arith.constant 0 : i32
          %dma_start3A_460 = tpu.memref_slice %arg5[%sub3A_443, %dma_start3A_458, %dma_start3A_459] : memref<2x25x128xi32, #tpu.memory_space<vmem>> -> memref<1x25x128xi32, #tpu.memory_space<vmem>>
          %dma_start3A_461 = tpu.memref_squeeze %dma_start3A_460 : memref<1x25x128xi32, #tpu.memory_space<vmem>> -> memref<25x128xi32, #tpu.memory_space<vmem>>
          %dma_start3A_462 = arith.constant 0 : i32
          %dma_start3A_463 = arith.constant 0 : i32
          %dma_start3A_464 = tpu.memref_slice %arg2[%add3A_449, %dma_start3A_462, %dma_start3A_463] : memref<100x25x128xi32, #tpu.memory_space<hbm>> -> memref<1x25x128xi32, #tpu.memory_space<hbm>>
          %dma_start3A_465 = tpu.memref_squeeze %dma_start3A_464 : memref<1x25x128xi32, #tpu.memory_space<hbm>> -> memref<25x128xi32, #tpu.memory_space<hbm>>
          tpu.enqueue_dma source(%dma_start3A_465 : memref<25x128xi32, #tpu.memory_space<hbm>>) target(%dma_start3A_461 : memref<25x128xi32, #tpu.memory_space<vmem>>) target_semaphore(%arg10 : memref<!tpu.dma_semaphore, #tpu.memory_space<semaphore_mem>>)
        } else {
        }
        %dma_start3A_141 = arith.constant 0 : i32
        %dma_start3A_142 = arith.constant 0 : i32
        %dma_start3A_143 = tpu.memref_slice %arg5[%rem3A_109, %dma_start3A_141, %dma_start3A_142] : memref<2x25x128xi32, #tpu.memory_space<vmem>> -> memref<1x1x128xi32, #tpu.memory_space<vmem>>
        %dma_start3A_144 = tpu.memref_squeeze %dma_start3A_143 : memref<1x1x128xi32, #tpu.memory_space<vmem>> -> memref<128xi32, #tpu.memory_space<vmem>>
        %dma_start3A_145 = arith.constant 0 : i32
        %dma_start3A_146 = tpu.memref_slice %arg8[%dma_start3A_145] : memref<10000xf32, #tpu.memory_space<vmem_shared>> -> memref<10000xf32, #tpu.memory_space<vmem_shared>>
        tpu.enqueue_indirect_dma source(%arg6 : memref<128xf32, #tpu.memory_space<vmem>>) target(%dma_start3A_146 : memref<10000xf32, #tpu.memory_space<vmem_shared>>) offsets(%dma_start3A_144 : memref<128xi32, #tpu.memory_space<vmem>>) semaphore(%arg9 : memref<!tpu.dma_semaphore, #tpu.memory_space<semaphore_mem>>) {add = true}
        %dma_start3A_147 = arith.constant 1 : i32
        %dma_start3A_148 = arith.constant 0 : i32
        %dma_start3A_149 = tpu.memref_slice %arg5[%rem3A_109, %dma_start3A_147, %dma_start3A_148] : memref<2x25x128xi32, #tpu.memory_space<vmem>> -> memref<1x1x128xi32, #tpu.memory_space<vmem>>
        %dma_start3A_150 = tpu.memref_squeeze %dma_start3A_149 : memref<1x1x128xi32, #tpu.memory_space<vmem>> -> memref<128xi32, #tpu.memory_space<vmem>>
        %dma_start3A_151 = arith.constant 0 : i32
        %dma_start3A_152 = tpu.memref_slice %arg8[%dma_start3A_151] : memref<10000xf32, #tpu.memory_space<vmem_shared>> -> memref<10000xf32, #tpu.memory_space<vmem_shared>>
        tpu.enqueue_indirect_dma source(%arg6 : memref<128xf32, #tpu.memory_space<vmem>>) target(%dma_start3A_152 : memref<10000xf32, #tpu.memory_space<vmem_shared>>) offsets(%dma_start3A_150 : memref<128xi32, #tpu.memory_space<vmem>>) semaphore(%arg9 : memref<!tpu.dma_semaphore, #tpu.memory_space<semaphore_mem>>) {add = true}
        %dma_start3A_153 = arith.constant 2 : i32
        %dma_start3A_154 = arith.constant 0 : i32
        %dma_start3A_155 = tpu.memref_slice %arg5[%rem3A_109, %dma_start3A_153, %dma_start3A_154] : memref<2x25x128xi32, #tpu.memory_space<vmem>> -> memref<1x1x128xi32, #tpu.memory_space<vmem>>
        %dma_start3A_156 = tpu.memref_squeeze %dma_start3A_155 : memref<1x1x128xi32, #tpu.memory_space<vmem>> -> memref<128xi32, #tpu.memory_space<vmem>>
        %dma_start3A_157 = arith.constant 0 : i32
        %dma_start3A_158 = tpu.memref_slice %arg8[%dma_start3A_157] : memref<10000xf32, #tpu.memory_space<vmem_shared>> -> memref<10000xf32, #tpu.memory_space<vmem_shared>>
        tpu.enqueue_indirect_dma source(%arg6 : memref<128xf32, #tpu.memory_space<vmem>>) target(%dma_start3A_158 : memref<10000xf32, #tpu.memory_space<vmem_shared>>) offsets(%dma_start3A_156 : memref<128xi32, #tpu.memory_space<vmem>>) semaphore(%arg9 : memref<!tpu.dma_semaphore, #tpu.memory_space<semaphore_mem>>) {add = true}
        %dma_start3A_159 = arith.constant 3 : i32
        %dma_start3A_160 = arith.constant 0 : i32
        %dma_start3A_161 = tpu.memref_slice %arg5[%rem3A_109, %dma_start3A_159, %dma_start3A_160] : memref<2x25x128xi32, #tpu.memory_space<vmem>> -> memref<1x1x128xi32, #tpu.memory_space<vmem>>
        %dma_start3A_162 = tpu.memref_squeeze %dma_start3A_161 : memref<1x1x128xi32, #tpu.memory_space<vmem>> -> memref<128xi32, #tpu.memory_space<vmem>>
        %dma_start3A_163 = arith.constant 0 : i32
        %dma_start3A_164 = tpu.memref_slice %arg8[%dma_start3A_163] : memref<10000xf32, #tpu.memory_space<vmem_shared>> -> memref<10000xf32, #tpu.memory_space<vmem_shared>>
        tpu.enqueue_indirect_dma source(%arg6 : memref<128xf32, #tpu.memory_space<vmem>>) target(%dma_start3A_164 : memref<10000xf32, #tpu.memory_space<vmem_shared>>) offsets(%dma_start3A_162 : memref<128xi32, #tpu.memory_space<vmem>>) semaphore(%arg9 : memref<!tpu.dma_semaphore, #tpu.memory_space<semaphore_mem>>) {add = true}
        %dma_start3A_165 = arith.constant 4 : i32
        %dma_start3A_166 = arith.constant 0 : i32
        %dma_start3A_167 = tpu.memref_slice %arg5[%rem3A_109, %dma_start3A_165, %dma_start3A_166] : memref<2x25x128xi32, #tpu.memory_space<vmem>> -> memref<1x1x128xi32, #tpu.memory_space<vmem>>
        %dma_start3A_168 = tpu.memref_squeeze %dma_start3A_167 : memref<1x1x128xi32, #tpu.memory_space<vmem>> -> memref<128xi32, #tpu.memory_space<vmem>>
        %dma_start3A_169 = arith.constant 0 : i32
        %dma_start3A_170 = tpu.memref_slice %arg8[%dma_start3A_169] : memref<10000xf32, #tpu.memory_space<vmem_shared>> -> memref<10000xf32, #tpu.memory_space<vmem_shared>>
        tpu.enqueue_indirect_dma source(%arg6 : memref<128xf32, #tpu.memory_space<vmem>>) target(%dma_start3A_170 : memref<10000xf32, #tpu.memory_space<vmem_shared>>) offsets(%dma_start3A_168 : memref<128xi32, #tpu.memory_space<vmem>>) semaphore(%arg9 : memref<!tpu.dma_semaphore, #tpu.memory_space<semaphore_mem>>) {add = true}
        %dma_start3A_171 = arith.constant 5 : i32
        %dma_start3A_172 = arith.constant 0 : i32
        %dma_start3A_173 = tpu.memref_slice %arg5[%rem3A_109, %dma_start3A_171, %dma_start3A_172] : memref<2x25x128xi32, #tpu.memory_space<vmem>> -> memref<1x1x128xi32, #tpu.memory_space<vmem>>
        %dma_start3A_174 = tpu.memref_squeeze %dma_start3A_173 : memref<1x1x128xi32, #tpu.memory_space<vmem>> -> memref<128xi32, #tpu.memory_space<vmem>>
        %dma_start3A_175 = arith.constant 0 : i32
        %dma_start3A_176 = tpu.memref_slice %arg8[%dma_start3A_175] : memref<10000xf32, #tpu.memory_space<vmem_shared>> -> memref<10000xf32, #tpu.memory_space<vmem_shared>>
        tpu.enqueue_indirect_dma source(%arg6 : memref<128xf32, #tpu.memory_space<vmem>>) target(%dma_start3A_176 : memref<10000xf32, #tpu.memory_space<vmem_shared>>) offsets(%dma_start3A_174 : memref<128xi32, #tpu.memory_space<vmem>>) semaphore(%arg9 : memref<!tpu.dma_semaphore, #tpu.memory_space<semaphore_mem>>) {add = true}
        %dma_start3A_177 = arith.constant 6 : i32
        %dma_start3A_178 = arith.constant 0 : i32
        %dma_start3A_179 = tpu.memref_slice %arg5[%rem3A_109, %dma_start3A_177, %dma_start3A_178] : memref<2x25x128xi32, #tpu.memory_space<vmem>> -> memref<1x1x128xi32, #tpu.memory_space<vmem>>
        %dma_start3A_180 = tpu.memref_squeeze %dma_start3A_179 : memref<1x1x128xi32, #tpu.memory_space<vmem>> -> memref<128xi32, #tpu.memory_space<vmem>>
        %dma_start3A_181 = arith.constant 0 : i32
        %dma_start3A_182 = tpu.memref_slice %arg8[%dma_start3A_181] : memref<10000xf32, #tpu.memory_space<vmem_shared>> -> memref<10000xf32, #tpu.memory_space<vmem_shared>>
        tpu.enqueue_indirect_dma source(%arg6 : memref<128xf32, #tpu.memory_space<vmem>>) target(%dma_start3A_182 : memref<10000xf32, #tpu.memory_space<vmem_shared>>) offsets(%dma_start3A_180 : memref<128xi32, #tpu.memory_space<vmem>>) semaphore(%arg9 : memref<!tpu.dma_semaphore, #tpu.memory_space<semaphore_mem>>) {add = true}
        %dma_start3A_183 = arith.constant 7 : i32
        %dma_start3A_184 = arith.constant 0 : i32
        %dma_start3A_185 = tpu.memref_slice %arg5[%rem3A_109, %dma_start3A_183, %dma_start3A_184] : memref<2x25x128xi32, #tpu.memory_space<vmem>> -> memref<1x1x128xi32, #tpu.memory_space<vmem>>
        %dma_start3A_186 = tpu.memref_squeeze %dma_start3A_185 : memref<1x1x128xi32, #tpu.memory_space<vmem>> -> memref<128xi32, #tpu.memory_space<vmem>>
        %dma_start3A_187 = arith.constant 0 : i32
        %dma_start3A_188 = tpu.memref_slice %arg8[%dma_start3A_187] : memref<10000xf32, #tpu.memory_space<vmem_shared>> -> memref<10000xf32, #tpu.memory_space<vmem_shared>>
        tpu.enqueue_indirect_dma source(%arg6 : memref<128xf32, #tpu.memory_space<vmem>>) target(%dma_start3A_188 : memref<10000xf32, #tpu.memory_space<vmem_shared>>) offsets(%dma_start3A_186 : memref<128xi32, #tpu.memory_space<vmem>>) semaphore(%arg9 : memref<!tpu.dma_semaphore, #tpu.memory_space<semaphore_mem>>) {add = true}
        %dma_start3A_189 = arith.constant 8 : i32
        %dma_start3A_190 = arith.constant 0 : i32
        %dma_start3A_191 = tpu.memref_slice %arg5[%rem3A_109, %dma_start3A_189, %dma_start3A_190] : memref<2x25x128xi32, #tpu.memory_space<vmem>> -> memref<1x1x128xi32, #tpu.memory_space<vmem>>
        %dma_start3A_192 = tpu.memref_squeeze %dma_start3A_191 : memref<1x1x128xi32, #tpu.memory_space<vmem>> -> memref<128xi32, #tpu.memory_space<vmem>>
        %dma_start3A_193 = arith.constant 0 : i32
        %dma_start3A_194 = tpu.memref_slice %arg8[%dma_start3A_193] : memref<10000xf32, #tpu.memory_space<vmem_shared>> -> memref<10000xf32, #tpu.memory_space<vmem_shared>>
        tpu.enqueue_indirect_dma source(%arg6 : memref<128xf32, #tpu.memory_space<vmem>>) target(%dma_start3A_194 : memref<10000xf32, #tpu.memory_space<vmem_shared>>) offsets(%dma_start3A_192 : memref<128xi32, #tpu.memory_space<vmem>>) semaphore(%arg9 : memref<!tpu.dma_semaphore, #tpu.memory_space<semaphore_mem>>) {add = true}
        %dma_start3A_195 = arith.constant 9 : i32
        %dma_start3A_196 = arith.constant 0 : i32
        %dma_start3A_197 = tpu.memref_slice %arg5[%rem3A_109, %dma_start3A_195, %dma_start3A_196] : memref<2x25x128xi32, #tpu.memory_space<vmem>> -> memref<1x1x128xi32, #tpu.memory_space<vmem>>
        %dma_start3A_198 = tpu.memref_squeeze %dma_start3A_197 : memref<1x1x128xi32, #tpu.memory_space<vmem>> -> memref<128xi32, #tpu.memory_space<vmem>>
        %dma_start3A_199 = arith.constant 0 : i32
        %dma_start3A_200 = tpu.memref_slice %arg8[%dma_start3A_199] : memref<10000xf32, #tpu.memory_space<vmem_shared>> -> memref<10000xf32, #tpu.memory_space<vmem_shared>>
        tpu.enqueue_indirect_dma source(%arg6 : memref<128xf32, #tpu.memory_space<vmem>>) target(%dma_start3A_200 : memref<10000xf32, #tpu.memory_space<vmem_shared>>) offsets(%dma_start3A_198 : memref<128xi32, #tpu.memory_space<vmem>>) semaphore(%arg9 : memref<!tpu.dma_semaphore, #tpu.memory_space<semaphore_mem>>) {add = true}
        %dma_start3A_201 = arith.constant 10 : i32
        %dma_start3A_202 = arith.constant 0 : i32
        %dma_start3A_203 = tpu.memref_slice %arg5[%rem3A_109, %dma_start3A_201, %dma_start3A_202] : memref<2x25x128xi32, #tpu.memory_space<vmem>> -> memref<1x1x128xi32, #tpu.memory_space<vmem>>
        %dma_start3A_204 = tpu.memref_squeeze %dma_start3A_203 : memref<1x1x128xi32, #tpu.memory_space<vmem>> -> memref<128xi32, #tpu.memory_space<vmem>>
        %dma_start3A_205 = arith.constant 0 : i32
        %dma_start3A_206 = tpu.memref_slice %arg8[%dma_start3A_205] : memref<10000xf32, #tpu.memory_space<vmem_shared>> -> memref<10000xf32, #tpu.memory_space<vmem_shared>>
        tpu.enqueue_indirect_dma source(%arg6 : memref<128xf32, #tpu.memory_space<vmem>>) target(%dma_start3A_206 : memref<10000xf32, #tpu.memory_space<vmem_shared>>) offsets(%dma_start3A_204 : memref<128xi32, #tpu.memory_space<vmem>>) semaphore(%arg9 : memref<!tpu.dma_semaphore, #tpu.memory_space<semaphore_mem>>) {add = true}
        %dma_start3A_207 = arith.constant 11 : i32
        %dma_start3A_208 = arith.constant 0 : i32
        %dma_start3A_209 = tpu.memref_slice %arg5[%rem3A_109, %dma_start3A_207, %dma_start3A_208] : memref<2x25x128xi32, #tpu.memory_space<vmem>> -> memref<1x1x128xi32, #tpu.memory_space<vmem>>
        %dma_start3A_210 = tpu.memref_squeeze %dma_start3A_209 : memref<1x1x128xi32, #tpu.memory_space<vmem>> -> memref<128xi32, #tpu.memory_space<vmem>>
        %dma_start3A_211 = arith.constant 0 : i32
        %dma_start3A_212 = tpu.memref_slice %arg8[%dma_start3A_211] : memref<10000xf32, #tpu.memory_space<vmem_shared>> -> memref<10000xf32, #tpu.memory_space<vmem_shared>>
        tpu.enqueue_indirect_dma source(%arg6 : memref<128xf32, #tpu.memory_space<vmem>>) target(%dma_start3A_212 : memref<10000xf32, #tpu.memory_space<vmem_shared>>) offsets(%dma_start3A_210 : memref<128xi32, #tpu.memory_space<vmem>>) semaphore(%arg9 : memref<!tpu.dma_semaphore, #tpu.memory_space<semaphore_mem>>) {add = true}
        %dma_start3A_213 = arith.constant 12 : i32
        %dma_start3A_214 = arith.constant 0 : i32
        %dma_start3A_215 = tpu.memref_slice %arg5[%rem3A_109, %dma_start3A_213, %dma_start3A_214] : memref<2x25x128xi32, #tpu.memory_space<vmem>> -> memref<1x1x128xi32, #tpu.memory_space<vmem>>
        %dma_start3A_216 = tpu.memref_squeeze %dma_start3A_215 : memref<1x1x128xi32, #tpu.memory_space<vmem>> -> memref<128xi32, #tpu.memory_space<vmem>>
        %dma_start3A_217 = arith.constant 0 : i32
        %dma_start3A_218 = tpu.memref_slice %arg8[%dma_start3A_217] : memref<10000xf32, #tpu.memory_space<vmem_shared>> -> memref<10000xf32, #tpu.memory_space<vmem_shared>>
        tpu.enqueue_indirect_dma source(%arg6 : memref<128xf32, #tpu.memory_space<vmem>>) target(%dma_start3A_218 : memref<10000xf32, #tpu.memory_space<vmem_shared>>) offsets(%dma_start3A_216 : memref<128xi32, #tpu.memory_space<vmem>>) semaphore(%arg9 : memref<!tpu.dma_semaphore, #tpu.memory_space<semaphore_mem>>) {add = true}
        %dma_start3A_219 = arith.constant 13 : i32
        %dma_start3A_220 = arith.constant 0 : i32
        %dma_start3A_221 = tpu.memref_slice %arg5[%rem3A_109, %dma_start3A_219, %dma_start3A_220] : memref<2x25x128xi32, #tpu.memory_space<vmem>> -> memref<1x1x128xi32, #tpu.memory_space<vmem>>
        %dma_start3A_222 = tpu.memref_squeeze %dma_start3A_221 : memref<1x1x128xi32, #tpu.memory_space<vmem>> -> memref<128xi32, #tpu.memory_space<vmem>>
        %dma_start3A_223 = arith.constant 0 : i32
        %dma_start3A_224 = tpu.memref_slice %arg8[%dma_start3A_223] : memref<10000xf32, #tpu.memory_space<vmem_shared>> -> memref<10000xf32, #tpu.memory_space<vmem_shared>>
        tpu.enqueue_indirect_dma source(%arg6 : memref<128xf32, #tpu.memory_space<vmem>>) target(%dma_start3A_224 : memref<10000xf32, #tpu.memory_space<vmem_shared>>) offsets(%dma_start3A_222 : memref<128xi32, #tpu.memory_space<vmem>>) semaphore(%arg9 : memref<!tpu.dma_semaphore, #tpu.memory_space<semaphore_mem>>) {add = true}
        %dma_start3A_225 = arith.constant 14 : i32
        %dma_start3A_226 = arith.constant 0 : i32
        %dma_start3A_227 = tpu.memref_slice %arg5[%rem3A_109, %dma_start3A_225, %dma_start3A_226] : memref<2x25x128xi32, #tpu.memory_space<vmem>> -> memref<1x1x128xi32, #tpu.memory_space<vmem>>
        %dma_start3A_228 = tpu.memref_squeeze %dma_start3A_227 : memref<1x1x128xi32, #tpu.memory_space<vmem>> -> memref<128xi32, #tpu.memory_space<vmem>>
        %dma_start3A_229 = arith.constant 0 : i32
        %dma_start3A_230 = tpu.memref_slice %arg8[%dma_start3A_229] : memref<10000xf32, #tpu.memory_space<vmem_shared>> -> memref<10000xf32, #tpu.memory_space<vmem_shared>>
        tpu.enqueue_indirect_dma source(%arg6 : memref<128xf32, #tpu.memory_space<vmem>>) target(%dma_start3A_230 : memref<10000xf32, #tpu.memory_space<vmem_shared>>) offsets(%dma_start3A_228 : memref<128xi32, #tpu.memory_space<vmem>>) semaphore(%arg9 : memref<!tpu.dma_semaphore, #tpu.memory_space<semaphore_mem>>) {add = true}
        %dma_start3A_231 = arith.constant 15 : i32
        %dma_start3A_232 = arith.constant 0 : i32
        %dma_start3A_233 = tpu.memref_slice %arg5[%rem3A_109, %dma_start3A_231, %dma_start3A_232] : memref<2x25x128xi32, #tpu.memory_space<vmem>> -> memref<1x1x128xi32, #tpu.memory_space<vmem>>
        %dma_start3A_234 = tpu.memref_squeeze %dma_start3A_233 : memref<1x1x128xi32, #tpu.memory_space<vmem>> -> memref<128xi32, #tpu.memory_space<vmem>>
        %dma_start3A_235 = arith.constant 0 : i32
        %dma_start3A_236 = tpu.memref_slice %arg8[%dma_start3A_235] : memref<10000xf32, #tpu.memory_space<vmem_shared>> -> memref<10000xf32, #tpu.memory_space<vmem_shared>>
        tpu.enqueue_indirect_dma source(%arg6 : memref<128xf32, #tpu.memory_space<vmem>>) target(%dma_start3A_236 : memref<10000xf32, #tpu.memory_space<vmem_shared>>) offsets(%dma_start3A_234 : memref<128xi32, #tpu.memory_space<vmem>>) semaphore(%arg9 : memref<!tpu.dma_semaphore, #tpu.memory_space<semaphore_mem>>) {add = true}
        %dma_start3A_237 = arith.constant 16 : i32
        %dma_start3A_238 = arith.constant 0 : i32
        %dma_start3A_239 = tpu.memref_slice %arg5[%rem3A_109, %dma_start3A_237, %dma_start3A_238] : memref<2x25x128xi32, #tpu.memory_space<vmem>> -> memref<1x1x128xi32, #tpu.memory_space<vmem>>
        %dma_start3A_240 = tpu.memref_squeeze %dma_start3A_239 : memref<1x1x128xi32, #tpu.memory_space<vmem>> -> memref<128xi32, #tpu.memory_space<vmem>>
        %dma_start3A_241 = arith.constant 0 : i32
        %dma_start3A_242 = tpu.memref_slice %arg8[%dma_start3A_241] : memref<10000xf32, #tpu.memory_space<vmem_shared>> -> memref<10000xf32, #tpu.memory_space<vmem_shared>>
        tpu.enqueue_indirect_dma source(%arg6 : memref<128xf32, #tpu.memory_space<vmem>>) target(%dma_start3A_242 : memref<10000xf32, #tpu.memory_space<vmem_shared>>) offsets(%dma_start3A_240 : memref<128xi32, #tpu.memory_space<vmem>>) semaphore(%arg9 : memref<!tpu.dma_semaphore, #tpu.memory_space<semaphore_mem>>) {add = true}
        %dma_start3A_243 = arith.constant 17 : i32
        %dma_start3A_244 = arith.constant 0 : i32
        %dma_start3A_245 = tpu.memref_slice %arg5[%rem3A_109, %dma_start3A_243, %dma_start3A_244] : memref<2x25x128xi32, #tpu.memory_space<vmem>> -> memref<1x1x128xi32, #tpu.memory_space<vmem>>
        %dma_start3A_246 = tpu.memref_squeeze %dma_start3A_245 : memref<1x1x128xi32, #tpu.memory_space<vmem>> -> memref<128xi32, #tpu.memory_space<vmem>>
        %dma_start3A_247 = arith.constant 0 : i32
        %dma_start3A_248 = tpu.memref_slice %arg8[%dma_start3A_247] : memref<10000xf32, #tpu.memory_space<vmem_shared>> -> memref<10000xf32, #tpu.memory_space<vmem_shared>>
        tpu.enqueue_indirect_dma source(%arg6 : memref<128xf32, #tpu.memory_space<vmem>>) target(%dma_start3A_248 : memref<10000xf32, #tpu.memory_space<vmem_shared>>) offsets(%dma_start3A_246 : memref<128xi32, #tpu.memory_space<vmem>>) semaphore(%arg9 : memref<!tpu.dma_semaphore, #tpu.memory_space<semaphore_mem>>) {add = true}
        %dma_start3A_249 = arith.constant 18 : i32
        %dma_start3A_250 = arith.constant 0 : i32
        %dma_start3A_251 = tpu.memref_slice %arg5[%rem3A_109, %dma_start3A_249, %dma_start3A_250] : memref<2x25x128xi32, #tpu.memory_space<vmem>> -> memref<1x1x128xi32, #tpu.memory_space<vmem>>
        %dma_start3A_252 = tpu.memref_squeeze %dma_start3A_251 : memref<1x1x128xi32, #tpu.memory_space<vmem>> -> memref<128xi32, #tpu.memory_space<vmem>>
        %dma_start3A_253 = arith.constant 0 : i32
        %dma_start3A_254 = tpu.memref_slice %arg8[%dma_start3A_253] : memref<10000xf32, #tpu.memory_space<vmem_shared>> -> memref<10000xf32, #tpu.memory_space<vmem_shared>>
        tpu.enqueue_indirect_dma source(%arg6 : memref<128xf32, #tpu.memory_space<vmem>>) target(%dma_start3A_254 : memref<10000xf32, #tpu.memory_space<vmem_shared>>) offsets(%dma_start3A_252 : memref<128xi32, #tpu.memory_space<vmem>>) semaphore(%arg9 : memref<!tpu.dma_semaphore, #tpu.memory_space<semaphore_mem>>) {add = true}
        %dma_start3A_255 = arith.constant 19 : i32
        %dma_start3A_256 = arith.constant 0 : i32
        %dma_start3A_257 = tpu.memref_slice %arg5[%rem3A_109, %dma_start3A_255, %dma_start3A_256] : memref<2x25x128xi32, #tpu.memory_space<vmem>> -> memref<1x1x128xi32, #tpu.memory_space<vmem>>
        %dma_start3A_258 = tpu.memref_squeeze %dma_start3A_257 : memref<1x1x128xi32, #tpu.memory_space<vmem>> -> memref<128xi32, #tpu.memory_space<vmem>>
        %dma_start3A_259 = arith.constant 0 : i32
        %dma_start3A_260 = tpu.memref_slice %arg8[%dma_start3A_259] : memref<10000xf32, #tpu.memory_space<vmem_shared>> -> memref<10000xf32, #tpu.memory_space<vmem_shared>>
        tpu.enqueue_indirect_dma source(%arg6 : memref<128xf32, #tpu.memory_space<vmem>>) target(%dma_start3A_260 : memref<10000xf32, #tpu.memory_space<vmem_shared>>) offsets(%dma_start3A_258 : memref<128xi32, #tpu.memory_space<vmem>>) semaphore(%arg9 : memref<!tpu.dma_semaphore, #tpu.memory_space<semaphore_mem>>) {add = true}
        %dma_start3A_261 = arith.constant 20 : i32
        %dma_start3A_262 = arith.constant 0 : i32
        %dma_start3A_263 = tpu.memref_slice %arg5[%rem3A_109, %dma_start3A_261, %dma_start3A_262] : memref<2x25x128xi32, #tpu.memory_space<vmem>> -> memref<1x1x128xi32, #tpu.memory_space<vmem>>
        %dma_start3A_264 = tpu.memref_squeeze %dma_start3A_263 : memref<1x1x128xi32, #tpu.memory_space<vmem>> -> memref<128xi32, #tpu.memory_space<vmem>>
        %dma_start3A_265 = arith.constant 0 : i32
        %dma_start3A_266 = tpu.memref_slice %arg8[%dma_start3A_265] : memref<10000xf32, #tpu.memory_space<vmem_shared>> -> memref<10000xf32, #tpu.memory_space<vmem_shared>>
        tpu.enqueue_indirect_dma source(%arg6 : memref<128xf32, #tpu.memory_space<vmem>>) target(%dma_start3A_266 : memref<10000xf32, #tpu.memory_space<vmem_shared>>) offsets(%dma_start3A_264 : memref<128xi32, #tpu.memory_space<vmem>>) semaphore(%arg9 : memref<!tpu.dma_semaphore, #tpu.memory_space<semaphore_mem>>) {add = true}
        %dma_start3A_267 = arith.constant 21 : i32
        %dma_start3A_268 = arith.constant 0 : i32
        %dma_start3A_269 = tpu.memref_slice %arg5[%rem3A_109, %dma_start3A_267, %dma_start3A_268] : memref<2x25x128xi32, #tpu.memory_space<vmem>> -> memref<1x1x128xi32, #tpu.memory_space<vmem>>
        %dma_start3A_270 = tpu.memref_squeeze %dma_start3A_269 : memref<1x1x128xi32, #tpu.memory_space<vmem>> -> memref<128xi32, #tpu.memory_space<vmem>>
        %dma_start3A_271 = arith.constant 0 : i32
        %dma_start3A_272 = tpu.memref_slice %arg8[%dma_start3A_271] : memref<10000xf32, #tpu.memory_space<vmem_shared>> -> memref<10000xf32, #tpu.memory_space<vmem_shared>>
        tpu.enqueue_indirect_dma source(%arg6 : memref<128xf32, #tpu.memory_space<vmem>>) target(%dma_start3A_272 : memref<10000xf32, #tpu.memory_space<vmem_shared>>) offsets(%dma_start3A_270 : memref<128xi32, #tpu.memory_space<vmem>>) semaphore(%arg9 : memref<!tpu.dma_semaphore, #tpu.memory_space<semaphore_mem>>) {add = true}
        %dma_start3A_273 = arith.constant 22 : i32
        %dma_start3A_274 = arith.constant 0 : i32
        %dma_start3A_275 = tpu.memref_slice %arg5[%rem3A_109, %dma_start3A_273, %dma_start3A_274] : memref<2x25x128xi32, #tpu.memory_space<vmem>> -> memref<1x1x128xi32, #tpu.memory_space<vmem>>
        %dma_start3A_276 = tpu.memref_squeeze %dma_start3A_275 : memref<1x1x128xi32, #tpu.memory_space<vmem>> -> memref<128xi32, #tpu.memory_space<vmem>>
        %dma_start3A_277 = arith.constant 0 : i32
        %dma_start3A_278 = tpu.memref_slice %arg8[%dma_start3A_277] : memref<10000xf32, #tpu.memory_space<vmem_shared>> -> memref<10000xf32, #tpu.memory_space<vmem_shared>>
        tpu.enqueue_indirect_dma source(%arg6 : memref<128xf32, #tpu.memory_space<vmem>>) target(%dma_start3A_278 : memref<10000xf32, #tpu.memory_space<vmem_shared>>) offsets(%dma_start3A_276 : memref<128xi32, #tpu.memory_space<vmem>>) semaphore(%arg9 : memref<!tpu.dma_semaphore, #tpu.memory_space<semaphore_mem>>) {add = true}
        %dma_start3A_279 = arith.constant 23 : i32
        %dma_start3A_280 = arith.constant 0 : i32
        %dma_start3A_281 = tpu.memref_slice %arg5[%rem3A_109, %dma_start3A_279, %dma_start3A_280] : memref<2x25x128xi32, #tpu.memory_space<vmem>> -> memref<1x1x128xi32, #tpu.memory_space<vmem>>
        %dma_start3A_282 = tpu.memref_squeeze %dma_start3A_281 : memref<1x1x128xi32, #tpu.memory_space<vmem>> -> memref<128xi32, #tpu.memory_space<vmem>>
        %dma_start3A_283 = arith.constant 0 : i32
        %dma_start3A_284 = tpu.memref_slice %arg8[%dma_start3A_283] : memref<10000xf32, #tpu.memory_space<vmem_shared>> -> memref<10000xf32, #tpu.memory_space<vmem_shared>>
        tpu.enqueue_indirect_dma source(%arg6 : memref<128xf32, #tpu.memory_space<vmem>>) target(%dma_start3A_284 : memref<10000xf32, #tpu.memory_space<vmem_shared>>) offsets(%dma_start3A_282 : memref<128xi32, #tpu.memory_space<vmem>>) semaphore(%arg9 : memref<!tpu.dma_semaphore, #tpu.memory_space<semaphore_mem>>) {add = true}
        %dma_start3A_285 = arith.constant 24 : i32
        %dma_start3A_286 = arith.constant 0 : i32
        %dma_start3A_287 = tpu.memref_slice %arg5[%rem3A_109, %dma_start3A_285, %dma_start3A_286] : memref<2x25x128xi32, #tpu.memory_space<vmem>> -> memref<1x1x128xi32, #tpu.memory_space<vmem>>
        %dma_start3A_288 = tpu.memref_squeeze %dma_start3A_287 : memref<1x1x128xi32, #tpu.memory_space<vmem>> -> memref<128xi32, #tpu.memory_space<vmem>>
        %dma_start3A_289 = arith.constant 0 : i32
        %dma_start3A_290 = tpu.memref_slice %arg8[%dma_start3A_289] : memref<10000xf32, #tpu.memory_space<vmem_shared>> -> memref<10000xf32, #tpu.memory_space<vmem_shared>>
        tpu.enqueue_indirect_dma source(%arg6 : memref<128xf32, #tpu.memory_space<vmem>>) target(%dma_start3A_290 : memref<10000xf32, #tpu.memory_space<vmem_shared>>) offsets(%dma_start3A_288 : memref<128xi32, #tpu.memory_space<vmem>>) semaphore(%arg9 : memref<!tpu.dma_semaphore, #tpu.memory_space<semaphore_mem>>) {add = true}
        %dma_wait3A_291 = arith.constant 0 : i32
        %dma_wait3A_292 = arith.constant 0 : i32
        %dma_wait3A_293 = tpu.memref_slice %arg5[%rem3A_109, %dma_wait3A_291, %dma_wait3A_292] : memref<2x25x128xi32, #tpu.memory_space<vmem>> -> memref<1x1x128xi32, #tpu.memory_space<vmem>>
        %dma_wait3A_294 = tpu.memref_squeeze %dma_wait3A_293 : memref<1x1x128xi32, #tpu.memory_space<vmem>> -> memref<128xi32, #tpu.memory_space<vmem>>
        %dma_wait3A_295 = arith.constant 0 : i32
        %dma_wait3A_296 = tpu.memref_slice %arg8[%dma_wait3A_295] : memref<10000xf32, #tpu.memory_space<vmem_shared>> -> memref<10000xf32, #tpu.memory_space<vmem_shared>>
        tpu.wait_indirect_dma semaphore(%arg9 : memref<!tpu.dma_semaphore, #tpu.memory_space<semaphore_mem>>) src(%arg6 : memref<128xf32, #tpu.memory_space<vmem>>) dst(%dma_wait3A_296 : memref<10000xf32, #tpu.memory_space<vmem_shared>>)
        %dma_wait3A_297 = arith.constant 1 : i32
        %dma_wait3A_298 = arith.constant 0 : i32
        %dma_wait3A_299 = tpu.memref_slice %arg5[%rem3A_109, %dma_wait3A_297, %dma_wait3A_298] : memref<2x25x128xi32, #tpu.memory_space<vmem>> -> memref<1x1x128xi32, #tpu.memory_space<vmem>>
        %dma_wait3A_300 = tpu.memref_squeeze %dma_wait3A_299 : memref<1x1x128xi32, #tpu.memory_space<vmem>> -> memref<128xi32, #tpu.memory_space<vmem>>
        %dma_wait3A_301 = arith.constant 0 : i32
        %dma_wait3A_302 = tpu.memref_slice %arg8[%dma_wait3A_301] : memref<10000xf32, #tpu.memory_space<vmem_shared>> -> memref<10000xf32, #tpu.memory_space<vmem_shared>>
        tpu.wait_indirect_dma semaphore(%arg9 : memref<!tpu.dma_semaphore, #tpu.memory_space<semaphore_mem>>) src(%arg6 : memref<128xf32, #tpu.memory_space<vmem>>) dst(%dma_wait3A_302 : memref<10000xf32, #tpu.memory_space<vmem_shared>>)
        %dma_wait3A_303 = arith.constant 2 : i32
        %dma_wait3A_304 = arith.constant 0 : i32
        %dma_wait3A_305 = tpu.memref_slice %arg5[%rem3A_109, %dma_wait3A_303, %dma_wait3A_304] : memref<2x25x128xi32, #tpu.memory_space<vmem>> -> memref<1x1x128xi32, #tpu.memory_space<vmem>>
        %dma_wait3A_306 = tpu.memref_squeeze %dma_wait3A_305 : memref<1x1x128xi32, #tpu.memory_space<vmem>> -> memref<128xi32, #tpu.memory_space<vmem>>
        %dma_wait3A_307 = arith.constant 0 : i32
        %dma_wait3A_308 = tpu.memref_slice %arg8[%dma_wait3A_307] : memref<10000xf32, #tpu.memory_space<vmem_shared>> -> memref<10000xf32, #tpu.memory_space<vmem_shared>>
        tpu.wait_indirect_dma semaphore(%arg9 : memref<!tpu.dma_semaphore, #tpu.memory_space<semaphore_mem>>) src(%arg6 : memref<128xf32, #tpu.memory_space<vmem>>) dst(%dma_wait3A_308 : memref<10000xf32, #tpu.memory_space<vmem_shared>>)
        %dma_wait3A_309 = arith.constant 3 : i32
        %dma_wait3A_310 = arith.constant 0 : i32
        %dma_wait3A_311 = tpu.memref_slice %arg5[%rem3A_109, %dma_wait3A_309, %dma_wait3A_310] : memref<2x25x128xi32, #tpu.memory_space<vmem>> -> memref<1x1x128xi32, #tpu.memory_space<vmem>>
        %dma_wait3A_312 = tpu.memref_squeeze %dma_wait3A_311 : memref<1x1x128xi32, #tpu.memory_space<vmem>> -> memref<128xi32, #tpu.memory_space<vmem>>
        %dma_wait3A_313 = arith.constant 0 : i32
        %dma_wait3A_314 = tpu.memref_slice %arg8[%dma_wait3A_313] : memref<10000xf32, #tpu.memory_space<vmem_shared>> -> memref<10000xf32, #tpu.memory_space<vmem_shared>>
        tpu.wait_indirect_dma semaphore(%arg9 : memref<!tpu.dma_semaphore, #tpu.memory_space<semaphore_mem>>) src(%arg6 : memref<128xf32, #tpu.memory_space<vmem>>) dst(%dma_wait3A_314 : memref<10000xf32, #tpu.memory_space<vmem_shared>>)
        %dma_wait3A_315 = arith.constant 4 : i32
        %dma_wait3A_316 = arith.constant 0 : i32
        %dma_wait3A_317 = tpu.memref_slice %arg5[%rem3A_109, %dma_wait3A_315, %dma_wait3A_316] : memref<2x25x128xi32, #tpu.memory_space<vmem>> -> memref<1x1x128xi32, #tpu.memory_space<vmem>>
        %dma_wait3A_318 = tpu.memref_squeeze %dma_wait3A_317 : memref<1x1x128xi32, #tpu.memory_space<vmem>> -> memref<128xi32, #tpu.memory_space<vmem>>
        %dma_wait3A_319 = arith.constant 0 : i32
        %dma_wait3A_320 = tpu.memref_slice %arg8[%dma_wait3A_319] : memref<10000xf32, #tpu.memory_space<vmem_shared>> -> memref<10000xf32, #tpu.memory_space<vmem_shared>>
        tpu.wait_indirect_dma semaphore(%arg9 : memref<!tpu.dma_semaphore, #tpu.memory_space<semaphore_mem>>) src(%arg6 : memref<128xf32, #tpu.memory_space<vmem>>) dst(%dma_wait3A_320 : memref<10000xf32, #tpu.memory_space<vmem_shared>>)
        %dma_wait3A_321 = arith.constant 5 : i32
        %dma_wait3A_322 = arith.constant 0 : i32
        %dma_wait3A_323 = tpu.memref_slice %arg5[%rem3A_109, %dma_wait3A_321, %dma_wait3A_322] : memref<2x25x128xi32, #tpu.memory_space<vmem>> -> memref<1x1x128xi32, #tpu.memory_space<vmem>>
        %dma_wait3A_324 = tpu.memref_squeeze %dma_wait3A_323 : memref<1x1x128xi32, #tpu.memory_space<vmem>> -> memref<128xi32, #tpu.memory_space<vmem>>
        %dma_wait3A_325 = arith.constant 0 : i32
        %dma_wait3A_326 = tpu.memref_slice %arg8[%dma_wait3A_325] : memref<10000xf32, #tpu.memory_space<vmem_shared>> -> memref<10000xf32, #tpu.memory_space<vmem_shared>>
        tpu.wait_indirect_dma semaphore(%arg9 : memref<!tpu.dma_semaphore, #tpu.memory_space<semaphore_mem>>) src(%arg6 : memref<128xf32, #tpu.memory_space<vmem>>) dst(%dma_wait3A_326 : memref<10000xf32, #tpu.memory_space<vmem_shared>>)
        %dma_wait3A_327 = arith.constant 6 : i32
        %dma_wait3A_328 = arith.constant 0 : i32
        %dma_wait3A_329 = tpu.memref_slice %arg5[%rem3A_109, %dma_wait3A_327, %dma_wait3A_328] : memref<2x25x128xi32, #tpu.memory_space<vmem>> -> memref<1x1x128xi32, #tpu.memory_space<vmem>>
        %dma_wait3A_330 = tpu.memref_squeeze %dma_wait3A_329 : memref<1x1x128xi32, #tpu.memory_space<vmem>> -> memref<128xi32, #tpu.memory_space<vmem>>
        %dma_wait3A_331 = arith.constant 0 : i32
        %dma_wait3A_332 = tpu.memref_slice %arg8[%dma_wait3A_331] : memref<10000xf32, #tpu.memory_space<vmem_shared>> -> memref<10000xf32, #tpu.memory_space<vmem_shared>>
        tpu.wait_indirect_dma semaphore(%arg9 : memref<!tpu.dma_semaphore, #tpu.memory_space<semaphore_mem>>) src(%arg6 : memref<128xf32, #tpu.memory_space<vmem>>) dst(%dma_wait3A_332 : memref<10000xf32, #tpu.memory_space<vmem_shared>>)
        %dma_wait3A_333 = arith.constant 7 : i32
        %dma_wait3A_334 = arith.constant 0 : i32
        %dma_wait3A_335 = tpu.memref_slice %arg5[%rem3A_109, %dma_wait3A_333, %dma_wait3A_334] : memref<2x25x128xi32, #tpu.memory_space<vmem>> -> memref<1x1x128xi32, #tpu.memory_space<vmem>>
        %dma_wait3A_336 = tpu.memref_squeeze %dma_wait3A_335 : memref<1x1x128xi32, #tpu.memory_space<vmem>> -> memref<128xi32, #tpu.memory_space<vmem>>
        %dma_wait3A_337 = arith.constant 0 : i32
        %dma_wait3A_338 = tpu.memref_slice %arg8[%dma_wait3A_337] : memref<10000xf32, #tpu.memory_space<vmem_shared>> -> memref<10000xf32, #tpu.memory_space<vmem_shared>>
        tpu.wait_indirect_dma semaphore(%arg9 : memref<!tpu.dma_semaphore, #tpu.memory_space<semaphore_mem>>) src(%arg6 : memref<128xf32, #tpu.memory_space<vmem>>) dst(%dma_wait3A_338 : memref<10000xf32, #tpu.memory_space<vmem_shared>>)
        %dma_wait3A_339 = arith.constant 8 : i32
        %dma_wait3A_340 = arith.constant 0 : i32
        %dma_wait3A_341 = tpu.memref_slice %arg5[%rem3A_109, %dma_wait3A_339, %dma_wait3A_340] : memref<2x25x128xi32, #tpu.memory_space<vmem>> -> memref<1x1x128xi32, #tpu.memory_space<vmem>>
        %dma_wait3A_342 = tpu.memref_squeeze %dma_wait3A_341 : memref<1x1x128xi32, #tpu.memory_space<vmem>> -> memref<128xi32, #tpu.memory_space<vmem>>
        %dma_wait3A_343 = arith.constant 0 : i32
        %dma_wait3A_344 = tpu.memref_slice %arg8[%dma_wait3A_343] : memref<10000xf32, #tpu.memory_space<vmem_shared>> -> memref<10000xf32, #tpu.memory_space<vmem_shared>>
        tpu.wait_indirect_dma semaphore(%arg9 : memref<!tpu.dma_semaphore, #tpu.memory_space<semaphore_mem>>) src(%arg6 : memref<128xf32, #tpu.memory_space<vmem>>) dst(%dma_wait3A_344 : memref<10000xf32, #tpu.memory_space<vmem_shared>>)
        %dma_wait3A_345 = arith.constant 9 : i32
        %dma_wait3A_346 = arith.constant 0 : i32
        %dma_wait3A_347 = tpu.memref_slice %arg5[%rem3A_109, %dma_wait3A_345, %dma_wait3A_346] : memref<2x25x128xi32, #tpu.memory_space<vmem>> -> memref<1x1x128xi32, #tpu.memory_space<vmem>>
        %dma_wait3A_348 = tpu.memref_squeeze %dma_wait3A_347 : memref<1x1x128xi32, #tpu.memory_space<vmem>> -> memref<128xi32, #tpu.memory_space<vmem>>
        %dma_wait3A_349 = arith.constant 0 : i32
        %dma_wait3A_350 = tpu.memref_slice %arg8[%dma_wait3A_349] : memref<10000xf32, #tpu.memory_space<vmem_shared>> -> memref<10000xf32, #tpu.memory_space<vmem_shared>>
        tpu.wait_indirect_dma semaphore(%arg9 : memref<!tpu.dma_semaphore, #tpu.memory_space<semaphore_mem>>) src(%arg6 : memref<128xf32, #tpu.memory_space<vmem>>) dst(%dma_wait3A_350 : memref<10000xf32, #tpu.memory_space<vmem_shared>>)
        %dma_wait3A_351 = arith.constant 10 : i32
        %dma_wait3A_352 = arith.constant 0 : i32
        %dma_wait3A_353 = tpu.memref_slice %arg5[%rem3A_109, %dma_wait3A_351, %dma_wait3A_352] : memref<2x25x128xi32, #tpu.memory_space<vmem>> -> memref<1x1x128xi32, #tpu.memory_space<vmem>>
        %dma_wait3A_354 = tpu.memref_squeeze %dma_wait3A_353 : memref<1x1x128xi32, #tpu.memory_space<vmem>> -> memref<128xi32, #tpu.memory_space<vmem>>
        %dma_wait3A_355 = arith.constant 0 : i32
        %dma_wait3A_356 = tpu.memref_slice %arg8[%dma_wait3A_355] : memref<10000xf32, #tpu.memory_space<vmem_shared>> -> memref<10000xf32, #tpu.memory_space<vmem_shared>>
        tpu.wait_indirect_dma semaphore(%arg9 : memref<!tpu.dma_semaphore, #tpu.memory_space<semaphore_mem>>) src(%arg6 : memref<128xf32, #tpu.memory_space<vmem>>) dst(%dma_wait3A_356 : memref<10000xf32, #tpu.memory_space<vmem_shared>>)
        %dma_wait3A_357 = arith.constant 11 : i32
        %dma_wait3A_358 = arith.constant 0 : i32
        %dma_wait3A_359 = tpu.memref_slice %arg5[%rem3A_109, %dma_wait3A_357, %dma_wait3A_358] : memref<2x25x128xi32, #tpu.memory_space<vmem>> -> memref<1x1x128xi32, #tpu.memory_space<vmem>>
        %dma_wait3A_360 = tpu.memref_squeeze %dma_wait3A_359 : memref<1x1x128xi32, #tpu.memory_space<vmem>> -> memref<128xi32, #tpu.memory_space<vmem>>
        %dma_wait3A_361 = arith.constant 0 : i32
        %dma_wait3A_362 = tpu.memref_slice %arg8[%dma_wait3A_361] : memref<10000xf32, #tpu.memory_space<vmem_shared>> -> memref<10000xf32, #tpu.memory_space<vmem_shared>>
        tpu.wait_indirect_dma semaphore(%arg9 : memref<!tpu.dma_semaphore, #tpu.memory_space<semaphore_mem>>) src(%arg6 : memref<128xf32, #tpu.memory_space<vmem>>) dst(%dma_wait3A_362 : memref<10000xf32, #tpu.memory_space<vmem_shared>>)
        %dma_wait3A_363 = arith.constant 12 : i32
        %dma_wait3A_364 = arith.constant 0 : i32
        %dma_wait3A_365 = tpu.memref_slice %arg5[%rem3A_109, %dma_wait3A_363, %dma_wait3A_364] : memref<2x25x128xi32, #tpu.memory_space<vmem>> -> memref<1x1x128xi32, #tpu.memory_space<vmem>>
        %dma_wait3A_366 = tpu.memref_squeeze %dma_wait3A_365 : memref<1x1x128xi32, #tpu.memory_space<vmem>> -> memref<128xi32, #tpu.memory_space<vmem>>
        %dma_wait3A_367 = arith.constant 0 : i32
        %dma_wait3A_368 = tpu.memref_slice %arg8[%dma_wait3A_367] : memref<10000xf32, #tpu.memory_space<vmem_shared>> -> memref<10000xf32, #tpu.memory_space<vmem_shared>>
        tpu.wait_indirect_dma semaphore(%arg9 : memref<!tpu.dma_semaphore, #tpu.memory_space<semaphore_mem>>) src(%arg6 : memref<128xf32, #tpu.memory_space<vmem>>) dst(%dma_wait3A_368 : memref<10000xf32, #tpu.memory_space<vmem_shared>>)
        %dma_wait3A_369 = arith.constant 13 : i32
        %dma_wait3A_370 = arith.constant 0 : i32
        %dma_wait3A_371 = tpu.memref_slice %arg5[%rem3A_109, %dma_wait3A_369, %dma_wait3A_370] : memref<2x25x128xi32, #tpu.memory_space<vmem>> -> memref<1x1x128xi32, #tpu.memory_space<vmem>>
        %dma_wait3A_372 = tpu.memref_squeeze %dma_wait3A_371 : memref<1x1x128xi32, #tpu.memory_space<vmem>> -> memref<128xi32, #tpu.memory_space<vmem>>
        %dma_wait3A_373 = arith.constant 0 : i32
        %dma_wait3A_374 = tpu.memref_slice %arg8[%dma_wait3A_373] : memref<10000xf32, #tpu.memory_space<vmem_shared>> -> memref<10000xf32, #tpu.memory_space<vmem_shared>>
        tpu.wait_indirect_dma semaphore(%arg9 : memref<!tpu.dma_semaphore, #tpu.memory_space<semaphore_mem>>) src(%arg6 : memref<128xf32, #tpu.memory_space<vmem>>) dst(%dma_wait3A_374 : memref<10000xf32, #tpu.memory_space<vmem_shared>>)
        %dma_wait3A_375 = arith.constant 14 : i32
        %dma_wait3A_376 = arith.constant 0 : i32
        %dma_wait3A_377 = tpu.memref_slice %arg5[%rem3A_109, %dma_wait3A_375, %dma_wait3A_376] : memref<2x25x128xi32, #tpu.memory_space<vmem>> -> memref<1x1x128xi32, #tpu.memory_space<vmem>>
        %dma_wait3A_378 = tpu.memref_squeeze %dma_wait3A_377 : memref<1x1x128xi32, #tpu.memory_space<vmem>> -> memref<128xi32, #tpu.memory_space<vmem>>
        %dma_wait3A_379 = arith.constant 0 : i32
        %dma_wait3A_380 = tpu.memref_slice %arg8[%dma_wait3A_379] : memref<10000xf32, #tpu.memory_space<vmem_shared>> -> memref<10000xf32, #tpu.memory_space<vmem_shared>>
        tpu.wait_indirect_dma semaphore(%arg9 : memref<!tpu.dma_semaphore, #tpu.memory_space<semaphore_mem>>) src(%arg6 : memref<128xf32, #tpu.memory_space<vmem>>) dst(%dma_wait3A_380 : memref<10000xf32, #tpu.memory_space<vmem_shared>>)
        %dma_wait3A_381 = arith.constant 15 : i32
        %dma_wait3A_382 = arith.constant 0 : i32
        %dma_wait3A_383 = tpu.memref_slice %arg5[%rem3A_109, %dma_wait3A_381, %dma_wait3A_382] : memref<2x25x128xi32, #tpu.memory_space<vmem>> -> memref<1x1x128xi32, #tpu.memory_space<vmem>>
        %dma_wait3A_384 = tpu.memref_squeeze %dma_wait3A_383 : memref<1x1x128xi32, #tpu.memory_space<vmem>> -> memref<128xi32, #tpu.memory_space<vmem>>
        %dma_wait3A_385 = arith.constant 0 : i32
        %dma_wait3A_386 = tpu.memref_slice %arg8[%dma_wait3A_385] : memref<10000xf32, #tpu.memory_space<vmem_shared>> -> memref<10000xf32, #tpu.memory_space<vmem_shared>>
        tpu.wait_indirect_dma semaphore(%arg9 : memref<!tpu.dma_semaphore, #tpu.memory_space<semaphore_mem>>) src(%arg6 : memref<128xf32, #tpu.memory_space<vmem>>) dst(%dma_wait3A_386 : memref<10000xf32, #tpu.memory_space<vmem_shared>>)
        %dma_wait3A_387 = arith.constant 16 : i32
        %dma_wait3A_388 = arith.constant 0 : i32
        %dma_wait3A_389 = tpu.memref_slice %arg5[%rem3A_109, %dma_wait3A_387, %dma_wait3A_388] : memref<2x25x128xi32, #tpu.memory_space<vmem>> -> memref<1x1x128xi32, #tpu.memory_space<vmem>>
        %dma_wait3A_390 = tpu.memref_squeeze %dma_wait3A_389 : memref<1x1x128xi32, #tpu.memory_space<vmem>> -> memref<128xi32, #tpu.memory_space<vmem>>
        %dma_wait3A_391 = arith.constant 0 : i32
        %dma_wait3A_392 = tpu.memref_slice %arg8[%dma_wait3A_391] : memref<10000xf32, #tpu.memory_space<vmem_shared>> -> memref<10000xf32, #tpu.memory_space<vmem_shared>>
        tpu.wait_indirect_dma semaphore(%arg9 : memref<!tpu.dma_semaphore, #tpu.memory_space<semaphore_mem>>) src(%arg6 : memref<128xf32, #tpu.memory_space<vmem>>) dst(%dma_wait3A_392 : memref<10000xf32, #tpu.memory_space<vmem_shared>>)
        %dma_wait3A_393 = arith.constant 17 : i32
        %dma_wait3A_394 = arith.constant 0 : i32
        %dma_wait3A_395 = tpu.memref_slice %arg5[%rem3A_109, %dma_wait3A_393, %dma_wait3A_394] : memref<2x25x128xi32, #tpu.memory_space<vmem>> -> memref<1x1x128xi32, #tpu.memory_space<vmem>>
        %dma_wait3A_396 = tpu.memref_squeeze %dma_wait3A_395 : memref<1x1x128xi32, #tpu.memory_space<vmem>> -> memref<128xi32, #tpu.memory_space<vmem>>
        %dma_wait3A_397 = arith.constant 0 : i32
        %dma_wait3A_398 = tpu.memref_slice %arg8[%dma_wait3A_397] : memref<10000xf32, #tpu.memory_space<vmem_shared>> -> memref<10000xf32, #tpu.memory_space<vmem_shared>>
        tpu.wait_indirect_dma semaphore(%arg9 : memref<!tpu.dma_semaphore, #tpu.memory_space<semaphore_mem>>) src(%arg6 : memref<128xf32, #tpu.memory_space<vmem>>) dst(%dma_wait3A_398 : memref<10000xf32, #tpu.memory_space<vmem_shared>>)
        %dma_wait3A_399 = arith.constant 18 : i32
        %dma_wait3A_400 = arith.constant 0 : i32
        %dma_wait3A_401 = tpu.memref_slice %arg5[%rem3A_109, %dma_wait3A_399, %dma_wait3A_400] : memref<2x25x128xi32, #tpu.memory_space<vmem>> -> memref<1x1x128xi32, #tpu.memory_space<vmem>>
        %dma_wait3A_402 = tpu.memref_squeeze %dma_wait3A_401 : memref<1x1x128xi32, #tpu.memory_space<vmem>> -> memref<128xi32, #tpu.memory_space<vmem>>
        %dma_wait3A_403 = arith.constant 0 : i32
        %dma_wait3A_404 = tpu.memref_slice %arg8[%dma_wait3A_403] : memref<10000xf32, #tpu.memory_space<vmem_shared>> -> memref<10000xf32, #tpu.memory_space<vmem_shared>>
        tpu.wait_indirect_dma semaphore(%arg9 : memref<!tpu.dma_semaphore, #tpu.memory_space<semaphore_mem>>) src(%arg6 : memref<128xf32, #tpu.memory_space<vmem>>) dst(%dma_wait3A_404 : memref<10000xf32, #tpu.memory_space<vmem_shared>>)
        %dma_wait3A_405 = arith.constant 19 : i32
        %dma_wait3A_406 = arith.constant 0 : i32
        %dma_wait3A_407 = tpu.memref_slice %arg5[%rem3A_109, %dma_wait3A_405, %dma_wait3A_406] : memref<2x25x128xi32, #tpu.memory_space<vmem>> -> memref<1x1x128xi32, #tpu.memory_space<vmem>>
        %dma_wait3A_408 = tpu.memref_squeeze %dma_wait3A_407 : memref<1x1x128xi32, #tpu.memory_space<vmem>> -> memref<128xi32, #tpu.memory_space<vmem>>
        %dma_wait3A_409 = arith.constant 0 : i32
        %dma_wait3A_410 = tpu.memref_slice %arg8[%dma_wait3A_409] : memref<10000xf32, #tpu.memory_space<vmem_shared>> -> memref<10000xf32, #tpu.memory_space<vmem_shared>>
        tpu.wait_indirect_dma semaphore(%arg9 : memref<!tpu.dma_semaphore, #tpu.memory_space<semaphore_mem>>) src(%arg6 : memref<128xf32, #tpu.memory_space<vmem>>) dst(%dma_wait3A_410 : memref<10000xf32, #tpu.memory_space<vmem_shared>>)
        %dma_wait3A_411 = arith.constant 20 : i32
        %dma_wait3A_412 = arith.constant 0 : i32
        %dma_wait3A_413 = tpu.memref_slice %arg5[%rem3A_109, %dma_wait3A_411, %dma_wait3A_412] : memref<2x25x128xi32, #tpu.memory_space<vmem>> -> memref<1x1x128xi32, #tpu.memory_space<vmem>>
        %dma_wait3A_414 = tpu.memref_squeeze %dma_wait3A_413 : memref<1x1x128xi32, #tpu.memory_space<vmem>> -> memref<128xi32, #tpu.memory_space<vmem>>
        %dma_wait3A_415 = arith.constant 0 : i32
        %dma_wait3A_416 = tpu.memref_slice %arg8[%dma_wait3A_415] : memref<10000xf32, #tpu.memory_space<vmem_shared>> -> memref<10000xf32, #tpu.memory_space<vmem_shared>>
        tpu.wait_indirect_dma semaphore(%arg9 : memref<!tpu.dma_semaphore, #tpu.memory_space<semaphore_mem>>) src(%arg6 : memref<128xf32, #tpu.memory_space<vmem>>) dst(%dma_wait3A_416 : memref<10000xf32, #tpu.memory_space<vmem_shared>>)
        %dma_wait3A_417 = arith.constant 21 : i32
        %dma_wait3A_418 = arith.constant 0 : i32
        %dma_wait3A_419 = tpu.memref_slice %arg5[%rem3A_109, %dma_wait3A_417, %dma_wait3A_418] : memref<2x25x128xi32, #tpu.memory_space<vmem>> -> memref<1x1x128xi32, #tpu.memory_space<vmem>>
        %dma_wait3A_420 = tpu.memref_squeeze %dma_wait3A_419 : memref<1x1x128xi32, #tpu.memory_space<vmem>> -> memref<128xi32, #tpu.memory_space<vmem>>
        %dma_wait3A_421 = arith.constant 0 : i32
        %dma_wait3A_422 = tpu.memref_slice %arg8[%dma_wait3A_421] : memref<10000xf32, #tpu.memory_space<vmem_shared>> -> memref<10000xf32, #tpu.memory_space<vmem_shared>>
        tpu.wait_indirect_dma semaphore(%arg9 : memref<!tpu.dma_semaphore, #tpu.memory_space<semaphore_mem>>) src(%arg6 : memref<128xf32, #tpu.memory_space<vmem>>) dst(%dma_wait3A_422 : memref<10000xf32, #tpu.memory_space<vmem_shared>>)
        %dma_wait3A_423 = arith.constant 22 : i32
        %dma_wait3A_424 = arith.constant 0 : i32
        %dma_wait3A_425 = tpu.memref_slice %arg5[%rem3A_109, %dma_wait3A_423, %dma_wait3A_424] : memref<2x25x128xi32, #tpu.memory_space<vmem>> -> memref<1x1x128xi32, #tpu.memory_space<vmem>>
        %dma_wait3A_426 = tpu.memref_squeeze %dma_wait3A_425 : memref<1x1x128xi32, #tpu.memory_space<vmem>> -> memref<128xi32, #tpu.memory_space<vmem>>
        %dma_wait3A_427 = arith.constant 0 : i32
        %dma_wait3A_428 = tpu.memref_slice %arg8[%dma_wait3A_427] : memref<10000xf32, #tpu.memory_space<vmem_shared>> -> memref<10000xf32, #tpu.memory_space<vmem_shared>>
        tpu.wait_indirect_dma semaphore(%arg9 : memref<!tpu.dma_semaphore, #tpu.memory_space<semaphore_mem>>) src(%arg6 : memref<128xf32, #tpu.memory_space<vmem>>) dst(%dma_wait3A_428 : memref<10000xf32, #tpu.memory_space<vmem_shared>>)
        %dma_wait3A_429 = arith.constant 23 : i32
        %dma_wait3A_430 = arith.constant 0 : i32
        %dma_wait3A_431 = tpu.memref_slice %arg5[%rem3A_109, %dma_wait3A_429, %dma_wait3A_430] : memref<2x25x128xi32, #tpu.memory_space<vmem>> -> memref<1x1x128xi32, #tpu.memory_space<vmem>>
        %dma_wait3A_432 = tpu.memref_squeeze %dma_wait3A_431 : memref<1x1x128xi32, #tpu.memory_space<vmem>> -> memref<128xi32, #tpu.memory_space<vmem>>
        %dma_wait3A_433 = arith.constant 0 : i32
        %dma_wait3A_434 = tpu.memref_slice %arg8[%dma_wait3A_433] : memref<10000xf32, #tpu.memory_space<vmem_shared>> -> memref<10000xf32, #tpu.memory_space<vmem_shared>>
        tpu.wait_indirect_dma semaphore(%arg9 : memref<!tpu.dma_semaphore, #tpu.memory_space<semaphore_mem>>) src(%arg6 : memref<128xf32, #tpu.memory_space<vmem>>) dst(%dma_wait3A_434 : memref<10000xf32, #tpu.memory_space<vmem_shared>>)
        %dma_wait3A_435 = arith.constant 24 : i32
        %dma_wait3A_436 = arith.constant 0 : i32
        %dma_wait3A_437 = tpu.memref_slice %arg5[%rem3A_109, %dma_wait3A_435, %dma_wait3A_436] : memref<2x25x128xi32, #tpu.memory_space<vmem>> -> memref<1x1x128xi32, #tpu.memory_space<vmem>>
        %dma_wait3A_438 = tpu.memref_squeeze %dma_wait3A_437 : memref<1x1x128xi32, #tpu.memory_space<vmem>> -> memref<128xi32, #tpu.memory_space<vmem>>
        %dma_wait3A_439 = arith.constant 0 : i32
        %dma_wait3A_440 = tpu.memref_slice %arg8[%dma_wait3A_439] : memref<10000xf32, #tpu.memory_space<vmem_shared>> -> memref<10000xf32, #tpu.memory_space<vmem_shared>>
        tpu.wait_indirect_dma semaphore(%arg9 : memref<!tpu.dma_semaphore, #tpu.memory_space<semaphore_mem>>) src(%arg6 : memref<128xf32, #tpu.memory_space<vmem>>) dst(%dma_wait3A_440 : memref<10000xf32, #tpu.memory_space<vmem_shared>>)
      } else {
      }
    }
    %barrier3A_92 = arith.constant 0 : index
    tpu.barrier barrier_id(%barrier3A_92)
    %eq3A_93 = arith.constant 0 : i32
    %eq3A_94 = arith.cmpi eq, %arg1, %eq3A_93 : i32
    %eq3A_95 = arith.constant 0 : i32
    %eq3A_96 = arith.cmpi eq, %arg0, %eq3A_95 : i32
    %and3A = arith.andi %eq3A_94, %eq3A_96 : i1
    %convert_element_type3A_97 = arith.extui %and3A : i1 to i32
    %cond3A_98 = arith.constant 0 : i32
    %cond3A_99 = arith.cmpi ne, %convert_element_type3A_97, %cond3A_98 : i32
    scf.if %cond3A_99 {
      "tpu.region"() ({
        %run_scoped3A = tpu.sem_alloc : memref<!tpu.dma_semaphore, #tpu.memory_space<semaphore_mem>>
        tpu.enqueue_dma source(%arg8 : memref<10000xf32, #tpu.memory_space<vmem_shared>>) target(%arg3 : memref<10000xf32, #tpu.memory_space<hbm>>) target_semaphore(%run_scoped3A : memref<!tpu.dma_semaphore, #tpu.memory_space<semaphore_mem>>)
        tpu.wait_dma2 semaphore(%run_scoped3A : memref<!tpu.dma_semaphore, #tpu.memory_space<semaphore_mem>>) src(%arg8 : memref<10000xf32, #tpu.memory_space<vmem_shared>>) dst(%arg3 : memref<10000xf32, #tpu.memory_space<hbm>>)
        tpu.yield
      }) : () -> ()
    } else {
    }
    %eq3A_100 = arith.constant 0 : i32
    %eq3A_101 = arith.cmpi eq, %arg1, %eq3A_100 : i32
    %eq3A_102 = arith.constant 1 : i32
    %eq3A_103 = arith.cmpi eq, %arg0, %eq3A_102 : i32
    %and3A_104 = arith.andi %eq3A_101, %eq3A_103 : i1
    %convert_element_type3A_105 = arith.extui %and3A_104 : i1 to i32
    %cond3A_106 = arith.constant 0 : i32
    %cond3A_107 = arith.cmpi ne, %convert_element_type3A_105, %cond3A_106 : i32
    scf.if %cond3A_107 {
      "tpu.region"() ({
        %run_scoped3A = tpu.sem_alloc : memref<!tpu.dma_semaphore, #tpu.memory_space<semaphore_mem>>
        tpu.enqueue_dma source(%arg8 : memref<10000xf32, #tpu.memory_space<vmem_shared>>) target(%arg4 : memref<10000xf32, #tpu.memory_space<hbm>>) target_semaphore(%run_scoped3A : memref<!tpu.dma_semaphore, #tpu.memory_space<semaphore_mem>>)
        tpu.wait_dma2 semaphore(%run_scoped3A : memref<!tpu.dma_semaphore, #tpu.memory_space<semaphore_mem>>) src(%arg8 : memref<10000xf32, #tpu.memory_space<vmem_shared>>) dst(%arg4 : memref<10000xf32, #tpu.memory_space<hbm>>)
        tpu.yield
      }) : () -> ()
    } else {
    }
    return
  }
}

#map = affine_map<(d0, d1) -> (0, 0, 0)>
#map1 = affine_map<(d0, d1) -> (0, 0)>
module attributes {stable_mosaic.version = 14 : i64} {
  func.func @k(%arg0: i32, %arg1: i32, %arg2: memref<320x10x100xi32, #tpu.memory_space<hbm>>, %arg3: memref<320x10x100xi32, #tpu.memory_space<hbm>>, %arg4: memref<10000x128xf32, #tpu.memory_space<hbm>>, %arg5: memref<2x10000x128xf32, #tpu.memory_space<hbm>>, %arg6: memref<2x10x100xi32, #tpu.memory_space<vmem>>, %arg7: memref<2x10x100xi32, #tpu.memory_space<vmem>>, %arg8: memref<100x128xf32, #tpu.memory_space<vmem>>, %arg9: memref<100x128xf32, #tpu.memory_space<vmem>>, %arg10: memref<100x128xf32, #tpu.memory_space<vmem>>, %arg11: memref<10000x128xf32, #tpu.memory_space<vmem_shared>>, %arg12: memref<!tpu.dma_semaphore, #tpu.memory_space<semaphore_mem>>, %arg13: memref<!tpu.dma_semaphore, #tpu.memory_space<semaphore_mem>>, %arg14: memref<!tpu.dma_semaphore, #tpu.memory_space<semaphore_mem>>, %arg15: memref<!tpu.dma_semaphore, #tpu.memory_space<semaphore_mem>>, %arg16: memref<!tpu.dma_semaphore, #tpu.memory_space<semaphore_mem>>, %arg17: memref<!tpu.dma_semaphore, #tpu.memory_space<semaphore_mem>>, %arg18: memref<!tpu.dma_semaphore, #tpu.memory_space<semaphore_mem>>, %arg19: memref<!tpu.dma_semaphore, #tpu.memory_space<semaphore_mem>>) attributes {dimension_semantics = [#tpu.dimension_semantics<core_parallel>, #tpu.dimension_semantics<subcore_parallel>], iteration_bounds = array<i64: 2, 16>, scalar_prefetch = 0 : i64, scratch_operands = 14 : i64, tpu.core_type = #tpu.core_type<sc_vector_subcore>, window_params = [{transform_indices = #map}, {transform_indices = #map}, {transform_indices = #map1}, {transform_indices = #map}]} {
    %while3A = arith.constant 0 : i32
    %while3A_0 = arith.constant 100 : i32
    %while3A_1 = arith.subi %while3A_0, %while3A : i32
    %while3A_2 = arith.addi %while3A, %while3A_1 : i32
    %while3A_3 = arith.constant 1 : i32
    %while3A_4 = arith.divsi %while3A_1, %while3A_3 : i32
    %while3A_5 = arith.muli %while3A_4, %while3A_3 : i32
    %while3A_6 = arith.addi %while3A, %while3A_5 : i32
    %while3A_7 = arith.constant 1 : i32
    scf.for %while3A_74 = %while3A to %while3A_6 step %while3A_7  : i32 {
      %broadcast_in_dim3A = arith.constant 0.000000e+00 : f32
      %broadcast_in_dim3A_75 = vector.broadcast %broadcast_in_dim3A : f32 to vector<16xf32>
      %swap3A = arith.index_cast %while3A_74 : i32 to index
      %swap3A_76 = arith.constant 0 : index
      %swap3A_77 = tpu.vector_load %arg8[%swap3A, %swap3A_76] {strides = array<i32>} : memref<100x128xf32, #tpu.memory_space<vmem>>, vector<1x16xf32>,
      %swap3A_78 = vector.shape_cast %swap3A_77 : vector<1x16xf32> to vector<16xf32>
      %swap3A_79 = vector.shape_cast %broadcast_in_dim3A_75 : vector<16xf32> to vector<1x16xf32>
      tpu.vector_store %arg8[%swap3A, %swap3A_76], %swap3A_79 {strides = array<i32>} : memref<100x128xf32, #tpu.memory_space<vmem>>, vector<1x16xf32>,
      %broadcast_in_dim3A_80 = arith.constant 0.000000e+00 : f32
      %broadcast_in_dim3A_81 = vector.broadcast %broadcast_in_dim3A_80 : f32 to vector<16xf32>
      %swap3A_82 = arith.index_cast %while3A_74 : i32 to index
      %swap3A_83 = arith.constant 16 : index
      %swap3A_84 = tpu.vector_load %arg8[%swap3A_82, %swap3A_83] {strides = array<i32>} : memref<100x128xf32, #tpu.memory_space<vmem>>, vector<1x16xf32>,
      %swap3A_85 = vector.shape_cast %swap3A_84 : vector<1x16xf32> to vector<16xf32>
      %swap3A_86 = vector.shape_cast %broadcast_in_dim3A_81 : vector<16xf32> to vector<1x16xf32>
      tpu.vector_store %arg8[%swap3A_82, %swap3A_83], %swap3A_86 {strides = array<i32>} : memref<100x128xf32, #tpu.memory_space<vmem>>, vector<1x16xf32>,
      %broadcast_in_dim3A_87 = arith.constant 0.000000e+00 : f32
      %broadcast_in_dim3A_88 = vector.broadcast %broadcast_in_dim3A_87 : f32 to vector<16xf32>
      %swap3A_89 = arith.index_cast %while3A_74 : i32 to index
      %swap3A_90 = arith.constant 32 : index
      %swap3A_91 = tpu.vector_load %arg8[%swap3A_89, %swap3A_90] {strides = array<i32>} : memref<100x128xf32, #tpu.memory_space<vmem>>, vector<1x16xf32>,
      %swap3A_92 = vector.shape_cast %swap3A_91 : vector<1x16xf32> to vector<16xf32>
      %swap3A_93 = vector.shape_cast %broadcast_in_dim3A_88 : vector<16xf32> to vector<1x16xf32>
      tpu.vector_store %arg8[%swap3A_89, %swap3A_90], %swap3A_93 {strides = array<i32>} : memref<100x128xf32, #tpu.memory_space<vmem>>, vector<1x16xf32>,
      %broadcast_in_dim3A_94 = arith.constant 0.000000e+00 : f32
      %broadcast_in_dim3A_95 = vector.broadcast %broadcast_in_dim3A_94 : f32 to vector<16xf32>
      %swap3A_96 = arith.index_cast %while3A_74 : i32 to index
      %swap3A_97 = arith.constant 48 : index
      %swap3A_98 = tpu.vector_load %arg8[%swap3A_96, %swap3A_97] {strides = array<i32>} : memref<100x128xf32, #tpu.memory_space<vmem>>, vector<1x16xf32>,
      %swap3A_99 = vector.shape_cast %swap3A_98 : vector<1x16xf32> to vector<16xf32>
      %swap3A_100 = vector.shape_cast %broadcast_in_dim3A_95 : vector<16xf32> to vector<1x16xf32>
      tpu.vector_store %arg8[%swap3A_96, %swap3A_97], %swap3A_100 {strides = array<i32>} : memref<100x128xf32, #tpu.memory_space<vmem>>, vector<1x16xf32>,
      %broadcast_in_dim3A_101 = arith.constant 0.000000e+00 : f32
      %broadcast_in_dim3A_102 = vector.broadcast %broadcast_in_dim3A_101 : f32 to vector<16xf32>
      %swap3A_103 = arith.index_cast %while3A_74 : i32 to index
      %swap3A_104 = arith.constant 64 : index
      %swap3A_105 = tpu.vector_load %arg8[%swap3A_103, %swap3A_104] {strides = array<i32>} : memref<100x128xf32, #tpu.memory_space<vmem>>, vector<1x16xf32>,
      %swap3A_106 = vector.shape_cast %swap3A_105 : vector<1x16xf32> to vector<16xf32>
      %swap3A_107 = vector.shape_cast %broadcast_in_dim3A_102 : vector<16xf32> to vector<1x16xf32>
      tpu.vector_store %arg8[%swap3A_103, %swap3A_104], %swap3A_107 {strides = array<i32>} : memref<100x128xf32, #tpu.memory_space<vmem>>, vector<1x16xf32>,
      %broadcast_in_dim3A_108 = arith.constant 0.000000e+00 : f32
      %broadcast_in_dim3A_109 = vector.broadcast %broadcast_in_dim3A_108 : f32 to vector<16xf32>
      %swap3A_110 = arith.index_cast %while3A_74 : i32 to index
      %swap3A_111 = arith.constant 80 : index
      %swap3A_112 = tpu.vector_load %arg8[%swap3A_110, %swap3A_111] {strides = array<i32>} : memref<100x128xf32, #tpu.memory_space<vmem>>, vector<1x16xf32>,
      %swap3A_113 = vector.shape_cast %swap3A_112 : vector<1x16xf32> to vector<16xf32>
      %swap3A_114 = vector.shape_cast %broadcast_in_dim3A_109 : vector<16xf32> to vector<1x16xf32>
      tpu.vector_store %arg8[%swap3A_110, %swap3A_111], %swap3A_114 {strides = array<i32>} : memref<100x128xf32, #tpu.memory_space<vmem>>, vector<1x16xf32>,
      %broadcast_in_dim3A_115 = arith.constant 0.000000e+00 : f32
      %broadcast_in_dim3A_116 = vector.broadcast %broadcast_in_dim3A_115 : f32 to vector<16xf32>
      %swap3A_117 = arith.index_cast %while3A_74 : i32 to index
      %swap3A_118 = arith.constant 96 : index
      %swap3A_119 = tpu.vector_load %arg8[%swap3A_117, %swap3A_118] {strides = array<i32>} : memref<100x128xf32, #tpu.memory_space<vmem>>, vector<1x16xf32>,
      %swap3A_120 = vector.shape_cast %swap3A_119 : vector<1x16xf32> to vector<16xf32>
      %swap3A_121 = vector.shape_cast %broadcast_in_dim3A_116 : vector<16xf32> to vector<1x16xf32>
      tpu.vector_store %arg8[%swap3A_117, %swap3A_118], %swap3A_121 {strides = array<i32>} : memref<100x128xf32, #tpu.memory_space<vmem>>, vector<1x16xf32>,
      %broadcast_in_dim3A_122 = arith.constant 0.000000e+00 : f32
      %broadcast_in_dim3A_123 = vector.broadcast %broadcast_in_dim3A_122 : f32 to vector<16xf32>
      %swap3A_124 = arith.index_cast %while3A_74 : i32 to index
      %swap3A_125 = arith.constant 112 : index
      %swap3A_126 = tpu.vector_load %arg8[%swap3A_124, %swap3A_125] {strides = array<i32>} : memref<100x128xf32, #tpu.memory_space<vmem>>, vector<1x16xf32>,
      %swap3A_127 = vector.shape_cast %swap3A_126 : vector<1x16xf32> to vector<16xf32>
      %swap3A_128 = vector.shape_cast %broadcast_in_dim3A_123 : vector<16xf32> to vector<1x16xf32>
      tpu.vector_store %arg8[%swap3A_124, %swap3A_125], %swap3A_128 {strides = array<i32>} : memref<100x128xf32, #tpu.memory_space<vmem>>, vector<1x16xf32>,
    }
    %while3A_8 = arith.constant 1 : i32
    scf.for %while3A_74 = %while3A_6 to %while3A_2 step %while3A_8  : i32 {
      %broadcast_in_dim3A = arith.constant 0.000000e+00 : f32
      %broadcast_in_dim3A_75 = vector.broadcast %broadcast_in_dim3A : f32 to vector<16xf32>
      %swap3A = arith.index_cast %while3A_74 : i32 to index
      %swap3A_76 = arith.constant 0 : index
      %swap3A_77 = tpu.vector_load %arg8[%swap3A, %swap3A_76] {strides = array<i32>} : memref<100x128xf32, #tpu.memory_space<vmem>>, vector<1x16xf32>,
      %swap3A_78 = vector.shape_cast %swap3A_77 : vector<1x16xf32> to vector<16xf32>
      %swap3A_79 = vector.shape_cast %broadcast_in_dim3A_75 : vector<16xf32> to vector<1x16xf32>
      tpu.vector_store %arg8[%swap3A, %swap3A_76], %swap3A_79 {strides = array<i32>} : memref<100x128xf32, #tpu.memory_space<vmem>>, vector<1x16xf32>,
      %broadcast_in_dim3A_80 = arith.constant 0.000000e+00 : f32
      %broadcast_in_dim3A_81 = vector.broadcast %broadcast_in_dim3A_80 : f32 to vector<16xf32>
      %swap3A_82 = arith.index_cast %while3A_74 : i32 to index
      %swap3A_83 = arith.constant 16 : index
      %swap3A_84 = tpu.vector_load %arg8[%swap3A_82, %swap3A_83] {strides = array<i32>} : memref<100x128xf32, #tpu.memory_space<vmem>>, vector<1x16xf32>,
      %swap3A_85 = vector.shape_cast %swap3A_84 : vector<1x16xf32> to vector<16xf32>
      %swap3A_86 = vector.shape_cast %broadcast_in_dim3A_81 : vector<16xf32> to vector<1x16xf32>
      tpu.vector_store %arg8[%swap3A_82, %swap3A_83], %swap3A_86 {strides = array<i32>} : memref<100x128xf32, #tpu.memory_space<vmem>>, vector<1x16xf32>,
      %broadcast_in_dim3A_87 = arith.constant 0.000000e+00 : f32
      %broadcast_in_dim3A_88 = vector.broadcast %broadcast_in_dim3A_87 : f32 to vector<16xf32>
      %swap3A_89 = arith.index_cast %while3A_74 : i32 to index
      %swap3A_90 = arith.constant 32 : index
      %swap3A_91 = tpu.vector_load %arg8[%swap3A_89, %swap3A_90] {strides = array<i32>} : memref<100x128xf32, #tpu.memory_space<vmem>>, vector<1x16xf32>,
      %swap3A_92 = vector.shape_cast %swap3A_91 : vector<1x16xf32> to vector<16xf32>
      %swap3A_93 = vector.shape_cast %broadcast_in_dim3A_88 : vector<16xf32> to vector<1x16xf32>
      tpu.vector_store %arg8[%swap3A_89, %swap3A_90], %swap3A_93 {strides = array<i32>} : memref<100x128xf32, #tpu.memory_space<vmem>>, vector<1x16xf32>,
      %broadcast_in_dim3A_94 = arith.constant 0.000000e+00 : f32
      %broadcast_in_dim3A_95 = vector.broadcast %broadcast_in_dim3A_94 : f32 to vector<16xf32>
      %swap3A_96 = arith.index_cast %while3A_74 : i32 to index
      %swap3A_97 = arith.constant 48 : index
      %swap3A_98 = tpu.vector_load %arg8[%swap3A_96, %swap3A_97] {strides = array<i32>} : memref<100x128xf32, #tpu.memory_space<vmem>>, vector<1x16xf32>,
      %swap3A_99 = vector.shape_cast %swap3A_98 : vector<1x16xf32> to vector<16xf32>
      %swap3A_100 = vector.shape_cast %broadcast_in_dim3A_95 : vector<16xf32> to vector<1x16xf32>
      tpu.vector_store %arg8[%swap3A_96, %swap3A_97], %swap3A_100 {strides = array<i32>} : memref<100x128xf32, #tpu.memory_space<vmem>>, vector<1x16xf32>,
      %broadcast_in_dim3A_101 = arith.constant 0.000000e+00 : f32
      %broadcast_in_dim3A_102 = vector.broadcast %broadcast_in_dim3A_101 : f32 to vector<16xf32>
      %swap3A_103 = arith.index_cast %while3A_74 : i32 to index
      %swap3A_104 = arith.constant 64 : index
      %swap3A_105 = tpu.vector_load %arg8[%swap3A_103, %swap3A_104] {strides = array<i32>} : memref<100x128xf32, #tpu.memory_space<vmem>>, vector<1x16xf32>,
      %swap3A_106 = vector.shape_cast %swap3A_105 : vector<1x16xf32> to vector<16xf32>
      %swap3A_107 = vector.shape_cast %broadcast_in_dim3A_102 : vector<16xf32> to vector<1x16xf32>
      tpu.vector_store %arg8[%swap3A_103, %swap3A_104], %swap3A_107 {strides = array<i32>} : memref<100x128xf32, #tpu.memory_space<vmem>>, vector<1x16xf32>,
      %broadcast_in_dim3A_108 = arith.constant 0.000000e+00 : f32
      %broadcast_in_dim3A_109 = vector.broadcast %broadcast_in_dim3A_108 : f32 to vector<16xf32>
      %swap3A_110 = arith.index_cast %while3A_74 : i32 to index
      %swap3A_111 = arith.constant 80 : index
      %swap3A_112 = tpu.vector_load %arg8[%swap3A_110, %swap3A_111] {strides = array<i32>} : memref<100x128xf32, #tpu.memory_space<vmem>>, vector<1x16xf32>,
      %swap3A_113 = vector.shape_cast %swap3A_112 : vector<1x16xf32> to vector<16xf32>
      %swap3A_114 = vector.shape_cast %broadcast_in_dim3A_109 : vector<16xf32> to vector<1x16xf32>
      tpu.vector_store %arg8[%swap3A_110, %swap3A_111], %swap3A_114 {strides = array<i32>} : memref<100x128xf32, #tpu.memory_space<vmem>>, vector<1x16xf32>,
      %broadcast_in_dim3A_115 = arith.constant 0.000000e+00 : f32
      %broadcast_in_dim3A_116 = vector.broadcast %broadcast_in_dim3A_115 : f32 to vector<16xf32>
      %swap3A_117 = arith.index_cast %while3A_74 : i32 to index
      %swap3A_118 = arith.constant 96 : index
      %swap3A_119 = tpu.vector_load %arg8[%swap3A_117, %swap3A_118] {strides = array<i32>} : memref<100x128xf32, #tpu.memory_space<vmem>>, vector<1x16xf32>,
      %swap3A_120 = vector.shape_cast %swap3A_119 : vector<1x16xf32> to vector<16xf32>
      %swap3A_121 = vector.shape_cast %broadcast_in_dim3A_116 : vector<16xf32> to vector<1x16xf32>
      tpu.vector_store %arg8[%swap3A_117, %swap3A_118], %swap3A_121 {strides = array<i32>} : memref<100x128xf32, #tpu.memory_space<vmem>>, vector<1x16xf32>,
      %broadcast_in_dim3A_122 = arith.constant 0.000000e+00 : f32
      %broadcast_in_dim3A_123 = vector.broadcast %broadcast_in_dim3A_122 : f32 to vector<16xf32>
      %swap3A_124 = arith.index_cast %while3A_74 : i32 to index
      %swap3A_125 = arith.constant 112 : index
      %swap3A_126 = tpu.vector_load %arg8[%swap3A_124, %swap3A_125] {strides = array<i32>} : memref<100x128xf32, #tpu.memory_space<vmem>>, vector<1x16xf32>,
      %swap3A_127 = vector.shape_cast %swap3A_126 : vector<1x16xf32> to vector<16xf32>
      %swap3A_128 = vector.shape_cast %broadcast_in_dim3A_123 : vector<16xf32> to vector<1x16xf32>
      tpu.vector_store %arg8[%swap3A_124, %swap3A_125], %swap3A_128 {strides = array<i32>} : memref<100x128xf32, #tpu.memory_space<vmem>>, vector<1x16xf32>,
    }
    %lt3A = arith.constant 15 : i32
    %lt3A_9 = arith.cmpi slt, %arg1, %lt3A : i32
    %convert_element_type3A = arith.extui %lt3A_9 : i1 to i32
    %cond3A = arith.constant 0 : i32
    %cond3A_10 = arith.cmpi ne, %convert_element_type3A, %cond3A : i32
    scf.if %cond3A_10 {
      %mul3A_74 = arith.constant 624 : i32
      %mul3A_75 = arith.muli %arg1, %mul3A_74 : i32
      %add3A_76 = arith.constant 0 : i32
      %add3A_77 = arith.addi %mul3A_75, %add3A_76 : i32
      "tpu.region"() ({
        %run_scoped3A = tpu.sem_alloc : memref<!tpu.dma_semaphore, #tpu.memory_space<semaphore_mem>>
        %dma_start3A_90 = arith.constant 0 : i32
        %dma_start3A_91 = tpu.memref_slice %arg11[%add3A_77, %dma_start3A_90] : memref<10000x128xf32, #tpu.memory_space<vmem_shared>> -> memref<100x128xf32, #tpu.memory_space<vmem_shared>>
        %dma_start3A_92 = arith.constant 0 : i32
        %dma_start3A_93 = tpu.memref_slice %arg11[%add3A_77, %dma_start3A_92] : memref<10000x128xf32, #tpu.memory_space<vmem_shared>> -> memref<100x128xf32, #tpu.memory_space<vmem_shared>>
        tpu.enqueue_dma source(%arg8 : memref<100x128xf32, #tpu.memory_space<vmem>>) target(%dma_start3A_93 : memref<100x128xf32, #tpu.memory_space<vmem_shared>>) target_semaphore(%run_scoped3A : memref<!tpu.dma_semaphore, #tpu.memory_space<semaphore_mem>>)
        %dma_wait3A = arith.constant 0 : i32
        %dma_wait3A_94 = tpu.memref_slice %arg11[%add3A_77, %dma_wait3A] : memref<10000x128xf32, #tpu.memory_space<vmem_shared>> -> memref<100x128xf32, #tpu.memory_space<vmem_shared>>
        %dma_wait3A_95 = arith.constant 0 : i32
        %dma_wait3A_96 = tpu.memref_slice %arg11[%add3A_77, %dma_wait3A_95] : memref<10000x128xf32, #tpu.memory_space<vmem_shared>> -> memref<100x128xf32, #tpu.memory_space<vmem_shared>>
        tpu.wait_dma2 semaphore(%run_scoped3A : memref<!tpu.dma_semaphore, #tpu.memory_space<semaphore_mem>>) src(%arg8 : memref<100x128xf32, #tpu.memory_space<vmem>>) dst(%dma_wait3A_96 : memref<100x128xf32, #tpu.memory_space<vmem_shared>>)
        tpu.yield
      }) : () -> ()
      %add3A_78 = arith.constant 100 : i32
      %add3A_79 = arith.addi %mul3A_75, %add3A_78 : i32
      "tpu.region"() ({
        %run_scoped3A = tpu.sem_alloc : memref<!tpu.dma_semaphore, #tpu.memory_space<semaphore_mem>>
        %dma_start3A_90 = arith.constant 0 : i32
        %dma_start3A_91 = tpu.memref_slice %arg11[%add3A_79, %dma_start3A_90] : memref<10000x128xf32, #tpu.memory_space<vmem_shared>> -> memref<100x128xf32, #tpu.memory_space<vmem_shared>>
        %dma_start3A_92 = arith.constant 0 : i32
        %dma_start3A_93 = tpu.memref_slice %arg11[%add3A_79, %dma_start3A_92] : memref<10000x128xf32, #tpu.memory_space<vmem_shared>> -> memref<100x128xf32, #tpu.memory_space<vmem_shared>>
        tpu.enqueue_dma source(%arg8 : memref<100x128xf32, #tpu.memory_space<vmem>>) target(%dma_start3A_93 : memref<100x128xf32, #tpu.memory_space<vmem_shared>>) target_semaphore(%run_scoped3A : memref<!tpu.dma_semaphore, #tpu.memory_space<semaphore_mem>>)
        %dma_wait3A = arith.constant 0 : i32
        %dma_wait3A_94 = tpu.memref_slice %arg11[%add3A_79, %dma_wait3A] : memref<10000x128xf32, #tpu.memory_space<vmem_shared>> -> memref<100x128xf32, #tpu.memory_space<vmem_shared>>
        %dma_wait3A_95 = arith.constant 0 : i32
        %dma_wait3A_96 = tpu.memref_slice %arg11[%add3A_79, %dma_wait3A_95] : memref<10000x128xf32, #tpu.memory_space<vmem_shared>> -> memref<100x128xf32, #tpu.memory_space<vmem_shared>>
        tpu.wait_dma2 semaphore(%run_scoped3A : memref<!tpu.dma_semaphore, #tpu.memory_space<semaphore_mem>>) src(%arg8 : memref<100x128xf32, #tpu.memory_space<vmem>>) dst(%dma_wait3A_96 : memref<100x128xf32, #tpu.memory_space<vmem_shared>>)
        tpu.yield
      }) : () -> ()
      %add3A_80 = arith.constant 200 : i32
      %add3A_81 = arith.addi %mul3A_75, %add3A_80 : i32
      "tpu.region"() ({
        %run_scoped3A = tpu.sem_alloc : memref<!tpu.dma_semaphore, #tpu.memory_space<semaphore_mem>>
        %dma_start3A_90 = arith.constant 0 : i32
        %dma_start3A_91 = tpu.memref_slice %arg11[%add3A_81, %dma_start3A_90] : memref<10000x128xf32, #tpu.memory_space<vmem_shared>> -> memref<100x128xf32, #tpu.memory_space<vmem_shared>>
        %dma_start3A_92 = arith.constant 0 : i32
        %dma_start3A_93 = tpu.memref_slice %arg11[%add3A_81, %dma_start3A_92] : memref<10000x128xf32, #tpu.memory_space<vmem_shared>> -> memref<100x128xf32, #tpu.memory_space<vmem_shared>>
        tpu.enqueue_dma source(%arg8 : memref<100x128xf32, #tpu.memory_space<vmem>>) target(%dma_start3A_93 : memref<100x128xf32, #tpu.memory_space<vmem_shared>>) target_semaphore(%run_scoped3A : memref<!tpu.dma_semaphore, #tpu.memory_space<semaphore_mem>>)
        %dma_wait3A = arith.constant 0 : i32
        %dma_wait3A_94 = tpu.memref_slice %arg11[%add3A_81, %dma_wait3A] : memref<10000x128xf32, #tpu.memory_space<vmem_shared>> -> memref<100x128xf32, #tpu.memory_space<vmem_shared>>
        %dma_wait3A_95 = arith.constant 0 : i32
        %dma_wait3A_96 = tpu.memref_slice %arg11[%add3A_81, %dma_wait3A_95] : memref<10000x128xf32, #tpu.memory_space<vmem_shared>> -> memref<100x128xf32, #tpu.memory_space<vmem_shared>>
        tpu.wait_dma2 semaphore(%run_scoped3A : memref<!tpu.dma_semaphore, #tpu.memory_space<semaphore_mem>>) src(%arg8 : memref<100x128xf32, #tpu.memory_space<vmem>>) dst(%dma_wait3A_96 : memref<100x128xf32, #tpu.memory_space<vmem_shared>>)
        tpu.yield
      }) : () -> ()
      %add3A_82 = arith.constant 300 : i32
      %add3A_83 = arith.addi %mul3A_75, %add3A_82 : i32
      "tpu.region"() ({
        %run_scoped3A = tpu.sem_alloc : memref<!tpu.dma_semaphore, #tpu.memory_space<semaphore_mem>>
        %dma_start3A_90 = arith.constant 0 : i32
        %dma_start3A_91 = tpu.memref_slice %arg11[%add3A_83, %dma_start3A_90] : memref<10000x128xf32, #tpu.memory_space<vmem_shared>> -> memref<100x128xf32, #tpu.memory_space<vmem_shared>>
        %dma_start3A_92 = arith.constant 0 : i32
        %dma_start3A_93 = tpu.memref_slice %arg11[%add3A_83, %dma_start3A_92] : memref<10000x128xf32, #tpu.memory_space<vmem_shared>> -> memref<100x128xf32, #tpu.memory_space<vmem_shared>>
        tpu.enqueue_dma source(%arg8 : memref<100x128xf32, #tpu.memory_space<vmem>>) target(%dma_start3A_93 : memref<100x128xf32, #tpu.memory_space<vmem_shared>>) target_semaphore(%run_scoped3A : memref<!tpu.dma_semaphore, #tpu.memory_space<semaphore_mem>>)
        %dma_wait3A = arith.constant 0 : i32
        %dma_wait3A_94 = tpu.memref_slice %arg11[%add3A_83, %dma_wait3A] : memref<10000x128xf32, #tpu.memory_space<vmem_shared>> -> memref<100x128xf32, #tpu.memory_space<vmem_shared>>
        %dma_wait3A_95 = arith.constant 0 : i32
        %dma_wait3A_96 = tpu.memref_slice %arg11[%add3A_83, %dma_wait3A_95] : memref<10000x128xf32, #tpu.memory_space<vmem_shared>> -> memref<100x128xf32, #tpu.memory_space<vmem_shared>>
        tpu.wait_dma2 semaphore(%run_scoped3A : memref<!tpu.dma_semaphore, #tpu.memory_space<semaphore_mem>>) src(%arg8 : memref<100x128xf32, #tpu.memory_space<vmem>>) dst(%dma_wait3A_96 : memref<100x128xf32, #tpu.memory_space<vmem_shared>>)
        tpu.yield
      }) : () -> ()
      %add3A_84 = arith.constant 400 : i32
      %add3A_85 = arith.addi %mul3A_75, %add3A_84 : i32
      "tpu.region"() ({
        %run_scoped3A = tpu.sem_alloc : memref<!tpu.dma_semaphore, #tpu.memory_space<semaphore_mem>>
        %dma_start3A_90 = arith.constant 0 : i32
        %dma_start3A_91 = tpu.memref_slice %arg11[%add3A_85, %dma_start3A_90] : memref<10000x128xf32, #tpu.memory_space<vmem_shared>> -> memref<100x128xf32, #tpu.memory_space<vmem_shared>>
        %dma_start3A_92 = arith.constant 0 : i32
        %dma_start3A_93 = tpu.memref_slice %arg11[%add3A_85, %dma_start3A_92] : memref<10000x128xf32, #tpu.memory_space<vmem_shared>> -> memref<100x128xf32, #tpu.memory_space<vmem_shared>>
        tpu.enqueue_dma source(%arg8 : memref<100x128xf32, #tpu.memory_space<vmem>>) target(%dma_start3A_93 : memref<100x128xf32, #tpu.memory_space<vmem_shared>>) target_semaphore(%run_scoped3A : memref<!tpu.dma_semaphore, #tpu.memory_space<semaphore_mem>>)
        %dma_wait3A = arith.constant 0 : i32
        %dma_wait3A_94 = tpu.memref_slice %arg11[%add3A_85, %dma_wait3A] : memref<10000x128xf32, #tpu.memory_space<vmem_shared>> -> memref<100x128xf32, #tpu.memory_space<vmem_shared>>
        %dma_wait3A_95 = arith.constant 0 : i32
        %dma_wait3A_96 = tpu.memref_slice %arg11[%add3A_85, %dma_wait3A_95] : memref<10000x128xf32, #tpu.memory_space<vmem_shared>> -> memref<100x128xf32, #tpu.memory_space<vmem_shared>>
        tpu.wait_dma2 semaphore(%run_scoped3A : memref<!tpu.dma_semaphore, #tpu.memory_space<semaphore_mem>>) src(%arg8 : memref<100x128xf32, #tpu.memory_space<vmem>>) dst(%dma_wait3A_96 : memref<100x128xf32, #tpu.memory_space<vmem_shared>>)
        tpu.yield
      }) : () -> ()
      %add3A_86 = arith.constant 500 : i32
      %add3A_87 = arith.addi %mul3A_75, %add3A_86 : i32
      "tpu.region"() ({
        %run_scoped3A = tpu.sem_alloc : memref<!tpu.dma_semaphore, #tpu.memory_space<semaphore_mem>>
        %dma_start3A_90 = arith.constant 0 : i32
        %dma_start3A_91 = tpu.memref_slice %arg11[%add3A_87, %dma_start3A_90] : memref<10000x128xf32, #tpu.memory_space<vmem_shared>> -> memref<100x128xf32, #tpu.memory_space<vmem_shared>>
        %dma_start3A_92 = arith.constant 0 : i32
        %dma_start3A_93 = tpu.memref_slice %arg11[%add3A_87, %dma_start3A_92] : memref<10000x128xf32, #tpu.memory_space<vmem_shared>> -> memref<100x128xf32, #tpu.memory_space<vmem_shared>>
        tpu.enqueue_dma source(%arg8 : memref<100x128xf32, #tpu.memory_space<vmem>>) target(%dma_start3A_93 : memref<100x128xf32, #tpu.memory_space<vmem_shared>>) target_semaphore(%run_scoped3A : memref<!tpu.dma_semaphore, #tpu.memory_space<semaphore_mem>>)
        %dma_wait3A = arith.constant 0 : i32
        %dma_wait3A_94 = tpu.memref_slice %arg11[%add3A_87, %dma_wait3A] : memref<10000x128xf32, #tpu.memory_space<vmem_shared>> -> memref<100x128xf32, #tpu.memory_space<vmem_shared>>
        %dma_wait3A_95 = arith.constant 0 : i32
        %dma_wait3A_96 = tpu.memref_slice %arg11[%add3A_87, %dma_wait3A_95] : memref<10000x128xf32, #tpu.memory_space<vmem_shared>> -> memref<100x128xf32, #tpu.memory_space<vmem_shared>>
        tpu.wait_dma2 semaphore(%run_scoped3A : memref<!tpu.dma_semaphore, #tpu.memory_space<semaphore_mem>>) src(%arg8 : memref<100x128xf32, #tpu.memory_space<vmem>>) dst(%dma_wait3A_96 : memref<100x128xf32, #tpu.memory_space<vmem_shared>>)
        tpu.yield
      }) : () -> ()
      %add3A_88 = arith.constant 600 : i32
      %add3A_89 = arith.addi %mul3A_75, %add3A_88 : i32
      "tpu.region"() ({
        %run_scoped3A = tpu.sem_alloc : memref<!tpu.dma_semaphore, #tpu.memory_space<semaphore_mem>>
        %dma_start3A_90 = arith.constant 0 : i32
        %dma_start3A_91 = arith.constant 0 : i32
        %dma_start3A_92 = tpu.memref_slice %arg8[%dma_start3A_90, %dma_start3A_91] : memref<100x128xf32, #tpu.memory_space<vmem>> -> memref<24x128xf32, #tpu.memory_space<vmem>>
        %dma_start3A_93 = arith.constant 0 : i32
        %dma_start3A_94 = tpu.memref_slice %arg11[%add3A_89, %dma_start3A_93] : memref<10000x128xf32, #tpu.memory_space<vmem_shared>> -> memref<24x128xf32, #tpu.memory_space<vmem_shared>>
        %dma_start3A_95 = arith.constant 0 : i32
        %dma_start3A_96 = tpu.memref_slice %arg11[%add3A_89, %dma_start3A_95] : memref<10000x128xf32, #tpu.memory_space<vmem_shared>> -> memref<24x128xf32, #tpu.memory_space<vmem_shared>>
        %dma_start3A_97 = arith.constant 0 : i32
        %dma_start3A_98 = arith.constant 0 : i32
        %dma_start3A_99 = tpu.memref_slice %arg8[%dma_start3A_97, %dma_start3A_98] : memref<100x128xf32, #tpu.memory_space<vmem>> -> memref<24x128xf32, #tpu.memory_space<vmem>>
        tpu.enqueue_dma source(%dma_start3A_99 : memref<24x128xf32, #tpu.memory_space<vmem>>) target(%dma_start3A_96 : memref<24x128xf32, #tpu.memory_space<vmem_shared>>) target_semaphore(%run_scoped3A : memref<!tpu.dma_semaphore, #tpu.memory_space<semaphore_mem>>)
        %dma_wait3A = arith.constant 0 : i32
        %dma_wait3A_100 = arith.constant 0 : i32
        %dma_wait3A_101 = tpu.memref_slice %arg8[%dma_wait3A, %dma_wait3A_100] : memref<100x128xf32, #tpu.memory_space<vmem>> -> memref<24x128xf32, #tpu.memory_space<vmem>>
        %dma_wait3A_102 = arith.constant 0 : i32
        %dma_wait3A_103 = tpu.memref_slice %arg11[%add3A_89, %dma_wait3A_102] : memref<10000x128xf32, #tpu.memory_space<vmem_shared>> -> memref<24x128xf32, #tpu.memory_space<vmem_shared>>
        %dma_wait3A_104 = arith.constant 0 : i32
        %dma_wait3A_105 = tpu.memref_slice %arg11[%add3A_89, %dma_wait3A_104] : memref<10000x128xf32, #tpu.memory_space<vmem_shared>> -> memref<24x128xf32, #tpu.memory_space<vmem_shared>>
        %dma_wait3A_106 = arith.constant 0 : i32
        %dma_wait3A_107 = arith.constant 0 : i32
        %dma_wait3A_108 = tpu.memref_slice %arg8[%dma_wait3A_106, %dma_wait3A_107] : memref<100x128xf32, #tpu.memory_space<vmem>> -> memref<24x128xf32, #tpu.memory_space<vmem>>
        tpu.wait_dma2 semaphore(%run_scoped3A : memref<!tpu.dma_semaphore, #tpu.memory_space<semaphore_mem>>) src(%dma_wait3A_108 : memref<24x128xf32, #tpu.memory_space<vmem>>) dst(%dma_wait3A_105 : memref<24x128xf32, #tpu.memory_space<vmem_shared>>)
        tpu.yield
      }) : () -> ()
    } else {
    }
    %eq3A = arith.constant 15 : i32
    %eq3A_11 = arith.cmpi eq, %arg1, %eq3A : i32
    %convert_element_type3A_12 = arith.extui %eq3A_11 : i1 to i32
    %cond3A_13 = arith.constant 0 : i32
    %cond3A_14 = arith.cmpi ne, %convert_element_type3A_12, %cond3A_13 : i32
    scf.if %cond3A_14 {
      %add3A_74 = arith.constant 9360 : i32
      %add3A_75 = arith.constant 0 : i32
      %add3A_76 = arith.addi %add3A_74, %add3A_75 : i32
      "tpu.region"() ({
        %run_scoped3A = tpu.sem_alloc : memref<!tpu.dma_semaphore, #tpu.memory_space<semaphore_mem>>
        %dma_start3A_95 = arith.constant 0 : i32
        %dma_start3A_96 = tpu.memref_slice %arg11[%add3A_76, %dma_start3A_95] : memref<10000x128xf32, #tpu.memory_space<vmem_shared>> -> memref<100x128xf32, #tpu.memory_space<vmem_shared>>
        %dma_start3A_97 = arith.constant 0 : i32
        %dma_start3A_98 = tpu.memref_slice %arg11[%add3A_76, %dma_start3A_97] : memref<10000x128xf32, #tpu.memory_space<vmem_shared>> -> memref<100x128xf32, #tpu.memory_space<vmem_shared>>
        tpu.enqueue_dma source(%arg8 : memref<100x128xf32, #tpu.memory_space<vmem>>) target(%dma_start3A_98 : memref<100x128xf32, #tpu.memory_space<vmem_shared>>) target_semaphore(%run_scoped3A : memref<!tpu.dma_semaphore, #tpu.memory_space<semaphore_mem>>)
        %dma_wait3A = arith.constant 0 : i32
        %dma_wait3A_99 = tpu.memref_slice %arg11[%add3A_76, %dma_wait3A] : memref<10000x128xf32, #tpu.memory_space<vmem_shared>> -> memref<100x128xf32, #tpu.memory_space<vmem_shared>>
        %dma_wait3A_100 = arith.constant 0 : i32
        %dma_wait3A_101 = tpu.memref_slice %arg11[%add3A_76, %dma_wait3A_100] : memref<10000x128xf32, #tpu.memory_space<vmem_shared>> -> memref<100x128xf32, #tpu.memory_space<vmem_shared>>
        tpu.wait_dma2 semaphore(%run_scoped3A : memref<!tpu.dma_semaphore, #tpu.memory_space<semaphore_mem>>) src(%arg8 : memref<100x128xf32, #tpu.memory_space<vmem>>) dst(%dma_wait3A_101 : memref<100x128xf32, #tpu.memory_space<vmem_shared>>)
        tpu.yield
      }) : () -> ()
      %add3A_77 = arith.constant 9360 : i32
      %add3A_78 = arith.constant 100 : i32
      %add3A_79 = arith.addi %add3A_77, %add3A_78 : i32
      "tpu.region"() ({
        %run_scoped3A = tpu.sem_alloc : memref<!tpu.dma_semaphore, #tpu.memory_space<semaphore_mem>>
        %dma_start3A_95 = arith.constant 0 : i32
        %dma_start3A_96 = tpu.memref_slice %arg11[%add3A_79, %dma_start3A_95] : memref<10000x128xf32, #tpu.memory_space<vmem_shared>> -> memref<100x128xf32, #tpu.memory_space<vmem_shared>>
        %dma_start3A_97 = arith.constant 0 : i32
        %dma_start3A_98 = tpu.memref_slice %arg11[%add3A_79, %dma_start3A_97] : memref<10000x128xf32, #tpu.memory_space<vmem_shared>> -> memref<100x128xf32, #tpu.memory_space<vmem_shared>>
        tpu.enqueue_dma source(%arg8 : memref<100x128xf32, #tpu.memory_space<vmem>>) target(%dma_start3A_98 : memref<100x128xf32, #tpu.memory_space<vmem_shared>>) target_semaphore(%run_scoped3A : memref<!tpu.dma_semaphore, #tpu.memory_space<semaphore_mem>>)
        %dma_wait3A = arith.constant 0 : i32
        %dma_wait3A_99 = tpu.memref_slice %arg11[%add3A_79, %dma_wait3A] : memref<10000x128xf32, #tpu.memory_space<vmem_shared>> -> memref<100x128xf32, #tpu.memory_space<vmem_shared>>
        %dma_wait3A_100 = arith.constant 0 : i32
        %dma_wait3A_101 = tpu.memref_slice %arg11[%add3A_79, %dma_wait3A_100] : memref<10000x128xf32, #tpu.memory_space<vmem_shared>> -> memref<100x128xf32, #tpu.memory_space<vmem_shared>>
        tpu.wait_dma2 semaphore(%run_scoped3A : memref<!tpu.dma_semaphore, #tpu.memory_space<semaphore_mem>>) src(%arg8 : memref<100x128xf32, #tpu.memory_space<vmem>>) dst(%dma_wait3A_101 : memref<100x128xf32, #tpu.memory_space<vmem_shared>>)
        tpu.yield
      }) : () -> ()
      %add3A_80 = arith.constant 9360 : i32
      %add3A_81 = arith.constant 200 : i32
      %add3A_82 = arith.addi %add3A_80, %add3A_81 : i32
      "tpu.region"() ({
        %run_scoped3A = tpu.sem_alloc : memref<!tpu.dma_semaphore, #tpu.memory_space<semaphore_mem>>
        %dma_start3A_95 = arith.constant 0 : i32
        %dma_start3A_96 = tpu.memref_slice %arg11[%add3A_82, %dma_start3A_95] : memref<10000x128xf32, #tpu.memory_space<vmem_shared>> -> memref<100x128xf32, #tpu.memory_space<vmem_shared>>
        %dma_start3A_97 = arith.constant 0 : i32
        %dma_start3A_98 = tpu.memref_slice %arg11[%add3A_82, %dma_start3A_97] : memref<10000x128xf32, #tpu.memory_space<vmem_shared>> -> memref<100x128xf32, #tpu.memory_space<vmem_shared>>
        tpu.enqueue_dma source(%arg8 : memref<100x128xf32, #tpu.memory_space<vmem>>) target(%dma_start3A_98 : memref<100x128xf32, #tpu.memory_space<vmem_shared>>) target_semaphore(%run_scoped3A : memref<!tpu.dma_semaphore, #tpu.memory_space<semaphore_mem>>)
        %dma_wait3A = arith.constant 0 : i32
        %dma_wait3A_99 = tpu.memref_slice %arg11[%add3A_82, %dma_wait3A] : memref<10000x128xf32, #tpu.memory_space<vmem_shared>> -> memref<100x128xf32, #tpu.memory_space<vmem_shared>>
        %dma_wait3A_100 = arith.constant 0 : i32
        %dma_wait3A_101 = tpu.memref_slice %arg11[%add3A_82, %dma_wait3A_100] : memref<10000x128xf32, #tpu.memory_space<vmem_shared>> -> memref<100x128xf32, #tpu.memory_space<vmem_shared>>
        tpu.wait_dma2 semaphore(%run_scoped3A : memref<!tpu.dma_semaphore, #tpu.memory_space<semaphore_mem>>) src(%arg8 : memref<100x128xf32, #tpu.memory_space<vmem>>) dst(%dma_wait3A_101 : memref<100x128xf32, #tpu.memory_space<vmem_shared>>)
        tpu.yield
      }) : () -> ()
      %add3A_83 = arith.constant 9360 : i32
      %add3A_84 = arith.constant 300 : i32
      %add3A_85 = arith.addi %add3A_83, %add3A_84 : i32
      "tpu.region"() ({
        %run_scoped3A = tpu.sem_alloc : memref<!tpu.dma_semaphore, #tpu.memory_space<semaphore_mem>>
        %dma_start3A_95 = arith.constant 0 : i32
        %dma_start3A_96 = tpu.memref_slice %arg11[%add3A_85, %dma_start3A_95] : memref<10000x128xf32, #tpu.memory_space<vmem_shared>> -> memref<100x128xf32, #tpu.memory_space<vmem_shared>>
        %dma_start3A_97 = arith.constant 0 : i32
        %dma_start3A_98 = tpu.memref_slice %arg11[%add3A_85, %dma_start3A_97] : memref<10000x128xf32, #tpu.memory_space<vmem_shared>> -> memref<100x128xf32, #tpu.memory_space<vmem_shared>>
        tpu.enqueue_dma source(%arg8 : memref<100x128xf32, #tpu.memory_space<vmem>>) target(%dma_start3A_98 : memref<100x128xf32, #tpu.memory_space<vmem_shared>>) target_semaphore(%run_scoped3A : memref<!tpu.dma_semaphore, #tpu.memory_space<semaphore_mem>>)
        %dma_wait3A = arith.constant 0 : i32
        %dma_wait3A_99 = tpu.memref_slice %arg11[%add3A_85, %dma_wait3A] : memref<10000x128xf32, #tpu.memory_space<vmem_shared>> -> memref<100x128xf32, #tpu.memory_space<vmem_shared>>
        %dma_wait3A_100 = arith.constant 0 : i32
        %dma_wait3A_101 = tpu.memref_slice %arg11[%add3A_85, %dma_wait3A_100] : memref<10000x128xf32, #tpu.memory_space<vmem_shared>> -> memref<100x128xf32, #tpu.memory_space<vmem_shared>>
        tpu.wait_dma2 semaphore(%run_scoped3A : memref<!tpu.dma_semaphore, #tpu.memory_space<semaphore_mem>>) src(%arg8 : memref<100x128xf32, #tpu.memory_space<vmem>>) dst(%dma_wait3A_101 : memref<100x128xf32, #tpu.memory_space<vmem_shared>>)
        tpu.yield
      }) : () -> ()
      %add3A_86 = arith.constant 9360 : i32
      %add3A_87 = arith.constant 400 : i32
      %add3A_88 = arith.addi %add3A_86, %add3A_87 : i32
      "tpu.region"() ({
        %run_scoped3A = tpu.sem_alloc : memref<!tpu.dma_semaphore, #tpu.memory_space<semaphore_mem>>
        %dma_start3A_95 = arith.constant 0 : i32
        %dma_start3A_96 = tpu.memref_slice %arg11[%add3A_88, %dma_start3A_95] : memref<10000x128xf32, #tpu.memory_space<vmem_shared>> -> memref<100x128xf32, #tpu.memory_space<vmem_shared>>
        %dma_start3A_97 = arith.constant 0 : i32
        %dma_start3A_98 = tpu.memref_slice %arg11[%add3A_88, %dma_start3A_97] : memref<10000x128xf32, #tpu.memory_space<vmem_shared>> -> memref<100x128xf32, #tpu.memory_space<vmem_shared>>
        tpu.enqueue_dma source(%arg8 : memref<100x128xf32, #tpu.memory_space<vmem>>) target(%dma_start3A_98 : memref<100x128xf32, #tpu.memory_space<vmem_shared>>) target_semaphore(%run_scoped3A : memref<!tpu.dma_semaphore, #tpu.memory_space<semaphore_mem>>)
        %dma_wait3A = arith.constant 0 : i32
        %dma_wait3A_99 = tpu.memref_slice %arg11[%add3A_88, %dma_wait3A] : memref<10000x128xf32, #tpu.memory_space<vmem_shared>> -> memref<100x128xf32, #tpu.memory_space<vmem_shared>>
        %dma_wait3A_100 = arith.constant 0 : i32
        %dma_wait3A_101 = tpu.memref_slice %arg11[%add3A_88, %dma_wait3A_100] : memref<10000x128xf32, #tpu.memory_space<vmem_shared>> -> memref<100x128xf32, #tpu.memory_space<vmem_shared>>
        tpu.wait_dma2 semaphore(%run_scoped3A : memref<!tpu.dma_semaphore, #tpu.memory_space<semaphore_mem>>) src(%arg8 : memref<100x128xf32, #tpu.memory_space<vmem>>) dst(%dma_wait3A_101 : memref<100x128xf32, #tpu.memory_space<vmem_shared>>)
        tpu.yield
      }) : () -> ()
      %add3A_89 = arith.constant 9360 : i32
      %add3A_90 = arith.constant 500 : i32
      %add3A_91 = arith.addi %add3A_89, %add3A_90 : i32
      "tpu.region"() ({
        %run_scoped3A = tpu.sem_alloc : memref<!tpu.dma_semaphore, #tpu.memory_space<semaphore_mem>>
        %dma_start3A_95 = arith.constant 0 : i32
        %dma_start3A_96 = tpu.memref_slice %arg11[%add3A_91, %dma_start3A_95] : memref<10000x128xf32, #tpu.memory_space<vmem_shared>> -> memref<100x128xf32, #tpu.memory_space<vmem_shared>>
        %dma_start3A_97 = arith.constant 0 : i32
        %dma_start3A_98 = tpu.memref_slice %arg11[%add3A_91, %dma_start3A_97] : memref<10000x128xf32, #tpu.memory_space<vmem_shared>> -> memref<100x128xf32, #tpu.memory_space<vmem_shared>>
        tpu.enqueue_dma source(%arg8 : memref<100x128xf32, #tpu.memory_space<vmem>>) target(%dma_start3A_98 : memref<100x128xf32, #tpu.memory_space<vmem_shared>>) target_semaphore(%run_scoped3A : memref<!tpu.dma_semaphore, #tpu.memory_space<semaphore_mem>>)
        %dma_wait3A = arith.constant 0 : i32
        %dma_wait3A_99 = tpu.memref_slice %arg11[%add3A_91, %dma_wait3A] : memref<10000x128xf32, #tpu.memory_space<vmem_shared>> -> memref<100x128xf32, #tpu.memory_space<vmem_shared>>
        %dma_wait3A_100 = arith.constant 0 : i32
        %dma_wait3A_101 = tpu.memref_slice %arg11[%add3A_91, %dma_wait3A_100] : memref<10000x128xf32, #tpu.memory_space<vmem_shared>> -> memref<100x128xf32, #tpu.memory_space<vmem_shared>>
        tpu.wait_dma2 semaphore(%run_scoped3A : memref<!tpu.dma_semaphore, #tpu.memory_space<semaphore_mem>>) src(%arg8 : memref<100x128xf32, #tpu.memory_space<vmem>>) dst(%dma_wait3A_101 : memref<100x128xf32, #tpu.memory_space<vmem_shared>>)
        tpu.yield
      }) : () -> ()
      %add3A_92 = arith.constant 9360 : i32
      %add3A_93 = arith.constant 600 : i32
      %add3A_94 = arith.addi %add3A_92, %add3A_93 : i32
      "tpu.region"() ({
        %run_scoped3A = tpu.sem_alloc : memref<!tpu.dma_semaphore, #tpu.memory_space<semaphore_mem>>
        %dma_start3A_95 = arith.constant 0 : i32
        %dma_start3A_96 = arith.constant 0 : i32
        %dma_start3A_97 = tpu.memref_slice %arg8[%dma_start3A_95, %dma_start3A_96] : memref<100x128xf32, #tpu.memory_space<vmem>> -> memref<40x128xf32, #tpu.memory_space<vmem>>
        %dma_start3A_98 = arith.constant 0 : i32
        %dma_start3A_99 = tpu.memref_slice %arg11[%add3A_94, %dma_start3A_98] : memref<10000x128xf32, #tpu.memory_space<vmem_shared>> -> memref<40x128xf32, #tpu.memory_space<vmem_shared>>
        %dma_start3A_100 = arith.constant 0 : i32
        %dma_start3A_101 = tpu.memref_slice %arg11[%add3A_94, %dma_start3A_100] : memref<10000x128xf32, #tpu.memory_space<vmem_shared>> -> memref<40x128xf32, #tpu.memory_space<vmem_shared>>
        %dma_start3A_102 = arith.constant 0 : i32
        %dma_start3A_103 = arith.constant 0 : i32
        %dma_start3A_104 = tpu.memref_slice %arg8[%dma_start3A_102, %dma_start3A_103] : memref<100x128xf32, #tpu.memory_space<vmem>> -> memref<40x128xf32, #tpu.memory_space<vmem>>
        tpu.enqueue_dma source(%dma_start3A_104 : memref<40x128xf32, #tpu.memory_space<vmem>>) target(%dma_start3A_101 : memref<40x128xf32, #tpu.memory_space<vmem_shared>>) target_semaphore(%run_scoped3A : memref<!tpu.dma_semaphore, #tpu.memory_space<semaphore_mem>>)
        %dma_wait3A = arith.constant 0 : i32
        %dma_wait3A_105 = arith.constant 0 : i32
        %dma_wait3A_106 = tpu.memref_slice %arg8[%dma_wait3A, %dma_wait3A_105] : memref<100x128xf32, #tpu.memory_space<vmem>> -> memref<40x128xf32, #tpu.memory_space<vmem>>
        %dma_wait3A_107 = arith.constant 0 : i32
        %dma_wait3A_108 = tpu.memref_slice %arg11[%add3A_94, %dma_wait3A_107] : memref<10000x128xf32, #tpu.memory_space<vmem_shared>> -> memref<40x128xf32, #tpu.memory_space<vmem_shared>>
        %dma_wait3A_109 = arith.constant 0 : i32
        %dma_wait3A_110 = tpu.memref_slice %arg11[%add3A_94, %dma_wait3A_109] : memref<10000x128xf32, #tpu.memory_space<vmem_shared>> -> memref<40x128xf32, #tpu.memory_space<vmem_shared>>
        %dma_wait3A_111 = arith.constant 0 : i32
        %dma_wait3A_112 = arith.constant 0 : i32
        %dma_wait3A_113 = tpu.memref_slice %arg8[%dma_wait3A_111, %dma_wait3A_112] : memref<100x128xf32, #tpu.memory_space<vmem>> -> memref<40x128xf32, #tpu.memory_space<vmem>>
        tpu.wait_dma2 semaphore(%run_scoped3A : memref<!tpu.dma_semaphore, #tpu.memory_space<semaphore_mem>>) src(%dma_wait3A_113 : memref<40x128xf32, #tpu.memory_space<vmem>>) dst(%dma_wait3A_110 : memref<40x128xf32, #tpu.memory_space<vmem_shared>>)
        tpu.yield
      }) : () -> ()
    } else {
    }
    %barrier3A = arith.constant 0 : index
    tpu.barrier barrier_id(%barrier3A)
    %mul3A = arith.constant 160 : i32
    %mul3A_15 = arith.muli %arg0, %mul3A : i32
    %add3A = arith.addi %mul3A_15, %arg1 : i32
    %mul3A_16 = arith.constant 0 : i32
    %mul3A_17 = arith.constant 16 : i32
    %mul3A_18 = arith.muli %mul3A_16, %mul3A_17 : i32
    %add3A_19 = arith.addi %add3A, %mul3A_18 : i32
    %dma_start3A = arith.constant 0 : i32
    %dma_start3A_20 = arith.constant 0 : i32
    %dma_start3A_21 = arith.constant 0 : i32
    %dma_start3A_22 = tpu.memref_slice %arg6[%dma_start3A, %dma_start3A_20, %dma_start3A_21] : memref<2x10x100xi32, #tpu.memory_space<vmem>> -> memref<1x10x100xi32, #tpu.memory_space<vmem>>
    %dma_start3A_23 = tpu.memref_squeeze %dma_start3A_22 : memref<1x10x100xi32, #tpu.memory_space<vmem>> -> memref<10x100xi32, #tpu.memory_space<vmem>>
    %dma_start3A_24 = arith.constant 0 : i32
    %dma_start3A_25 = arith.constant 0 : i32
    %dma_start3A_26 = tpu.memref_slice %arg2[%add3A_19, %dma_start3A_24, %dma_start3A_25] : memref<320x10x100xi32, #tpu.memory_space<hbm>> -> memref<1x10x100xi32, #tpu.memory_space<hbm>>
    %dma_start3A_27 = tpu.memref_squeeze %dma_start3A_26 : memref<1x10x100xi32, #tpu.memory_space<hbm>> -> memref<10x100xi32, #tpu.memory_space<hbm>>
    %dma_start3A_28 = arith.constant 0 : i32
    %dma_start3A_29 = arith.constant 0 : i32
    %dma_start3A_30 = tpu.memref_slice %arg6[%dma_start3A, %dma_start3A_28, %dma_start3A_29] : memref<2x10x100xi32, #tpu.memory_space<vmem>> -> memref<1x10x100xi32, #tpu.memory_space<vmem>>
    %dma_start3A_31 = tpu.memref_squeeze %dma_start3A_30 : memref<1x10x100xi32, #tpu.memory_space<vmem>> -> memref<10x100xi32, #tpu.memory_space<vmem>>
    %dma_start3A_32 = arith.constant 0 : i32
    %dma_start3A_33 = arith.constant 0 : i32
    %dma_start3A_34 = tpu.memref_slice %arg2[%add3A_19, %dma_start3A_32, %dma_start3A_33] : memref<320x10x100xi32, #tpu.memory_space<hbm>> -> memref<1x10x100xi32, #tpu.memory_space<hbm>>
    %dma_start3A_35 = tpu.memref_squeeze %dma_start3A_34 : memref<1x10x100xi32, #tpu.memory_space<hbm>> -> memref<10x100xi32, #tpu.memory_space<hbm>>
    tpu.enqueue_dma source(%dma_start3A_35 : memref<10x100xi32, #tpu.memory_space<hbm>>) target(%dma_start3A_31 : memref<10x100xi32, #tpu.memory_space<vmem>>) target_semaphore(%arg18 : memref<!tpu.dma_semaphore, #tpu.memory_space<semaphore_mem>>)
    %dma_start3A_36 = arith.constant 0 : i32
    %dma_start3A_37 = arith.constant 0 : i32
    %dma_start3A_38 = arith.constant 0 : i32
    %dma_start3A_39 = tpu.memref_slice %arg7[%dma_start3A_36, %dma_start3A_37, %dma_start3A_38] : memref<2x10x100xi32, #tpu.memory_space<vmem>> -> memref<1x10x100xi32, #tpu.memory_space<vmem>>
    %dma_start3A_40 = tpu.memref_squeeze %dma_start3A_39 : memref<1x10x100xi32, #tpu.memory_space<vmem>> -> memref<10x100xi32, #tpu.memory_space<vmem>>
    %dma_start3A_41 = arith.constant 0 : i32
    %dma_start3A_42 = arith.constant 0 : i32
    %dma_start3A_43 = tpu.memref_slice %arg3[%add3A_19, %dma_start3A_41, %dma_start3A_42] : memref<320x10x100xi32, #tpu.memory_space<hbm>> -> memref<1x10x100xi32, #tpu.memory_space<hbm>>
    %dma_start3A_44 = tpu.memref_squeeze %dma_start3A_43 : memref<1x10x100xi32, #tpu.memory_space<hbm>> -> memref<10x100xi32, #tpu.memory_space<hbm>>
    %dma_start3A_45 = arith.constant 0 : i32
    %dma_start3A_46 = arith.constant 0 : i32
    %dma_start3A_47 = tpu.memref_slice %arg7[%dma_start3A_36, %dma_start3A_45, %dma_start3A_46] : memref<2x10x100xi32, #tpu.memory_space<vmem>> -> memref<1x10x100xi32, #tpu.memory_space<vmem>>
    %dma_start3A_48 = tpu.memref_squeeze %dma_start3A_47 : memref<1x10x100xi32, #tpu.memory_space<vmem>> -> memref<10x100xi32, #tpu.memory_space<vmem>>
    %dma_start3A_49 = arith.constant 0 : i32
    %dma_start3A_50 = arith.constant 0 : i32
    %dma_start3A_51 = tpu.memref_slice %arg3[%add3A_19, %dma_start3A_49, %dma_start3A_50] : memref<320x10x100xi32, #tpu.memory_space<hbm>> -> memref<1x10x100xi32, #tpu.memory_space<hbm>>
    %dma_start3A_52 = tpu.memref_squeeze %dma_start3A_51 : memref<1x10x100xi32, #tpu.memory_space<hbm>> -> memref<10x100xi32, #tpu.memory_space<hbm>>
    tpu.enqueue_dma source(%dma_start3A_52 : memref<10x100xi32, #tpu.memory_space<hbm>>) target(%dma_start3A_48 : memref<10x100xi32, #tpu.memory_space<vmem>>) target_semaphore(%arg19 : memref<!tpu.dma_semaphore, #tpu.memory_space<semaphore_mem>>)
    %while3A_53 = arith.constant 0 : i32
    %while3A_54 = arith.constant 10 : i32
    %while3A_55 = arith.subi %while3A_54, %while3A_53 : i32
    %while3A_56 = arith.addi %while3A_53, %while3A_55 : i32
    %while3A_57 = arith.constant 1 : i32
    %while3A_58 = arith.divsi %while3A_55, %while3A_57 : i32
    %while3A_59 = arith.muli %while3A_58, %while3A_57 : i32
    %while3A_60 = arith.addi %while3A_53, %while3A_59 : i32
    %while3A_61 = arith.constant 1 : i32
    scf.for %while3A_74 = %while3A_53 to %while3A_60 step %while3A_61  : i32 {
      %rem3A = arith.constant 2 : i32
      %rem3A_75 = arith.remsi %while3A_74, %rem3A : i32
      %mul3A_76 = arith.constant 16 : i32
      %mul3A_77 = arith.muli %while3A_74, %mul3A_76 : i32
      %add3A_78 = arith.addi %arg1, %mul3A_77 : i32
      %lt3A_79 = arith.constant 160 : i32
      %lt3A_80 = arith.cmpi slt, %add3A_78, %lt3A_79 : i32
      %convert_element_type3A_81 = arith.extui %lt3A_80 : i1 to i32
      %cond3A_82 = arith.constant 0 : i32
      %cond3A_83 = arith.cmpi ne, %convert_element_type3A_81, %cond3A_82 : i32
      scf.if %cond3A_83 {
        %dma_wait3A = arith.constant 0 : i32
        %dma_wait3A_84 = arith.constant 0 : i32
        %dma_wait3A_85 = arith.constant 0 : i32
        %dma_wait3A_86 = tpu.memref_slice %arg6[%rem3A_75, %dma_wait3A_84, %dma_wait3A_85] : memref<2x10x100xi32, #tpu.memory_space<vmem>> -> memref<1x10x100xi32, #tpu.memory_space<vmem>>
        %dma_wait3A_87 = tpu.memref_squeeze %dma_wait3A_86 : memref<1x10x100xi32, #tpu.memory_space<vmem>> -> memref<10x100xi32, #tpu.memory_space<vmem>>
        %dma_wait3A_88 = arith.constant 0 : i32
        %dma_wait3A_89 = arith.constant 0 : i32
        %dma_wait3A_90 = tpu.memref_slice %arg2[%dma_wait3A, %dma_wait3A_88, %dma_wait3A_89] : memref<320x10x100xi32, #tpu.memory_space<hbm>> -> memref<1x10x100xi32, #tpu.memory_space<hbm>>
        %dma_wait3A_91 = tpu.memref_squeeze %dma_wait3A_90 : memref<1x10x100xi32, #tpu.memory_space<hbm>> -> memref<10x100xi32, #tpu.memory_space<hbm>>
        %dma_wait3A_92 = arith.constant 0 : i32
        %dma_wait3A_93 = arith.constant 0 : i32
        %dma_wait3A_94 = tpu.memref_slice %arg6[%rem3A_75, %dma_wait3A_92, %dma_wait3A_93] : memref<2x10x100xi32, #tpu.memory_space<vmem>> -> memref<1x10x100xi32, #tpu.memory_space<vmem>>
        %dma_wait3A_95 = tpu.memref_squeeze %dma_wait3A_94 : memref<1x10x100xi32, #tpu.memory_space<vmem>> -> memref<10x100xi32, #tpu.memory_space<vmem>>
        %dma_wait3A_96 = arith.constant 0 : i32
        %dma_wait3A_97 = arith.constant 0 : i32
        %dma_wait3A_98 = tpu.memref_slice %arg2[%dma_wait3A, %dma_wait3A_96, %dma_wait3A_97] : memref<320x10x100xi32, #tpu.memory_space<hbm>> -> memref<1x10x100xi32, #tpu.memory_space<hbm>>
        %dma_wait3A_99 = tpu.memref_squeeze %dma_wait3A_98 : memref<1x10x100xi32, #tpu.memory_space<hbm>> -> memref<10x100xi32, #tpu.memory_space<hbm>>
        tpu.wait_dma2 semaphore(%arg18 : memref<!tpu.dma_semaphore, #tpu.memory_space<semaphore_mem>>) src(%dma_wait3A_99 : memref<10x100xi32, #tpu.memory_space<hbm>>) dst(%dma_wait3A_95 : memref<10x100xi32, #tpu.memory_space<vmem>>)
        %dma_wait3A_100 = arith.constant 0 : i32
        %dma_wait3A_101 = arith.constant 0 : i32
        %dma_wait3A_102 = arith.constant 0 : i32
        %dma_wait3A_103 = tpu.memref_slice %arg7[%rem3A_75, %dma_wait3A_101, %dma_wait3A_102] : memref<2x10x100xi32, #tpu.memory_space<vmem>> -> memref<1x10x100xi32, #tpu.memory_space<vmem>>
        %dma_wait3A_104 = tpu.memref_squeeze %dma_wait3A_103 : memref<1x10x100xi32, #tpu.memory_space<vmem>> -> memref<10x100xi32, #tpu.memory_space<vmem>>
        %dma_wait3A_105 = arith.constant 0 : i32
        %dma_wait3A_106 = arith.constant 0 : i32
        %dma_wait3A_107 = tpu.memref_slice %arg3[%dma_wait3A_100, %dma_wait3A_105, %dma_wait3A_106] : memref<320x10x100xi32, #tpu.memory_space<hbm>> -> memref<1x10x100xi32, #tpu.memory_space<hbm>>
        %dma_wait3A_108 = tpu.memref_squeeze %dma_wait3A_107 : memref<1x10x100xi32, #tpu.memory_space<hbm>> -> memref<10x100xi32, #tpu.memory_space<hbm>>
        %dma_wait3A_109 = arith.constant 0 : i32
        %dma_wait3A_110 = arith.constant 0 : i32
        %dma_wait3A_111 = tpu.memref_slice %arg7[%rem3A_75, %dma_wait3A_109, %dma_wait3A_110] : memref<2x10x100xi32, #tpu.memory_space<vmem>> -> memref<1x10x100xi32, #tpu.memory_space<vmem>>
        %dma_wait3A_112 = tpu.memref_squeeze %dma_wait3A_111 : memref<1x10x100xi32, #tpu.memory_space<vmem>> -> memref<10x100xi32, #tpu.memory_space<vmem>>
        %dma_wait3A_113 = arith.constant 0 : i32
        %dma_wait3A_114 = arith.constant 0 : i32
        %dma_wait3A_115 = tpu.memref_slice %arg3[%dma_wait3A_100, %dma_wait3A_113, %dma_wait3A_114] : memref<320x10x100xi32, #tpu.memory_space<hbm>> -> memref<1x10x100xi32, #tpu.memory_space<hbm>>
        %dma_wait3A_116 = tpu.memref_squeeze %dma_wait3A_115 : memref<1x10x100xi32, #tpu.memory_space<hbm>> -> memref<10x100xi32, #tpu.memory_space<hbm>>
        tpu.wait_dma2 semaphore(%arg19 : memref<!tpu.dma_semaphore, #tpu.memory_space<semaphore_mem>>) src(%dma_wait3A_116 : memref<10x100xi32, #tpu.memory_space<hbm>>) dst(%dma_wait3A_112 : memref<10x100xi32, #tpu.memory_space<vmem>>)
        %add3A_117 = arith.constant 16 : i32
        %add3A_118 = arith.addi %add3A_78, %add3A_117 : i32
        %lt3A_119 = arith.constant 160 : i32
        %lt3A_120 = arith.cmpi slt, %add3A_118, %lt3A_119 : i32
        %convert_element_type3A_121 = arith.extui %lt3A_120 : i1 to i32
        %cond3A_122 = arith.constant 0 : i32
        %cond3A_123 = arith.cmpi ne, %convert_element_type3A_121, %cond3A_122 : i32
        scf.if %cond3A_123 {
          %add3A_404 = arith.constant 1 : i32
          %add3A_405 = arith.addi %while3A_74, %add3A_404 : i32
          %sub3A = arith.constant 1 : i32
          %sub3A_406 = arith.subi %sub3A, %rem3A_75 : i32
          %mul3A_407 = arith.constant 160 : i32
          %mul3A_408 = arith.muli %arg0, %mul3A_407 : i32
          %add3A_409 = arith.addi %mul3A_408, %arg1 : i32
          %mul3A_410 = arith.constant 16 : i32
          %mul3A_411 = arith.muli %add3A_405, %mul3A_410 : i32
          %add3A_412 = arith.addi %add3A_409, %mul3A_411 : i32
          %dma_start3A_413 = arith.constant 0 : i32
          %dma_start3A_414 = arith.constant 0 : i32
          %dma_start3A_415 = tpu.memref_slice %arg6[%sub3A_406, %dma_start3A_413, %dma_start3A_414] : memref<2x10x100xi32, #tpu.memory_space<vmem>> -> memref<1x10x100xi32, #tpu.memory_space<vmem>>
          %dma_start3A_416 = tpu.memref_squeeze %dma_start3A_415 : memref<1x10x100xi32, #tpu.memory_space<vmem>> -> memref<10x100xi32, #tpu.memory_space<vmem>>
          %dma_start3A_417 = arith.constant 0 : i32
          %dma_start3A_418 = arith.constant 0 : i32
          %dma_start3A_419 = tpu.memref_slice %arg2[%add3A_412, %dma_start3A_417, %dma_start3A_418] : memref<320x10x100xi32, #tpu.memory_space<hbm>> -> memref<1x10x100xi32, #tpu.memory_space<hbm>>
          %dma_start3A_420 = tpu.memref_squeeze %dma_start3A_419 : memref<1x10x100xi32, #tpu.memory_space<hbm>> -> memref<10x100xi32, #tpu.memory_space<hbm>>
          %dma_start3A_421 = arith.constant 0 : i32
          %dma_start3A_422 = arith.constant 0 : i32
          %dma_start3A_423 = tpu.memref_slice %arg6[%sub3A_406, %dma_start3A_421, %dma_start3A_422] : memref<2x10x100xi32, #tpu.memory_space<vmem>> -> memref<1x10x100xi32, #tpu.memory_space<vmem>>
          %dma_start3A_424 = tpu.memref_squeeze %dma_start3A_423 : memref<1x10x100xi32, #tpu.memory_space<vmem>> -> memref<10x100xi32, #tpu.memory_space<vmem>>
          %dma_start3A_425 = arith.constant 0 : i32
          %dma_start3A_426 = arith.constant 0 : i32
          %dma_start3A_427 = tpu.memref_slice %arg2[%add3A_412, %dma_start3A_425, %dma_start3A_426] : memref<320x10x100xi32, #tpu.memory_space<hbm>> -> memref<1x10x100xi32, #tpu.memory_space<hbm>>
          %dma_start3A_428 = tpu.memref_squeeze %dma_start3A_427 : memref<1x10x100xi32, #tpu.memory_space<hbm>> -> memref<10x100xi32, #tpu.memory_space<hbm>>
          tpu.enqueue_dma source(%dma_start3A_428 : memref<10x100xi32, #tpu.memory_space<hbm>>) target(%dma_start3A_424 : memref<10x100xi32, #tpu.memory_space<vmem>>) target_semaphore(%arg18 : memref<!tpu.dma_semaphore, #tpu.memory_space<semaphore_mem>>)
          %dma_start3A_429 = arith.constant 0 : i32
          %dma_start3A_430 = arith.constant 0 : i32
          %dma_start3A_431 = tpu.memref_slice %arg7[%sub3A_406, %dma_start3A_429, %dma_start3A_430] : memref<2x10x100xi32, #tpu.memory_space<vmem>> -> memref<1x10x100xi32, #tpu.memory_space<vmem>>
          %dma_start3A_432 = tpu.memref_squeeze %dma_start3A_431 : memref<1x10x100xi32, #tpu.memory_space<vmem>> -> memref<10x100xi32, #tpu.memory_space<vmem>>
          %dma_start3A_433 = arith.constant 0 : i32
          %dma_start3A_434 = arith.constant 0 : i32
          %dma_start3A_435 = tpu.memref_slice %arg3[%add3A_412, %dma_start3A_433, %dma_start3A_434] : memref<320x10x100xi32, #tpu.memory_space<hbm>> -> memref<1x10x100xi32, #tpu.memory_space<hbm>>
          %dma_start3A_436 = tpu.memref_squeeze %dma_start3A_435 : memref<1x10x100xi32, #tpu.memory_space<hbm>> -> memref<10x100xi32, #tpu.memory_space<hbm>>
          %dma_start3A_437 = arith.constant 0 : i32
          %dma_start3A_438 = arith.constant 0 : i32
          %dma_start3A_439 = tpu.memref_slice %arg7[%sub3A_406, %dma_start3A_437, %dma_start3A_438] : memref<2x10x100xi32, #tpu.memory_space<vmem>> -> memref<1x10x100xi32, #tpu.memory_space<vmem>>
          %dma_start3A_440 = tpu.memref_squeeze %dma_start3A_439 : memref<1x10x100xi32, #tpu.memory_space<vmem>> -> memref<10x100xi32, #tpu.memory_space<vmem>>
          %dma_start3A_441 = arith.constant 0 : i32
          %dma_start3A_442 = arith.constant 0 : i32
          %dma_start3A_443 = tpu.memref_slice %arg3[%add3A_412, %dma_start3A_441, %dma_start3A_442] : memref<320x10x100xi32, #tpu.memory_space<hbm>> -> memref<1x10x100xi32, #tpu.memory_space<hbm>>
          %dma_start3A_444 = tpu.memref_squeeze %dma_start3A_443 : memref<1x10x100xi32, #tpu.memory_space<hbm>> -> memref<10x100xi32, #tpu.memory_space<hbm>>
          tpu.enqueue_dma source(%dma_start3A_444 : memref<10x100xi32, #tpu.memory_space<hbm>>) target(%dma_start3A_440 : memref<10x100xi32, #tpu.memory_space<vmem>>) target_semaphore(%arg19 : memref<!tpu.dma_semaphore, #tpu.memory_space<semaphore_mem>>)
        } else {
        }
        %dma_start3A_124 = arith.constant 0 : i32
        %dma_start3A_125 = arith.constant 0 : i32
        %dma_start3A_126 = tpu.memref_slice %arg6[%rem3A_75, %dma_start3A_124, %dma_start3A_125] : memref<2x10x100xi32, #tpu.memory_space<vmem>> -> memref<1x1x100xi32, #tpu.memory_space<vmem>>
        %dma_start3A_127 = tpu.memref_squeeze %dma_start3A_126 : memref<1x1x100xi32, #tpu.memory_space<vmem>> -> memref<100xi32, #tpu.memory_space<vmem>>
        %dma_start3A_128 = arith.constant 0 : i32
        %dma_start3A_129 = arith.constant 0 : i32
        %dma_start3A_130 = tpu.memref_slice %arg4[%dma_start3A_128, %dma_start3A_129] : memref<10000x128xf32, #tpu.memory_space<hbm>> -> memref<10000x128xf32, #tpu.memory_space<hbm>>
        tpu.enqueue_indirect_dma source(%dma_start3A_130 : memref<10000x128xf32, #tpu.memory_space<hbm>>) target(%arg8 : memref<100x128xf32, #tpu.memory_space<vmem>>) offsets(%dma_start3A_127 : memref<100xi32, #tpu.memory_space<vmem>>) semaphore(%arg12 : memref<!tpu.dma_semaphore, #tpu.memory_space<semaphore_mem>>)
        %dma_start3A_131 = arith.constant 1 : i32
        %dma_start3A_132 = arith.constant 0 : i32
        %dma_start3A_133 = tpu.memref_slice %arg6[%rem3A_75, %dma_start3A_131, %dma_start3A_132] : memref<2x10x100xi32, #tpu.memory_space<vmem>> -> memref<1x1x100xi32, #tpu.memory_space<vmem>>
        %dma_start3A_134 = tpu.memref_squeeze %dma_start3A_133 : memref<1x1x100xi32, #tpu.memory_space<vmem>> -> memref<100xi32, #tpu.memory_space<vmem>>
        %dma_start3A_135 = arith.constant 0 : i32
        %dma_start3A_136 = arith.constant 0 : i32
        %dma_start3A_137 = tpu.memref_slice %arg4[%dma_start3A_135, %dma_start3A_136] : memref<10000x128xf32, #tpu.memory_space<hbm>> -> memref<10000x128xf32, #tpu.memory_space<hbm>>
        tpu.enqueue_indirect_dma source(%dma_start3A_137 : memref<10000x128xf32, #tpu.memory_space<hbm>>) target(%arg9 : memref<100x128xf32, #tpu.memory_space<vmem>>) offsets(%dma_start3A_134 : memref<100xi32, #tpu.memory_space<vmem>>) semaphore(%arg13 : memref<!tpu.dma_semaphore, #tpu.memory_space<semaphore_mem>>)
        %dma_wait3A_138 = arith.constant 0 : i32
        %dma_wait3A_139 = arith.constant 0 : i32
        %dma_wait3A_140 = tpu.memref_slice %arg6[%rem3A_75, %dma_wait3A_138, %dma_wait3A_139] : memref<2x10x100xi32, #tpu.memory_space<vmem>> -> memref<1x1x100xi32, #tpu.memory_space<vmem>>
        %dma_wait3A_141 = tpu.memref_squeeze %dma_wait3A_140 : memref<1x1x100xi32, #tpu.memory_space<vmem>> -> memref<100xi32, #tpu.memory_space<vmem>>
        %dma_wait3A_142 = arith.constant 0 : i32
        %dma_wait3A_143 = arith.constant 0 : i32
        %dma_wait3A_144 = tpu.memref_slice %arg4[%dma_wait3A_142, %dma_wait3A_143] : memref<10000x128xf32, #tpu.memory_space<hbm>> -> memref<10000x128xf32, #tpu.memory_space<hbm>>
        tpu.wait_indirect_dma semaphore(%arg12 : memref<!tpu.dma_semaphore, #tpu.memory_space<semaphore_mem>>) src(%dma_wait3A_144 : memref<10000x128xf32, #tpu.memory_space<hbm>>) dst(%arg8 : memref<100x128xf32, #tpu.memory_space<vmem>>)
        %dma_start3A_145 = arith.constant 0 : i32
        %dma_start3A_146 = arith.constant 0 : i32
        %dma_start3A_147 = tpu.memref_slice %arg7[%rem3A_75, %dma_start3A_145, %dma_start3A_146] : memref<2x10x100xi32, #tpu.memory_space<vmem>> -> memref<1x1x100xi32, #tpu.memory_space<vmem>>
        %dma_start3A_148 = tpu.memref_squeeze %dma_start3A_147 : memref<1x1x100xi32, #tpu.memory_space<vmem>> -> memref<100xi32, #tpu.memory_space<vmem>>
        %dma_start3A_149 = arith.constant 0 : i32
        %dma_start3A_150 = arith.constant 0 : i32
        %dma_start3A_151 = tpu.memref_slice %arg11[%dma_start3A_149, %dma_start3A_150] : memref<10000x128xf32, #tpu.memory_space<vmem_shared>> -> memref<10000x128xf32, #tpu.memory_space<vmem_shared>>
        tpu.enqueue_indirect_dma source(%arg8 : memref<100x128xf32, #tpu.memory_space<vmem>>) target(%dma_start3A_151 : memref<10000x128xf32, #tpu.memory_space<vmem_shared>>) offsets(%dma_start3A_148 : memref<100xi32, #tpu.memory_space<vmem>>) semaphore(%arg15 : memref<!tpu.dma_semaphore, #tpu.memory_space<semaphore_mem>>) {add = true}
        %dma_start3A_152 = arith.constant 2 : i32
        %dma_start3A_153 = arith.constant 0 : i32
        %dma_start3A_154 = tpu.memref_slice %arg6[%rem3A_75, %dma_start3A_152, %dma_start3A_153] : memref<2x10x100xi32, #tpu.memory_space<vmem>> -> memref<1x1x100xi32, #tpu.memory_space<vmem>>
        %dma_start3A_155 = tpu.memref_squeeze %dma_start3A_154 : memref<1x1x100xi32, #tpu.memory_space<vmem>> -> memref<100xi32, #tpu.memory_space<vmem>>
        %dma_start3A_156 = arith.constant 0 : i32
        %dma_start3A_157 = arith.constant 0 : i32
        %dma_start3A_158 = tpu.memref_slice %arg4[%dma_start3A_156, %dma_start3A_157] : memref<10000x128xf32, #tpu.memory_space<hbm>> -> memref<10000x128xf32, #tpu.memory_space<hbm>>
        tpu.enqueue_indirect_dma source(%dma_start3A_158 : memref<10000x128xf32, #tpu.memory_space<hbm>>) target(%arg10 : memref<100x128xf32, #tpu.memory_space<vmem>>) offsets(%dma_start3A_155 : memref<100xi32, #tpu.memory_space<vmem>>) semaphore(%arg14 : memref<!tpu.dma_semaphore, #tpu.memory_space<semaphore_mem>>)
        %dma_wait3A_159 = arith.constant 1 : i32
        %dma_wait3A_160 = arith.constant 0 : i32
        %dma_wait3A_161 = tpu.memref_slice %arg6[%rem3A_75, %dma_wait3A_159, %dma_wait3A_160] : memref<2x10x100xi32, #tpu.memory_space<vmem>> -> memref<1x1x100xi32, #tpu.memory_space<vmem>>
        %dma_wait3A_162 = tpu.memref_squeeze %dma_wait3A_161 : memref<1x1x100xi32, #tpu.memory_space<vmem>> -> memref<100xi32, #tpu.memory_space<vmem>>
        %dma_wait3A_163 = arith.constant 0 : i32
        %dma_wait3A_164 = arith.constant 0 : i32
        %dma_wait3A_165 = tpu.memref_slice %arg4[%dma_wait3A_163, %dma_wait3A_164] : memref<10000x128xf32, #tpu.memory_space<hbm>> -> memref<10000x128xf32, #tpu.memory_space<hbm>>
        tpu.wait_indirect_dma semaphore(%arg13 : memref<!tpu.dma_semaphore, #tpu.memory_space<semaphore_mem>>) src(%dma_wait3A_165 : memref<10000x128xf32, #tpu.memory_space<hbm>>) dst(%arg9 : memref<100x128xf32, #tpu.memory_space<vmem>>)
        %dma_wait3A_166 = arith.constant 0 : i32
        %dma_wait3A_167 = arith.constant 0 : i32
        %dma_wait3A_168 = tpu.memref_slice %arg7[%rem3A_75, %dma_wait3A_166, %dma_wait3A_167] : memref<2x10x100xi32, #tpu.memory_space<vmem>> -> memref<1x1x100xi32, #tpu.memory_space<vmem>>
        %dma_wait3A_169 = tpu.memref_squeeze %dma_wait3A_168 : memref<1x1x100xi32, #tpu.memory_space<vmem>> -> memref<100xi32, #tpu.memory_space<vmem>>
        %dma_wait3A_170 = arith.constant 0 : i32
        %dma_wait3A_171 = arith.constant 0 : i32
        %dma_wait3A_172 = tpu.memref_slice %arg11[%dma_wait3A_170, %dma_wait3A_171] : memref<10000x128xf32, #tpu.memory_space<vmem_shared>> -> memref<10000x128xf32, #tpu.memory_space<vmem_shared>>
        tpu.wait_indirect_dma semaphore(%arg15 : memref<!tpu.dma_semaphore, #tpu.memory_space<semaphore_mem>>) src(%arg8 : memref<100x128xf32, #tpu.memory_space<vmem>>) dst(%dma_wait3A_172 : memref<10000x128xf32, #tpu.memory_space<vmem_shared>>)
        %dma_start3A_173 = arith.constant 1 : i32
        %dma_start3A_174 = arith.constant 0 : i32
        %dma_start3A_175 = tpu.memref_slice %arg7[%rem3A_75, %dma_start3A_173, %dma_start3A_174] : memref<2x10x100xi32, #tpu.memory_space<vmem>> -> memref<1x1x100xi32, #tpu.memory_space<vmem>>
        %dma_start3A_176 = tpu.memref_squeeze %dma_start3A_175 : memref<1x1x100xi32, #tpu.memory_space<vmem>> -> memref<100xi32, #tpu.memory_space<vmem>>
        %dma_start3A_177 = arith.constant 0 : i32
        %dma_start3A_178 = arith.constant 0 : i32
        %dma_start3A_179 = tpu.memref_slice %arg11[%dma_start3A_177, %dma_start3A_178] : memref<10000x128xf32, #tpu.memory_space<vmem_shared>> -> memref<10000x128xf32, #tpu.memory_space<vmem_shared>>
        tpu.enqueue_indirect_dma source(%arg9 : memref<100x128xf32, #tpu.memory_space<vmem>>) target(%dma_start3A_179 : memref<10000x128xf32, #tpu.memory_space<vmem_shared>>) offsets(%dma_start3A_176 : memref<100xi32, #tpu.memory_space<vmem>>) semaphore(%arg16 : memref<!tpu.dma_semaphore, #tpu.memory_space<semaphore_mem>>) {add = true}
        %dma_start3A_180 = arith.constant 3 : i32
        %dma_start3A_181 = arith.constant 0 : i32
        %dma_start3A_182 = tpu.memref_slice %arg6[%rem3A_75, %dma_start3A_180, %dma_start3A_181] : memref<2x10x100xi32, #tpu.memory_space<vmem>> -> memref<1x1x100xi32, #tpu.memory_space<vmem>>
        %dma_start3A_183 = tpu.memref_squeeze %dma_start3A_182 : memref<1x1x100xi32, #tpu.memory_space<vmem>> -> memref<100xi32, #tpu.memory_space<vmem>>
        %dma_start3A_184 = arith.constant 0 : i32
        %dma_start3A_185 = arith.constant 0 : i32
        %dma_start3A_186 = tpu.memref_slice %arg4[%dma_start3A_184, %dma_start3A_185] : memref<10000x128xf32, #tpu.memory_space<hbm>> -> memref<10000x128xf32, #tpu.memory_space<hbm>>
        tpu.enqueue_indirect_dma source(%dma_start3A_186 : memref<10000x128xf32, #tpu.memory_space<hbm>>) target(%arg8 : memref<100x128xf32, #tpu.memory_space<vmem>>) offsets(%dma_start3A_183 : memref<100xi32, #tpu.memory_space<vmem>>) semaphore(%arg12 : memref<!tpu.dma_semaphore, #tpu.memory_space<semaphore_mem>>)
        %dma_wait3A_187 = arith.constant 2 : i32
        %dma_wait3A_188 = arith.constant 0 : i32
        %dma_wait3A_189 = tpu.memref_slice %arg6[%rem3A_75, %dma_wait3A_187, %dma_wait3A_188] : memref<2x10x100xi32, #tpu.memory_space<vmem>> -> memref<1x1x100xi32, #tpu.memory_space<vmem>>
        %dma_wait3A_190 = tpu.memref_squeeze %dma_wait3A_189 : memref<1x1x100xi32, #tpu.memory_space<vmem>> -> memref<100xi32, #tpu.memory_space<vmem>>
        %dma_wait3A_191 = arith.constant 0 : i32
        %dma_wait3A_192 = arith.constant 0 : i32
        %dma_wait3A_193 = tpu.memref_slice %arg4[%dma_wait3A_191, %dma_wait3A_192] : memref<10000x128xf32, #tpu.memory_space<hbm>> -> memref<10000x128xf32, #tpu.memory_space<hbm>>
        tpu.wait_indirect_dma semaphore(%arg14 : memref<!tpu.dma_semaphore, #tpu.memory_space<semaphore_mem>>) src(%dma_wait3A_193 : memref<10000x128xf32, #tpu.memory_space<hbm>>) dst(%arg10 : memref<100x128xf32, #tpu.memory_space<vmem>>)
        %dma_wait3A_194 = arith.constant 1 : i32
        %dma_wait3A_195 = arith.constant 0 : i32
        %dma_wait3A_196 = tpu.memref_slice %arg7[%rem3A_75, %dma_wait3A_194, %dma_wait3A_195] : memref<2x10x100xi32, #tpu.memory_space<vmem>> -> memref<1x1x100xi32, #tpu.memory_space<vmem>>
        %dma_wait3A_197 = tpu.memref_squeeze %dma_wait3A_196 : memref<1x1x100xi32, #tpu.memory_space<vmem>> -> memref<100xi32, #tpu.memory_space<vmem>>
        %dma_wait3A_198 = arith.constant 0 : i32
        %dma_wait3A_199 = arith.constant 0 : i32
        %dma_wait3A_200 = tpu.memref_slice %arg11[%dma_wait3A_198, %dma_wait3A_199] : memref<10000x128xf32, #tpu.memory_space<vmem_shared>> -> memref<10000x128xf32, #tpu.memory_space<vmem_shared>>
        tpu.wait_indirect_dma semaphore(%arg16 : memref<!tpu.dma_semaphore, #tpu.memory_space<semaphore_mem>>) src(%arg9 : memref<100x128xf32, #tpu.memory_space<vmem>>) dst(%dma_wait3A_200 : memref<10000x128xf32, #tpu.memory_space<vmem_shared>>)
        %dma_start3A_201 = arith.constant 2 : i32
        %dma_start3A_202 = arith.constant 0 : i32
        %dma_start3A_203 = tpu.memref_slice %arg7[%rem3A_75, %dma_start3A_201, %dma_start3A_202] : memref<2x10x100xi32, #tpu.memory_space<vmem>> -> memref<1x1x100xi32, #tpu.memory_space<vmem>>
        %dma_start3A_204 = tpu.memref_squeeze %dma_start3A_203 : memref<1x1x100xi32, #tpu.memory_space<vmem>> -> memref<100xi32, #tpu.memory_space<vmem>>
        %dma_start3A_205 = arith.constant 0 : i32
        %dma_start3A_206 = arith.constant 0 : i32
        %dma_start3A_207 = tpu.memref_slice %arg11[%dma_start3A_205, %dma_start3A_206] : memref<10000x128xf32, #tpu.memory_space<vmem_shared>> -> memref<10000x128xf32, #tpu.memory_space<vmem_shared>>
        tpu.enqueue_indirect_dma source(%arg10 : memref<100x128xf32, #tpu.memory_space<vmem>>) target(%dma_start3A_207 : memref<10000x128xf32, #tpu.memory_space<vmem_shared>>) offsets(%dma_start3A_204 : memref<100xi32, #tpu.memory_space<vmem>>) semaphore(%arg17 : memref<!tpu.dma_semaphore, #tpu.memory_space<semaphore_mem>>) {add = true}
        %dma_start3A_208 = arith.constant 4 : i32
        %dma_start3A_209 = arith.constant 0 : i32
        %dma_start3A_210 = tpu.memref_slice %arg6[%rem3A_75, %dma_start3A_208, %dma_start3A_209] : memref<2x10x100xi32, #tpu.memory_space<vmem>> -> memref<1x1x100xi32, #tpu.memory_space<vmem>>
        %dma_start3A_211 = tpu.memref_squeeze %dma_start3A_210 : memref<1x1x100xi32, #tpu.memory_space<vmem>> -> memref<100xi32, #tpu.memory_space<vmem>>
        %dma_start3A_212 = arith.constant 0 : i32
        %dma_start3A_213 = arith.constant 0 : i32
        %dma_start3A_214 = tpu.memref_slice %arg4[%dma_start3A_212, %dma_start3A_213] : memref<10000x128xf32, #tpu.memory_space<hbm>> -> memref<10000x128xf32, #tpu.memory_space<hbm>>
        tpu.enqueue_indirect_dma source(%dma_start3A_214 : memref<10000x128xf32, #tpu.memory_space<hbm>>) target(%arg9 : memref<100x128xf32, #tpu.memory_space<vmem>>) offsets(%dma_start3A_211 : memref<100xi32, #tpu.memory_space<vmem>>) semaphore(%arg13 : memref<!tpu.dma_semaphore, #tpu.memory_space<semaphore_mem>>)
        %dma_wait3A_215 = arith.constant 3 : i32
        %dma_wait3A_216 = arith.constant 0 : i32
        %dma_wait3A_217 = tpu.memref_slice %arg6[%rem3A_75, %dma_wait3A_215, %dma_wait3A_216] : memref<2x10x100xi32, #tpu.memory_space<vmem>> -> memref<1x1x100xi32, #tpu.memory_space<vmem>>
        %dma_wait3A_218 = tpu.memref_squeeze %dma_wait3A_217 : memref<1x1x100xi32, #tpu.memory_space<vmem>> -> memref<100xi32, #tpu.memory_space<vmem>>
        %dma_wait3A_219 = arith.constant 0 : i32
        %dma_wait3A_220 = arith.constant 0 : i32
        %dma_wait3A_221 = tpu.memref_slice %arg4[%dma_wait3A_219, %dma_wait3A_220] : memref<10000x128xf32, #tpu.memory_space<hbm>> -> memref<10000x128xf32, #tpu.memory_space<hbm>>
        tpu.wait_indirect_dma semaphore(%arg12 : memref<!tpu.dma_semaphore, #tpu.memory_space<semaphore_mem>>) src(%dma_wait3A_221 : memref<10000x128xf32, #tpu.memory_space<hbm>>) dst(%arg8 : memref<100x128xf32, #tpu.memory_space<vmem>>)
        %dma_wait3A_222 = arith.constant 2 : i32
        %dma_wait3A_223 = arith.constant 0 : i32
        %dma_wait3A_224 = tpu.memref_slice %arg7[%rem3A_75, %dma_wait3A_222, %dma_wait3A_223] : memref<2x10x100xi32, #tpu.memory_space<vmem>> -> memref<1x1x100xi32, #tpu.memory_space<vmem>>
        %dma_wait3A_225 = tpu.memref_squeeze %dma_wait3A_224 : memref<1x1x100xi32, #tpu.memory_space<vmem>> -> memref<100xi32, #tpu.memory_space<vmem>>
        %dma_wait3A_226 = arith.constant 0 : i32
        %dma_wait3A_227 = arith.constant 0 : i32
        %dma_wait3A_228 = tpu.memref_slice %arg11[%dma_wait3A_226, %dma_wait3A_227] : memref<10000x128xf32, #tpu.memory_space<vmem_shared>> -> memref<10000x128xf32, #tpu.memory_space<vmem_shared>>
        tpu.wait_indirect_dma semaphore(%arg17 : memref<!tpu.dma_semaphore, #tpu.memory_space<semaphore_mem>>) src(%arg10 : memref<100x128xf32, #tpu.memory_space<vmem>>) dst(%dma_wait3A_228 : memref<10000x128xf32, #tpu.memory_space<vmem_shared>>)
        %dma_start3A_229 = arith.constant 3 : i32
        %dma_start3A_230 = arith.constant 0 : i32
        %dma_start3A_231 = tpu.memref_slice %arg7[%rem3A_75, %dma_start3A_229, %dma_start3A_230] : memref<2x10x100xi32, #tpu.memory_space<vmem>> -> memref<1x1x100xi32, #tpu.memory_space<vmem>>
        %dma_start3A_232 = tpu.memref_squeeze %dma_start3A_231 : memref<1x1x100xi32, #tpu.memory_space<vmem>> -> memref<100xi32, #tpu.memory_space<vmem>>
        %dma_start3A_233 = arith.constant 0 : i32
        %dma_start3A_234 = arith.constant 0 : i32
        %dma_start3A_235 = tpu.memref_slice %arg11[%dma_start3A_233, %dma_start3A_234] : memref<10000x128xf32, #tpu.memory_space<vmem_shared>> -> memref<10000x128xf32, #tpu.memory_space<vmem_shared>>
        tpu.enqueue_indirect_dma source(%arg8 : memref<100x128xf32, #tpu.memory_space<vmem>>) target(%dma_start3A_235 : memref<10000x128xf32, #tpu.memory_space<vmem_shared>>) offsets(%dma_start3A_232 : memref<100xi32, #tpu.memory_space<vmem>>) semaphore(%arg15 : memref<!tpu.dma_semaphore, #tpu.memory_space<semaphore_mem>>) {add = true}
        %dma_start3A_236 = arith.constant 5 : i32
        %dma_start3A_237 = arith.constant 0 : i32
        %dma_start3A_238 = tpu.memref_slice %arg6[%rem3A_75, %dma_start3A_236, %dma_start3A_237] : memref<2x10x100xi32, #tpu.memory_space<vmem>> -> memref<1x1x100xi32, #tpu.memory_space<vmem>>
        %dma_start3A_239 = tpu.memref_squeeze %dma_start3A_238 : memref<1x1x100xi32, #tpu.memory_space<vmem>> -> memref<100xi32, #tpu.memory_space<vmem>>
        %dma_start3A_240 = arith.constant 0 : i32
        %dma_start3A_241 = arith.constant 0 : i32
        %dma_start3A_242 = tpu.memref_slice %arg4[%dma_start3A_240, %dma_start3A_241] : memref<10000x128xf32, #tpu.memory_space<hbm>> -> memref<10000x128xf32, #tpu.memory_space<hbm>>
        tpu.enqueue_indirect_dma source(%dma_start3A_242 : memref<10000x128xf32, #tpu.memory_space<hbm>>) target(%arg10 : memref<100x128xf32, #tpu.memory_space<vmem>>) offsets(%dma_start3A_239 : memref<100xi32, #tpu.memory_space<vmem>>) semaphore(%arg14 : memref<!tpu.dma_semaphore, #tpu.memory_space<semaphore_mem>>)
        %dma_wait3A_243 = arith.constant 4 : i32
        %dma_wait3A_244 = arith.constant 0 : i32
        %dma_wait3A_245 = tpu.memref_slice %arg6[%rem3A_75, %dma_wait3A_243, %dma_wait3A_244] : memref<2x10x100xi32, #tpu.memory_space<vmem>> -> memref<1x1x100xi32, #tpu.memory_space<vmem>>
        %dma_wait3A_246 = tpu.memref_squeeze %dma_wait3A_245 : memref<1x1x100xi32, #tpu.memory_space<vmem>> -> memref<100xi32, #tpu.memory_space<vmem>>
        %dma_wait3A_247 = arith.constant 0 : i32
        %dma_wait3A_248 = arith.constant 0 : i32
        %dma_wait3A_249 = tpu.memref_slice %arg4[%dma_wait3A_247, %dma_wait3A_248] : memref<10000x128xf32, #tpu.memory_space<hbm>> -> memref<10000x128xf32, #tpu.memory_space<hbm>>
        tpu.wait_indirect_dma semaphore(%arg13 : memref<!tpu.dma_semaphore, #tpu.memory_space<semaphore_mem>>) src(%dma_wait3A_249 : memref<10000x128xf32, #tpu.memory_space<hbm>>) dst(%arg9 : memref<100x128xf32, #tpu.memory_space<vmem>>)
        %dma_wait3A_250 = arith.constant 3 : i32
        %dma_wait3A_251 = arith.constant 0 : i32
        %dma_wait3A_252 = tpu.memref_slice %arg7[%rem3A_75, %dma_wait3A_250, %dma_wait3A_251] : memref<2x10x100xi32, #tpu.memory_space<vmem>> -> memref<1x1x100xi32, #tpu.memory_space<vmem>>
        %dma_wait3A_253 = tpu.memref_squeeze %dma_wait3A_252 : memref<1x1x100xi32, #tpu.memory_space<vmem>> -> memref<100xi32, #tpu.memory_space<vmem>>
        %dma_wait3A_254 = arith.constant 0 : i32
        %dma_wait3A_255 = arith.constant 0 : i32
        %dma_wait3A_256 = tpu.memref_slice %arg11[%dma_wait3A_254, %dma_wait3A_255] : memref<10000x128xf32, #tpu.memory_space<vmem_shared>> -> memref<10000x128xf32, #tpu.memory_space<vmem_shared>>
        tpu.wait_indirect_dma semaphore(%arg15 : memref<!tpu.dma_semaphore, #tpu.memory_space<semaphore_mem>>) src(%arg8 : memref<100x128xf32, #tpu.memory_space<vmem>>) dst(%dma_wait3A_256 : memref<10000x128xf32, #tpu.memory_space<vmem_shared>>)
        %dma_start3A_257 = arith.constant 4 : i32
        %dma_start3A_258 = arith.constant 0 : i32
        %dma_start3A_259 = tpu.memref_slice %arg7[%rem3A_75, %dma_start3A_257, %dma_start3A_258] : memref<2x10x100xi32, #tpu.memory_space<vmem>> -> memref<1x1x100xi32, #tpu.memory_space<vmem>>
        %dma_start3A_260 = tpu.memref_squeeze %dma_start3A_259 : memref<1x1x100xi32, #tpu.memory_space<vmem>> -> memref<100xi32, #tpu.memory_space<vmem>>
        %dma_start3A_261 = arith.constant 0 : i32
        %dma_start3A_262 = arith.constant 0 : i32
        %dma_start3A_263 = tpu.memref_slice %arg11[%dma_start3A_261, %dma_start3A_262] : memref<10000x128xf32, #tpu.memory_space<vmem_shared>> -> memref<10000x128xf32, #tpu.memory_space<vmem_shared>>
        tpu.enqueue_indirect_dma source(%arg9 : memref<100x128xf32, #tpu.memory_space<vmem>>) target(%dma_start3A_263 : memref<10000x128xf32, #tpu.memory_space<vmem_shared>>) offsets(%dma_start3A_260 : memref<100xi32, #tpu.memory_space<vmem>>) semaphore(%arg16 : memref<!tpu.dma_semaphore, #tpu.memory_space<semaphore_mem>>) {add = true}
        %dma_start3A_264 = arith.constant 6 : i32
        %dma_start3A_265 = arith.constant 0 : i32
        %dma_start3A_266 = tpu.memref_slice %arg6[%rem3A_75, %dma_start3A_264, %dma_start3A_265] : memref<2x10x100xi32, #tpu.memory_space<vmem>> -> memref<1x1x100xi32, #tpu.memory_space<vmem>>
        %dma_start3A_267 = tpu.memref_squeeze %dma_start3A_266 : memref<1x1x100xi32, #tpu.memory_space<vmem>> -> memref<100xi32, #tpu.memory_space<vmem>>
        %dma_start3A_268 = arith.constant 0 : i32
        %dma_start3A_269 = arith.constant 0 : i32
        %dma_start3A_270 = tpu.memref_slice %arg4[%dma_start3A_268, %dma_start3A_269] : memref<10000x128xf32, #tpu.memory_space<hbm>> -> memref<10000x128xf32, #tpu.memory_space<hbm>>
        tpu.enqueue_indirect_dma source(%dma_start3A_270 : memref<10000x128xf32, #tpu.memory_space<hbm>>) target(%arg8 : memref<100x128xf32, #tpu.memory_space<vmem>>) offsets(%dma_start3A_267 : memref<100xi32, #tpu.memory_space<vmem>>) semaphore(%arg12 : memref<!tpu.dma_semaphore, #tpu.memory_space<semaphore_mem>>)
        %dma_wait3A_271 = arith.constant 5 : i32
        %dma_wait3A_272 = arith.constant 0 : i32
        %dma_wait3A_273 = tpu.memref_slice %arg6[%rem3A_75, %dma_wait3A_271, %dma_wait3A_272] : memref<2x10x100xi32, #tpu.memory_space<vmem>> -> memref<1x1x100xi32, #tpu.memory_space<vmem>>
        %dma_wait3A_274 = tpu.memref_squeeze %dma_wait3A_273 : memref<1x1x100xi32, #tpu.memory_space<vmem>> -> memref<100xi32, #tpu.memory_space<vmem>>
        %dma_wait3A_275 = arith.constant 0 : i32
        %dma_wait3A_276 = arith.constant 0 : i32
        %dma_wait3A_277 = tpu.memref_slice %arg4[%dma_wait3A_275, %dma_wait3A_276] : memref<10000x128xf32, #tpu.memory_space<hbm>> -> memref<10000x128xf32, #tpu.memory_space<hbm>>
        tpu.wait_indirect_dma semaphore(%arg14 : memref<!tpu.dma_semaphore, #tpu.memory_space<semaphore_mem>>) src(%dma_wait3A_277 : memref<10000x128xf32, #tpu.memory_space<hbm>>) dst(%arg10 : memref<100x128xf32, #tpu.memory_space<vmem>>)
        %dma_wait3A_278 = arith.constant 4 : i32
        %dma_wait3A_279 = arith.constant 0 : i32
        %dma_wait3A_280 = tpu.memref_slice %arg7[%rem3A_75, %dma_wait3A_278, %dma_wait3A_279] : memref<2x10x100xi32, #tpu.memory_space<vmem>> -> memref<1x1x100xi32, #tpu.memory_space<vmem>>
        %dma_wait3A_281 = tpu.memref_squeeze %dma_wait3A_280 : memref<1x1x100xi32, #tpu.memory_space<vmem>> -> memref<100xi32, #tpu.memory_space<vmem>>
        %dma_wait3A_282 = arith.constant 0 : i32
        %dma_wait3A_283 = arith.constant 0 : i32
        %dma_wait3A_284 = tpu.memref_slice %arg11[%dma_wait3A_282, %dma_wait3A_283] : memref<10000x128xf32, #tpu.memory_space<vmem_shared>> -> memref<10000x128xf32, #tpu.memory_space<vmem_shared>>
        tpu.wait_indirect_dma semaphore(%arg16 : memref<!tpu.dma_semaphore, #tpu.memory_space<semaphore_mem>>) src(%arg9 : memref<100x128xf32, #tpu.memory_space<vmem>>) dst(%dma_wait3A_284 : memref<10000x128xf32, #tpu.memory_space<vmem_shared>>)
        %dma_start3A_285 = arith.constant 5 : i32
        %dma_start3A_286 = arith.constant 0 : i32
        %dma_start3A_287 = tpu.memref_slice %arg7[%rem3A_75, %dma_start3A_285, %dma_start3A_286] : memref<2x10x100xi32, #tpu.memory_space<vmem>> -> memref<1x1x100xi32, #tpu.memory_space<vmem>>
        %dma_start3A_288 = tpu.memref_squeeze %dma_start3A_287 : memref<1x1x100xi32, #tpu.memory_space<vmem>> -> memref<100xi32, #tpu.memory_space<vmem>>
        %dma_start3A_289 = arith.constant 0 : i32
        %dma_start3A_290 = arith.constant 0 : i32
        %dma_start3A_291 = tpu.memref_slice %arg11[%dma_start3A_289, %dma_start3A_290] : memref<10000x128xf32, #tpu.memory_space<vmem_shared>> -> memref<10000x128xf32, #tpu.memory_space<vmem_shared>>
        tpu.enqueue_indirect_dma source(%arg10 : memref<100x128xf32, #tpu.memory_space<vmem>>) target(%dma_start3A_291 : memref<10000x128xf32, #tpu.memory_space<vmem_shared>>) offsets(%dma_start3A_288 : memref<100xi32, #tpu.memory_space<vmem>>) semaphore(%arg17 : memref<!tpu.dma_semaphore, #tpu.memory_space<semaphore_mem>>) {add = true}
        %dma_start3A_292 = arith.constant 7 : i32
        %dma_start3A_293 = arith.constant 0 : i32
        %dma_start3A_294 = tpu.memref_slice %arg6[%rem3A_75, %dma_start3A_292, %dma_start3A_293] : memref<2x10x100xi32, #tpu.memory_space<vmem>> -> memref<1x1x100xi32, #tpu.memory_space<vmem>>
        %dma_start3A_295 = tpu.memref_squeeze %dma_start3A_294 : memref<1x1x100xi32, #tpu.memory_space<vmem>> -> memref<100xi32, #tpu.memory_space<vmem>>
        %dma_start3A_296 = arith.constant 0 : i32
        %dma_start3A_297 = arith.constant 0 : i32
        %dma_start3A_298 = tpu.memref_slice %arg4[%dma_start3A_296, %dma_start3A_297] : memref<10000x128xf32, #tpu.memory_space<hbm>> -> memref<10000x128xf32, #tpu.memory_space<hbm>>
        tpu.enqueue_indirect_dma source(%dma_start3A_298 : memref<10000x128xf32, #tpu.memory_space<hbm>>) target(%arg9 : memref<100x128xf32, #tpu.memory_space<vmem>>) offsets(%dma_start3A_295 : memref<100xi32, #tpu.memory_space<vmem>>) semaphore(%arg13 : memref<!tpu.dma_semaphore, #tpu.memory_space<semaphore_mem>>)
        %dma_wait3A_299 = arith.constant 6 : i32
        %dma_wait3A_300 = arith.constant 0 : i32
        %dma_wait3A_301 = tpu.memref_slice %arg6[%rem3A_75, %dma_wait3A_299, %dma_wait3A_300] : memref<2x10x100xi32, #tpu.memory_space<vmem>> -> memref<1x1x100xi32, #tpu.memory_space<vmem>>
        %dma_wait3A_302 = tpu.memref_squeeze %dma_wait3A_301 : memref<1x1x100xi32, #tpu.memory_space<vmem>> -> memref<100xi32, #tpu.memory_space<vmem>>
        %dma_wait3A_303 = arith.constant 0 : i32
        %dma_wait3A_304 = arith.constant 0 : i32
        %dma_wait3A_305 = tpu.memref_slice %arg4[%dma_wait3A_303, %dma_wait3A_304] : memref<10000x128xf32, #tpu.memory_space<hbm>> -> memref<10000x128xf32, #tpu.memory_space<hbm>>
        tpu.wait_indirect_dma semaphore(%arg12 : memref<!tpu.dma_semaphore, #tpu.memory_space<semaphore_mem>>) src(%dma_wait3A_305 : memref<10000x128xf32, #tpu.memory_space<hbm>>) dst(%arg8 : memref<100x128xf32, #tpu.memory_space<vmem>>)
        %dma_wait3A_306 = arith.constant 5 : i32
        %dma_wait3A_307 = arith.constant 0 : i32
        %dma_wait3A_308 = tpu.memref_slice %arg7[%rem3A_75, %dma_wait3A_306, %dma_wait3A_307] : memref<2x10x100xi32, #tpu.memory_space<vmem>> -> memref<1x1x100xi32, #tpu.memory_space<vmem>>
        %dma_wait3A_309 = tpu.memref_squeeze %dma_wait3A_308 : memref<1x1x100xi32, #tpu.memory_space<vmem>> -> memref<100xi32, #tpu.memory_space<vmem>>
        %dma_wait3A_310 = arith.constant 0 : i32
        %dma_wait3A_311 = arith.constant 0 : i32
        %dma_wait3A_312 = tpu.memref_slice %arg11[%dma_wait3A_310, %dma_wait3A_311] : memref<10000x128xf32, #tpu.memory_space<vmem_shared>> -> memref<10000x128xf32, #tpu.memory_space<vmem_shared>>
        tpu.wait_indirect_dma semaphore(%arg17 : memref<!tpu.dma_semaphore, #tpu.memory_space<semaphore_mem>>) src(%arg10 : memref<100x128xf32, #tpu.memory_space<vmem>>) dst(%dma_wait3A_312 : memref<10000x128xf32, #tpu.memory_space<vmem_shared>>)
        %dma_start3A_313 = arith.constant 6 : i32
        %dma_start3A_314 = arith.constant 0 : i32
        %dma_start3A_315 = tpu.memref_slice %arg7[%rem3A_75, %dma_start3A_313, %dma_start3A_314] : memref<2x10x100xi32, #tpu.memory_space<vmem>> -> memref<1x1x100xi32, #tpu.memory_space<vmem>>
        %dma_start3A_316 = tpu.memref_squeeze %dma_start3A_315 : memref<1x1x100xi32, #tpu.memory_space<vmem>> -> memref<100xi32, #tpu.memory_space<vmem>>
        %dma_start3A_317 = arith.constant 0 : i32
        %dma_start3A_318 = arith.constant 0 : i32
        %dma_start3A_319 = tpu.memref_slice %arg11[%dma_start3A_317, %dma_start3A_318] : memref<10000x128xf32, #tpu.memory_space<vmem_shared>> -> memref<10000x128xf32, #tpu.memory_space<vmem_shared>>
        tpu.enqueue_indirect_dma source(%arg8 : memref<100x128xf32, #tpu.memory_space<vmem>>) target(%dma_start3A_319 : memref<10000x128xf32, #tpu.memory_space<vmem_shared>>) offsets(%dma_start3A_316 : memref<100xi32, #tpu.memory_space<vmem>>) semaphore(%arg15 : memref<!tpu.dma_semaphore, #tpu.memory_space<semaphore_mem>>) {add = true}
        %dma_start3A_320 = arith.constant 8 : i32
        %dma_start3A_321 = arith.constant 0 : i32
        %dma_start3A_322 = tpu.memref_slice %arg6[%rem3A_75, %dma_start3A_320, %dma_start3A_321] : memref<2x10x100xi32, #tpu.memory_space<vmem>> -> memref<1x1x100xi32, #tpu.memory_space<vmem>>
        %dma_start3A_323 = tpu.memref_squeeze %dma_start3A_322 : memref<1x1x100xi32, #tpu.memory_space<vmem>> -> memref<100xi32, #tpu.memory_space<vmem>>
        %dma_start3A_324 = arith.constant 0 : i32
        %dma_start3A_325 = arith.constant 0 : i32
        %dma_start3A_326 = tpu.memref_slice %arg4[%dma_start3A_324, %dma_start3A_325] : memref<10000x128xf32, #tpu.memory_space<hbm>> -> memref<10000x128xf32, #tpu.memory_space<hbm>>
        tpu.enqueue_indirect_dma source(%dma_start3A_326 : memref<10000x128xf32, #tpu.memory_space<hbm>>) target(%arg10 : memref<100x128xf32, #tpu.memory_space<vmem>>) offsets(%dma_start3A_323 : memref<100xi32, #tpu.memory_space<vmem>>) semaphore(%arg14 : memref<!tpu.dma_semaphore, #tpu.memory_space<semaphore_mem>>)
        %dma_wait3A_327 = arith.constant 7 : i32
        %dma_wait3A_328 = arith.constant 0 : i32
        %dma_wait3A_329 = tpu.memref_slice %arg6[%rem3A_75, %dma_wait3A_327, %dma_wait3A_328] : memref<2x10x100xi32, #tpu.memory_space<vmem>> -> memref<1x1x100xi32, #tpu.memory_space<vmem>>
        %dma_wait3A_330 = tpu.memref_squeeze %dma_wait3A_329 : memref<1x1x100xi32, #tpu.memory_space<vmem>> -> memref<100xi32, #tpu.memory_space<vmem>>
        %dma_wait3A_331 = arith.constant 0 : i32
        %dma_wait3A_332 = arith.constant 0 : i32
        %dma_wait3A_333 = tpu.memref_slice %arg4[%dma_wait3A_331, %dma_wait3A_332] : memref<10000x128xf32, #tpu.memory_space<hbm>> -> memref<10000x128xf32, #tpu.memory_space<hbm>>
        tpu.wait_indirect_dma semaphore(%arg13 : memref<!tpu.dma_semaphore, #tpu.memory_space<semaphore_mem>>) src(%dma_wait3A_333 : memref<10000x128xf32, #tpu.memory_space<hbm>>) dst(%arg9 : memref<100x128xf32, #tpu.memory_space<vmem>>)
        %dma_wait3A_334 = arith.constant 6 : i32
        %dma_wait3A_335 = arith.constant 0 : i32
        %dma_wait3A_336 = tpu.memref_slice %arg7[%rem3A_75, %dma_wait3A_334, %dma_wait3A_335] : memref<2x10x100xi32, #tpu.memory_space<vmem>> -> memref<1x1x100xi32, #tpu.memory_space<vmem>>
        %dma_wait3A_337 = tpu.memref_squeeze %dma_wait3A_336 : memref<1x1x100xi32, #tpu.memory_space<vmem>> -> memref<100xi32, #tpu.memory_space<vmem>>
        %dma_wait3A_338 = arith.constant 0 : i32
        %dma_wait3A_339 = arith.constant 0 : i32
        %dma_wait3A_340 = tpu.memref_slice %arg11[%dma_wait3A_338, %dma_wait3A_339] : memref<10000x128xf32, #tpu.memory_space<vmem_shared>> -> memref<10000x128xf32, #tpu.memory_space<vmem_shared>>
        tpu.wait_indirect_dma semaphore(%arg15 : memref<!tpu.dma_semaphore, #tpu.memory_space<semaphore_mem>>) src(%arg8 : memref<100x128xf32, #tpu.memory_space<vmem>>) dst(%dma_wait3A_340 : memref<10000x128xf32, #tpu.memory_space<vmem_shared>>)
        %dma_start3A_341 = arith.constant 7 : i32
        %dma_start3A_342 = arith.constant 0 : i32
        %dma_start3A_343 = tpu.memref_slice %arg7[%rem3A_75, %dma_start3A_341, %dma_start3A_342] : memref<2x10x100xi32, #tpu.memory_space<vmem>> -> memref<1x1x100xi32, #tpu.memory_space<vmem>>
        %dma_start3A_344 = tpu.memref_squeeze %dma_start3A_343 : memref<1x1x100xi32, #tpu.memory_space<vmem>> -> memref<100xi32, #tpu.memory_space<vmem>>
        %dma_start3A_345 = arith.constant 0 : i32
        %dma_start3A_346 = arith.constant 0 : i32
        %dma_start3A_347 = tpu.memref_slice %arg11[%dma_start3A_345, %dma_start3A_346] : memref<10000x128xf32, #tpu.memory_space<vmem_shared>> -> memref<10000x128xf32, #tpu.memory_space<vmem_shared>>
        tpu.enqueue_indirect_dma source(%arg9 : memref<100x128xf32, #tpu.memory_space<vmem>>) target(%dma_start3A_347 : memref<10000x128xf32, #tpu.memory_space<vmem_shared>>) offsets(%dma_start3A_344 : memref<100xi32, #tpu.memory_space<vmem>>) semaphore(%arg16 : memref<!tpu.dma_semaphore, #tpu.memory_space<semaphore_mem>>) {add = true}
        %dma_start3A_348 = arith.constant 9 : i32
        %dma_start3A_349 = arith.constant 0 : i32
        %dma_start3A_350 = tpu.memref_slice %arg6[%rem3A_75, %dma_start3A_348, %dma_start3A_349] : memref<2x10x100xi32, #tpu.memory_space<vmem>> -> memref<1x1x100xi32, #tpu.memory_space<vmem>>
        %dma_start3A_351 = tpu.memref_squeeze %dma_start3A_350 : memref<1x1x100xi32, #tpu.memory_space<vmem>> -> memref<100xi32, #tpu.memory_space<vmem>>
        %dma_start3A_352 = arith.constant 0 : i32
        %dma_start3A_353 = arith.constant 0 : i32
        %dma_start3A_354 = tpu.memref_slice %arg4[%dma_start3A_352, %dma_start3A_353] : memref<10000x128xf32, #tpu.memory_space<hbm>> -> memref<10000x128xf32, #tpu.memory_space<hbm>>
        tpu.enqueue_indirect_dma source(%dma_start3A_354 : memref<10000x128xf32, #tpu.memory_space<hbm>>) target(%arg8 : memref<100x128xf32, #tpu.memory_space<vmem>>) offsets(%dma_start3A_351 : memref<100xi32, #tpu.memory_space<vmem>>) semaphore(%arg12 : memref<!tpu.dma_semaphore, #tpu.memory_space<semaphore_mem>>)
        %dma_wait3A_355 = arith.constant 8 : i32
        %dma_wait3A_356 = arith.constant 0 : i32
        %dma_wait3A_357 = tpu.memref_slice %arg6[%rem3A_75, %dma_wait3A_355, %dma_wait3A_356] : memref<2x10x100xi32, #tpu.memory_space<vmem>> -> memref<1x1x100xi32, #tpu.memory_space<vmem>>
        %dma_wait3A_358 = tpu.memref_squeeze %dma_wait3A_357 : memref<1x1x100xi32, #tpu.memory_space<vmem>> -> memref<100xi32, #tpu.memory_space<vmem>>
        %dma_wait3A_359 = arith.constant 0 : i32
        %dma_wait3A_360 = arith.constant 0 : i32
        %dma_wait3A_361 = tpu.memref_slice %arg4[%dma_wait3A_359, %dma_wait3A_360] : memref<10000x128xf32, #tpu.memory_space<hbm>> -> memref<10000x128xf32, #tpu.memory_space<hbm>>
        tpu.wait_indirect_dma semaphore(%arg14 : memref<!tpu.dma_semaphore, #tpu.memory_space<semaphore_mem>>) src(%dma_wait3A_361 : memref<10000x128xf32, #tpu.memory_space<hbm>>) dst(%arg10 : memref<100x128xf32, #tpu.memory_space<vmem>>)
        %dma_wait3A_362 = arith.constant 7 : i32
        %dma_wait3A_363 = arith.constant 0 : i32
        %dma_wait3A_364 = tpu.memref_slice %arg7[%rem3A_75, %dma_wait3A_362, %dma_wait3A_363] : memref<2x10x100xi32, #tpu.memory_space<vmem>> -> memref<1x1x100xi32, #tpu.memory_space<vmem>>
        %dma_wait3A_365 = tpu.memref_squeeze %dma_wait3A_364 : memref<1x1x100xi32, #tpu.memory_space<vmem>> -> memref<100xi32, #tpu.memory_space<vmem>>
        %dma_wait3A_366 = arith.constant 0 : i32
        %dma_wait3A_367 = arith.constant 0 : i32
        %dma_wait3A_368 = tpu.memref_slice %arg11[%dma_wait3A_366, %dma_wait3A_367] : memref<10000x128xf32, #tpu.memory_space<vmem_shared>> -> memref<10000x128xf32, #tpu.memory_space<vmem_shared>>
        tpu.wait_indirect_dma semaphore(%arg16 : memref<!tpu.dma_semaphore, #tpu.memory_space<semaphore_mem>>) src(%arg9 : memref<100x128xf32, #tpu.memory_space<vmem>>) dst(%dma_wait3A_368 : memref<10000x128xf32, #tpu.memory_space<vmem_shared>>)
        %dma_start3A_369 = arith.constant 8 : i32
        %dma_start3A_370 = arith.constant 0 : i32
        %dma_start3A_371 = tpu.memref_slice %arg7[%rem3A_75, %dma_start3A_369, %dma_start3A_370] : memref<2x10x100xi32, #tpu.memory_space<vmem>> -> memref<1x1x100xi32, #tpu.memory_space<vmem>>
        %dma_start3A_372 = tpu.memref_squeeze %dma_start3A_371 : memref<1x1x100xi32, #tpu.memory_space<vmem>> -> memref<100xi32, #tpu.memory_space<vmem>>
        %dma_start3A_373 = arith.constant 0 : i32
        %dma_start3A_374 = arith.constant 0 : i32
        %dma_start3A_375 = tpu.memref_slice %arg11[%dma_start3A_373, %dma_start3A_374] : memref<10000x128xf32, #tpu.memory_space<vmem_shared>> -> memref<10000x128xf32, #tpu.memory_space<vmem_shared>>
        tpu.enqueue_indirect_dma source(%arg10 : memref<100x128xf32, #tpu.memory_space<vmem>>) target(%dma_start3A_375 : memref<10000x128xf32, #tpu.memory_space<vmem_shared>>) offsets(%dma_start3A_372 : memref<100xi32, #tpu.memory_space<vmem>>) semaphore(%arg17 : memref<!tpu.dma_semaphore, #tpu.memory_space<semaphore_mem>>) {add = true}
        %dma_wait3A_376 = arith.constant 9 : i32
        %dma_wait3A_377 = arith.constant 0 : i32
        %dma_wait3A_378 = tpu.memref_slice %arg6[%rem3A_75, %dma_wait3A_376, %dma_wait3A_377] : memref<2x10x100xi32, #tpu.memory_space<vmem>> -> memref<1x1x100xi32, #tpu.memory_space<vmem>>
        %dma_wait3A_379 = tpu.memref_squeeze %dma_wait3A_378 : memref<1x1x100xi32, #tpu.memory_space<vmem>> -> memref<100xi32, #tpu.memory_space<vmem>>
        %dma_wait3A_380 = arith.constant 0 : i32
        %dma_wait3A_381 = arith.constant 0 : i32
        %dma_wait3A_382 = tpu.memref_slice %arg4[%dma_wait3A_380, %dma_wait3A_381] : memref<10000x128xf32, #tpu.memory_space<hbm>> -> memref<10000x128xf32, #tpu.memory_space<hbm>>
        tpu.wait_indirect_dma semaphore(%arg12 : memref<!tpu.dma_semaphore, #tpu.memory_space<semaphore_mem>>) src(%dma_wait3A_382 : memref<10000x128xf32, #tpu.memory_space<hbm>>) dst(%arg8 : memref<100x128xf32, #tpu.memory_space<vmem>>)
        %dma_wait3A_383 = arith.constant 8 : i32
        %dma_wait3A_384 = arith.constant 0 : i32
        %dma_wait3A_385 = tpu.memref_slice %arg7[%rem3A_75, %dma_wait3A_383, %dma_wait3A_384] : memref<2x10x100xi32, #tpu.memory_space<vmem>> -> memref<1x1x100xi32, #tpu.memory_space<vmem>>
        %dma_wait3A_386 = tpu.memref_squeeze %dma_wait3A_385 : memref<1x1x100xi32, #tpu.memory_space<vmem>> -> memref<100xi32, #tpu.memory_space<vmem>>
        %dma_wait3A_387 = arith.constant 0 : i32
        %dma_wait3A_388 = arith.constant 0 : i32
        %dma_wait3A_389 = tpu.memref_slice %arg11[%dma_wait3A_387, %dma_wait3A_388] : memref<10000x128xf32, #tpu.memory_space<vmem_shared>> -> memref<10000x128xf32, #tpu.memory_space<vmem_shared>>
        tpu.wait_indirect_dma semaphore(%arg17 : memref<!tpu.dma_semaphore, #tpu.memory_space<semaphore_mem>>) src(%arg10 : memref<100x128xf32, #tpu.memory_space<vmem>>) dst(%dma_wait3A_389 : memref<10000x128xf32, #tpu.memory_space<vmem_shared>>)
        %dma_start3A_390 = arith.constant 9 : i32
        %dma_start3A_391 = arith.constant 0 : i32
        %dma_start3A_392 = tpu.memref_slice %arg7[%rem3A_75, %dma_start3A_390, %dma_start3A_391] : memref<2x10x100xi32, #tpu.memory_space<vmem>> -> memref<1x1x100xi32, #tpu.memory_space<vmem>>
        %dma_start3A_393 = tpu.memref_squeeze %dma_start3A_392 : memref<1x1x100xi32, #tpu.memory_space<vmem>> -> memref<100xi32, #tpu.memory_space<vmem>>
        %dma_start3A_394 = arith.constant 0 : i32
        %dma_start3A_395 = arith.constant 0 : i32
        %dma_start3A_396 = tpu.memref_slice %arg11[%dma_start3A_394, %dma_start3A_395] : memref<10000x128xf32, #tpu.memory_space<vmem_shared>> -> memref<10000x128xf32, #tpu.memory_space<vmem_shared>>
        tpu.enqueue_indirect_dma source(%arg8 : memref<100x128xf32, #tpu.memory_space<vmem>>) target(%dma_start3A_396 : memref<10000x128xf32, #tpu.memory_space<vmem_shared>>) offsets(%dma_start3A_393 : memref<100xi32, #tpu.memory_space<vmem>>) semaphore(%arg15 : memref<!tpu.dma_semaphore, #tpu.memory_space<semaphore_mem>>) {add = true}
        %dma_wait3A_397 = arith.constant 9 : i32
        %dma_wait3A_398 = arith.constant 0 : i32
        %dma_wait3A_399 = tpu.memref_slice %arg7[%rem3A_75, %dma_wait3A_397, %dma_wait3A_398] : memref<2x10x100xi32, #tpu.memory_space<vmem>> -> memref<1x1x100xi32, #tpu.memory_space<vmem>>
        %dma_wait3A_400 = tpu.memref_squeeze %dma_wait3A_399 : memref<1x1x100xi32, #tpu.memory_space<vmem>> -> memref<100xi32, #tpu.memory_space<vmem>>
        %dma_wait3A_401 = arith.constant 0 : i32
        %dma_wait3A_402 = arith.constant 0 : i32
        %dma_wait3A_403 = tpu.memref_slice %arg11[%dma_wait3A_401, %dma_wait3A_402] : memref<10000x128xf32, #tpu.memory_space<vmem_shared>> -> memref<10000x128xf32, #tpu.memory_space<vmem_shared>>
        tpu.wait_indirect_dma semaphore(%arg15 : memref<!tpu.dma_semaphore, #tpu.memory_space<semaphore_mem>>) src(%arg8 : memref<100x128xf32, #tpu.memory_space<vmem>>) dst(%dma_wait3A_403 : memref<10000x128xf32, #tpu.memory_space<vmem_shared>>)
      } else {
      }
    }
    %while3A_62 = arith.constant 1 : i32
    scf.for %while3A_74 = %while3A_60 to %while3A_56 step %while3A_62  : i32 {
      %rem3A = arith.constant 2 : i32
      %rem3A_75 = arith.remsi %while3A_74, %rem3A : i32
      %mul3A_76 = arith.constant 16 : i32
      %mul3A_77 = arith.muli %while3A_74, %mul3A_76 : i32
      %add3A_78 = arith.addi %arg1, %mul3A_77 : i32
      %lt3A_79 = arith.constant 160 : i32
      %lt3A_80 = arith.cmpi slt, %add3A_78, %lt3A_79 : i32
      %convert_element_type3A_81 = arith.extui %lt3A_80 : i1 to i32
      %cond3A_82 = arith.constant 0 : i32
      %cond3A_83 = arith.cmpi ne, %convert_element_type3A_81, %cond3A_82 : i32
      scf.if %cond3A_83 {
        %dma_wait3A = arith.constant 0 : i32
        %dma_wait3A_84 = arith.constant 0 : i32
        %dma_wait3A_85 = arith.constant 0 : i32
        %dma_wait3A_86 = tpu.memref_slice %arg6[%rem3A_75, %dma_wait3A_84, %dma_wait3A_85] : memref<2x10x100xi32, #tpu.memory_space<vmem>> -> memref<1x10x100xi32, #tpu.memory_space<vmem>>
        %dma_wait3A_87 = tpu.memref_squeeze %dma_wait3A_86 : memref<1x10x100xi32, #tpu.memory_space<vmem>> -> memref<10x100xi32, #tpu.memory_space<vmem>>
        %dma_wait3A_88 = arith.constant 0 : i32
        %dma_wait3A_89 = arith.constant 0 : i32
        %dma_wait3A_90 = tpu.memref_slice %arg2[%dma_wait3A, %dma_wait3A_88, %dma_wait3A_89] : memref<320x10x100xi32, #tpu.memory_space<hbm>> -> memref<1x10x100xi32, #tpu.memory_space<hbm>>
        %dma_wait3A_91 = tpu.memref_squeeze %dma_wait3A_90 : memref<1x10x100xi32, #tpu.memory_space<hbm>> -> memref<10x100xi32, #tpu.memory_space<hbm>>
        %dma_wait3A_92 = arith.constant 0 : i32
        %dma_wait3A_93 = arith.constant 0 : i32
        %dma_wait3A_94 = tpu.memref_slice %arg6[%rem3A_75, %dma_wait3A_92, %dma_wait3A_93] : memref<2x10x100xi32, #tpu.memory_space<vmem>> -> memref<1x10x100xi32, #tpu.memory_space<vmem>>
        %dma_wait3A_95 = tpu.memref_squeeze %dma_wait3A_94 : memref<1x10x100xi32, #tpu.memory_space<vmem>> -> memref<10x100xi32, #tpu.memory_space<vmem>>
        %dma_wait3A_96 = arith.constant 0 : i32
        %dma_wait3A_97 = arith.constant 0 : i32
        %dma_wait3A_98 = tpu.memref_slice %arg2[%dma_wait3A, %dma_wait3A_96, %dma_wait3A_97] : memref<320x10x100xi32, #tpu.memory_space<hbm>> -> memref<1x10x100xi32, #tpu.memory_space<hbm>>
        %dma_wait3A_99 = tpu.memref_squeeze %dma_wait3A_98 : memref<1x10x100xi32, #tpu.memory_space<hbm>> -> memref<10x100xi32, #tpu.memory_space<hbm>>
        tpu.wait_dma2 semaphore(%arg18 : memref<!tpu.dma_semaphore, #tpu.memory_space<semaphore_mem>>) src(%dma_wait3A_99 : memref<10x100xi32, #tpu.memory_space<hbm>>) dst(%dma_wait3A_95 : memref<10x100xi32, #tpu.memory_space<vmem>>)
        %dma_wait3A_100 = arith.constant 0 : i32
        %dma_wait3A_101 = arith.constant 0 : i32
        %dma_wait3A_102 = arith.constant 0 : i32
        %dma_wait3A_103 = tpu.memref_slice %arg7[%rem3A_75, %dma_wait3A_101, %dma_wait3A_102] : memref<2x10x100xi32, #tpu.memory_space<vmem>> -> memref<1x10x100xi32, #tpu.memory_space<vmem>>
        %dma_wait3A_104 = tpu.memref_squeeze %dma_wait3A_103 : memref<1x10x100xi32, #tpu.memory_space<vmem>> -> memref<10x100xi32, #tpu.memory_space<vmem>>
        %dma_wait3A_105 = arith.constant 0 : i32
        %dma_wait3A_106 = arith.constant 0 : i32
        %dma_wait3A_107 = tpu.memref_slice %arg3[%dma_wait3A_100, %dma_wait3A_105, %dma_wait3A_106] : memref<320x10x100xi32, #tpu.memory_space<hbm>> -> memref<1x10x100xi32, #tpu.memory_space<hbm>>
        %dma_wait3A_108 = tpu.memref_squeeze %dma_wait3A_107 : memref<1x10x100xi32, #tpu.memory_space<hbm>> -> memref<10x100xi32, #tpu.memory_space<hbm>>
        %dma_wait3A_109 = arith.constant 0 : i32
        %dma_wait3A_110 = arith.constant 0 : i32
        %dma_wait3A_111 = tpu.memref_slice %arg7[%rem3A_75, %dma_wait3A_109, %dma_wait3A_110] : memref<2x10x100xi32, #tpu.memory_space<vmem>> -> memref<1x10x100xi32, #tpu.memory_space<vmem>>
        %dma_wait3A_112 = tpu.memref_squeeze %dma_wait3A_111 : memref<1x10x100xi32, #tpu.memory_space<vmem>> -> memref<10x100xi32, #tpu.memory_space<vmem>>
        %dma_wait3A_113 = arith.constant 0 : i32
        %dma_wait3A_114 = arith.constant 0 : i32
        %dma_wait3A_115 = tpu.memref_slice %arg3[%dma_wait3A_100, %dma_wait3A_113, %dma_wait3A_114] : memref<320x10x100xi32, #tpu.memory_space<hbm>> -> memref<1x10x100xi32, #tpu.memory_space<hbm>>
        %dma_wait3A_116 = tpu.memref_squeeze %dma_wait3A_115 : memref<1x10x100xi32, #tpu.memory_space<hbm>> -> memref<10x100xi32, #tpu.memory_space<hbm>>
        tpu.wait_dma2 semaphore(%arg19 : memref<!tpu.dma_semaphore, #tpu.memory_space<semaphore_mem>>) src(%dma_wait3A_116 : memref<10x100xi32, #tpu.memory_space<hbm>>) dst(%dma_wait3A_112 : memref<10x100xi32, #tpu.memory_space<vmem>>)
        %add3A_117 = arith.constant 16 : i32
        %add3A_118 = arith.addi %add3A_78, %add3A_117 : i32
        %lt3A_119 = arith.constant 160 : i32
        %lt3A_120 = arith.cmpi slt, %add3A_118, %lt3A_119 : i32
        %convert_element_type3A_121 = arith.extui %lt3A_120 : i1 to i32
        %cond3A_122 = arith.constant 0 : i32
        %cond3A_123 = arith.cmpi ne, %convert_element_type3A_121, %cond3A_122 : i32
        scf.if %cond3A_123 {
          %add3A_404 = arith.constant 1 : i32
          %add3A_405 = arith.addi %while3A_74, %add3A_404 : i32
          %sub3A = arith.constant 1 : i32
          %sub3A_406 = arith.subi %sub3A, %rem3A_75 : i32
          %mul3A_407 = arith.constant 160 : i32
          %mul3A_408 = arith.muli %arg0, %mul3A_407 : i32
          %add3A_409 = arith.addi %mul3A_408, %arg1 : i32
          %mul3A_410 = arith.constant 16 : i32
          %mul3A_411 = arith.muli %add3A_405, %mul3A_410 : i32
          %add3A_412 = arith.addi %add3A_409, %mul3A_411 : i32
          %dma_start3A_413 = arith.constant 0 : i32
          %dma_start3A_414 = arith.constant 0 : i32
          %dma_start3A_415 = tpu.memref_slice %arg6[%sub3A_406, %dma_start3A_413, %dma_start3A_414] : memref<2x10x100xi32, #tpu.memory_space<vmem>> -> memref<1x10x100xi32, #tpu.memory_space<vmem>>
          %dma_start3A_416 = tpu.memref_squeeze %dma_start3A_415 : memref<1x10x100xi32, #tpu.memory_space<vmem>> -> memref<10x100xi32, #tpu.memory_space<vmem>>
          %dma_start3A_417 = arith.constant 0 : i32
          %dma_start3A_418 = arith.constant 0 : i32
          %dma_start3A_419 = tpu.memref_slice %arg2[%add3A_412, %dma_start3A_417, %dma_start3A_418] : memref<320x10x100xi32, #tpu.memory_space<hbm>> -> memref<1x10x100xi32, #tpu.memory_space<hbm>>
          %dma_start3A_420 = tpu.memref_squeeze %dma_start3A_419 : memref<1x10x100xi32, #tpu.memory_space<hbm>> -> memref<10x100xi32, #tpu.memory_space<hbm>>
          %dma_start3A_421 = arith.constant 0 : i32
          %dma_start3A_422 = arith.constant 0 : i32
          %dma_start3A_423 = tpu.memref_slice %arg6[%sub3A_406, %dma_start3A_421, %dma_start3A_422] : memref<2x10x100xi32, #tpu.memory_space<vmem>> -> memref<1x10x100xi32, #tpu.memory_space<vmem>>
          %dma_start3A_424 = tpu.memref_squeeze %dma_start3A_423 : memref<1x10x100xi32, #tpu.memory_space<vmem>> -> memref<10x100xi32, #tpu.memory_space<vmem>>
          %dma_start3A_425 = arith.constant 0 : i32
          %dma_start3A_426 = arith.constant 0 : i32
          %dma_start3A_427 = tpu.memref_slice %arg2[%add3A_412, %dma_start3A_425, %dma_start3A_426] : memref<320x10x100xi32, #tpu.memory_space<hbm>> -> memref<1x10x100xi32, #tpu.memory_space<hbm>>
          %dma_start3A_428 = tpu.memref_squeeze %dma_start3A_427 : memref<1x10x100xi32, #tpu.memory_space<hbm>> -> memref<10x100xi32, #tpu.memory_space<hbm>>
          tpu.enqueue_dma source(%dma_start3A_428 : memref<10x100xi32, #tpu.memory_space<hbm>>) target(%dma_start3A_424 : memref<10x100xi32, #tpu.memory_space<vmem>>) target_semaphore(%arg18 : memref<!tpu.dma_semaphore, #tpu.memory_space<semaphore_mem>>)
          %dma_start3A_429 = arith.constant 0 : i32
          %dma_start3A_430 = arith.constant 0 : i32
          %dma_start3A_431 = tpu.memref_slice %arg7[%sub3A_406, %dma_start3A_429, %dma_start3A_430] : memref<2x10x100xi32, #tpu.memory_space<vmem>> -> memref<1x10x100xi32, #tpu.memory_space<vmem>>
          %dma_start3A_432 = tpu.memref_squeeze %dma_start3A_431 : memref<1x10x100xi32, #tpu.memory_space<vmem>> -> memref<10x100xi32, #tpu.memory_space<vmem>>
          %dma_start3A_433 = arith.constant 0 : i32
          %dma_start3A_434 = arith.constant 0 : i32
          %dma_start3A_435 = tpu.memref_slice %arg3[%add3A_412, %dma_start3A_433, %dma_start3A_434] : memref<320x10x100xi32, #tpu.memory_space<hbm>> -> memref<1x10x100xi32, #tpu.memory_space<hbm>>
          %dma_start3A_436 = tpu.memref_squeeze %dma_start3A_435 : memref<1x10x100xi32, #tpu.memory_space<hbm>> -> memref<10x100xi32, #tpu.memory_space<hbm>>
          %dma_start3A_437 = arith.constant 0 : i32
          %dma_start3A_438 = arith.constant 0 : i32
          %dma_start3A_439 = tpu.memref_slice %arg7[%sub3A_406, %dma_start3A_437, %dma_start3A_438] : memref<2x10x100xi32, #tpu.memory_space<vmem>> -> memref<1x10x100xi32, #tpu.memory_space<vmem>>
          %dma_start3A_440 = tpu.memref_squeeze %dma_start3A_439 : memref<1x10x100xi32, #tpu.memory_space<vmem>> -> memref<10x100xi32, #tpu.memory_space<vmem>>
          %dma_start3A_441 = arith.constant 0 : i32
          %dma_start3A_442 = arith.constant 0 : i32
          %dma_start3A_443 = tpu.memref_slice %arg3[%add3A_412, %dma_start3A_441, %dma_start3A_442] : memref<320x10x100xi32, #tpu.memory_space<hbm>> -> memref<1x10x100xi32, #tpu.memory_space<hbm>>
          %dma_start3A_444 = tpu.memref_squeeze %dma_start3A_443 : memref<1x10x100xi32, #tpu.memory_space<hbm>> -> memref<10x100xi32, #tpu.memory_space<hbm>>
          tpu.enqueue_dma source(%dma_start3A_444 : memref<10x100xi32, #tpu.memory_space<hbm>>) target(%dma_start3A_440 : memref<10x100xi32, #tpu.memory_space<vmem>>) target_semaphore(%arg19 : memref<!tpu.dma_semaphore, #tpu.memory_space<semaphore_mem>>)
        } else {
        }
        %dma_start3A_124 = arith.constant 0 : i32
        %dma_start3A_125 = arith.constant 0 : i32
        %dma_start3A_126 = tpu.memref_slice %arg6[%rem3A_75, %dma_start3A_124, %dma_start3A_125] : memref<2x10x100xi32, #tpu.memory_space<vmem>> -> memref<1x1x100xi32, #tpu.memory_space<vmem>>
        %dma_start3A_127 = tpu.memref_squeeze %dma_start3A_126 : memref<1x1x100xi32, #tpu.memory_space<vmem>> -> memref<100xi32, #tpu.memory_space<vmem>>
        %dma_start3A_128 = arith.constant 0 : i32
        %dma_start3A_129 = arith.constant 0 : i32
        %dma_start3A_130 = tpu.memref_slice %arg4[%dma_start3A_128, %dma_start3A_129] : memref<10000x128xf32, #tpu.memory_space<hbm>> -> memref<10000x128xf32, #tpu.memory_space<hbm>>
        tpu.enqueue_indirect_dma source(%dma_start3A_130 : memref<10000x128xf32, #tpu.memory_space<hbm>>) target(%arg8 : memref<100x128xf32, #tpu.memory_space<vmem>>) offsets(%dma_start3A_127 : memref<100xi32, #tpu.memory_space<vmem>>) semaphore(%arg12 : memref<!tpu.dma_semaphore, #tpu.memory_space<semaphore_mem>>)
        %dma_start3A_131 = arith.constant 1 : i32
        %dma_start3A_132 = arith.constant 0 : i32
        %dma_start3A_133 = tpu.memref_slice %arg6[%rem3A_75, %dma_start3A_131, %dma_start3A_132] : memref<2x10x100xi32, #tpu.memory_space<vmem>> -> memref<1x1x100xi32, #tpu.memory_space<vmem>>
        %dma_start3A_134 = tpu.memref_squeeze %dma_start3A_133 : memref<1x1x100xi32, #tpu.memory_space<vmem>> -> memref<100xi32, #tpu.memory_space<vmem>>
        %dma_start3A_135 = arith.constant 0 : i32
        %dma_start3A_136 = arith.constant 0 : i32
        %dma_start3A_137 = tpu.memref_slice %arg4[%dma_start3A_135, %dma_start3A_136] : memref<10000x128xf32, #tpu.memory_space<hbm>> -> memref<10000x128xf32, #tpu.memory_space<hbm>>
        tpu.enqueue_indirect_dma source(%dma_start3A_137 : memref<10000x128xf32, #tpu.memory_space<hbm>>) target(%arg9 : memref<100x128xf32, #tpu.memory_space<vmem>>) offsets(%dma_start3A_134 : memref<100xi32, #tpu.memory_space<vmem>>) semaphore(%arg13 : memref<!tpu.dma_semaphore, #tpu.memory_space<semaphore_mem>>)
        %dma_wait3A_138 = arith.constant 0 : i32
        %dma_wait3A_139 = arith.constant 0 : i32
        %dma_wait3A_140 = tpu.memref_slice %arg6[%rem3A_75, %dma_wait3A_138, %dma_wait3A_139] : memref<2x10x100xi32, #tpu.memory_space<vmem>> -> memref<1x1x100xi32, #tpu.memory_space<vmem>>
        %dma_wait3A_141 = tpu.memref_squeeze %dma_wait3A_140 : memref<1x1x100xi32, #tpu.memory_space<vmem>> -> memref<100xi32, #tpu.memory_space<vmem>>
        %dma_wait3A_142 = arith.constant 0 : i32
        %dma_wait3A_143 = arith.constant 0 : i32
        %dma_wait3A_144 = tpu.memref_slice %arg4[%dma_wait3A_142, %dma_wait3A_143] : memref<10000x128xf32, #tpu.memory_space<hbm>> -> memref<10000x128xf32, #tpu.memory_space<hbm>>
        tpu.wait_indirect_dma semaphore(%arg12 : memref<!tpu.dma_semaphore, #tpu.memory_space<semaphore_mem>>) src(%dma_wait3A_144 : memref<10000x128xf32, #tpu.memory_space<hbm>>) dst(%arg8 : memref<100x128xf32, #tpu.memory_space<vmem>>)
        %dma_start3A_145 = arith.constant 0 : i32
        %dma_start3A_146 = arith.constant 0 : i32
        %dma_start3A_147 = tpu.memref_slice %arg7[%rem3A_75, %dma_start3A_145, %dma_start3A_146] : memref<2x10x100xi32, #tpu.memory_space<vmem>> -> memref<1x1x100xi32, #tpu.memory_space<vmem>>
        %dma_start3A_148 = tpu.memref_squeeze %dma_start3A_147 : memref<1x1x100xi32, #tpu.memory_space<vmem>> -> memref<100xi32, #tpu.memory_space<vmem>>
        %dma_start3A_149 = arith.constant 0 : i32
        %dma_start3A_150 = arith.constant 0 : i32
        %dma_start3A_151 = tpu.memref_slice %arg11[%dma_start3A_149, %dma_start3A_150] : memref<10000x128xf32, #tpu.memory_space<vmem_shared>> -> memref<10000x128xf32, #tpu.memory_space<vmem_shared>>
        tpu.enqueue_indirect_dma source(%arg8 : memref<100x128xf32, #tpu.memory_space<vmem>>) target(%dma_start3A_151 : memref<10000x128xf32, #tpu.memory_space<vmem_shared>>) offsets(%dma_start3A_148 : memref<100xi32, #tpu.memory_space<vmem>>) semaphore(%arg15 : memref<!tpu.dma_semaphore, #tpu.memory_space<semaphore_mem>>) {add = true}
        %dma_start3A_152 = arith.constant 2 : i32
        %dma_start3A_153 = arith.constant 0 : i32
        %dma_start3A_154 = tpu.memref_slice %arg6[%rem3A_75, %dma_start3A_152, %dma_start3A_153] : memref<2x10x100xi32, #tpu.memory_space<vmem>> -> memref<1x1x100xi32, #tpu.memory_space<vmem>>
        %dma_start3A_155 = tpu.memref_squeeze %dma_start3A_154 : memref<1x1x100xi32, #tpu.memory_space<vmem>> -> memref<100xi32, #tpu.memory_space<vmem>>
        %dma_start3A_156 = arith.constant 0 : i32
        %dma_start3A_157 = arith.constant 0 : i32
        %dma_start3A_158 = tpu.memref_slice %arg4[%dma_start3A_156, %dma_start3A_157] : memref<10000x128xf32, #tpu.memory_space<hbm>> -> memref<10000x128xf32, #tpu.memory_space<hbm>>
        tpu.enqueue_indirect_dma source(%dma_start3A_158 : memref<10000x128xf32, #tpu.memory_space<hbm>>) target(%arg10 : memref<100x128xf32, #tpu.memory_space<vmem>>) offsets(%dma_start3A_155 : memref<100xi32, #tpu.memory_space<vmem>>) semaphore(%arg14 : memref<!tpu.dma_semaphore, #tpu.memory_space<semaphore_mem>>)
        %dma_wait3A_159 = arith.constant 1 : i32
        %dma_wait3A_160 = arith.constant 0 : i32
        %dma_wait3A_161 = tpu.memref_slice %arg6[%rem3A_75, %dma_wait3A_159, %dma_wait3A_160] : memref<2x10x100xi32, #tpu.memory_space<vmem>> -> memref<1x1x100xi32, #tpu.memory_space<vmem>>
        %dma_wait3A_162 = tpu.memref_squeeze %dma_wait3A_161 : memref<1x1x100xi32, #tpu.memory_space<vmem>> -> memref<100xi32, #tpu.memory_space<vmem>>
        %dma_wait3A_163 = arith.constant 0 : i32
        %dma_wait3A_164 = arith.constant 0 : i32
        %dma_wait3A_165 = tpu.memref_slice %arg4[%dma_wait3A_163, %dma_wait3A_164] : memref<10000x128xf32, #tpu.memory_space<hbm>> -> memref<10000x128xf32, #tpu.memory_space<hbm>>
        tpu.wait_indirect_dma semaphore(%arg13 : memref<!tpu.dma_semaphore, #tpu.memory_space<semaphore_mem>>) src(%dma_wait3A_165 : memref<10000x128xf32, #tpu.memory_space<hbm>>) dst(%arg9 : memref<100x128xf32, #tpu.memory_space<vmem>>)
        %dma_wait3A_166 = arith.constant 0 : i32
        %dma_wait3A_167 = arith.constant 0 : i32
        %dma_wait3A_168 = tpu.memref_slice %arg7[%rem3A_75, %dma_wait3A_166, %dma_wait3A_167] : memref<2x10x100xi32, #tpu.memory_space<vmem>> -> memref<1x1x100xi32, #tpu.memory_space<vmem>>
        %dma_wait3A_169 = tpu.memref_squeeze %dma_wait3A_168 : memref<1x1x100xi32, #tpu.memory_space<vmem>> -> memref<100xi32, #tpu.memory_space<vmem>>
        %dma_wait3A_170 = arith.constant 0 : i32
        %dma_wait3A_171 = arith.constant 0 : i32
        %dma_wait3A_172 = tpu.memref_slice %arg11[%dma_wait3A_170, %dma_wait3A_171] : memref<10000x128xf32, #tpu.memory_space<vmem_shared>> -> memref<10000x128xf32, #tpu.memory_space<vmem_shared>>
        tpu.wait_indirect_dma semaphore(%arg15 : memref<!tpu.dma_semaphore, #tpu.memory_space<semaphore_mem>>) src(%arg8 : memref<100x128xf32, #tpu.memory_space<vmem>>) dst(%dma_wait3A_172 : memref<10000x128xf32, #tpu.memory_space<vmem_shared>>)
        %dma_start3A_173 = arith.constant 1 : i32
        %dma_start3A_174 = arith.constant 0 : i32
        %dma_start3A_175 = tpu.memref_slice %arg7[%rem3A_75, %dma_start3A_173, %dma_start3A_174] : memref<2x10x100xi32, #tpu.memory_space<vmem>> -> memref<1x1x100xi32, #tpu.memory_space<vmem>>
        %dma_start3A_176 = tpu.memref_squeeze %dma_start3A_175 : memref<1x1x100xi32, #tpu.memory_space<vmem>> -> memref<100xi32, #tpu.memory_space<vmem>>
        %dma_start3A_177 = arith.constant 0 : i32
        %dma_start3A_178 = arith.constant 0 : i32
        %dma_start3A_179 = tpu.memref_slice %arg11[%dma_start3A_177, %dma_start3A_178] : memref<10000x128xf32, #tpu.memory_space<vmem_shared>> -> memref<10000x128xf32, #tpu.memory_space<vmem_shared>>
        tpu.enqueue_indirect_dma source(%arg9 : memref<100x128xf32, #tpu.memory_space<vmem>>) target(%dma_start3A_179 : memref<10000x128xf32, #tpu.memory_space<vmem_shared>>) offsets(%dma_start3A_176 : memref<100xi32, #tpu.memory_space<vmem>>) semaphore(%arg16 : memref<!tpu.dma_semaphore, #tpu.memory_space<semaphore_mem>>) {add = true}
        %dma_start3A_180 = arith.constant 3 : i32
        %dma_start3A_181 = arith.constant 0 : i32
        %dma_start3A_182 = tpu.memref_slice %arg6[%rem3A_75, %dma_start3A_180, %dma_start3A_181] : memref<2x10x100xi32, #tpu.memory_space<vmem>> -> memref<1x1x100xi32, #tpu.memory_space<vmem>>
        %dma_start3A_183 = tpu.memref_squeeze %dma_start3A_182 : memref<1x1x100xi32, #tpu.memory_space<vmem>> -> memref<100xi32, #tpu.memory_space<vmem>>
        %dma_start3A_184 = arith.constant 0 : i32
        %dma_start3A_185 = arith.constant 0 : i32
        %dma_start3A_186 = tpu.memref_slice %arg4[%dma_start3A_184, %dma_start3A_185] : memref<10000x128xf32, #tpu.memory_space<hbm>> -> memref<10000x128xf32, #tpu.memory_space<hbm>>
        tpu.enqueue_indirect_dma source(%dma_start3A_186 : memref<10000x128xf32, #tpu.memory_space<hbm>>) target(%arg8 : memref<100x128xf32, #tpu.memory_space<vmem>>) offsets(%dma_start3A_183 : memref<100xi32, #tpu.memory_space<vmem>>) semaphore(%arg12 : memref<!tpu.dma_semaphore, #tpu.memory_space<semaphore_mem>>)
        %dma_wait3A_187 = arith.constant 2 : i32
        %dma_wait3A_188 = arith.constant 0 : i32
        %dma_wait3A_189 = tpu.memref_slice %arg6[%rem3A_75, %dma_wait3A_187, %dma_wait3A_188] : memref<2x10x100xi32, #tpu.memory_space<vmem>> -> memref<1x1x100xi32, #tpu.memory_space<vmem>>
        %dma_wait3A_190 = tpu.memref_squeeze %dma_wait3A_189 : memref<1x1x100xi32, #tpu.memory_space<vmem>> -> memref<100xi32, #tpu.memory_space<vmem>>
        %dma_wait3A_191 = arith.constant 0 : i32
        %dma_wait3A_192 = arith.constant 0 : i32
        %dma_wait3A_193 = tpu.memref_slice %arg4[%dma_wait3A_191, %dma_wait3A_192] : memref<10000x128xf32, #tpu.memory_space<hbm>> -> memref<10000x128xf32, #tpu.memory_space<hbm>>
        tpu.wait_indirect_dma semaphore(%arg14 : memref<!tpu.dma_semaphore, #tpu.memory_space<semaphore_mem>>) src(%dma_wait3A_193 : memref<10000x128xf32, #tpu.memory_space<hbm>>) dst(%arg10 : memref<100x128xf32, #tpu.memory_space<vmem>>)
        %dma_wait3A_194 = arith.constant 1 : i32
        %dma_wait3A_195 = arith.constant 0 : i32
        %dma_wait3A_196 = tpu.memref_slice %arg7[%rem3A_75, %dma_wait3A_194, %dma_wait3A_195] : memref<2x10x100xi32, #tpu.memory_space<vmem>> -> memref<1x1x100xi32, #tpu.memory_space<vmem>>
        %dma_wait3A_197 = tpu.memref_squeeze %dma_wait3A_196 : memref<1x1x100xi32, #tpu.memory_space<vmem>> -> memref<100xi32, #tpu.memory_space<vmem>>
        %dma_wait3A_198 = arith.constant 0 : i32
        %dma_wait3A_199 = arith.constant 0 : i32
        %dma_wait3A_200 = tpu.memref_slice %arg11[%dma_wait3A_198, %dma_wait3A_199] : memref<10000x128xf32, #tpu.memory_space<vmem_shared>> -> memref<10000x128xf32, #tpu.memory_space<vmem_shared>>
        tpu.wait_indirect_dma semaphore(%arg16 : memref<!tpu.dma_semaphore, #tpu.memory_space<semaphore_mem>>) src(%arg9 : memref<100x128xf32, #tpu.memory_space<vmem>>) dst(%dma_wait3A_200 : memref<10000x128xf32, #tpu.memory_space<vmem_shared>>)
        %dma_start3A_201 = arith.constant 2 : i32
        %dma_start3A_202 = arith.constant 0 : i32
        %dma_start3A_203 = tpu.memref_slice %arg7[%rem3A_75, %dma_start3A_201, %dma_start3A_202] : memref<2x10x100xi32, #tpu.memory_space<vmem>> -> memref<1x1x100xi32, #tpu.memory_space<vmem>>
        %dma_start3A_204 = tpu.memref_squeeze %dma_start3A_203 : memref<1x1x100xi32, #tpu.memory_space<vmem>> -> memref<100xi32, #tpu.memory_space<vmem>>
        %dma_start3A_205 = arith.constant 0 : i32
        %dma_start3A_206 = arith.constant 0 : i32
        %dma_start3A_207 = tpu.memref_slice %arg11[%dma_start3A_205, %dma_start3A_206] : memref<10000x128xf32, #tpu.memory_space<vmem_shared>> -> memref<10000x128xf32, #tpu.memory_space<vmem_shared>>
        tpu.enqueue_indirect_dma source(%arg10 : memref<100x128xf32, #tpu.memory_space<vmem>>) target(%dma_start3A_207 : memref<10000x128xf32, #tpu.memory_space<vmem_shared>>) offsets(%dma_start3A_204 : memref<100xi32, #tpu.memory_space<vmem>>) semaphore(%arg17 : memref<!tpu.dma_semaphore, #tpu.memory_space<semaphore_mem>>) {add = true}
        %dma_start3A_208 = arith.constant 4 : i32
        %dma_start3A_209 = arith.constant 0 : i32
        %dma_start3A_210 = tpu.memref_slice %arg6[%rem3A_75, %dma_start3A_208, %dma_start3A_209] : memref<2x10x100xi32, #tpu.memory_space<vmem>> -> memref<1x1x100xi32, #tpu.memory_space<vmem>>
        %dma_start3A_211 = tpu.memref_squeeze %dma_start3A_210 : memref<1x1x100xi32, #tpu.memory_space<vmem>> -> memref<100xi32, #tpu.memory_space<vmem>>
        %dma_start3A_212 = arith.constant 0 : i32
        %dma_start3A_213 = arith.constant 0 : i32
        %dma_start3A_214 = tpu.memref_slice %arg4[%dma_start3A_212, %dma_start3A_213] : memref<10000x128xf32, #tpu.memory_space<hbm>> -> memref<10000x128xf32, #tpu.memory_space<hbm>>
        tpu.enqueue_indirect_dma source(%dma_start3A_214 : memref<10000x128xf32, #tpu.memory_space<hbm>>) target(%arg9 : memref<100x128xf32, #tpu.memory_space<vmem>>) offsets(%dma_start3A_211 : memref<100xi32, #tpu.memory_space<vmem>>) semaphore(%arg13 : memref<!tpu.dma_semaphore, #tpu.memory_space<semaphore_mem>>)
        %dma_wait3A_215 = arith.constant 3 : i32
        %dma_wait3A_216 = arith.constant 0 : i32
        %dma_wait3A_217 = tpu.memref_slice %arg6[%rem3A_75, %dma_wait3A_215, %dma_wait3A_216] : memref<2x10x100xi32, #tpu.memory_space<vmem>> -> memref<1x1x100xi32, #tpu.memory_space<vmem>>
        %dma_wait3A_218 = tpu.memref_squeeze %dma_wait3A_217 : memref<1x1x100xi32, #tpu.memory_space<vmem>> -> memref<100xi32, #tpu.memory_space<vmem>>
        %dma_wait3A_219 = arith.constant 0 : i32
        %dma_wait3A_220 = arith.constant 0 : i32
        %dma_wait3A_221 = tpu.memref_slice %arg4[%dma_wait3A_219, %dma_wait3A_220] : memref<10000x128xf32, #tpu.memory_space<hbm>> -> memref<10000x128xf32, #tpu.memory_space<hbm>>
        tpu.wait_indirect_dma semaphore(%arg12 : memref<!tpu.dma_semaphore, #tpu.memory_space<semaphore_mem>>) src(%dma_wait3A_221 : memref<10000x128xf32, #tpu.memory_space<hbm>>) dst(%arg8 : memref<100x128xf32, #tpu.memory_space<vmem>>)
        %dma_wait3A_222 = arith.constant 2 : i32
        %dma_wait3A_223 = arith.constant 0 : i32
        %dma_wait3A_224 = tpu.memref_slice %arg7[%rem3A_75, %dma_wait3A_222, %dma_wait3A_223] : memref<2x10x100xi32, #tpu.memory_space<vmem>> -> memref<1x1x100xi32, #tpu.memory_space<vmem>>
        %dma_wait3A_225 = tpu.memref_squeeze %dma_wait3A_224 : memref<1x1x100xi32, #tpu.memory_space<vmem>> -> memref<100xi32, #tpu.memory_space<vmem>>
        %dma_wait3A_226 = arith.constant 0 : i32
        %dma_wait3A_227 = arith.constant 0 : i32
        %dma_wait3A_228 = tpu.memref_slice %arg11[%dma_wait3A_226, %dma_wait3A_227] : memref<10000x128xf32, #tpu.memory_space<vmem_shared>> -> memref<10000x128xf32, #tpu.memory_space<vmem_shared>>
        tpu.wait_indirect_dma semaphore(%arg17 : memref<!tpu.dma_semaphore, #tpu.memory_space<semaphore_mem>>) src(%arg10 : memref<100x128xf32, #tpu.memory_space<vmem>>) dst(%dma_wait3A_228 : memref<10000x128xf32, #tpu.memory_space<vmem_shared>>)
        %dma_start3A_229 = arith.constant 3 : i32
        %dma_start3A_230 = arith.constant 0 : i32
        %dma_start3A_231 = tpu.memref_slice %arg7[%rem3A_75, %dma_start3A_229, %dma_start3A_230] : memref<2x10x100xi32, #tpu.memory_space<vmem>> -> memref<1x1x100xi32, #tpu.memory_space<vmem>>
        %dma_start3A_232 = tpu.memref_squeeze %dma_start3A_231 : memref<1x1x100xi32, #tpu.memory_space<vmem>> -> memref<100xi32, #tpu.memory_space<vmem>>
        %dma_start3A_233 = arith.constant 0 : i32
        %dma_start3A_234 = arith.constant 0 : i32
        %dma_start3A_235 = tpu.memref_slice %arg11[%dma_start3A_233, %dma_start3A_234] : memref<10000x128xf32, #tpu.memory_space<vmem_shared>> -> memref<10000x128xf32, #tpu.memory_space<vmem_shared>>
        tpu.enqueue_indirect_dma source(%arg8 : memref<100x128xf32, #tpu.memory_space<vmem>>) target(%dma_start3A_235 : memref<10000x128xf32, #tpu.memory_space<vmem_shared>>) offsets(%dma_start3A_232 : memref<100xi32, #tpu.memory_space<vmem>>) semaphore(%arg15 : memref<!tpu.dma_semaphore, #tpu.memory_space<semaphore_mem>>) {add = true}
        %dma_start3A_236 = arith.constant 5 : i32
        %dma_start3A_237 = arith.constant 0 : i32
        %dma_start3A_238 = tpu.memref_slice %arg6[%rem3A_75, %dma_start3A_236, %dma_start3A_237] : memref<2x10x100xi32, #tpu.memory_space<vmem>> -> memref<1x1x100xi32, #tpu.memory_space<vmem>>
        %dma_start3A_239 = tpu.memref_squeeze %dma_start3A_238 : memref<1x1x100xi32, #tpu.memory_space<vmem>> -> memref<100xi32, #tpu.memory_space<vmem>>
        %dma_start3A_240 = arith.constant 0 : i32
        %dma_start3A_241 = arith.constant 0 : i32
        %dma_start3A_242 = tpu.memref_slice %arg4[%dma_start3A_240, %dma_start3A_241] : memref<10000x128xf32, #tpu.memory_space<hbm>> -> memref<10000x128xf32, #tpu.memory_space<hbm>>
        tpu.enqueue_indirect_dma source(%dma_start3A_242 : memref<10000x128xf32, #tpu.memory_space<hbm>>) target(%arg10 : memref<100x128xf32, #tpu.memory_space<vmem>>) offsets(%dma_start3A_239 : memref<100xi32, #tpu.memory_space<vmem>>) semaphore(%arg14 : memref<!tpu.dma_semaphore, #tpu.memory_space<semaphore_mem>>)
        %dma_wait3A_243 = arith.constant 4 : i32
        %dma_wait3A_244 = arith.constant 0 : i32
        %dma_wait3A_245 = tpu.memref_slice %arg6[%rem3A_75, %dma_wait3A_243, %dma_wait3A_244] : memref<2x10x100xi32, #tpu.memory_space<vmem>> -> memref<1x1x100xi32, #tpu.memory_space<vmem>>
        %dma_wait3A_246 = tpu.memref_squeeze %dma_wait3A_245 : memref<1x1x100xi32, #tpu.memory_space<vmem>> -> memref<100xi32, #tpu.memory_space<vmem>>
        %dma_wait3A_247 = arith.constant 0 : i32
        %dma_wait3A_248 = arith.constant 0 : i32
        %dma_wait3A_249 = tpu.memref_slice %arg4[%dma_wait3A_247, %dma_wait3A_248] : memref<10000x128xf32, #tpu.memory_space<hbm>> -> memref<10000x128xf32, #tpu.memory_space<hbm>>
        tpu.wait_indirect_dma semaphore(%arg13 : memref<!tpu.dma_semaphore, #tpu.memory_space<semaphore_mem>>) src(%dma_wait3A_249 : memref<10000x128xf32, #tpu.memory_space<hbm>>) dst(%arg9 : memref<100x128xf32, #tpu.memory_space<vmem>>)
        %dma_wait3A_250 = arith.constant 3 : i32
        %dma_wait3A_251 = arith.constant 0 : i32
        %dma_wait3A_252 = tpu.memref_slice %arg7[%rem3A_75, %dma_wait3A_250, %dma_wait3A_251] : memref<2x10x100xi32, #tpu.memory_space<vmem>> -> memref<1x1x100xi32, #tpu.memory_space<vmem>>
        %dma_wait3A_253 = tpu.memref_squeeze %dma_wait3A_252 : memref<1x1x100xi32, #tpu.memory_space<vmem>> -> memref<100xi32, #tpu.memory_space<vmem>>
        %dma_wait3A_254 = arith.constant 0 : i32
        %dma_wait3A_255 = arith.constant 0 : i32
        %dma_wait3A_256 = tpu.memref_slice %arg11[%dma_wait3A_254, %dma_wait3A_255] : memref<10000x128xf32, #tpu.memory_space<vmem_shared>> -> memref<10000x128xf32, #tpu.memory_space<vmem_shared>>
        tpu.wait_indirect_dma semaphore(%arg15 : memref<!tpu.dma_semaphore, #tpu.memory_space<semaphore_mem>>) src(%arg8 : memref<100x128xf32, #tpu.memory_space<vmem>>) dst(%dma_wait3A_256 : memref<10000x128xf32, #tpu.memory_space<vmem_shared>>)
        %dma_start3A_257 = arith.constant 4 : i32
        %dma_start3A_258 = arith.constant 0 : i32
        %dma_start3A_259 = tpu.memref_slice %arg7[%rem3A_75, %dma_start3A_257, %dma_start3A_258] : memref<2x10x100xi32, #tpu.memory_space<vmem>> -> memref<1x1x100xi32, #tpu.memory_space<vmem>>
        %dma_start3A_260 = tpu.memref_squeeze %dma_start3A_259 : memref<1x1x100xi32, #tpu.memory_space<vmem>> -> memref<100xi32, #tpu.memory_space<vmem>>
        %dma_start3A_261 = arith.constant 0 : i32
        %dma_start3A_262 = arith.constant 0 : i32
        %dma_start3A_263 = tpu.memref_slice %arg11[%dma_start3A_261, %dma_start3A_262] : memref<10000x128xf32, #tpu.memory_space<vmem_shared>> -> memref<10000x128xf32, #tpu.memory_space<vmem_shared>>
        tpu.enqueue_indirect_dma source(%arg9 : memref<100x128xf32, #tpu.memory_space<vmem>>) target(%dma_start3A_263 : memref<10000x128xf32, #tpu.memory_space<vmem_shared>>) offsets(%dma_start3A_260 : memref<100xi32, #tpu.memory_space<vmem>>) semaphore(%arg16 : memref<!tpu.dma_semaphore, #tpu.memory_space<semaphore_mem>>) {add = true}
        %dma_start3A_264 = arith.constant 6 : i32
        %dma_start3A_265 = arith.constant 0 : i32
        %dma_start3A_266 = tpu.memref_slice %arg6[%rem3A_75, %dma_start3A_264, %dma_start3A_265] : memref<2x10x100xi32, #tpu.memory_space<vmem>> -> memref<1x1x100xi32, #tpu.memory_space<vmem>>
        %dma_start3A_267 = tpu.memref_squeeze %dma_start3A_266 : memref<1x1x100xi32, #tpu.memory_space<vmem>> -> memref<100xi32, #tpu.memory_space<vmem>>
        %dma_start3A_268 = arith.constant 0 : i32
        %dma_start3A_269 = arith.constant 0 : i32
        %dma_start3A_270 = tpu.memref_slice %arg4[%dma_start3A_268, %dma_start3A_269] : memref<10000x128xf32, #tpu.memory_space<hbm>> -> memref<10000x128xf32, #tpu.memory_space<hbm>>
        tpu.enqueue_indirect_dma source(%dma_start3A_270 : memref<10000x128xf32, #tpu.memory_space<hbm>>) target(%arg8 : memref<100x128xf32, #tpu.memory_space<vmem>>) offsets(%dma_start3A_267 : memref<100xi32, #tpu.memory_space<vmem>>) semaphore(%arg12 : memref<!tpu.dma_semaphore, #tpu.memory_space<semaphore_mem>>)
        %dma_wait3A_271 = arith.constant 5 : i32
        %dma_wait3A_272 = arith.constant 0 : i32
        %dma_wait3A_273 = tpu.memref_slice %arg6[%rem3A_75, %dma_wait3A_271, %dma_wait3A_272] : memref<2x10x100xi32, #tpu.memory_space<vmem>> -> memref<1x1x100xi32, #tpu.memory_space<vmem>>
        %dma_wait3A_274 = tpu.memref_squeeze %dma_wait3A_273 : memref<1x1x100xi32, #tpu.memory_space<vmem>> -> memref<100xi32, #tpu.memory_space<vmem>>
        %dma_wait3A_275 = arith.constant 0 : i32
        %dma_wait3A_276 = arith.constant 0 : i32
        %dma_wait3A_277 = tpu.memref_slice %arg4[%dma_wait3A_275, %dma_wait3A_276] : memref<10000x128xf32, #tpu.memory_space<hbm>> -> memref<10000x128xf32, #tpu.memory_space<hbm>>
        tpu.wait_indirect_dma semaphore(%arg14 : memref<!tpu.dma_semaphore, #tpu.memory_space<semaphore_mem>>) src(%dma_wait3A_277 : memref<10000x128xf32, #tpu.memory_space<hbm>>) dst(%arg10 : memref<100x128xf32, #tpu.memory_space<vmem>>)
        %dma_wait3A_278 = arith.constant 4 : i32
        %dma_wait3A_279 = arith.constant 0 : i32
        %dma_wait3A_280 = tpu.memref_slice %arg7[%rem3A_75, %dma_wait3A_278, %dma_wait3A_279] : memref<2x10x100xi32, #tpu.memory_space<vmem>> -> memref<1x1x100xi32, #tpu.memory_space<vmem>>
        %dma_wait3A_281 = tpu.memref_squeeze %dma_wait3A_280 : memref<1x1x100xi32, #tpu.memory_space<vmem>> -> memref<100xi32, #tpu.memory_space<vmem>>
        %dma_wait3A_282 = arith.constant 0 : i32
        %dma_wait3A_283 = arith.constant 0 : i32
        %dma_wait3A_284 = tpu.memref_slice %arg11[%dma_wait3A_282, %dma_wait3A_283] : memref<10000x128xf32, #tpu.memory_space<vmem_shared>> -> memref<10000x128xf32, #tpu.memory_space<vmem_shared>>
        tpu.wait_indirect_dma semaphore(%arg16 : memref<!tpu.dma_semaphore, #tpu.memory_space<semaphore_mem>>) src(%arg9 : memref<100x128xf32, #tpu.memory_space<vmem>>) dst(%dma_wait3A_284 : memref<10000x128xf32, #tpu.memory_space<vmem_shared>>)
        %dma_start3A_285 = arith.constant 5 : i32
        %dma_start3A_286 = arith.constant 0 : i32
        %dma_start3A_287 = tpu.memref_slice %arg7[%rem3A_75, %dma_start3A_285, %dma_start3A_286] : memref<2x10x100xi32, #tpu.memory_space<vmem>> -> memref<1x1x100xi32, #tpu.memory_space<vmem>>
        %dma_start3A_288 = tpu.memref_squeeze %dma_start3A_287 : memref<1x1x100xi32, #tpu.memory_space<vmem>> -> memref<100xi32, #tpu.memory_space<vmem>>
        %dma_start3A_289 = arith.constant 0 : i32
        %dma_start3A_290 = arith.constant 0 : i32
        %dma_start3A_291 = tpu.memref_slice %arg11[%dma_start3A_289, %dma_start3A_290] : memref<10000x128xf32, #tpu.memory_space<vmem_shared>> -> memref<10000x128xf32, #tpu.memory_space<vmem_shared>>
        tpu.enqueue_indirect_dma source(%arg10 : memref<100x128xf32, #tpu.memory_space<vmem>>) target(%dma_start3A_291 : memref<10000x128xf32, #tpu.memory_space<vmem_shared>>) offsets(%dma_start3A_288 : memref<100xi32, #tpu.memory_space<vmem>>) semaphore(%arg17 : memref<!tpu.dma_semaphore, #tpu.memory_space<semaphore_mem>>) {add = true}
        %dma_start3A_292 = arith.constant 7 : i32
        %dma_start3A_293 = arith.constant 0 : i32
        %dma_start3A_294 = tpu.memref_slice %arg6[%rem3A_75, %dma_start3A_292, %dma_start3A_293] : memref<2x10x100xi32, #tpu.memory_space<vmem>> -> memref<1x1x100xi32, #tpu.memory_space<vmem>>
        %dma_start3A_295 = tpu.memref_squeeze %dma_start3A_294 : memref<1x1x100xi32, #tpu.memory_space<vmem>> -> memref<100xi32, #tpu.memory_space<vmem>>
        %dma_start3A_296 = arith.constant 0 : i32
        %dma_start3A_297 = arith.constant 0 : i32
        %dma_start3A_298 = tpu.memref_slice %arg4[%dma_start3A_296, %dma_start3A_297] : memref<10000x128xf32, #tpu.memory_space<hbm>> -> memref<10000x128xf32, #tpu.memory_space<hbm>>
        tpu.enqueue_indirect_dma source(%dma_start3A_298 : memref<10000x128xf32, #tpu.memory_space<hbm>>) target(%arg9 : memref<100x128xf32, #tpu.memory_space<vmem>>) offsets(%dma_start3A_295 : memref<100xi32, #tpu.memory_space<vmem>>) semaphore(%arg13 : memref<!tpu.dma_semaphore, #tpu.memory_space<semaphore_mem>>)
        %dma_wait3A_299 = arith.constant 6 : i32
        %dma_wait3A_300 = arith.constant 0 : i32
        %dma_wait3A_301 = tpu.memref_slice %arg6[%rem3A_75, %dma_wait3A_299, %dma_wait3A_300] : memref<2x10x100xi32, #tpu.memory_space<vmem>> -> memref<1x1x100xi32, #tpu.memory_space<vmem>>
        %dma_wait3A_302 = tpu.memref_squeeze %dma_wait3A_301 : memref<1x1x100xi32, #tpu.memory_space<vmem>> -> memref<100xi32, #tpu.memory_space<vmem>>
        %dma_wait3A_303 = arith.constant 0 : i32
        %dma_wait3A_304 = arith.constant 0 : i32
        %dma_wait3A_305 = tpu.memref_slice %arg4[%dma_wait3A_303, %dma_wait3A_304] : memref<10000x128xf32, #tpu.memory_space<hbm>> -> memref<10000x128xf32, #tpu.memory_space<hbm>>
        tpu.wait_indirect_dma semaphore(%arg12 : memref<!tpu.dma_semaphore, #tpu.memory_space<semaphore_mem>>) src(%dma_wait3A_305 : memref<10000x128xf32, #tpu.memory_space<hbm>>) dst(%arg8 : memref<100x128xf32, #tpu.memory_space<vmem>>)
        %dma_wait3A_306 = arith.constant 5 : i32
        %dma_wait3A_307 = arith.constant 0 : i32
        %dma_wait3A_308 = tpu.memref_slice %arg7[%rem3A_75, %dma_wait3A_306, %dma_wait3A_307] : memref<2x10x100xi32, #tpu.memory_space<vmem>> -> memref<1x1x100xi32, #tpu.memory_space<vmem>>
        %dma_wait3A_309 = tpu.memref_squeeze %dma_wait3A_308 : memref<1x1x100xi32, #tpu.memory_space<vmem>> -> memref<100xi32, #tpu.memory_space<vmem>>
        %dma_wait3A_310 = arith.constant 0 : i32
        %dma_wait3A_311 = arith.constant 0 : i32
        %dma_wait3A_312 = tpu.memref_slice %arg11[%dma_wait3A_310, %dma_wait3A_311] : memref<10000x128xf32, #tpu.memory_space<vmem_shared>> -> memref<10000x128xf32, #tpu.memory_space<vmem_shared>>
        tpu.wait_indirect_dma semaphore(%arg17 : memref<!tpu.dma_semaphore, #tpu.memory_space<semaphore_mem>>) src(%arg10 : memref<100x128xf32, #tpu.memory_space<vmem>>) dst(%dma_wait3A_312 : memref<10000x128xf32, #tpu.memory_space<vmem_shared>>)
        %dma_start3A_313 = arith.constant 6 : i32
        %dma_start3A_314 = arith.constant 0 : i32
        %dma_start3A_315 = tpu.memref_slice %arg7[%rem3A_75, %dma_start3A_313, %dma_start3A_314] : memref<2x10x100xi32, #tpu.memory_space<vmem>> -> memref<1x1x100xi32, #tpu.memory_space<vmem>>
        %dma_start3A_316 = tpu.memref_squeeze %dma_start3A_315 : memref<1x1x100xi32, #tpu.memory_space<vmem>> -> memref<100xi32, #tpu.memory_space<vmem>>
        %dma_start3A_317 = arith.constant 0 : i32
        %dma_start3A_318 = arith.constant 0 : i32
        %dma_start3A_319 = tpu.memref_slice %arg11[%dma_start3A_317, %dma_start3A_318] : memref<10000x128xf32, #tpu.memory_space<vmem_shared>> -> memref<10000x128xf32, #tpu.memory_space<vmem_shared>>
        tpu.enqueue_indirect_dma source(%arg8 : memref<100x128xf32, #tpu.memory_space<vmem>>) target(%dma_start3A_319 : memref<10000x128xf32, #tpu.memory_space<vmem_shared>>) offsets(%dma_start3A_316 : memref<100xi32, #tpu.memory_space<vmem>>) semaphore(%arg15 : memref<!tpu.dma_semaphore, #tpu.memory_space<semaphore_mem>>) {add = true}
        %dma_start3A_320 = arith.constant 8 : i32
        %dma_start3A_321 = arith.constant 0 : i32
        %dma_start3A_322 = tpu.memref_slice %arg6[%rem3A_75, %dma_start3A_320, %dma_start3A_321] : memref<2x10x100xi32, #tpu.memory_space<vmem>> -> memref<1x1x100xi32, #tpu.memory_space<vmem>>
        %dma_start3A_323 = tpu.memref_squeeze %dma_start3A_322 : memref<1x1x100xi32, #tpu.memory_space<vmem>> -> memref<100xi32, #tpu.memory_space<vmem>>
        %dma_start3A_324 = arith.constant 0 : i32
        %dma_start3A_325 = arith.constant 0 : i32
        %dma_start3A_326 = tpu.memref_slice %arg4[%dma_start3A_324, %dma_start3A_325] : memref<10000x128xf32, #tpu.memory_space<hbm>> -> memref<10000x128xf32, #tpu.memory_space<hbm>>
        tpu.enqueue_indirect_dma source(%dma_start3A_326 : memref<10000x128xf32, #tpu.memory_space<hbm>>) target(%arg10 : memref<100x128xf32, #tpu.memory_space<vmem>>) offsets(%dma_start3A_323 : memref<100xi32, #tpu.memory_space<vmem>>) semaphore(%arg14 : memref<!tpu.dma_semaphore, #tpu.memory_space<semaphore_mem>>)
        %dma_wait3A_327 = arith.constant 7 : i32
        %dma_wait3A_328 = arith.constant 0 : i32
        %dma_wait3A_329 = tpu.memref_slice %arg6[%rem3A_75, %dma_wait3A_327, %dma_wait3A_328] : memref<2x10x100xi32, #tpu.memory_space<vmem>> -> memref<1x1x100xi32, #tpu.memory_space<vmem>>
        %dma_wait3A_330 = tpu.memref_squeeze %dma_wait3A_329 : memref<1x1x100xi32, #tpu.memory_space<vmem>> -> memref<100xi32, #tpu.memory_space<vmem>>
        %dma_wait3A_331 = arith.constant 0 : i32
        %dma_wait3A_332 = arith.constant 0 : i32
        %dma_wait3A_333 = tpu.memref_slice %arg4[%dma_wait3A_331, %dma_wait3A_332] : memref<10000x128xf32, #tpu.memory_space<hbm>> -> memref<10000x128xf32, #tpu.memory_space<hbm>>
        tpu.wait_indirect_dma semaphore(%arg13 : memref<!tpu.dma_semaphore, #tpu.memory_space<semaphore_mem>>) src(%dma_wait3A_333 : memref<10000x128xf32, #tpu.memory_space<hbm>>) dst(%arg9 : memref<100x128xf32, #tpu.memory_space<vmem>>)
        %dma_wait3A_334 = arith.constant 6 : i32
        %dma_wait3A_335 = arith.constant 0 : i32
        %dma_wait3A_336 = tpu.memref_slice %arg7[%rem3A_75, %dma_wait3A_334, %dma_wait3A_335] : memref<2x10x100xi32, #tpu.memory_space<vmem>> -> memref<1x1x100xi32, #tpu.memory_space<vmem>>
        %dma_wait3A_337 = tpu.memref_squeeze %dma_wait3A_336 : memref<1x1x100xi32, #tpu.memory_space<vmem>> -> memref<100xi32, #tpu.memory_space<vmem>>
        %dma_wait3A_338 = arith.constant 0 : i32
        %dma_wait3A_339 = arith.constant 0 : i32
        %dma_wait3A_340 = tpu.memref_slice %arg11[%dma_wait3A_338, %dma_wait3A_339] : memref<10000x128xf32, #tpu.memory_space<vmem_shared>> -> memref<10000x128xf32, #tpu.memory_space<vmem_shared>>
        tpu.wait_indirect_dma semaphore(%arg15 : memref<!tpu.dma_semaphore, #tpu.memory_space<semaphore_mem>>) src(%arg8 : memref<100x128xf32, #tpu.memory_space<vmem>>) dst(%dma_wait3A_340 : memref<10000x128xf32, #tpu.memory_space<vmem_shared>>)
        %dma_start3A_341 = arith.constant 7 : i32
        %dma_start3A_342 = arith.constant 0 : i32
        %dma_start3A_343 = tpu.memref_slice %arg7[%rem3A_75, %dma_start3A_341, %dma_start3A_342] : memref<2x10x100xi32, #tpu.memory_space<vmem>> -> memref<1x1x100xi32, #tpu.memory_space<vmem>>
        %dma_start3A_344 = tpu.memref_squeeze %dma_start3A_343 : memref<1x1x100xi32, #tpu.memory_space<vmem>> -> memref<100xi32, #tpu.memory_space<vmem>>
        %dma_start3A_345 = arith.constant 0 : i32
        %dma_start3A_346 = arith.constant 0 : i32
        %dma_start3A_347 = tpu.memref_slice %arg11[%dma_start3A_345, %dma_start3A_346] : memref<10000x128xf32, #tpu.memory_space<vmem_shared>> -> memref<10000x128xf32, #tpu.memory_space<vmem_shared>>
        tpu.enqueue_indirect_dma source(%arg9 : memref<100x128xf32, #tpu.memory_space<vmem>>) target(%dma_start3A_347 : memref<10000x128xf32, #tpu.memory_space<vmem_shared>>) offsets(%dma_start3A_344 : memref<100xi32, #tpu.memory_space<vmem>>) semaphore(%arg16 : memref<!tpu.dma_semaphore, #tpu.memory_space<semaphore_mem>>) {add = true}
        %dma_start3A_348 = arith.constant 9 : i32
        %dma_start3A_349 = arith.constant 0 : i32
        %dma_start3A_350 = tpu.memref_slice %arg6[%rem3A_75, %dma_start3A_348, %dma_start3A_349] : memref<2x10x100xi32, #tpu.memory_space<vmem>> -> memref<1x1x100xi32, #tpu.memory_space<vmem>>
        %dma_start3A_351 = tpu.memref_squeeze %dma_start3A_350 : memref<1x1x100xi32, #tpu.memory_space<vmem>> -> memref<100xi32, #tpu.memory_space<vmem>>
        %dma_start3A_352 = arith.constant 0 : i32
        %dma_start3A_353 = arith.constant 0 : i32
        %dma_start3A_354 = tpu.memref_slice %arg4[%dma_start3A_352, %dma_start3A_353] : memref<10000x128xf32, #tpu.memory_space<hbm>> -> memref<10000x128xf32, #tpu.memory_space<hbm>>
        tpu.enqueue_indirect_dma source(%dma_start3A_354 : memref<10000x128xf32, #tpu.memory_space<hbm>>) target(%arg8 : memref<100x128xf32, #tpu.memory_space<vmem>>) offsets(%dma_start3A_351 : memref<100xi32, #tpu.memory_space<vmem>>) semaphore(%arg12 : memref<!tpu.dma_semaphore, #tpu.memory_space<semaphore_mem>>)
        %dma_wait3A_355 = arith.constant 8 : i32
        %dma_wait3A_356 = arith.constant 0 : i32
        %dma_wait3A_357 = tpu.memref_slice %arg6[%rem3A_75, %dma_wait3A_355, %dma_wait3A_356] : memref<2x10x100xi32, #tpu.memory_space<vmem>> -> memref<1x1x100xi32, #tpu.memory_space<vmem>>
        %dma_wait3A_358 = tpu.memref_squeeze %dma_wait3A_357 : memref<1x1x100xi32, #tpu.memory_space<vmem>> -> memref<100xi32, #tpu.memory_space<vmem>>
        %dma_wait3A_359 = arith.constant 0 : i32
        %dma_wait3A_360 = arith.constant 0 : i32
        %dma_wait3A_361 = tpu.memref_slice %arg4[%dma_wait3A_359, %dma_wait3A_360] : memref<10000x128xf32, #tpu.memory_space<hbm>> -> memref<10000x128xf32, #tpu.memory_space<hbm>>
        tpu.wait_indirect_dma semaphore(%arg14 : memref<!tpu.dma_semaphore, #tpu.memory_space<semaphore_mem>>) src(%dma_wait3A_361 : memref<10000x128xf32, #tpu.memory_space<hbm>>) dst(%arg10 : memref<100x128xf32, #tpu.memory_space<vmem>>)
        %dma_wait3A_362 = arith.constant 7 : i32
        %dma_wait3A_363 = arith.constant 0 : i32
        %dma_wait3A_364 = tpu.memref_slice %arg7[%rem3A_75, %dma_wait3A_362, %dma_wait3A_363] : memref<2x10x100xi32, #tpu.memory_space<vmem>> -> memref<1x1x100xi32, #tpu.memory_space<vmem>>
        %dma_wait3A_365 = tpu.memref_squeeze %dma_wait3A_364 : memref<1x1x100xi32, #tpu.memory_space<vmem>> -> memref<100xi32, #tpu.memory_space<vmem>>
        %dma_wait3A_366 = arith.constant 0 : i32
        %dma_wait3A_367 = arith.constant 0 : i32
        %dma_wait3A_368 = tpu.memref_slice %arg11[%dma_wait3A_366, %dma_wait3A_367] : memref<10000x128xf32, #tpu.memory_space<vmem_shared>> -> memref<10000x128xf32, #tpu.memory_space<vmem_shared>>
        tpu.wait_indirect_dma semaphore(%arg16 : memref<!tpu.dma_semaphore, #tpu.memory_space<semaphore_mem>>) src(%arg9 : memref<100x128xf32, #tpu.memory_space<vmem>>) dst(%dma_wait3A_368 : memref<10000x128xf32, #tpu.memory_space<vmem_shared>>)
        %dma_start3A_369 = arith.constant 8 : i32
        %dma_start3A_370 = arith.constant 0 : i32
        %dma_start3A_371 = tpu.memref_slice %arg7[%rem3A_75, %dma_start3A_369, %dma_start3A_370] : memref<2x10x100xi32, #tpu.memory_space<vmem>> -> memref<1x1x100xi32, #tpu.memory_space<vmem>>
        %dma_start3A_372 = tpu.memref_squeeze %dma_start3A_371 : memref<1x1x100xi32, #tpu.memory_space<vmem>> -> memref<100xi32, #tpu.memory_space<vmem>>
        %dma_start3A_373 = arith.constant 0 : i32
        %dma_start3A_374 = arith.constant 0 : i32
        %dma_start3A_375 = tpu.memref_slice %arg11[%dma_start3A_373, %dma_start3A_374] : memref<10000x128xf32, #tpu.memory_space<vmem_shared>> -> memref<10000x128xf32, #tpu.memory_space<vmem_shared>>
        tpu.enqueue_indirect_dma source(%arg10 : memref<100x128xf32, #tpu.memory_space<vmem>>) target(%dma_start3A_375 : memref<10000x128xf32, #tpu.memory_space<vmem_shared>>) offsets(%dma_start3A_372 : memref<100xi32, #tpu.memory_space<vmem>>) semaphore(%arg17 : memref<!tpu.dma_semaphore, #tpu.memory_space<semaphore_mem>>) {add = true}
        %dma_wait3A_376 = arith.constant 9 : i32
        %dma_wait3A_377 = arith.constant 0 : i32
        %dma_wait3A_378 = tpu.memref_slice %arg6[%rem3A_75, %dma_wait3A_376, %dma_wait3A_377] : memref<2x10x100xi32, #tpu.memory_space<vmem>> -> memref<1x1x100xi32, #tpu.memory_space<vmem>>
        %dma_wait3A_379 = tpu.memref_squeeze %dma_wait3A_378 : memref<1x1x100xi32, #tpu.memory_space<vmem>> -> memref<100xi32, #tpu.memory_space<vmem>>
        %dma_wait3A_380 = arith.constant 0 : i32
        %dma_wait3A_381 = arith.constant 0 : i32
        %dma_wait3A_382 = tpu.memref_slice %arg4[%dma_wait3A_380, %dma_wait3A_381] : memref<10000x128xf32, #tpu.memory_space<hbm>> -> memref<10000x128xf32, #tpu.memory_space<hbm>>
        tpu.wait_indirect_dma semaphore(%arg12 : memref<!tpu.dma_semaphore, #tpu.memory_space<semaphore_mem>>) src(%dma_wait3A_382 : memref<10000x128xf32, #tpu.memory_space<hbm>>) dst(%arg8 : memref<100x128xf32, #tpu.memory_space<vmem>>)
        %dma_wait3A_383 = arith.constant 8 : i32
        %dma_wait3A_384 = arith.constant 0 : i32
        %dma_wait3A_385 = tpu.memref_slice %arg7[%rem3A_75, %dma_wait3A_383, %dma_wait3A_384] : memref<2x10x100xi32, #tpu.memory_space<vmem>> -> memref<1x1x100xi32, #tpu.memory_space<vmem>>
        %dma_wait3A_386 = tpu.memref_squeeze %dma_wait3A_385 : memref<1x1x100xi32, #tpu.memory_space<vmem>> -> memref<100xi32, #tpu.memory_space<vmem>>
        %dma_wait3A_387 = arith.constant 0 : i32
        %dma_wait3A_388 = arith.constant 0 : i32
        %dma_wait3A_389 = tpu.memref_slice %arg11[%dma_wait3A_387, %dma_wait3A_388] : memref<10000x128xf32, #tpu.memory_space<vmem_shared>> -> memref<10000x128xf32, #tpu.memory_space<vmem_shared>>
        tpu.wait_indirect_dma semaphore(%arg17 : memref<!tpu.dma_semaphore, #tpu.memory_space<semaphore_mem>>) src(%arg10 : memref<100x128xf32, #tpu.memory_space<vmem>>) dst(%dma_wait3A_389 : memref<10000x128xf32, #tpu.memory_space<vmem_shared>>)
        %dma_start3A_390 = arith.constant 9 : i32
        %dma_start3A_391 = arith.constant 0 : i32
        %dma_start3A_392 = tpu.memref_slice %arg7[%rem3A_75, %dma_start3A_390, %dma_start3A_391] : memref<2x10x100xi32, #tpu.memory_space<vmem>> -> memref<1x1x100xi32, #tpu.memory_space<vmem>>
        %dma_start3A_393 = tpu.memref_squeeze %dma_start3A_392 : memref<1x1x100xi32, #tpu.memory_space<vmem>> -> memref<100xi32, #tpu.memory_space<vmem>>
        %dma_start3A_394 = arith.constant 0 : i32
        %dma_start3A_395 = arith.constant 0 : i32
        %dma_start3A_396 = tpu.memref_slice %arg11[%dma_start3A_394, %dma_start3A_395] : memref<10000x128xf32, #tpu.memory_space<vmem_shared>> -> memref<10000x128xf32, #tpu.memory_space<vmem_shared>>
        tpu.enqueue_indirect_dma source(%arg8 : memref<100x128xf32, #tpu.memory_space<vmem>>) target(%dma_start3A_396 : memref<10000x128xf32, #tpu.memory_space<vmem_shared>>) offsets(%dma_start3A_393 : memref<100xi32, #tpu.memory_space<vmem>>) semaphore(%arg15 : memref<!tpu.dma_semaphore, #tpu.memory_space<semaphore_mem>>) {add = true}
        %dma_wait3A_397 = arith.constant 9 : i32
        %dma_wait3A_398 = arith.constant 0 : i32
        %dma_wait3A_399 = tpu.memref_slice %arg7[%rem3A_75, %dma_wait3A_397, %dma_wait3A_398] : memref<2x10x100xi32, #tpu.memory_space<vmem>> -> memref<1x1x100xi32, #tpu.memory_space<vmem>>
        %dma_wait3A_400 = tpu.memref_squeeze %dma_wait3A_399 : memref<1x1x100xi32, #tpu.memory_space<vmem>> -> memref<100xi32, #tpu.memory_space<vmem>>
        %dma_wait3A_401 = arith.constant 0 : i32
        %dma_wait3A_402 = arith.constant 0 : i32
        %dma_wait3A_403 = tpu.memref_slice %arg11[%dma_wait3A_401, %dma_wait3A_402] : memref<10000x128xf32, #tpu.memory_space<vmem_shared>> -> memref<10000x128xf32, #tpu.memory_space<vmem_shared>>
        tpu.wait_indirect_dma semaphore(%arg15 : memref<!tpu.dma_semaphore, #tpu.memory_space<semaphore_mem>>) src(%arg8 : memref<100x128xf32, #tpu.memory_space<vmem>>) dst(%dma_wait3A_403 : memref<10000x128xf32, #tpu.memory_space<vmem_shared>>)
      } else {
      }
    }
    %barrier3A_63 = arith.constant 0 : index
    tpu.barrier barrier_id(%barrier3A_63)
    %lt3A_64 = arith.constant 15 : i32
    %lt3A_65 = arith.cmpi slt, %arg1, %lt3A_64 : i32
    %convert_element_type3A_66 = arith.extui %lt3A_65 : i1 to i32
    %cond3A_67 = arith.constant 0 : i32
    %cond3A_68 = arith.cmpi ne, %convert_element_type3A_66, %cond3A_67 : i32
    scf.if %cond3A_68 {
      %mul3A_74 = arith.constant 624 : i32
      %mul3A_75 = arith.muli %arg1, %mul3A_74 : i32
      "tpu.region"() ({
        %run_scoped3A = tpu.sem_alloc : memref<!tpu.dma_semaphore, #tpu.memory_space<semaphore_mem>>
        %dma_start3A_76 = arith.constant 0 : i32
        %dma_start3A_77 = tpu.memref_slice %arg5[%arg0, %mul3A_75, %dma_start3A_76] : memref<2x10000x128xf32, #tpu.memory_space<hbm>> -> memref<1x624x128xf32, #tpu.memory_space<hbm>>
        %dma_start3A_78 = tpu.memref_squeeze %dma_start3A_77 : memref<1x624x128xf32, #tpu.memory_space<hbm>> -> memref<624x128xf32, #tpu.memory_space<hbm>>
        %dma_start3A_79 = arith.constant 0 : i32
        %dma_start3A_80 = tpu.memref_slice %arg11[%mul3A_75, %dma_start3A_79] : memref<10000x128xf32, #tpu.memory_space<vmem_shared>> -> memref<624x128xf32, #tpu.memory_space<vmem_shared>>
        tpu.enqueue_dma source(%dma_start3A_80 : memref<624x128xf32, #tpu.memory_space<vmem_shared>>) target(%dma_start3A_78 : memref<624x128xf32, #tpu.memory_space<hbm>>) target_semaphore(%run_scoped3A : memref<!tpu.dma_semaphore, #tpu.memory_space<semaphore_mem>>)
        %dma_wait3A = arith.constant 0 : i32
        %dma_wait3A_81 = tpu.memref_slice %arg5[%arg0, %mul3A_75, %dma_wait3A] : memref<2x10000x128xf32, #tpu.memory_space<hbm>> -> memref<1x624x128xf32, #tpu.memory_space<hbm>>
        %dma_wait3A_82 = tpu.memref_squeeze %dma_wait3A_81 : memref<1x624x128xf32, #tpu.memory_space<hbm>> -> memref<624x128xf32, #tpu.memory_space<hbm>>
        %dma_wait3A_83 = arith.constant 0 : i32
        %dma_wait3A_84 = tpu.memref_slice %arg11[%mul3A_75, %dma_wait3A_83] : memref<10000x128xf32, #tpu.memory_space<vmem_shared>> -> memref<624x128xf32, #tpu.memory_space<vmem_shared>>
        tpu.wait_dma2 semaphore(%run_scoped3A : memref<!tpu.dma_semaphore, #tpu.memory_space<semaphore_mem>>) src(%dma_wait3A_84 : memref<624x128xf32, #tpu.memory_space<vmem_shared>>) dst(%dma_wait3A_82 : memref<624x128xf32, #tpu.memory_space<hbm>>)
        tpu.yield
      }) : () -> ()
    } else {
    }
    %eq3A_69 = arith.constant 15 : i32
    %eq3A_70 = arith.cmpi eq, %arg1, %eq3A_69 : i32
    %convert_element_type3A_71 = arith.extui %eq3A_70 : i1 to i32
    %cond3A_72 = arith.constant 0 : i32
    %cond3A_73 = arith.cmpi ne, %convert_element_type3A_71, %cond3A_72 : i32
    scf.if %cond3A_73 {
      %run_scoped3A = arith.constant 9360 : i32
      "tpu.region"() ({
        %run_scoped3A_74 = tpu.sem_alloc : memref<!tpu.dma_semaphore, #tpu.memory_space<semaphore_mem>>
        %dma_start3A_75 = arith.constant 0 : i32
        %dma_start3A_76 = tpu.memref_slice %arg5[%arg0, %run_scoped3A, %dma_start3A_75] : memref<2x10000x128xf32, #tpu.memory_space<hbm>> -> memref<1x640x128xf32, #tpu.memory_space<hbm>>
        %dma_start3A_77 = tpu.memref_squeeze %dma_start3A_76 : memref<1x640x128xf32, #tpu.memory_space<hbm>> -> memref<640x128xf32, #tpu.memory_space<hbm>>
        %dma_start3A_78 = arith.constant 0 : i32
        %dma_start3A_79 = tpu.memref_slice %arg11[%run_scoped3A, %dma_start3A_78] : memref<10000x128xf32, #tpu.memory_space<vmem_shared>> -> memref<640x128xf32, #tpu.memory_space<vmem_shared>>
        tpu.enqueue_dma source(%dma_start3A_79 : memref<640x128xf32, #tpu.memory_space<vmem_shared>>) target(%dma_start3A_77 : memref<640x128xf32, #tpu.memory_space<hbm>>) target_semaphore(%run_scoped3A_74 : memref<!tpu.dma_semaphore, #tpu.memory_space<semaphore_mem>>)
        %dma_wait3A = arith.constant 0 : i32
        %dma_wait3A_80 = tpu.memref_slice %arg5[%arg0, %run_scoped3A, %dma_wait3A] : memref<2x10000x128xf32, #tpu.memory_space<hbm>> -> memref<1x640x128xf32, #tpu.memory_space<hbm>>
        %dma_wait3A_81 = tpu.memref_squeeze %dma_wait3A_80 : memref<1x640x128xf32, #tpu.memory_space<hbm>> -> memref<640x128xf32, #tpu.memory_space<hbm>>
        %dma_wait3A_82 = arith.constant 0 : i32
        %dma_wait3A_83 = tpu.memref_slice %arg11[%run_scoped3A, %dma_wait3A_82] : memref<10000x128xf32, #tpu.memory_space<vmem_shared>> -> memref<640x128xf32, #tpu.memory_space<vmem_shared>>
        tpu.wait_dma2 semaphore(%run_scoped3A_74 : memref<!tpu.dma_semaphore, #tpu.memory_space<semaphore_mem>>) src(%dma_wait3A_83 : memref<640x128xf32, #tpu.memory_space<vmem_shared>>) dst(%dma_wait3A_81 : memref<640x128xf32, #tpu.memory_space<hbm>>)
        tpu.yield
      }) : () -> ()
    } else {
    }
    return
  }
}

module attributes {stable_mosaic.version = 14 : i64} {
  func.func @body(%arg0: i32, %arg1: memref<1000x128xf32, #tpu.memory_space<vmem>>, %arg2: memref<128x128xf32, #tpu.memory_space<vmem>>, %arg3: memref<1000x1xf32, #tpu.memory_space<vmem>>, %arg4: memref<1000x1xf32, #tpu.memory_space<vmem>>, %arg5: memref<1000x128xf32, #tpu.memory_space<vmem>>) attributes {dimension_semantics = [#tpu.dimension_semantics<arbitrary>], iteration_bounds = array<i64: 10>, scalar_prefetch = 0 : i64, scratch_operands = 0 : i64, tpu.core_type = #tpu.core_type<tc>, window_params = [{transform_indices = @transform_0, window_bounds = array<i64: 1000, 128>}, {pipeline_mode = #tpu.pipeline_mode<synchronous>, transform_indices = @transform_1, window_bounds = array<i64: 128, 128>}, {transform_indices = @transform_2, window_bounds = array<i64: 1000, 1>}, {transform_indices = @transform_3, window_bounds = array<i64: 1000, 1>}, {transform_indices = @transform_4, window_bounds = array<i64: 1000, 128>}]} {
    %get3A = arith.constant 0 : index
    %get3A_0 = arith.constant 0 : index
    %get3A_1 = vector.load %arg3[%get3A, %get3A_0] : memref<1000x1xf32, #tpu.memory_space<vmem>>, vector<1000x1xf32>
    %add3A = arith.constant 1.000000e+00 : f32
    %add3A_2 = vector.broadcast %add3A : f32 to vector<1000x1xf32>
    %add3A_3 = arith.addf %add3A_2, %get3A_1 : vector<1000x1xf32>
    %get3A_4 = arith.constant 0 : index
    %get3A_5 = arith.constant 0 : index
    %get3A_6 = vector.load %arg4[%get3A_4, %get3A_5] : memref<1000x1xf32, #tpu.memory_space<vmem>>, vector<1000x1xf32>
    %add3A_7 = arith.addf %add3A_3, %get3A_6 : vector<1000x1xf32>
    %rsqrt3A = math.rsqrt %add3A_7 : vector<1000x1xf32>
    %get3A_8 = arith.constant 0 : index
    %get3A_9 = arith.constant 0 : index
    %get3A_10 = vector.load %arg1[%get3A_8, %get3A_9] : memref<1000x128xf32, #tpu.memory_space<vmem>>, vector<1000x128xf32>
    %get3A_11 = arith.constant 0 : index
    %get3A_12 = arith.constant 0 : index
    %get3A_13 = vector.load %arg2[%get3A_11, %get3A_12] : memref<128x128xf32, #tpu.memory_space<vmem>>, vector<128x128xf32>
    %dot_general3A = arith.constant dense<0.000000e+00> : vector<1000x128xf32>
    %dot_general3A_14 = tpu.matmul %get3A_10, %get3A_13, %dot_general3A {dimension_numbers = #tpu.dot_dimension_numbers<[1], [0], [0], [1], [0, 0, 1, 1], [], []>, transpose_lhs_hint = false} : vector<1000x128xf32>, vector<128x128xf32>, vector<1000x128xf32> -> vector<1000x128xf32>
    %mul3A = vector.broadcast %rsqrt3A : vector<1000x1xf32> to vector<1000x128xf32>
    %mul3A_15 = arith.mulf %mul3A, %dot_general3A_14 : vector<1000x128xf32>
    %swap3A = arith.constant 0 : index
    %swap3A_16 = arith.constant 0 : index
    %swap3A_17 = vector.load %arg5[%swap3A, %swap3A_16] : memref<1000x128xf32, #tpu.memory_space<vmem>>, vector<1000x128xf32>
    tpu.vector_store %arg5[%swap3A, %swap3A_16], %mul3A_15 {strides = array<i32>} : memref<1000x128xf32, #tpu.memory_space<vmem>>, vector<1000x128xf32>,
    return
  }
  func.func @transform_0(%arg0: i32) -> (i32, i32) {
    %c0_i32 = arith.constant 0 : i32
    %c0_i32_0 = arith.constant 0 : i32
    return %arg0, %c0_i32 : i32, i32
  }
  func.func @transform_1(%arg0: i32) -> (i32, i32) {
    %c0_i32 = arith.constant 0 : i32
    %c0_i32_0 = arith.constant 0 : i32
    %c0_i32_1 = arith.constant 0 : i32
    return %c0_i32, %c0_i32_0 : i32, i32
  }
  func.func @transform_2(%arg0: i32) -> (i32, i32) {
    %c0_i32 = arith.constant 0 : i32
    %c0_i32_0 = arith.constant 0 : i32
    return %arg0, %c0_i32 : i32, i32
  }
  func.func @transform_3(%arg0: i32) -> (i32, i32) {
    %c0_i32 = arith.constant 0 : i32
    %c0_i32_0 = arith.constant 0 : i32
    return %arg0, %c0_i32 : i32, i32
  }
  func.func @transform_4(%arg0: i32) -> (i32, i32) {
    %c0_i32 = arith.constant 0 : i32
    %c0_i32_0 = arith.constant 0 : i32
    return %arg0, %c0_i32 : i32, i32
  }
}

module attributes {stable_mosaic.version = 14 : i64} {
  func.func @body(%arg0: i32, %arg1: memref<2x1000x128xf32, #tpu.memory_space<vmem>>, %arg2: memref<1000x128xf32, #tpu.memory_space<vmem>>, %arg3: memref<1000x1xf32, #tpu.memory_space<vmem>>, %arg4: memref<1000x1xf32, #tpu.memory_space<vmem>>, %arg5: memref<1x128xf32, #tpu.memory_space<vmem>>, %arg6: memref<1000x128xf32, #tpu.memory_space<vmem>>) attributes {dimension_semantics = [#tpu.dimension_semantics<arbitrary>], iteration_bounds = array<i64: 10>, scalar_prefetch = 0 : i64, scratch_operands = 0 : i64, tpu.core_type = #tpu.core_type<tc>, window_params = [{transform_indices = @transform_0, window_bounds = array<i64: 2, 1000, 128>}, {transform_indices = @transform_1, window_bounds = array<i64: 1000, 128>}, {transform_indices = @transform_2, window_bounds = array<i64: 1000, 1>}, {transform_indices = @transform_3, window_bounds = array<i64: 1000, 1>}, {pipeline_mode = #tpu.pipeline_mode<synchronous>, transform_indices = @transform_4, window_bounds = array<i64: 1, 128>}, {transform_indices = @transform_5, window_bounds = array<i64: 1000, 128>}]} {
    %get3A = arith.constant 0 : index
    %get3A_0 = arith.constant 0 : index
    %get3A_1 = vector.load %arg3[%get3A, %get3A_0] : memref<1000x1xf32, #tpu.memory_space<vmem>>, vector<1000x1xf32>
    %add3A = arith.constant 1.000000e+00 : f32
    %add3A_2 = vector.broadcast %add3A : f32 to vector<1000x1xf32>
    %add3A_3 = arith.addf %add3A_2, %get3A_1 : vector<1000x1xf32>
    %get3A_4 = arith.constant 0 : index
    %get3A_5 = arith.constant 0 : index
    %get3A_6 = vector.load %arg4[%get3A_4, %get3A_5] : memref<1000x1xf32, #tpu.memory_space<vmem>>, vector<1000x1xf32>
    %add3A_7 = arith.addf %add3A_3, %get3A_6 : vector<1000x1xf32>
    %rsqrt3A = math.rsqrt %add3A_7 : vector<1000x1xf32>
    %get3A_8 = arith.constant 0 : index
    %get3A_9 = arith.constant 0 : index
    %get3A_10 = arith.constant 0 : index
    %get3A_11 = vector.load %arg1[%get3A_8, %get3A_9, %get3A_10] : memref<2x1000x128xf32, #tpu.memory_space<vmem>>, vector<1x1000x128xf32>
    %get3A_12 = vector.shape_cast %get3A_11 : vector<1x1000x128xf32> to vector<1000x128xf32>
    %get3A_13 = arith.constant 1 : index
    %get3A_14 = arith.constant 0 : index
    %get3A_15 = arith.constant 0 : index
    %get3A_16 = vector.load %arg1[%get3A_13, %get3A_14, %get3A_15] : memref<2x1000x128xf32, #tpu.memory_space<vmem>>, vector<1x1000x128xf32>
    %get3A_17 = vector.shape_cast %get3A_16 : vector<1x1000x128xf32> to vector<1000x128xf32>
    %add3A_18 = arith.addf %get3A_12, %get3A_17 : vector<1000x128xf32>
    %get3A_19 = arith.constant 0 : index
    %get3A_20 = arith.constant 0 : index
    %get3A_21 = vector.load %arg2[%get3A_19, %get3A_20] : memref<1000x128xf32, #tpu.memory_space<vmem>>, vector<1000x128xf32>
    %add3A_22 = arith.addf %add3A_18, %get3A_21 : vector<1000x128xf32>
    %mul3A = vector.broadcast %rsqrt3A : vector<1000x1xf32> to vector<1000x128xf32>
    %mul3A_23 = arith.mulf %mul3A, %add3A_22 : vector<1000x128xf32>
    %get3A_24 = arith.constant 0 : index
    %get3A_25 = arith.constant 0 : index
    %get3A_26 = vector.load %arg5[%get3A_24, %get3A_25] : memref<1x128xf32, #tpu.memory_space<vmem>>, vector<1x128xf32>
    %add3A_27 = vector.broadcast %get3A_26 : vector<1x128xf32> to vector<1000x128xf32>
    %add3A_28 = arith.addf %mul3A_23, %add3A_27 : vector<1000x128xf32>
    %max3A = arith.constant 0.000000e+00 : f32
    %max3A_29 = vector.broadcast %max3A : f32 to vector<1000x128xf32>
    %max3A_30 = arith.maximumf %add3A_28, %max3A_29 : vector<1000x128xf32>
    %swap3A = arith.constant 0 : index
    %swap3A_31 = arith.constant 0 : index
    %swap3A_32 = vector.load %arg6[%swap3A, %swap3A_31] : memref<1000x128xf32, #tpu.memory_space<vmem>>, vector<1000x128xf32>
    tpu.vector_store %arg6[%swap3A, %swap3A_31], %max3A_30 {strides = array<i32>} : memref<1000x128xf32, #tpu.memory_space<vmem>>, vector<1000x128xf32>,
    return
  }
  func.func @transform_0(%arg0: i32) -> (i32, i32, i32) {
    %c0_i32 = arith.constant 0 : i32
    %c0_i32_0 = arith.constant 0 : i32
    %c0_i32_1 = arith.constant 0 : i32
    return %c0_i32, %arg0, %c0_i32_0 : i32, i32, i32
  }
  func.func @transform_1(%arg0: i32) -> (i32, i32) {
    %c0_i32 = arith.constant 0 : i32
    %c0_i32_0 = arith.constant 0 : i32
    return %arg0, %c0_i32 : i32, i32
  }
  func.func @transform_2(%arg0: i32) -> (i32, i32) {
    %c0_i32 = arith.constant 0 : i32
    %c0_i32_0 = arith.constant 0 : i32
    return %arg0, %c0_i32 : i32, i32
  }
  func.func @transform_3(%arg0: i32) -> (i32, i32) {
    %c0_i32 = arith.constant 0 : i32
    %c0_i32_0 = arith.constant 0 : i32
    return %arg0, %c0_i32 : i32, i32
  }
  func.func @transform_4(%arg0: i32) -> (i32, i32) {
    %c0_i32 = arith.constant 0 : i32
    %c0_i32_0 = arith.constant 0 : i32
    %c0_i32_1 = arith.constant 0 : i32
    return %c0_i32, %c0_i32_0 : i32, i32
  }
  func.func @transform_5(%arg0: i32) -> (i32, i32) {
    %c0_i32 = arith.constant 0 : i32
    %c0_i32_0 = arith.constant 0 : i32
    return %arg0, %c0_i32 : i32, i32
  }
}

</mosaic_0001>

<sc_bundles>
// kernel: kernel.6.cloned.1.call-start
scs
__scs_entry_jumppad:
0x0: {  	(pc) =	sbr.rel $0x88, $3  }
0x1: {  	(tag) =	ssettag $0x0;
	lr =	simm.s32 $0x1  }
0x2: {  	[smem:$0x3F9D] =	sst lr;
	_ =	strace $0xD0000000  }
0x3: {  	_ = 	snop  }
0x4: {  	_ = 	snop  }
0x5: {  	_ = 	snop  }
0x6: {  	_ = 	snop  }
0x7: {  	_ = 	snop  }
__scs_overlays_trampoline_lowered:
0x8: {  	[smem:$0x3FAC] =	sst s0  }
0x9: {  	[smem:$0x3FAD] =	sst s1  }
0xa: {  	[smem:$0x3FAE] =	sst s2  }
0xb: {  	[smem:$0x3FAF] =	sst s3  }
0xc: {  	[smem:$0x3FB0] =	sst s4  }
0xd: {  	[smem:$0x3FB1] =	sst s5  }
0xe: {  	[smem:$0x3FB2] =	sst s6  }
0xf: {  	[smem:$0x3FB3] =	sst s7  }
0x10: {  	[smem:$0x3FB4] =	sst s8  }
0x11: {  	[smem:$0x3FB5] =	sst s9;
	s0 =	simm.s32 @!p0 $0x0  }
0x12: {  	s1 =	sld [smem:$0x3F9B];
	s0 =	simm.s32 @p0 $0x1  }
0x13: {  	[smem:$0x3FB6] =	sst s0;
	s0 =	simm.s32 @!p1 $0x0  }
0x14: {  	s2 =	sld [smem:$0x3F9A];
	s0 =	simm.s32 @p1 $0x1  }
0x15: {  	[smem:$0x3FB7] =	sst s0;
	s0 =	simm.s32 @!p2 $0x0  }
0x16: {  	s3 =	sld [smem:$0x3FDB];
	s0 =	simm.s32 @p2 $0x1  }
0x17: {  	s4 =	simm.s32 $0x1BF5;
	[smem:$0x3FB9] =	sst s0  }
0x18: {  	s0 =	sld [smem:$0x3F9C];
	_ =	swait.ge [sflag:s4], $0x0  }
0x19: {  	s7 =	sld [smem:$0x3F9D]  }
0x1a: {  	s8 =	sadd.s32 $0xFFFFE003, lr  }
0x1b: {  	s9 =	sadd.s32 $0xFFFFFEF7, lr;
	s5 =	simm.s32 $0xFFFFFFFF;
	p2 =	slt.u32 s8, $0xFFFFF086  }
0x1c: {  	p1 =	slt.u32 s9, $0xF7A;
	s5 =	simm.s32 @!p2 $0x0  }
0x1d: {  	s5 =	simm.s32 @p1 $0x1;
	p0 =	seq.s32 s7, s2  }
0x1e: {  	s7 =	smul.u32 @!p0 $0xF7A, s2;
	p2 =	seq.s32 @!p0 s5, $0x0  }
0x1f: {  	s9 =	smul.u32 $0xF7A, s1;
	s8 =	simm.s32 @!p0 $0x1BF5;
	p2 =	por !p2, p0  }
0x20: {  	[sflag:s8] =	ssyncset.s32 @!p0 $0xFFFFF086;
	s6 =	sadd.s32 @!p0 s3, s7;
	s7 =	simm.s32 @!p0 $0x108  }
0x21: {  	s3 =	sadd.s32 s3, s9;
	s6 =	sadd.s32 @!p0 $0x88, s6;
	s7 =	simm.s32 @p2 $0x1082  }
0x22: {  	[simem:s7], [sflag:s8] =	dma.local @!p0 [hbm:s6], $0xF7A  }
0x23: {  	s9 =	sor.u32 $0xD0000000, s2;
	s6 =	simm.s32 $0x108;
	_ =	swait.ge @!p0 [sflag:s8], $0x0  }
0x24: {  	s3 =	sadd.s32 $0x88, s3;
	s6 =	simm.s32 @!p1 $0x1082;
	[sflag:s4] =	ssyncset.s32 $0xFFFFF086  }
0x25: {  	[simem:s6], [sflag:s4] =	dma.local [hbm:s3], $0xF7A  }
0x26: {  	[smem:$0x3F9D] =	sst s1;
	(tag) =	ssettag s2;
	_ =	strace s9  }
0x27: {  	s1 =	sld [smem:$0x3FAD]  }
0x28: {  	s2 =	sld [smem:$0x3FAE]  }
0x29: {  	s4 =	sld [smem:$0x3FB0]  }
0x2a: {  	p0 =	seq.s32 s5, $0x0;
	s5 =	sld [smem:$0x3FB1]  }
0x2b: {  	s6 =	sld [smem:$0x3FB2]  }
0x2c: {  	s7 =	sld [smem:$0x3FB3]  }
0x2d: {  	s3 =	simm.s32 $0x108;
	s8 =	sld [smem:$0x3FB4]  }
0x2e: {  	s3 =	simm.s32 @!p0 $0x1082;
	s9 =	sld [smem:$0x3FB5]  }
0x2f: {  	lr =	sadd.s32 s0, s3;
	s0 =	sld [smem:$0x3FAC]  }
0x30: {  	s3 =	sld [smem:$0x3FAF]  }
0x31: {  	[smem:$0x3FB8] =	sst s10  }
0x32: {  	s10 =	sld [smem:$0x3FB6];
	_ =	sdelay $0x3  }
0x33: {  	p0 =	seq.s32 s10, $0x1;
	s10 =	sld [smem:$0x3FB8];
	_ =	sdelay $0x3  }
0x34: {  	[smem:$0x3FB8] =	sst s10  }
0x35: {  	s10 =	sld [smem:$0x3FB7];
	_ =	sdelay $0x3  }
0x36: {  	p1 =	seq.s32 s10, $0x1;
	s10 =	sld [smem:$0x3FB8];
	_ =	sdelay $0x3  }
0x37: {  	[smem:$0x3FB8] =	sst s10  }
0x38: {  	s10 =	sld [smem:$0x3FB9]  }
0x39: {  	_ = 	snop;
	(pc) =	sbr.ind lr, $3  }
0x3a: {  	_ = 	snop  }
0x3b: {  	_ = 	snop  }
0x3c: {  	p2 =	seq.s32 s10, $0x1;
	s10 =	sld [smem:$0x3FB8]  }
0x3d: {  	_ =	shalt  }
0x3e: {  	_ =	shalt  }
0x3f: {  	_ =	shalt  }
0x40: {  	_ =	shalt  }
0x41: {  	_ =	shalt  }
0x42: {  	_ =	shalt  }
0x43: {  	_ =	shalt  }
0x44: {  	_ =	shalt  }
0x45: {  	_ =	shalt  }
0x46: {  	_ =	shalt  }
0x47: {  	_ =	shalt  }
0x48: {  	_ =	shalt  }
0x49: {  	_ =	shalt  }
0x4a: {  	_ =	shalt  }
0x4b: {  	_ =	shalt  }
0x4c: {  	_ =	shalt  }
0x4d: {  	_ =	shalt  }
0x4e: {  	_ =	shalt  }
0x4f: {  	_ =	shalt  }
0x50: {  	_ =	shalt  }
0x51: {  	_ =	shalt  }
0x52: {  	_ =	shalt  }
0x53: {  	_ =	shalt  }
0x54: {  	_ =	shalt  }
0x55: {  	_ =	shalt  }
0x56: {  	_ =	shalt  }
0x57: {  	_ =	shalt  }
0x58: {  	_ =	shalt  }
0x59: {  	_ =	shalt  }
0x5a: {  	_ =	shalt  }
0x5b: {  	_ =	shalt  }
0x5c: {  	_ =	shalt  }
0x5d: {  	_ =	shalt  }
0x5e: {  	_ =	shalt  }
0x5f: {  	_ =	shalt  }
0x60: {  	_ =	shalt  }
0x61: {  	_ =	shalt  }
0x62: {  	_ =	shalt  }
0x63: {  	_ =	shalt  }
0x64: {  	_ =	shalt  }
0x65: {  	_ =	shalt  }
0x66: {  	_ =	shalt  }
0x67: {  	_ =	shalt  }
0x68: {  	_ =	shalt  }
0x69: {  	_ =	shalt  }
0x6a: {  	_ =	shalt  }
0x6b: {  	_ =	shalt  }
0x6c: {  	_ =	shalt  }
0x6d: {  	_ =	shalt  }
0x6e: {  	_ =	shalt  }
0x6f: {  	_ =	shalt  }
0x70: {  	_ =	shalt  }
0x71: {  	_ =	shalt  }
0x72: {  	_ =	shalt  }
0x73: {  	_ =	shalt  }
0x74: {  	_ =	shalt  }
0x75: {  	_ =	shalt  }
0x76: {  	_ =	shalt  }
0x77: {  	_ =	shalt  }
0x78: {  	_ =	shalt  }
0x79: {  	_ =	shalt  }
0x7a: {  	_ =	shalt  }
0x7b: {  	_ =	shalt  }
0x7c: {  	_ =	shalt  }
0x7d: {  	_ =	shalt  }
0x7e: {  	_ =	shalt  }
0x7f: {  	_ =	shalt  }
0x80: {  	_ =	shalt  }
0x81: {  	_ =	shalt  }
0x82: {  	_ =	shalt  }
0x83: {  	_ =	shalt  }
0x84: {  	_ =	shalt  }
0x85: {  	_ =	shalt  }
0x86: {  	_ =	shalt  }
0x87: {  	_ =	shalt  }
.Lfunc_end0:
.L_simem_size_0:
called_computation_lowered:
.L_overlay_start_0:
0x88: {  	s2 =	sld [smem:$0x3FD9]  }
0x89: {  	s3 =	sld [smem:$0x3FFE];
	_ =	sdelay $0x1  }
0x8a: {  	s1 =	srdreg.scid  }
0x8b: {  	s0 =	sand.u32 $0x1, s1  }
0x8c: {  	s17 =	sshll.u32 s0, $0xA;
	s2 =	sadd.s32 s3, s2  }
0x8d: {  	s2 =	sadd.s32 s2, s17  }
0x8e: {  	[smem:$0x3FC4] =	sst s2  }
0x8f: {  	_ = 	snop  }
0x90: {  	s2 =	sld [smem:$0x3FD0];
	(tm) =	ssettm $0x1  }
0x91: {  	s18 =	sld [smem:$0x3FFB];
	_ =	sdelay $0x3  }
0x92: {  	_ =	strace s18  }
0x93: {  	s3 =	sld [smem:$0x3FFC];
	_ =	sdelay $0x3  }
0x94: {  	_ =	strace s3  }
0x95: {  	s3 =	sld [smem:$0x3FFD];
	_ =	sdelay $0x3  }
0x96: {  	_ =	strace s3  }
0x97: {  	_ =	strace $0x8FFFFFFF  }
0x98: {  	s19 =	sld [smem:$0x3FDB];
	_ =	sdelay $0x1  }
0x99: {  	s4 =	simm.s32 $_scs_section_size  }
0x9a: {  	s5 =	simm.s32 $_size__tile_overlayer_lowered;
	s6 =	simm.s32 $_tile_overlayer_lowered  }
0x9b: {  	s22 =	simm.s32 $0x1BFF;
	s21 =	sshll.u32 s6, $0x1;
	s3 =	sadd.s32 s4, s19  }
0x9c: {  	s7 =	simm.s32 $0x0;
	s20 =	sshll.u32 s5, $0x1;
	s5 =	sadd.s32 s21, s3  }
0x9d: {  	[timem:s7], [sflag:s22] =	dma.local [hbm:s5], s20  }
0x9e: {  	_ =	swait.ge [sflag:s22], s20  }
0x9f: {  	s4 =	ssub.s32 $0x0, s20;
	[sflag:s22] =	ssyncset.done $0x0  }
0xa0: {  	[sflag:s22] =	ssyncadd.s32 s4;
	_ =	sdelay $0x1  }
0xa1: {  	s23 =	simm.s32 $0x1B8B  }
0xa2: {  	_ =	swait.ge [sflag:s23], $0x1  }
0xa3: {  	[sflag:s23] =	ssyncset.done $0x0  }
0xa4: {  	s25 =	simm.s32 $0x1B8E;
	s24 =	sld [smem:$0x3FFE];
	[sflag:s23] =	ssyncadd.s32 $0xFFFFFFFF  }
0xa5: {  	s26 =	simm.s32 $execute0_lowered;
	[smem:$0x3FD2] =	sst s25  }
0xa6: {  	s5 =	sshll.u32 s26, $0x1;
	_ =	strace $0x80000046;
	[dreg:$0x1] =	wrdreg $0xFFFFFFFF  }
0xa7: {  	s28 =	simm.s32 $_size_execute0_lowered;
	s3 =	sadd.s32 s3, s5;
	[dreg:$0x0] =	wrdreg $0x0  }
0xa8: {  	s5 =	sshll.u32 s28, $0x1;
	[dreg:$0x2] =	wrdreg s3  }
0xa9: {  	[dreg:$0x3] =	wrdreg s5  }
0xaa: {  	[dreg:$0x4] =	wrdreg $0xC0  }
0xab: {  	_ =	task [dreg:s7], $0x5FFFF  }
0xac: {  	[dreg:$0x1] =	wrdreg $0xFFFFFFFF  }
0xad: {  	[dreg:$0x0] =	wrdreg $0x60  }
0xae: {  	[dreg:$0x2] =	wrdreg s2  }
0xaf: {  	[dreg:$0x3] =	wrdreg s24  }
0xb0: {  	[dreg:$0x4] =	wrdreg $0x23000  }
0xb1: {  	[dreg:$0x5] =	wrdreg $0x9  }
0xb2: {  	_ =	task.clear_ibuf [dreg:s7], $0x6FFFF;
	_ =	strace $0x90000046  }
0xb3: {  	s29 =	simm.s32 $0x9;
	_ =	strace $0x80000048  }
0xb4: {  	_ =	swait.ge [sflag:s29], $0x1  }
0xb5: {  	[sflag:s29] =	ssyncadd.s32 $0xFFFFFFFF  }
0xb6: {  	_ =	strace $0x90000048  }
0xb7: {  	_ =	sfence  }
0xb8: {  	s30 =	sld [smem:$0x0];
	_ =	sdelay $0x2  }
0xb9: {  	s31 =	sshll.u32 s1, $0xD;
	s1 =	sshrl.u32 s1, $0x2  }
0xba: {  	s3 =	sand.u32 $0x4000, s31;
	s1 =	sadd.s32 s1, s30  }
0xbb: {  	s0 =	sor.u32 s3, s0;
	s1 =	sshll.u32 s1, $0x11  }
0xbc: {  	s0 =	sor.u32 s1, s0  }
0xbd: {  	s0 =	sadd.s32 $0x8F2B, s0  }
0xbe: {  	[sflag:s0] =	ssyncadd.remote.s32 $0x1  }
0xbf: {  	_ =	sfence.sel $0xFFFF  }
0xc0: {  	[dreg:$0x0] =	wrdreg $0xFFFFFFFF;
	(pc) =	sbr.abs _section_cstart, $3  }
0xc1: {  	[dreg:$0x1] =	wrdreg $0xFFFFFFFF  }
0xc2: {  	_ =	task.clear_ibuf [dreg:s7], $0x2FFFF;
	_ =	strace $0x9FFFFFFF  }
0xc3: {  	(tm) =	ssettm $0x7FFFFFFF  }
tec
execute0_lowered:
.L_overlay_start_1:
0x0: {  	(tag) =	ssettag $0x1  }
0x1: {  	s9 =	rddreg [dreg:$0x0]  }
0x2: {  	s5 =	rddreg [dreg:$0x1]  }
0x3: {  	s1 =	rddreg [dreg:$0x2]  }
0x4: {  	s0 =	rddreg [dreg:$0x3];
	s3 =	simm.s32 $0x0;
	s4 =	srdreg.scid  }
0x5: {  	s2 =	stileid.u32;
	s14 =	simm.s32 $0x1;
	s17 =	simm.s32 $0x0  }
0x6: {  	[smem:$0x7FF] =	sst s3;
	s10 =	sand.u32 $0x1, s4;
	s6 =	smul.u32 $0x9C0, s2  }
0x7: {  	s4 =	sadd.s32 $0x1400, s5;
	s5 =	sadd.s32 $0x1A00, s5;
	p0 =	seq.s32 s2, $0x0  }
0x8: {  	s30 =	sshll.u32 s2, $0x9;
	_ =	strace $0x80000047;
	s8 =	smul.u32 $0x32, s10  }
0x9: {  	s7 =	ssub.s32 $0x2, s10;
	s12 =	smul.u32 $0x6400, s10;
	p1 =	seq.s32 s10, $0x1  }
0xa: {  	s13 =	sor.u32 s10, s2;
	s11 =	sshrl.u32 s7, $0x1;
	s6 =	sshrl.u32 s6, $0x2  }
0xb: {  	p0 =	por !p0, !p1;
	p1 =	seq.s32 s2, $0xF;
	p2 =	sne.s32 s13, $0x0  }
0xc: {  	s13 =	simm.s32 $0x2000;
	s11 =	ssub.s32 s7, s11;
	s6 =	sadd.s32 s6, s1  }
.Ltmp0:
0xd: {  	s8 =	sadd.s32 s2, s8;
	s7 =	sadd.s32 $0x2490, s1;
	(pc) =	sbr.rel .LBB2_1-.Ltmp0, $4  }
0xe: {  	p0 =	por !p0, !p0;
	s15 =	sshll.u32 @!p2 s2, $0x6;
	s8 =	sshll.u32 s8, $0x9  }
0xf: {  	s16 =	sshrl.u32 @!p2 s1, $0x3;
	s8 =	sadd.s32 s9, s8;
	s9 =	sadd.s32 s12, s9  }
0x10: {  	s15 =	sor.u32 @!p2 $0x1C03, s15;
	s12 =	simm.s32 $0x80;
	s31 =	sadd.s32 s30, s9  }
0x11: {  	v0 =	vimm.f32 $1.000000000e+00;
	v1 =	vimm.f32 $0.0e+00;
	s9 =	smax.u32 s11, $0x1;
	s11 =	simm.s32 $0x2;
	s10 =	sadd.s32 $0x2000, s31  }
.LBB2_5:
0x12: {  	[bflag:$0x0] =	sbarrier.arrive $0xFFFF;
	s18 =	simm.s32 @!p2 $0x3  }
0x13: {  	[hbm:s4], [sflag:s15] =	dma.local @!p2 [spmem:s16], $0x4F0  }
0x14: {  	_ =	swait.ge @!p2 [sflag:s18], $0x4F0  }
0x15: {  	s19 =	simm.s32 @p0 $0x1C03;
	s17 =	sadd.s32 $0x1, s17;
	[sflag:s18] =	ssyncset.done @!p2 $0x0  }
0x16: {  	p3 =	sne.s32 s17, s9;
	[sflag:s18] =	ssyncadd.s32 @!p2 $0xFFFFFB10;
	s18 =	sshrl.u32 @p0 s1, $0x3  }
0x17: {  	[hbm:s5], [sflag:s19] =	dma.local @p0 [spmem:s18], $0x4F0  }
.Ltmp1:
0x18: {  	_ = 	snop;
	(pc) =	sbr.rel @!p3 .LBB2_6-.Ltmp1, $4  }
0x19: {  	s18 =	simm.s32 @p0 $0x3  }
0x1a: {  	_ =	swait.ge @p0 [sflag:s18], $0x4F0  }
0x1b: {  	[sflag:s18] =	ssyncset.done @p0 $0x0  }
0x1c: {  	[sflag:s18] =	ssyncadd.s32 @p0 $0xFFFFFB10  }
.LBB2_1:
0x1d: {  	[tilespmem:$0x2000] =	vst v0  }
0x1e: {  	[tilespmem:$0x2010] =	vst v0  }
0x1f: {  	[tilespmem:$0x2020] =	vst v0  }
0x20: {  	[tilespmem:$0x2030] =	vst v0  }
0x21: {  	[tilespmem:$0x2040] =	vst v0  }
0x22: {  	[tilespmem:$0x2050] =	vst v0  }
0x23: {  	[tilespmem:$0x2060] =	vst v0  }
0x24: {  	[tilespmem:$0x2070] =	vst v0  }
0x25: {  	[tilespmem:$0x2080] =	vst v1  }
0x26: {  	[tilespmem:$0x2090] =	vst v1  }
0x27: {  	[tilespmem:$0x20A0] =	vst v1  }
0x28: {  	[tilespmem:$0x20B0] =	vst v1  }
0x29: {  	[tilespmem:$0x20C0] =	vst v1  }
0x2a: {  	[tilespmem:$0x20D0] =	vst v1  }
0x2b: {  	[tilespmem:$0x20E0] =	vst v1  }
0x2c: {  	[tilespmem:$0x20F0] =	vst v1  }
0x2d: {  	[tilespmem:$0x2100] =	vst v1  }
0x2e: {  	[tilespmem:$0x2110] =	vst v1  }
0x2f: {  	[tilespmem:$0x2120] =	vst v1  }
0x30: {  	[tilespmem:$0x2130] =	vst v1  }
0x31: {  	[tilespmem:$0x2140] =	vst v1  }
0x32: {  	[tilespmem:$0x2150] =	vst v1  }
0x33: {  	[tilespmem:$0x2160] =	vst v1  }
0x34: {  	[tilespmem:$0x2170] =	vst v1  }
0x35: {  	[tilespmem:$0x2180] =	vst v1  }
0x36: {  	[tilespmem:$0x2190] =	vst v1  }
0x37: {  	[tilespmem:$0x21A0] =	vst v1  }
0x38: {  	[tilespmem:$0x21B0] =	vst v1  }
0x39: {  	[tilespmem:$0x21C0] =	vst v1  }
0x3a: {  	[tilespmem:$0x21D0] =	vst v1  }
0x3b: {  	[tilespmem:$0x21E0] =	vst v1  }
0x3c: {  	[tilespmem:$0x21F0] =	vst v1  }
0x3d: {  	[tilespmem:$0x2200] =	vst v1  }
0x3e: {  	[tilespmem:$0x2210] =	vst v1  }
0x3f: {  	[tilespmem:$0x2220] =	vst v1  }
0x40: {  	[tilespmem:$0x2230] =	vst v1  }
0x41: {  	[tilespmem:$0x2240] =	vst v1  }
0x42: {  	[tilespmem:$0x2250] =	vst v1  }
0x43: {  	[tilespmem:$0x2260] =	vst v1  }
0x44: {  	[tilespmem:$0x2270] =	vst v1  }
0x45: {  	[tilespmem:$0x2280] =	vst v1  }
0x46: {  	[tilespmem:$0x2290] =	vst v1  }
0x47: {  	[tilespmem:$0x22A0] =	vst v1  }
0x48: {  	[tilespmem:$0x22B0] =	vst v1  }
0x49: {  	[tilespmem:$0x22C0] =	vst v1  }
0x4a: {  	[tilespmem:$0x22D0] =	vst v1  }
0x4b: {  	[tilespmem:$0x22E0] =	vst v1  }
0x4c: {  	[tilespmem:$0x22F0] =	vst v1;
	s18 =	simm.s32 @p1 $0x2080  }
0x4d: {  	[spmem:s7] =	stream.linear.scatter @p1 [tilespmem:s18], [sflag:$0x3], $0x280, $0x38;
	[tilespmem:$0x2578] =	vst v63  }
0x4e: {  	s18 =	simm.s32 @p1 $0x3  }
0x4f: {  	_ =	swait.ge @p1 [sflag:s18], $0x280  }
0x50: {  	[sflag:s18] =	ssyncset.done @p1 $0x0  }
0x51: {  	[sflag:s18] =	ssyncadd.s32 @p1 $0xFFFFFD80;
	s18 =	simm.s32 @!p1 $0x2080  }
0x52: {  	[spmem:s6] =	stream.linear.scatter @!p1 [tilespmem:s18], [sflag:$0x3], $0x270, $0x38;
	[tilespmem:$0x2578] =	vst v63  }
0x53: {  	s18 =	simm.s32 @!p1 $0x3  }
.Ltmp2:
0x54: {  	_ =	swait.ge @!p1 [sflag:s18], $0x270;
	(pc) =	sbr.rel .LBB2_2-.Ltmp2, $4  }
0x55: {  	[sflag:s18] =	ssyncset.done @!p1 $0x0  }
0x56: {  	s19 =	smov.u32 s10;
	[sflag:s18] =	ssyncadd.s32 @!p1 $0xFFFFFD90  }
0x57: {  	s20 =	simm.s32 $0x0;
	s18 =	stileid.u32;
	[bflag:$0x0] =	sbarrier.arrive $0xFFFF  }
0x58: {  	[tilespmem:s3], [sflag:$0x2] =	stream.linear.gather [hbm4b:s8+s3], $0xC80, $0x38;
	[tilespmem:$0x2578] =	vst v63  }
.LBB2_4:
0x59: {  	s20 =	sadd.s32 $0x1, s20  }
0x5a: {  	p3 =	sne.s32 s20, $0x4  }
.Ltmp3:
0x5b: {  	_ = 	snop;
	(pc) =	sbr.rel @!p3 .LBB2_5-.Ltmp3, $2  }
0x5c: {  	_ =	sdelay $0x2  }
0x5d: {  	s19 =	sadd.s32 $0x2000, s19;
	s18 =	sadd.s32 $0x10, s18  }
.LBB2_2:
0x5e: {  	p3 =	sgt.u32 s18, $0x31  }
.Ltmp4:
0x5f: {  	_ = 	snop;
	(pc) =	sbr.rel @p3 .LBB2_4-.Ltmp4, $1  }
0x60: {  	_ =	sdelay $0x3  }
0x61: {  	s21 =	sand.u32 $0x1, s20;
	_ =	swait.ge [sflag:s11], $0xC80;
	p3 =	sgt.u32 s18, $0x21  }
0x62: {  	[sflag:s11] =	ssyncset.done $0x0;
	s22 =	sshll.u32 @!p3 s21, $0xC  }
0x63: {  	s23 =	simm.s32 @!p3 $0x0;
	[sflag:s11] =	ssyncadd.s32 $0xFFFFF380;
	s22 =	sxor.u32 @!p3 $0x1000, s22  }
0x64: {  	[tilespmem:s22], [sflag:$0x2] =	stream.linear.gather @!p3 [hbm4b:s19+s23], $0xC80, $0x38;
	[tilespmem:$0x2578] =	vst v63  }
0x65: {  	s21 =	sshll.u32 s21, $0xC  }
0x66: {  	[spmem:s1] =	stream.indirect.scatter.add.f32 [tilespmem:s13], [sflag:$0x1], $0x1, s21, s12, $0xb8;
	[tilespmem:$0x2578] =	vst v63  }
0x67: {  	s24 =	sor.u32 $0x80, s21  }
0x68: {  	[spmem:s1] =	stream.indirect.scatter.add.f32 [tilespmem:s13], [sflag:$0x1], $0x1, s24, s12, $0xb8;
	[tilespmem:$0x2578] =	vst v63  }
0x69: {  	s25 =	sor.u32 $0x100, s21  }
0x6a: {  	[spmem:s1] =	stream.indirect.scatter.add.f32 [tilespmem:s13], [sflag:$0x1], $0x1, s25, s12, $0xb8;
	[tilespmem:$0x2578] =	vst v63  }
0x6b: {  	s26 =	sor.u32 $0x180, s21  }
0x6c: {  	[spmem:s1] =	stream.indirect.scatter.add.f32 [tilespmem:s13], [sflag:$0x1], $0x1, s26, s12, $0xb8;
	[tilespmem:$0x2578] =	vst v63  }
0x6d: {  	s28 =	sor.u32 $0x200, s21  }
0x6e: {  	[spmem:s1] =	stream.indirect.scatter.add.f32 [tilespmem:s13], [sflag:$0x1], $0x1, s28, s12, $0xb8;
	[tilespmem:$0x2578] =	vst v63  }
0x6f: {  	s29 =	sor.u32 $0x280, s21  }
0x70: {  	[spmem:s1] =	stream.indirect.scatter.add.f32 [tilespmem:s13], [sflag:$0x1], $0x1, s29, s12, $0xb8;
	[tilespmem:$0x2578] =	vst v63  }
0x71: {  	s30 =	sor.u32 $0x300, s21  }
0x72: {  	[spmem:s1] =	stream.indirect.scatter.add.f32 [tilespmem:s13], [sflag:$0x1], $0x1, s30, s12, $0xb8;
	[tilespmem:$0x2578] =	vst v63  }
0x73: {  	s31 =	sor.u32 $0x380, s21  }
0x74: {  	[spmem:s1] =	stream.indirect.scatter.add.f32 [tilespmem:s13], [sflag:$0x1], $0x1, s31, s12, $0xb8;
	[tilespmem:$0x2578] =	vst v63  }
0x75: {  	s23 =	sor.u32 $0x400, s21  }
0x76: {  	[spmem:s1] =	stream.indirect.scatter.add.f32 [tilespmem:s13], [sflag:$0x1], $0x1, s23, s12, $0xb8;
	[tilespmem:$0x2578] =	vst v63  }
0x77: {  	s24 =	sor.u32 $0x480, s21  }
0x78: {  	[spmem:s1] =	stream.indirect.scatter.add.f32 [tilespmem:s13], [sflag:$0x1], $0x1, s24, s12, $0xb8;
	[tilespmem:$0x2578] =	vst v63  }
0x79: {  	s25 =	sor.u32 $0x500, s21  }
0x7a: {  	[spmem:s1] =	stream.indirect.scatter.add.f32 [tilespmem:s13], [sflag:$0x1], $0x1, s25, s12, $0xb8;
	[tilespmem:$0x2578] =	vst v63  }
0x7b: {  	s26 =	sor.u32 $0x580, s21  }
0x7c: {  	[spmem:s1] =	stream.indirect.scatter.add.f32 [tilespmem:s13], [sflag:$0x1], $0x1, s26, s12, $0xb8;
	[tilespmem:$0x2578] =	vst v63  }
0x7d: {  	s28 =	sor.u32 $0x600, s21  }
0x7e: {  	[spmem:s1] =	stream.indirect.scatter.add.f32 [tilespmem:s13], [sflag:$0x1], $0x1, s28, s12, $0xb8;
	[tilespmem:$0x2578] =	vst v63  }
0x7f: {  	s29 =	sor.u32 $0x680, s21  }
0x80: {  	[spmem:s1] =	stream.indirect.scatter.add.f32 [tilespmem:s13], [sflag:$0x1], $0x1, s29, s12, $0xb8;
	[tilespmem:$0x2578] =	vst v63  }
0x81: {  	s30 =	sor.u32 $0x700, s21  }
0x82: {  	[spmem:s1] =	stream.indirect.scatter.add.f32 [tilespmem:s13], [sflag:$0x1], $0x1, s30, s12, $0xb8;
	[tilespmem:$0x2578] =	vst v63  }
0x83: {  	s31 =	sor.u32 $0x780, s21  }
0x84: {  	[spmem:s1] =	stream.indirect.scatter.add.f32 [tilespmem:s13], [sflag:$0x1], $0x1, s31, s12, $0xb8;
	[tilespmem:$0x2578] =	vst v63  }
0x85: {  	s23 =	sor.u32 $0x800, s21  }
0x86: {  	[spmem:s1] =	stream.indirect.scatter.add.f32 [tilespmem:s13], [sflag:$0x1], $0x1, s23, s12, $0xb8;
	[tilespmem:$0x2578] =	vst v63  }
0x87: {  	s24 =	sor.u32 $0x880, s21  }
0x88: {  	[spmem:s1] =	stream.indirect.scatter.add.f32 [tilespmem:s13], [sflag:$0x1], $0x1, s24, s12, $0xb8;
	[tilespmem:$0x2578] =	vst v63  }
0x89: {  	s25 =	sor.u32 $0x900, s21  }
0x8a: {  	[spmem:s1] =	stream.indirect.scatter.add.f32 [tilespmem:s13], [sflag:$0x1], $0x1, s25, s12, $0xb8;
	[tilespmem:$0x2578] =	vst v63  }
0x8b: {  	s26 =	sor.u32 $0x980, s21  }
0x8c: {  	[spmem:s1] =	stream.indirect.scatter.add.f32 [tilespmem:s13], [sflag:$0x1], $0x1, s26, s12, $0xb8;
	[tilespmem:$0x2578] =	vst v63  }
0x8d: {  	s28 =	sor.u32 $0xA00, s21  }
0x8e: {  	[spmem:s1] =	stream.indirect.scatter.add.f32 [tilespmem:s13], [sflag:$0x1], $0x1, s28, s12, $0xb8;
	[tilespmem:$0x2578] =	vst v63  }
0x8f: {  	s29 =	sor.u32 $0xA80, s21  }
0x90: {  	[spmem:s1] =	stream.indirect.scatter.add.f32 [tilespmem:s13], [sflag:$0x1], $0x1, s29, s12, $0xb8;
	[tilespmem:$0x2578] =	vst v63  }
0x91: {  	s30 =	sor.u32 $0xB00, s21  }
0x92: {  	[spmem:s1] =	stream.indirect.scatter.add.f32 [tilespmem:s13], [sflag:$0x1], $0x1, s30, s12, $0xb8;
	[tilespmem:$0x2578] =	vst v63  }
0x93: {  	s31 =	sor.u32 $0xB80, s21  }
0x94: {  	[spmem:s1] =	stream.indirect.scatter.add.f32 [tilespmem:s13], [sflag:$0x1], $0x1, s31, s12, $0xb8;
	[tilespmem:$0x2578] =	vst v63  }
0x95: {  	s21 =	sor.u32 $0xC00, s21  }
0x96: {  	[spmem:s1] =	stream.indirect.scatter.add.f32 [tilespmem:s13], [sflag:$0x1], $0x1, s21, s12, $0xb8;
	[tilespmem:$0x2578] =	vst v63  }
0x97: {  	_ =	swait.ge [sflag:s14], $0x80  }
0x98: {  	[sflag:s14] =	ssyncset.done $0x0  }
0x99: {  	[sflag:s14] =	ssyncadd.s32 $0xFFFFFF80  }
0x9a: {  	_ =	swait.ge [sflag:s14], $0x80  }
0x9b: {  	[sflag:s14] =	ssyncset.done $0x0  }
0x9c: {  	[sflag:s14] =	ssyncadd.s32 $0xFFFFFF80  }
0x9d: {  	_ =	swait.ge [sflag:s14], $0x80  }
0x9e: {  	[sflag:s14] =	ssyncset.done $0x0  }
0x9f: {  	[sflag:s14] =	ssyncadd.s32 $0xFFFFFF80  }
0xa0: {  	_ =	swait.ge [sflag:s14], $0x80  }
0xa1: {  	[sflag:s14] =	ssyncset.done $0x0  }
0xa2: {  	[sflag:s14] =	ssyncadd.s32 $0xFFFFFF80  }
0xa3: {  	_ =	swait.ge [sflag:s14], $0x80  }
0xa4: {  	[sflag:s14] =	ssyncset.done $0x0  }
0xa5: {  	[sflag:s14] =	ssyncadd.s32 $0xFFFFFF80  }
0xa6: {  	_ =	swait.ge [sflag:s14], $0x80  }
0xa7: {  	[sflag:s14] =	ssyncset.done $0x0  }
0xa8: {  	[sflag:s14] =	ssyncadd.s32 $0xFFFFFF80  }
0xa9: {  	_ =	swait.ge [sflag:s14], $0x80  }
0xaa: {  	[sflag:s14] =	ssyncset.done $0x0  }
0xab: {  	[sflag:s14] =	ssyncadd.s32 $0xFFFFFF80  }
0xac: {  	_ =	swait.ge [sflag:s14], $0x80  }
0xad: {  	[sflag:s14] =	ssyncset.done $0x0  }
0xae: {  	[sflag:s14] =	ssyncadd.s32 $0xFFFFFF80  }
0xaf: {  	_ =	swait.ge [sflag:s14], $0x80  }
0xb0: {  	[sflag:s14] =	ssyncset.done $0x0  }
0xb1: {  	[sflag:s14] =	ssyncadd.s32 $0xFFFFFF80  }
0xb2: {  	_ =	swait.ge [sflag:s14], $0x80  }
0xb3: {  	[sflag:s14] =	ssyncset.done $0x0  }
0xb4: {  	[sflag:s14] =	ssyncadd.s32 $0xFFFFFF80  }
0xb5: {  	_ =	swait.ge [sflag:s14], $0x80  }
0xb6: {  	[sflag:s14] =	ssyncset.done $0x0  }
0xb7: {  	[sflag:s14] =	ssyncadd.s32 $0xFFFFFF80  }
0xb8: {  	_ =	swait.ge [sflag:s14], $0x80  }
0xb9: {  	[sflag:s14] =	ssyncset.done $0x0  }
0xba: {  	[sflag:s14] =	ssyncadd.s32 $0xFFFFFF80  }
0xbb: {  	_ =	swait.ge [sflag:s14], $0x80  }
0xbc: {  	[sflag:s14] =	ssyncset.done $0x0  }
0xbd: {  	[sflag:s14] =	ssyncadd.s32 $0xFFFFFF80  }
0xbe: {  	_ =	swait.ge [sflag:s14], $0x80  }
0xbf: {  	[sflag:s14] =	ssyncset.done $0x0  }
0xc0: {  	[sflag:s14] =	ssyncadd.s32 $0xFFFFFF80  }
0xc1: {  	_ =	swait.ge [sflag:s14], $0x80  }
0xc2: {  	[sflag:s14] =	ssyncset.done $0x0  }
0xc3: {  	[sflag:s14] =	ssyncadd.s32 $0xFFFFFF80  }
0xc4: {  	_ =	swait.ge [sflag:s14], $0x80  }
0xc5: {  	[sflag:s14] =	ssyncset.done $0x0  }
0xc6: {  	[sflag:s14] =	ssyncadd.s32 $0xFFFFFF80  }
0xc7: {  	_ =	swait.ge [sflag:s14], $0x80  }
0xc8: {  	[sflag:s14] =	ssyncset.done $0x0  }
0xc9: {  	[sflag:s14] =	ssyncadd.s32 $0xFFFFFF80  }
0xca: {  	_ =	swait.ge [sflag:s14], $0x80  }
0xcb: {  	[sflag:s14] =	ssyncset.done $0x0  }
0xcc: {  	[sflag:s14] =	ssyncadd.s32 $0xFFFFFF80  }
0xcd: {  	_ =	swait.ge [sflag:s14], $0x80  }
0xce: {  	[sflag:s14] =	ssyncset.done $0x0  }
0xcf: {  	[sflag:s14] =	ssyncadd.s32 $0xFFFFFF80  }
0xd0: {  	_ =	swait.ge [sflag:s14], $0x80  }
0xd1: {  	[sflag:s14] =	ssyncset.done $0x0  }
0xd2: {  	[sflag:s14] =	ssyncadd.s32 $0xFFFFFF80  }
0xd3: {  	_ =	swait.ge [sflag:s14], $0x80  }
0xd4: {  	[sflag:s14] =	ssyncset.done $0x0  }
0xd5: {  	[sflag:s14] =	ssyncadd.s32 $0xFFFFFF80  }
0xd6: {  	_ =	swait.ge [sflag:s14], $0x80  }
0xd7: {  	[sflag:s14] =	ssyncset.done $0x0  }
0xd8: {  	[sflag:s14] =	ssyncadd.s32 $0xFFFFFF80  }
0xd9: {  	_ =	swait.ge [sflag:s14], $0x80  }
0xda: {  	[sflag:s14] =	ssyncset.done $0x0  }
0xdb: {  	[sflag:s14] =	ssyncadd.s32 $0xFFFFFF80  }
0xdc: {  	_ =	swait.ge [sflag:s14], $0x80  }
.Ltmp5:
0xdd: {  	[sflag:s14] =	ssyncset.done $0x0;
	(pc) =	sbr.rel .LBB2_4-.Ltmp5, $4  }
0xde: {  	[sflag:s14] =	ssyncadd.s32 $0xFFFFFF80  }
0xdf: {  	_ =	swait.ge [sflag:s14], $0x80  }
0xe0: {  	[sflag:s14] =	ssyncset.done $0x0  }
0xe1: {  	[sflag:s14] =	ssyncadd.s32 $0xFFFFFF80  }
.LBB2_6:
0xe2: {  	_ =	sfence.sel $0x180000  }
0xe3: {  	[bflag:$0x0] =	sbarrier.arrive $0xFFFF  }
0xe4: {  	p0 =	sne.s32 s2, $0x0;
	_ =	strace $0x90000047  }
0xe5: {  	s0 =	sadd.s32 @!p0 $0x100000, s0;
	[bflag:$0x2] =	sbarrier.arrive $0xFFFF  }
0xe6: {  	[sflag:s0] =	ssyncadd.tile.s32 @!p0 $0x1;
	_ =	shalt  }
.Lfunc_end2:
_tile_overlayer_lowered:
.L_overlay_start_2:
0xe7: {  	(tag) =	ssettag $0x2  }
0xe8: {  	s0 =	rddreg [dreg:$0x0];
	s2 =	stileid.u32  }
0xe9: {  	s1 =	rddreg [dreg:$0x1];
	p0 =	sne.s32 s2, $0x0  }
0xea: {  	s3 =	rddreg [dreg:$0x2];
	[bflag:$0x3] =	sbarrier.arrive $0xFFFF;
	s2 =	simm.s32 @!p0 $0x1C03  }
0xeb: {  	[timem:s3], [sflag:s2] =	dma.local @!p0 [hbm:s0], s1  }
0xec: {  	s0 =	simm.s32 @!p0 $0x3  }
0xed: {  	_ =	swait.ge @!p0 [sflag:s0], s1  }
0xee: {  	s1 =	ssub.s32 @!p0 $0x0, s1;
	[sflag:s0] =	ssyncset.done @!p0 $0x0  }
0xef: {  	[sflag:s0] =	ssyncadd.s32 @!p0 s1  }
0xf0: {  	[bflag:$0x3] =	sbarrier.arrive $0xFFFF  }
0xf1: {  	_ =	shalt  }

// kernel: kernel.9.cloned.1.call-start
scs
__scs_entry_jumppad:
0x0: {  	(pc) =	sbr.rel $0x88, $3  }
0x1: {  	(tag) =	ssettag $0x0;
	lr =	simm.s32 $0x1  }
0x2: {  	[smem:$0x3F9D] =	sst lr;
	_ =	strace $0xD0000000  }
0x3: {  	_ = 	snop  }
0x4: {  	_ = 	snop  }
0x5: {  	_ = 	snop  }
0x6: {  	_ = 	snop  }
0x7: {  	_ = 	snop  }
__scs_overlays_trampoline_lowered:
0x8: {  	[smem:$0x3FAC] =	sst s0  }
0x9: {  	[smem:$0x3FAD] =	sst s1  }
0xa: {  	[smem:$0x3FAE] =	sst s2  }
0xb: {  	[smem:$0x3FAF] =	sst s3  }
0xc: {  	[smem:$0x3FB0] =	sst s4  }
0xd: {  	[smem:$0x3FB1] =	sst s5  }
0xe: {  	[smem:$0x3FB2] =	sst s6  }
0xf: {  	[smem:$0x3FB3] =	sst s7  }
0x10: {  	[smem:$0x3FB4] =	sst s8  }
0x11: {  	[smem:$0x3FB5] =	sst s9;
	s0 =	simm.s32 @!p0 $0x0  }
0x12: {  	s1 =	sld [smem:$0x3F9B];
	s0 =	simm.s32 @p0 $0x1  }
0x13: {  	[smem:$0x3FB6] =	sst s0;
	s0 =	simm.s32 @!p1 $0x0  }
0x14: {  	s2 =	sld [smem:$0x3F9A];
	s0 =	simm.s32 @p1 $0x1  }
0x15: {  	[smem:$0x3FB7] =	sst s0;
	s0 =	simm.s32 @!p2 $0x0  }
0x16: {  	s3 =	sld [smem:$0x3FDB];
	s0 =	simm.s32 @p2 $0x1  }
0x17: {  	s4 =	simm.s32 $0x1BF5;
	[smem:$0x3FB9] =	sst s0  }
0x18: {  	s0 =	sld [smem:$0x3F9C];
	_ =	swait.ge [sflag:s4], $0x0  }
0x19: {  	s7 =	sld [smem:$0x3F9D]  }
0x1a: {  	s8 =	sadd.s32 $0xFFFFE003, lr  }
0x1b: {  	s9 =	sadd.s32 $0xFFFFFEF7, lr;
	s5 =	simm.s32 $0xFFFFFFFF;
	p2 =	slt.u32 s8, $0xFFFFF086  }
0x1c: {  	p1 =	slt.u32 s9, $0xF7A;
	s5 =	simm.s32 @!p2 $0x0  }
0x1d: {  	s5 =	simm.s32 @p1 $0x1;
	p0 =	seq.s32 s7, s2  }
0x1e: {  	s7 =	smul.u32 @!p0 $0xF7A, s2;
	p2 =	seq.s32 @!p0 s5, $0x0  }
0x1f: {  	s9 =	smul.u32 $0xF7A, s1;
	s8 =	simm.s32 @!p0 $0x1BF5;
	p2 =	por !p2, p0  }
0x20: {  	[sflag:s8] =	ssyncset.s32 @!p0 $0xFFFFF086;
	s6 =	sadd.s32 @!p0 s3, s7;
	s7 =	simm.s32 @!p0 $0x108  }
0x21: {  	s3 =	sadd.s32 s3, s9;
	s6 =	sadd.s32 @!p0 $0x88, s6;
	s7 =	simm.s32 @p2 $0x1082  }
0x22: {  	[simem:s7], [sflag:s8] =	dma.local @!p0 [hbm:s6], $0xF7A  }
0x23: {  	s9 =	sor.u32 $0xD0000000, s2;
	s6 =	simm.s32 $0x108;
	_ =	swait.ge @!p0 [sflag:s8], $0x0  }
0x24: {  	s3 =	sadd.s32 $0x88, s3;
	s6 =	simm.s32 @!p1 $0x1082;
	[sflag:s4] =	ssyncset.s32 $0xFFFFF086  }
0x25: {  	[simem:s6], [sflag:s4] =	dma.local [hbm:s3], $0xF7A  }
0x26: {  	[smem:$0x3F9D] =	sst s1;
	(tag) =	ssettag s2;
	_ =	strace s9  }
0x27: {  	s1 =	sld [smem:$0x3FAD]  }
0x28: {  	s2 =	sld [smem:$0x3FAE]  }
0x29: {  	s4 =	sld [smem:$0x3FB0]  }
0x2a: {  	p0 =	seq.s32 s5, $0x0;
	s5 =	sld [smem:$0x3FB1]  }
0x2b: {  	s6 =	sld [smem:$0x3FB2]  }
0x2c: {  	s7 =	sld [smem:$0x3FB3]  }
0x2d: {  	s3 =	simm.s32 $0x108;
	s8 =	sld [smem:$0x3FB4]  }
0x2e: {  	s3 =	simm.s32 @!p0 $0x1082;
	s9 =	sld [smem:$0x3FB5]  }
0x2f: {  	lr =	sadd.s32 s0, s3;
	s0 =	sld [smem:$0x3FAC]  }
0x30: {  	s3 =	sld [smem:$0x3FAF]  }
0x31: {  	[smem:$0x3FB8] =	sst s10  }
0x32: {  	s10 =	sld [smem:$0x3FB6];
	_ =	sdelay $0x3  }
0x33: {  	p0 =	seq.s32 s10, $0x1;
	s10 =	sld [smem:$0x3FB8];
	_ =	sdelay $0x3  }
0x34: {  	[smem:$0x3FB8] =	sst s10  }
0x35: {  	s10 =	sld [smem:$0x3FB7];
	_ =	sdelay $0x3  }
0x36: {  	p1 =	seq.s32 s10, $0x1;
	s10 =	sld [smem:$0x3FB8];
	_ =	sdelay $0x3  }
0x37: {  	[smem:$0x3FB8] =	sst s10  }
0x38: {  	s10 =	sld [smem:$0x3FB9]  }
0x39: {  	_ = 	snop;
	(pc) =	sbr.ind lr, $3  }
0x3a: {  	_ = 	snop  }
0x3b: {  	_ = 	snop  }
0x3c: {  	p2 =	seq.s32 s10, $0x1;
	s10 =	sld [smem:$0x3FB8]  }
0x3d: {  	_ =	shalt  }
0x3e: {  	_ =	shalt  }
0x3f: {  	_ =	shalt  }
0x40: {  	_ =	shalt  }
0x41: {  	_ =	shalt  }
0x42: {  	_ =	shalt  }
0x43: {  	_ =	shalt  }
0x44: {  	_ =	shalt  }
0x45: {  	_ =	shalt  }
0x46: {  	_ =	shalt  }
0x47: {  	_ =	shalt  }
0x48: {  	_ =	shalt  }
0x49: {  	_ =	shalt  }
0x4a: {  	_ =	shalt  }
0x4b: {  	_ =	shalt  }
0x4c: {  	_ =	shalt  }
0x4d: {  	_ =	shalt  }
0x4e: {  	_ =	shalt  }
0x4f: {  	_ =	shalt  }
0x50: {  	_ =	shalt  }
0x51: {  	_ =	shalt  }
0x52: {  	_ =	shalt  }
0x53: {  	_ =	shalt  }
0x54: {  	_ =	shalt  }
0x55: {  	_ =	shalt  }
0x56: {  	_ =	shalt  }
0x57: {  	_ =	shalt  }
0x58: {  	_ =	shalt  }
0x59: {  	_ =	shalt  }
0x5a: {  	_ =	shalt  }
0x5b: {  	_ =	shalt  }
0x5c: {  	_ =	shalt  }
0x5d: {  	_ =	shalt  }
0x5e: {  	_ =	shalt  }
0x5f: {  	_ =	shalt  }
0x60: {  	_ =	shalt  }
0x61: {  	_ =	shalt  }
0x62: {  	_ =	shalt  }
0x63: {  	_ =	shalt  }
0x64: {  	_ =	shalt  }
0x65: {  	_ =	shalt  }
0x66: {  	_ =	shalt  }
0x67: {  	_ =	shalt  }
0x68: {  	_ =	shalt  }
0x69: {  	_ =	shalt  }
0x6a: {  	_ =	shalt  }
0x6b: {  	_ =	shalt  }
0x6c: {  	_ =	shalt  }
0x6d: {  	_ =	shalt  }
0x6e: {  	_ =	shalt  }
0x6f: {  	_ =	shalt  }
0x70: {  	_ =	shalt  }
0x71: {  	_ =	shalt  }
0x72: {  	_ =	shalt  }
0x73: {  	_ =	shalt  }
0x74: {  	_ =	shalt  }
0x75: {  	_ =	shalt  }
0x76: {  	_ =	shalt  }
0x77: {  	_ =	shalt  }
0x78: {  	_ =	shalt  }
0x79: {  	_ =	shalt  }
0x7a: {  	_ =	shalt  }
0x7b: {  	_ =	shalt  }
0x7c: {  	_ =	shalt  }
0x7d: {  	_ =	shalt  }
0x7e: {  	_ =	shalt  }
0x7f: {  	_ =	shalt  }
0x80: {  	_ =	shalt  }
0x81: {  	_ =	shalt  }
0x82: {  	_ =	shalt  }
0x83: {  	_ =	shalt  }
0x84: {  	_ =	shalt  }
0x85: {  	_ =	shalt  }
0x86: {  	_ =	shalt  }
0x87: {  	_ =	shalt  }
.Lfunc_end0:
.L_simem_size_0:
called_computation.1_lowered:
.L_overlay_start_0:
0x88: {  	s2 =	sld [smem:$0x3FD9]  }
0x89: {  	s3 =	sld [smem:$0x3FFE];
	_ =	sdelay $0x1  }
0x8a: {  	s1 =	srdreg.scid  }
0x8b: {  	s0 =	sand.u32 $0x1, s1  }
0x8c: {  	s17 =	sshll.u32 s0, $0xA;
	s2 =	sadd.s32 s3, s2  }
0x8d: {  	s2 =	sadd.s32 s2, s17  }
0x8e: {  	[smem:$0x3FC4] =	sst s2  }
0x8f: {  	_ = 	snop  }
0x90: {  	s2 =	sld [smem:$0x3FD0];
	(tm) =	ssettm $0x1  }
0x91: {  	s18 =	sld [smem:$0x3FFB];
	_ =	sdelay $0x3  }
0x92: {  	_ =	strace s18  }
0x93: {  	s3 =	sld [smem:$0x3FFC];
	_ =	sdelay $0x3  }
0x94: {  	_ =	strace s3  }
0x95: {  	s3 =	sld [smem:$0x3FFD];
	_ =	sdelay $0x3  }
0x96: {  	_ =	strace s3  }
0x97: {  	_ =	strace $0x8FFFFFFF  }
0x98: {  	s19 =	sld [smem:$0x3FDB];
	_ =	sdelay $0x1  }
0x99: {  	s4 =	simm.s32 $_scs_section_size  }
0x9a: {  	s5 =	simm.s32 $_size__tile_overlayer_lowered;
	s6 =	simm.s32 $_tile_overlayer_lowered  }
0x9b: {  	s22 =	simm.s32 $0x1BFF;
	s21 =	sshll.u32 s6, $0x1;
	s3 =	sadd.s32 s4, s19  }
0x9c: {  	s7 =	simm.s32 $0x0;
	s20 =	sshll.u32 s5, $0x1;
	s5 =	sadd.s32 s21, s3  }
0x9d: {  	[timem:s7], [sflag:s22] =	dma.local [hbm:s5], s20  }
0x9e: {  	_ =	swait.ge [sflag:s22], s20  }
0x9f: {  	s4 =	ssub.s32 $0x0, s20;
	[sflag:s22] =	ssyncset.done $0x0  }
0xa0: {  	[sflag:s22] =	ssyncadd.s32 s4;
	_ =	sdelay $0x1  }
0xa1: {  	s23 =	simm.s32 $0x1B8B  }
0xa2: {  	_ =	swait.ge [sflag:s23], $0x1  }
0xa3: {  	[sflag:s23] =	ssyncset.done $0x0  }
0xa4: {  	s25 =	simm.s32 $0x1B8E;
	s24 =	sld [smem:$0x3FFE];
	[sflag:s23] =	ssyncadd.s32 $0xFFFFFFFF  }
0xa5: {  	s26 =	simm.s32 $execute0_lowered;
	[smem:$0x3FD2] =	sst s25  }
0xa6: {  	s5 =	sshll.u32 s26, $0x1;
	_ =	strace $0x80000049;
	[dreg:$0x1] =	wrdreg $0xFFFFFFFF  }
0xa7: {  	s28 =	simm.s32 $_size_execute0_lowered;
	s3 =	sadd.s32 s3, s5;
	[dreg:$0x0] =	wrdreg $0x0  }
0xa8: {  	s5 =	sshll.u32 s28, $0x1;
	[dreg:$0x2] =	wrdreg s3  }
0xa9: {  	[dreg:$0x3] =	wrdreg s5  }
0xaa: {  	[dreg:$0x4] =	wrdreg $0xC0  }
0xab: {  	_ =	task [dreg:s7], $0x5FFFF  }
0xac: {  	[dreg:$0x1] =	wrdreg $0xFFFFFFFF  }
0xad: {  	[dreg:$0x0] =	wrdreg $0x60  }
0xae: {  	[dreg:$0x2] =	wrdreg s24  }
0xaf: {  	[dreg:$0x3] =	wrdreg s2  }
0xb0: {  	[dreg:$0x4] =	wrdreg $0xBC000  }
0xb1: {  	[dreg:$0x5] =	wrdreg $0x9  }
0xb2: {  	_ =	task.clear_ibuf [dreg:s7], $0x6FFFF;
	_ =	strace $0x90000049  }
0xb3: {  	s29 =	simm.s32 $0x9;
	_ =	strace $0x8000004B  }
0xb4: {  	_ =	swait.ge [sflag:s29], $0x1  }
0xb5: {  	[sflag:s29] =	ssyncadd.s32 $0xFFFFFFFF  }
0xb6: {  	_ =	strace $0x9000004B  }
0xb7: {  	_ =	sfence  }
0xb8: {  	s30 =	sld [smem:$0x0];
	_ =	sdelay $0x2  }
0xb9: {  	s31 =	sshll.u32 s1, $0xD;
	s1 =	sshrl.u32 s1, $0x2  }
0xba: {  	s3 =	sand.u32 $0x4000, s31;
	s1 =	sadd.s32 s1, s30  }
0xbb: {  	s0 =	sor.u32 s3, s0;
	s1 =	sshll.u32 s1, $0x11  }
0xbc: {  	s0 =	sor.u32 s1, s0  }
0xbd: {  	s0 =	sadd.s32 $0x8F2B, s0  }
0xbe: {  	[sflag:s0] =	ssyncadd.remote.s32 $0x1  }
0xbf: {  	_ =	sfence.sel $0xFFFF  }
0xc0: {  	[dreg:$0x0] =	wrdreg $0xFFFFFFFF;
	(pc) =	sbr.abs _section_cstart, $3  }
0xc1: {  	[dreg:$0x1] =	wrdreg $0xFFFFFFFF  }
0xc2: {  	_ =	task.clear_ibuf [dreg:s7], $0x2FFFF;
	_ =	strace $0x9FFFFFFF  }
0xc3: {  	(tm) =	ssettm $0x7FFFFFFF  }
tec
execute0_lowered:
.L_overlay_start_1:
0x0: {  	(tag) =	ssettag $0x1  }
0x1: {  	s0 =	rddreg [dreg:$0x0]  }
0x2: {  	s1 =	rddreg [dreg:$0x1]  }
0x3: {  	s2 =	rddreg [dreg:$0x2];
	s3 =	simm.s32 $0x0;
	s13 =	stileid.u32  }
0x4: {  	s5 =	srdreg.scid;
	s28 =	simm.s32 $0x64;
	s29 =	simm.s32 $0x2000  }
0x5: {  	s30 =	simm.s32 $0x5400;
	s31 =	simm.s32 $0x1;
	[smem:$0x7FF] =	sst s3  }
0x6: {  	s4 =	smul.u32 $0x4E000, s13;
	s6 =	sadd.s32 $0x16000, s0;
	s7 =	sand.u32 $0x1, s5  }
0x7: {  	s8 =	sadd.s32 $0x2000, s0;
	s5 =	sadd.s32 $0x2A000, s0;
	s20 =	smul.u32 $0x13800, s13  }
0x8: {  	s21 =	sadd.s32 $0x12DE00, s2;
	s22 =	sadd.s32 $0x131000, s2;
	s24 =	sshll.u32 s13, $0x8  }
0x9: {  	_ =	strace $0x8000004A;
	s9 =	ssub.s32 $0x2, s7;
	[dreg:$0xe] =	wrdreg s21  }
0xa: {  	[dreg:$0xf] =	wrdreg s22;
	s4 =	sshrl.u32 s4, $0x2;
	s11 =	sshrl.u32 s9, $0x1  }
0xb: {  	s4 =	sadd.s32 s4, s2;
	s0 =	ssub.s32 s9, s11;
	s11 =	sadd.s32 $0x127A00, s2  }
0xc: {  	p0 =	seq.s32 s13, $0xF;
	s10 =	sadd.s32 $0x3200, s4;
	[dreg:$0xc] =	wrdreg s11  }
0xd: {  	s18 =	smul.u32 $0xA0, s7;
	s12 =	sadd.s32 $0x6400, s4;
	[dreg:$0x6] =	wrdreg s10  }
0xe: {  	s19 =	smul.u32 $0x138800, s7;
	s14 =	sadd.s32 $0x9600, s4;
	[dreg:$0x7] =	wrdreg s12  }
0xf: {  	s7 =	smul.u32 $0xA000, s7;
	s15 =	sadd.s32 $0xC800, s4;
	[dreg:$0x8] =	wrdreg s14  }
0x10: {  	s21 =	sadd.s32 $0x137400, s2;
	s16 =	sadd.s32 $0xFA00, s4;
	[dreg:$0x9] =	wrdreg s15  }
0x11: {  	s9 =	sshrl.u32 s19, $0x3;
	s17 =	sadd.s32 $0x12C00, s4;
	[dreg:$0xa] =	wrdreg s16  }
0x12: {  	s11 =	sadd.s32 s20, s19;
	s20 =	sadd.s32 $0x134200, s2;
	[dreg:$0xb] =	wrdreg s17  }
0x13: {  	s12 =	sadd.s32 $0x124800, s2;
	s10 =	sor.u32 s13, s18;
	s14 =	sadd.s32 $0x12AC00, s2  }
0x14: {  	s11 =	sshrl.u32 s11, $0x3;
	[dreg:$0xd] =	wrdreg s14;
	s10 =	sshll.u32 s10, $0x8  }
0x15: {  	s19 =	sadd.s32 s1, s11;
	s1 =	sadd.s32 s1, s9;
	s23 =	sadd.s32 s6, s10  }
0x16: {  	s10 =	sadd.s32 s8, s10;
	s6 =	sadd.s32 s7, s6;
	s7 =	sadd.s32 s7, s8  }
0x17: {  	s22 =	sadd.s32 $0x24900, s1;
	s1 =	simm.s32 $0x4;
	[dreg:$0x10] =	wrdreg s23  }
0x18: {  	s8 =	simm.s32 $0x6;
	[dreg:$0x11] =	wrdreg s10;
	s6 =	sadd.s32 s24, s6  }
0x19: {  	s7 =	sadd.s32 s24, s7;
	s23 =	smax.u32 s0, $0x1;
	s0 =	simm.s32 $0x8800  }
0x1a: {  	s24 =	simm.s32 $0x2;
	s25 =	sadd.s32 $0x1000, s6;
	s26 =	sadd.s32 $0x1000, s7  }
0x1b: {  	s6 =	simm.s32 $0x3;
	s7 =	simm.s32 $0x5;
	[dreg:$0x4] =	wrdreg s25  }
0x1c: {  	v0 =	vimm.f32 $0.0e+00;
	[dreg:$0x5] =	wrdreg s26;
	s25 =	simm.s32 $0x7;
	s26 =	simm.s32 $0x8  }
.LBB2_1:
0x1d: {  	s9 =	simm.s32 $0x0;
	s10 =	simm.s32 $0x200  }
.LBB2_2:
0x1e: {  	p1 =	sne.s32 s10, $0xC600;
	[tilespmem:s9+$0x2070] =	vst v0  }
0x1f: {  	[tilespmem:s9+$0x2000] =	vst v0  }
0x20: {  	[tilespmem:s9+$0x2010] =	vst v0  }
.Ltmp0:
0x21: {  	[tilespmem:s9+$0x2020] =	vst v0;
	(pc) =	sbr.rel @p1 .LBB2_2-.Ltmp0, $4  }
0x22: {  	[tilespmem:s9+$0x2030] =	vst v0  }
0x23: {  	[tilespmem:s9+$0x2040] =	vst v0  }
0x24: {  	[tilespmem:s9+$0x2050] =	vst v0  }
0x25: {  	[tilespmem:s9+$0x2060] =	vst v0;
	s9 =	sshra.s32 s10, $0x2;
	s10 =	sadd.s32 $0x200, s10  }
0x26: {  	[tilespmem:s9+$0x2070] =	vst v0  }
0x27: {  	[tilespmem:s9+$0x2000] =	vst v0  }
0x28: {  	[tilespmem:s9+$0x2010] =	vst v0  }
0x29: {  	[tilespmem:s9+$0x2020] =	vst v0  }
0x2a: {  	[tilespmem:s9+$0x2030] =	vst v0  }
0x2b: {  	[tilespmem:s9+$0x2040] =	vst v0  }
0x2c: {  	[tilespmem:s9+$0x2050] =	vst v0  }
0x2d: {  	[tilespmem:s9+$0x2060] =	vst v0;
	s9 =	simm.s32 @p0 $0x2000;
	s10 =	simm.s32 @p0 $0x9  }
0x2e: {  	[spmem:s12] =	stream.linear.scatter @p0 [tilespmem:s9], [sflag:$0x9], $0x3200, $0x38;
	[tilespmem:$0x1F480] =	vst v63  }
0x2f: {  	_ =	swait.ge @p0 [sflag:s10], $0x3200  }
0x30: {  	[sflag:s10] =	ssyncset.done @p0 $0x0  }
0x31: {  	s11 =	rddreg [dreg:$0xc];
	[sflag:s10] =	ssyncadd.s32 @p0 $0xFFFFCE00  }
0x32: {  	[spmem:s11] =	stream.linear.scatter @p0 [tilespmem:s9], [sflag:$0x9], $0x3200, $0x38;
	[tilespmem:$0x1F480] =	vst v63  }
0x33: {  	_ =	swait.ge @p0 [sflag:s10], $0x3200  }
0x34: {  	[sflag:s10] =	ssyncset.done @p0 $0x0  }
0x35: {  	s11 =	rddreg [dreg:$0xd];
	[sflag:s10] =	ssyncadd.s32 @p0 $0xFFFFCE00  }
0x36: {  	[spmem:s11] =	stream.linear.scatter @p0 [tilespmem:s9], [sflag:$0x9], $0x3200, $0x38;
	[tilespmem:$0x1F480] =	vst v63  }
0x37: {  	_ =	swait.ge @p0 [sflag:s10], $0x3200  }
0x38: {  	[sflag:s10] =	ssyncset.done @p0 $0x0  }
0x39: {  	s11 =	rddreg [dreg:$0xe];
	[sflag:s10] =	ssyncadd.s32 @p0 $0xFFFFCE00  }
0x3a: {  	[spmem:s11] =	stream.linear.scatter @p0 [tilespmem:s9], [sflag:$0x9], $0x3200, $0x38;
	[tilespmem:$0x1F480] =	vst v63  }
0x3b: {  	_ =	swait.ge @p0 [sflag:s10], $0x3200  }
0x3c: {  	[sflag:s10] =	ssyncset.done @p0 $0x0  }
0x3d: {  	s11 =	rddreg [dreg:$0xf];
	[sflag:s10] =	ssyncadd.s32 @p0 $0xFFFFCE00  }
0x3e: {  	[spmem:s11] =	stream.linear.scatter @p0 [tilespmem:s9], [sflag:$0x9], $0x3200, $0x38;
	[tilespmem:$0x1F480] =	vst v63  }
0x3f: {  	_ =	swait.ge @p0 [sflag:s10], $0x3200  }
0x40: {  	[sflag:s10] =	ssyncset.done @p0 $0x0  }
0x41: {  	[sflag:s10] =	ssyncadd.s32 @p0 $0xFFFFCE00  }
0x42: {  	[spmem:s20] =	stream.linear.scatter @p0 [tilespmem:s9], [sflag:$0x9], $0x3200, $0x38;
	[tilespmem:$0x1F480] =	vst v63  }
0x43: {  	_ =	swait.ge @p0 [sflag:s10], $0x3200  }
0x44: {  	[sflag:s10] =	ssyncset.done @p0 $0x0  }
0x45: {  	[sflag:s10] =	ssyncadd.s32 @p0 $0xFFFFCE00  }
0x46: {  	[spmem:s21] =	stream.linear.scatter @p0 [tilespmem:s9], [sflag:$0x9], $0x1400, $0x38;
	[tilespmem:$0x1F480] =	vst v63  }
0x47: {  	_ =	swait.ge @p0 [sflag:s10], $0x1400  }
0x48: {  	[sflag:s10] =	ssyncset.done @p0 $0x0  }
0x49: {  	s9 =	simm.s32 @!p0 $0x2000;
	[sflag:s10] =	ssyncadd.s32 @p0 $0xFFFFEC00;
	s10 =	simm.s32 @!p0 $0x9  }
0x4a: {  	[spmem:s4] =	stream.linear.scatter @!p0 [tilespmem:s9], [sflag:$0x9], $0x3200, $0x38;
	[tilespmem:$0x1F480] =	vst v63  }
0x4b: {  	_ =	swait.ge @!p0 [sflag:s10], $0x3200  }
0x4c: {  	[sflag:s10] =	ssyncset.done @!p0 $0x0  }
0x4d: {  	s11 =	rddreg [dreg:$0x6];
	[sflag:s10] =	ssyncadd.s32 @!p0 $0xFFFFCE00  }
0x4e: {  	[spmem:s11] =	stream.linear.scatter @!p0 [tilespmem:s9], [sflag:$0x9], $0x3200, $0x38;
	[tilespmem:$0x1F480] =	vst v63  }
0x4f: {  	_ =	swait.ge @!p0 [sflag:s10], $0x3200  }
0x50: {  	[sflag:s10] =	ssyncset.done @!p0 $0x0  }
0x51: {  	s11 =	rddreg [dreg:$0x7];
	[sflag:s10] =	ssyncadd.s32 @!p0 $0xFFFFCE00  }
0x52: {  	[spmem:s11] =	stream.linear.scatter @!p0 [tilespmem:s9], [sflag:$0x9], $0x3200, $0x38;
	[tilespmem:$0x1F480] =	vst v63  }
0x53: {  	_ =	swait.ge @!p0 [sflag:s10], $0x3200  }
0x54: {  	[sflag:s10] =	ssyncset.done @!p0 $0x0  }
0x55: {  	s11 =	rddreg [dreg:$0x8];
	[sflag:s10] =	ssyncadd.s32 @!p0 $0xFFFFCE00  }
0x56: {  	[spmem:s11] =	stream.linear.scatter @!p0 [tilespmem:s9], [sflag:$0x9], $0x3200, $0x38;
	[tilespmem:$0x1F480] =	vst v63  }
0x57: {  	_ =	swait.ge @!p0 [sflag:s10], $0x3200  }
0x58: {  	[sflag:s10] =	ssyncset.done @!p0 $0x0  }
0x59: {  	s11 =	rddreg [dreg:$0x9];
	[sflag:s10] =	ssyncadd.s32 @!p0 $0xFFFFCE00  }
0x5a: {  	[spmem:s11] =	stream.linear.scatter @!p0 [tilespmem:s9], [sflag:$0x9], $0x3200, $0x38;
	[tilespmem:$0x1F480] =	vst v63  }
0x5b: {  	_ =	swait.ge @!p0 [sflag:s10], $0x3200  }
0x5c: {  	[sflag:s10] =	ssyncset.done @!p0 $0x0  }
0x5d: {  	s11 =	rddreg [dreg:$0xa];
	[sflag:s10] =	ssyncadd.s32 @!p0 $0xFFFFCE00  }
0x5e: {  	[spmem:s11] =	stream.linear.scatter @!p0 [tilespmem:s9], [sflag:$0x9], $0x3200, $0x38;
	[tilespmem:$0x1F480] =	vst v63  }
0x5f: {  	_ =	swait.ge @!p0 [sflag:s10], $0x3200  }
0x60: {  	[sflag:s10] =	ssyncset.done @!p0 $0x0  }
0x61: {  	s11 =	rddreg [dreg:$0xb];
	[sflag:s10] =	ssyncadd.s32 @!p0 $0xFFFFCE00  }
0x62: {  	[spmem:s11] =	stream.linear.scatter @!p0 [tilespmem:s9], [sflag:$0x9], $0xC00, $0x38;
	[tilespmem:$0x1F480] =	vst v63  }
0x63: {  	_ =	swait.ge @!p0 [sflag:s10], $0xC00  }
0x64: {  	[sflag:s10] =	ssyncset.done @!p0 $0x0  }
0x65: {  	[sflag:s10] =	ssyncadd.s32 @!p0 $0xFFFFF400  }
0x66: {  	[bflag:$0x0] =	sbarrier.arrive $0xFFFF  }
0x67: {  	s9 =	simm.s32 $0x0;
	s16 =	rddreg [dreg:$0x10]  }
0x68: {  	[tilespmem:s9], [sflag:$0x7] =	stream.linear.gather [hbm4b:s16+s9], $0x500, $0x38;
	[tilespmem:$0x1F480] =	vst v63  }
0x69: {  	s18 =	simm.s32 $0x1000;
	s17 =	rddreg [dreg:$0x11]  }
0x6a: {  	[tilespmem:s18], [sflag:$0x8] =	stream.linear.gather [hbm4b:s17+s9], $0x500, $0x38;
	[tilespmem:$0x1F480] =	vst v63  }
0x6b: {  	_ =	swait.ge [sflag:s25], $0x500  }
0x6c: {  	[sflag:s25] =	ssyncset.done $0x0  }
0x6d: {  	p1 =	por $0x0, $0x0;
	[sflag:s25] =	ssyncadd.s32 $0xFFFFFB00  }
0x6e: {  	s15 =	simm.s32 @!p1 $0x0;
	s10 =	sand.u32 @!p1 $0x800, s9;
	_ =	swait.ge [sflag:s26], $0x500  }
0x6f: {  	s14 =	sxor.u32 @!p1 $0x800, s10;
	s11 =	rddreg [dreg:$0x4];
	[sflag:s26] =	ssyncset.done $0x0  }
0x70: {  	s13 =	rddreg [dreg:$0x5];
	[sflag:s26] =	ssyncadd.s32 $0xFFFFFB00;
	s11 =	sadd.s32 @!p1 $0x0, s11  }
0x71: {  	[tilespmem:s14], [sflag:$0x7] =	stream.linear.gather @!p1 [hbm4b:s11+s15], $0x500, $0x38;
	[tilespmem:$0x1F480] =	vst v63  }
0x72: {  	s13 =	sadd.s32 @!p1 $0x0, s13;
	s11 =	sxor.u32 @!p1 $0x1800, s10  }
0x73: {  	[tilespmem:s11], [sflag:$0x8] =	stream.linear.gather @!p1 [hbm4b:s13+s15], $0x500, $0x38;
	[tilespmem:$0x1F480] =	vst v63  }
0x74: {  	s10 =	simm.s32 @p1 $0x800  }
0x75: {  	[tilespmem:s29], [sflag:$0x1] =	stream.indirect.gather [hbm4b:s5+s28], $0x80, s10, s28, $0xb8;
	[tilespmem:$0x1F480] =	vst v63  }
0x76: {  	s13 =	sor.u32 $0x80, s10  }
0x77: {  	[tilespmem:s30], [sflag:$0x2] =	stream.indirect.gather [hbm4b:s5+s28], $0x80, s13, s28, $0xb8;
	[tilespmem:$0x1F480] =	vst v63  }
0x78: {  	_ =	swait.ge [sflag:s31], $0x3200  }
0x79: {  	[sflag:s31] =	ssyncset.done $0x0  }
0x7a: {  	s14 =	sor.u32 $0x1000, s10;
	[sflag:s31] =	ssyncadd.s32 $0xFFFFCE00  }
0x7b: {  	[spmem:s2] =	stream.indirect.scatter.add.f32 [tilespmem:s29], [sflag:$0x4], $0x80, s14, s28, $0xb8;
	[tilespmem:$0x1F480] =	vst v63  }
0x7c: {  	s15 =	sor.u32 $0x100, s10  }
0x7d: {  	[tilespmem:s0], [sflag:$0x3] =	stream.indirect.gather [hbm4b:s5+s28], $0x80, s15, s28, $0xb8;
	[tilespmem:$0x1F480] =	vst v63  }
0x7e: {  	_ =	swait.ge [sflag:s24], $0x3200  }
0x7f: {  	[sflag:s24] =	ssyncset.done $0x0  }
0x80: {  	[sflag:s24] =	ssyncadd.s32 $0xFFFFCE00  }
0x81: {  	_ =	swait.ge [sflag:s1], $0x3200  }
0x82: {  	[sflag:s1] =	ssyncset.done $0x0  }
0x83: {  	s16 =	sor.u32 $0x1080, s10;
	[sflag:s1] =	ssyncadd.s32 $0xFFFFCE00  }
0x84: {  	[spmem:s2] =	stream.indirect.scatter.add.f32 [tilespmem:s30], [sflag:$0x5], $0x80, s16, s28, $0xb8;
	[tilespmem:$0x1F480] =	vst v63  }
0x85: {  	s17 =	sor.u32 $0x180, s10  }
0x86: {  	[tilespmem:s29], [sflag:$0x1] =	stream.indirect.gather [hbm4b:s5+s28], $0x80, s17, s28, $0xb8;
	[tilespmem:$0x1F480] =	vst v63  }
0x87: {  	_ =	swait.ge [sflag:s6], $0x3200  }
0x88: {  	[sflag:s6] =	ssyncset.done $0x0  }
0x89: {  	[sflag:s6] =	ssyncadd.s32 $0xFFFFCE00  }
0x8a: {  	_ =	swait.ge [sflag:s7], $0x3200  }
0x8b: {  	[sflag:s7] =	ssyncset.done $0x0  }
0x8c: {  	s18 =	sor.u32 $0x1100, s10;
	[sflag:s7] =	ssyncadd.s32 $0xFFFFCE00  }
0x8d: {  	[spmem:s2] =	stream.indirect.scatter.add.f32 [tilespmem:s0], [sflag:$0x6], $0x80, s18, s28, $0xb8;
	[tilespmem:$0x1F480] =	vst v63  }
0x8e: {  	s13 =	sor.u32 $0x200, s10  }
0x8f: {  	[tilespmem:s30], [sflag:$0x2] =	stream.indirect.gather [hbm4b:s5+s28], $0x80, s13, s28, $0xb8;
	[tilespmem:$0x1F480] =	vst v63  }
0x90: {  	_ =	swait.ge [sflag:s31], $0x3200  }
0x91: {  	[sflag:s31] =	ssyncset.done $0x0  }
0x92: {  	[sflag:s31] =	ssyncadd.s32 $0xFFFFCE00  }
0x93: {  	_ =	swait.ge [sflag:s8], $0x3200  }
0x94: {  	[sflag:s8] =	ssyncset.done $0x0  }
0x95: {  	s14 =	sor.u32 $0x1180, s10;
	[sflag:s8] =	ssyncadd.s32 $0xFFFFCE00  }
0x96: {  	[spmem:s2] =	stream.indirect.scatter.add.f32 [tilespmem:s29], [sflag:$0x4], $0x80, s14, s28, $0xb8;
	[tilespmem:$0x1F480] =	vst v63  }
0x97: {  	s15 =	sor.u32 $0x280, s10  }
0x98: {  	[tilespmem:s0], [sflag:$0x3] =	stream.indirect.gather [hbm4b:s5+s28], $0x80, s15, s28, $0xb8;
	[tilespmem:$0x1F480] =	vst v63  }
0x99: {  	_ =	swait.ge [sflag:s24], $0x3200  }
0x9a: {  	[sflag:s24] =	ssyncset.done $0x0  }
0x9b: {  	[sflag:s24] =	ssyncadd.s32 $0xFFFFCE00  }
0x9c: {  	_ =	swait.ge [sflag:s1], $0x3200  }
0x9d: {  	[sflag:s1] =	ssyncset.done $0x0  }
0x9e: {  	s16 =	sor.u32 $0x1200, s10;
	[sflag:s1] =	ssyncadd.s32 $0xFFFFCE00  }
0x9f: {  	[spmem:s2] =	stream.indirect.scatter.add.f32 [tilespmem:s30], [sflag:$0x5], $0x80, s16, s28, $0xb8;
	[tilespmem:$0x1F480] =	vst v63  }
0xa0: {  	s17 =	sor.u32 $0x300, s10  }
0xa1: {  	[tilespmem:s29], [sflag:$0x1] =	stream.indirect.gather [hbm4b:s5+s28], $0x80, s17, s28, $0xb8;
	[tilespmem:$0x1F480] =	vst v63  }
0xa2: {  	_ =	swait.ge [sflag:s6], $0x3200  }
0xa3: {  	[sflag:s6] =	ssyncset.done $0x0  }
0xa4: {  	[sflag:s6] =	ssyncadd.s32 $0xFFFFCE00  }
0xa5: {  	_ =	swait.ge [sflag:s7], $0x3200  }
0xa6: {  	[sflag:s7] =	ssyncset.done $0x0  }
0xa7: {  	s18 =	sor.u32 $0x1280, s10;
	[sflag:s7] =	ssyncadd.s32 $0xFFFFCE00  }
0xa8: {  	[spmem:s2] =	stream.indirect.scatter.add.f32 [tilespmem:s0], [sflag:$0x6], $0x80, s18, s28, $0xb8;
	[tilespmem:$0x1F480] =	vst v63  }
0xa9: {  	s13 =	sor.u32 $0x380, s10  }
0xaa: {  	[tilespmem:s30], [sflag:$0x2] =	stream.indirect.gather [hbm4b:s5+s28], $0x80, s13, s28, $0xb8;
	[tilespmem:$0x1F480] =	vst v63  }
0xab: {  	_ =	swait.ge [sflag:s31], $0x3200  }
0xac: {  	[sflag:s31] =	ssyncset.done $0x0  }
0xad: {  	[sflag:s31] =	ssyncadd.s32 $0xFFFFCE00  }
0xae: {  	_ =	swait.ge [sflag:s8], $0x3200  }
0xaf: {  	[sflag:s8] =	ssyncset.done $0x0  }
0xb0: {  	s14 =	sor.u32 $0x1300, s10;
	[sflag:s8] =	ssyncadd.s32 $0xFFFFCE00  }
0xb1: {  	[spmem:s2] =	stream.indirect.scatter.add.f32 [tilespmem:s29], [sflag:$0x4], $0x80, s14, s28, $0xb8;
	[tilespmem:$0x1F480] =	vst v63  }
0xb2: {  	s15 =	sor.u32 $0x400, s10  }
0xb3: {  	[tilespmem:s0], [sflag:$0x3] =	stream.indirect.gather [hbm4b:s5+s28], $0x80, s15, s28, $0xb8;
	[tilespmem:$0x1F480] =	vst v63  }
0xb4: {  	_ =	swait.ge [sflag:s24], $0x3200  }
0xb5: {  	[sflag:s24] =	ssyncset.done $0x0  }
0xb6: {  	[sflag:s24] =	ssyncadd.s32 $0xFFFFCE00  }
0xb7: {  	_ =	swait.ge [sflag:s1], $0x3200  }
0xb8: {  	[sflag:s1] =	ssyncset.done $0x0  }
0xb9: {  	s16 =	sor.u32 $0x1380, s10;
	[sflag:s1] =	ssyncadd.s32 $0xFFFFCE00  }
0xba: {  	[spmem:s2] =	stream.indirect.scatter.add.f32 [tilespmem:s30], [sflag:$0x5], $0x80, s16, s28, $0xb8;
	[tilespmem:$0x1F480] =	vst v63  }
0xbb: {  	s17 =	sor.u32 $0x480, s10  }
0xbc: {  	[tilespmem:s29], [sflag:$0x1] =	stream.indirect.gather [hbm4b:s5+s28], $0x80, s17, s28, $0xb8;
	[tilespmem:$0x1F480] =	vst v63  }
0xbd: {  	_ =	swait.ge [sflag:s6], $0x3200  }
0xbe: {  	[sflag:s6] =	ssyncset.done $0x0  }
0xbf: {  	[sflag:s6] =	ssyncadd.s32 $0xFFFFCE00  }
0xc0: {  	_ =	swait.ge [sflag:s7], $0x3200  }
0xc1: {  	[sflag:s7] =	ssyncset.done $0x0  }
0xc2: {  	s18 =	sor.u32 $0x1400, s10;
	[sflag:s7] =	ssyncadd.s32 $0xFFFFCE00  }
0xc3: {  	[spmem:s2] =	stream.indirect.scatter.add.f32 [tilespmem:s0], [sflag:$0x6], $0x80, s18, s28, $0xb8;
	[tilespmem:$0x1F480] =	vst v63  }
0xc4: {  	_ =	swait.ge [sflag:s31], $0x3200  }
0xc5: {  	[sflag:s31] =	ssyncset.done $0x0  }
0xc6: {  	[sflag:s31] =	ssyncadd.s32 $0xFFFFCE00  }
0xc7: {  	_ =	swait.ge [sflag:s8], $0x3200  }
0xc8: {  	[sflag:s8] =	ssyncset.done $0x0  }
0xc9: {  	s10 =	sor.u32 $0x1480, s10;
	[sflag:s8] =	ssyncadd.s32 $0xFFFFCE00  }
0xca: {  	[spmem:s2] =	stream.indirect.scatter.add.f32 [tilespmem:s29], [sflag:$0x4], $0x80, s10, s28, $0xb8;
	[tilespmem:$0x1F480] =	vst v63  }
0xcb: {  	s10 =	simm.s32 $0x1000;
	_ =	swait.ge [sflag:s1], $0x3200  }
.LBB2_4:
0xcc: {  	[sflag:s1] =	ssyncset.done $0x0  }
0xcd: {  	[sflag:s1] =	ssyncadd.s32 $0xFFFFCE00  }
0xce: {  	_ =	swait.ge [sflag:s25], $0x500  }
0xcf: {  	s13 =	smov.u32 s10;
	[sflag:s25] =	ssyncset.done $0x0  }
0xd0: {  	s9 =	sadd.s32 $0x800, s9;
	p2 =	seq.s32 s13, $0x9000;
	[sflag:s25] =	ssyncadd.s32 $0xFFFFFB00  }
0xd1: {  	s11 =	sand.u32 @!p2 $0x800, s9;
	s18 =	simm.s32 @!p2 $0x0;
	_ =	swait.ge [sflag:s26], $0x500  }
0xd2: {  	s16 =	sxor.u32 @!p2 $0x800, s11;
	s14 =	rddreg [dreg:$0x4];
	[sflag:s26] =	ssyncset.done $0x0  }
0xd3: {  	s15 =	rddreg [dreg:$0x5];
	[sflag:s26] =	ssyncadd.s32 $0xFFFFFB00;
	s14 =	sadd.s32 @!p2 s13, s14  }
0xd4: {  	[tilespmem:s16], [sflag:$0x7] =	stream.linear.gather @!p2 [hbm4b:s14+s18], $0x500, $0x38;
	[tilespmem:$0x1F480] =	vst v63  }
0xd5: {  	s17 =	sxor.u32 @!p2 $0x1800, s11;
	s13 =	sadd.s32 @!p2 s13, s15  }
0xd6: {  	[tilespmem:s17], [sflag:$0x8] =	stream.linear.gather @!p2 [hbm4b:s13+s18], $0x500, $0x38;
	[tilespmem:$0x1F480] =	vst v63  }
0xd7: {  	s11 =	simm.s32 @p2 $0x800  }
0xd8: {  	[tilespmem:s29], [sflag:$0x1] =	stream.indirect.gather [hbm4b:s5+s28], $0x80, s11, s28, $0xb8;
	[tilespmem:$0x1F480] =	vst v63  }
0xd9: {  	s14 =	sor.u32 $0x80, s11  }
0xda: {  	[tilespmem:s30], [sflag:$0x2] =	stream.indirect.gather [hbm4b:s5+s28], $0x80, s14, s28, $0xb8;
	[tilespmem:$0x1F480] =	vst v63  }
0xdb: {  	_ =	swait.ge [sflag:s31], $0x3200  }
0xdc: {  	[sflag:s31] =	ssyncset.done $0x0  }
0xdd: {  	s15 =	sor.u32 $0x1000, s11;
	[sflag:s31] =	ssyncadd.s32 $0xFFFFCE00  }
0xde: {  	[spmem:s2] =	stream.indirect.scatter.add.f32 [tilespmem:s29], [sflag:$0x4], $0x80, s15, s28, $0xb8;
	[tilespmem:$0x1F480] =	vst v63  }
0xdf: {  	s16 =	sor.u32 $0x100, s11  }
0xe0: {  	[tilespmem:s0], [sflag:$0x3] =	stream.indirect.gather [hbm4b:s5+s28], $0x80, s16, s28, $0xb8;
	[tilespmem:$0x1F480] =	vst v63  }
0xe1: {  	_ =	swait.ge [sflag:s24], $0x3200  }
0xe2: {  	[sflag:s24] =	ssyncset.done $0x0  }
0xe3: {  	[sflag:s24] =	ssyncadd.s32 $0xFFFFCE00  }
0xe4: {  	_ =	swait.ge [sflag:s1], $0x3200  }
0xe5: {  	[sflag:s1] =	ssyncset.done $0x0  }
0xe6: {  	s17 =	sor.u32 $0x1080, s11;
	[sflag:s1] =	ssyncadd.s32 $0xFFFFCE00  }
0xe7: {  	[spmem:s2] =	stream.indirect.scatter.add.f32 [tilespmem:s30], [sflag:$0x5], $0x80, s17, s28, $0xb8;
	[tilespmem:$0x1F480] =	vst v63  }
0xe8: {  	s18 =	sor.u32 $0x180, s11  }
0xe9: {  	[tilespmem:s29], [sflag:$0x1] =	stream.indirect.gather [hbm4b:s5+s28], $0x80, s18, s28, $0xb8;
	[tilespmem:$0x1F480] =	vst v63  }
0xea: {  	_ =	swait.ge [sflag:s6], $0x3200  }
0xeb: {  	[sflag:s6] =	ssyncset.done $0x0  }
0xec: {  	[sflag:s6] =	ssyncadd.s32 $0xFFFFCE00  }
0xed: {  	_ =	swait.ge [sflag:s7], $0x3200  }
0xee: {  	[sflag:s7] =	ssyncset.done $0x0  }
0xef: {  	s15 =	sor.u32 $0x1100, s11;
	[sflag:s7] =	ssyncadd.s32 $0xFFFFCE00  }
0xf0: {  	[spmem:s2] =	stream.indirect.scatter.add.f32 [tilespmem:s0], [sflag:$0x6], $0x80, s15, s28, $0xb8;
	[tilespmem:$0x1F480] =	vst v63  }
0xf1: {  	s16 =	sor.u32 $0x200, s11  }
0xf2: {  	[tilespmem:s30], [sflag:$0x2] =	stream.indirect.gather [hbm4b:s5+s28], $0x80, s16, s28, $0xb8;
	[tilespmem:$0x1F480] =	vst v63  }
0xf3: {  	_ =	swait.ge [sflag:s31], $0x3200  }
0xf4: {  	[sflag:s31] =	ssyncset.done $0x0  }
0xf5: {  	[sflag:s31] =	ssyncadd.s32 $0xFFFFCE00  }
0xf6: {  	_ =	swait.ge [sflag:s8], $0x3200  }
0xf7: {  	[sflag:s8] =	ssyncset.done $0x0  }
0xf8: {  	s17 =	sor.u32 $0x1180, s11;
	[sflag:s8] =	ssyncadd.s32 $0xFFFFCE00  }
0xf9: {  	[spmem:s2] =	stream.indirect.scatter.add.f32 [tilespmem:s29], [sflag:$0x4], $0x80, s17, s28, $0xb8;
	[tilespmem:$0x1F480] =	vst v63  }
0xfa: {  	s18 =	sor.u32 $0x280, s11  }
0xfb: {  	[tilespmem:s0], [sflag:$0x3] =	stream.indirect.gather [hbm4b:s5+s28], $0x80, s18, s28, $0xb8;
	[tilespmem:$0x1F480] =	vst v63  }
0xfc: {  	_ =	swait.ge [sflag:s24], $0x3200  }
0xfd: {  	[sflag:s24] =	ssyncset.done $0x0  }
0xfe: {  	[sflag:s24] =	ssyncadd.s32 $0xFFFFCE00  }
0xff: {  	_ =	swait.ge [sflag:s1], $0x3200  }
0x100: {  	[sflag:s1] =	ssyncset.done $0x0  }
0x101: {  	s15 =	sor.u32 $0x1200, s11;
	[sflag:s1] =	ssyncadd.s32 $0xFFFFCE00  }
0x102: {  	[spmem:s2] =	stream.indirect.scatter.add.f32 [tilespmem:s30], [sflag:$0x5], $0x80, s15, s28, $0xb8;
	[tilespmem:$0x1F480] =	vst v63  }
0x103: {  	s16 =	sor.u32 $0x300, s11  }
0x104: {  	[tilespmem:s29], [sflag:$0x1] =	stream.indirect.gather [hbm4b:s5+s28], $0x80, s16, s28, $0xb8;
	[tilespmem:$0x1F480] =	vst v63  }
0x105: {  	_ =	swait.ge [sflag:s6], $0x3200  }
0x106: {  	[sflag:s6] =	ssyncset.done $0x0  }
0x107: {  	[sflag:s6] =	ssyncadd.s32 $0xFFFFCE00  }
0x108: {  	_ =	swait.ge [sflag:s7], $0x3200  }
0x109: {  	[sflag:s7] =	ssyncset.done $0x0  }
0x10a: {  	s17 =	sor.u32 $0x1280, s11;
	[sflag:s7] =	ssyncadd.s32 $0xFFFFCE00  }
0x10b: {  	[spmem:s2] =	stream.indirect.scatter.add.f32 [tilespmem:s0], [sflag:$0x6], $0x80, s17, s28, $0xb8;
	[tilespmem:$0x1F480] =	vst v63  }
0x10c: {  	s18 =	sor.u32 $0x380, s11  }
0x10d: {  	[tilespmem:s30], [sflag:$0x2] =	stream.indirect.gather [hbm4b:s5+s28], $0x80, s18, s28, $0xb8;
	[tilespmem:$0x1F480] =	vst v63  }
0x10e: {  	_ =	swait.ge [sflag:s31], $0x3200  }
0x10f: {  	[sflag:s31] =	ssyncset.done $0x0  }
0x110: {  	[sflag:s31] =	ssyncadd.s32 $0xFFFFCE00  }
0x111: {  	_ =	swait.ge [sflag:s8], $0x3200  }
0x112: {  	[sflag:s8] =	ssyncset.done $0x0  }
0x113: {  	s14 =	sor.u32 $0x1300, s11;
	[sflag:s8] =	ssyncadd.s32 $0xFFFFCE00  }
0x114: {  	[spmem:s2] =	stream.indirect.scatter.add.f32 [tilespmem:s29], [sflag:$0x4], $0x80, s14, s28, $0xb8;
	[tilespmem:$0x1F480] =	vst v63  }
0x115: {  	s15 =	sor.u32 $0x400, s11  }
0x116: {  	[tilespmem:s0], [sflag:$0x3] =	stream.indirect.gather [hbm4b:s5+s28], $0x80, s15, s28, $0xb8;
	[tilespmem:$0x1F480] =	vst v63  }
0x117: {  	_ =	swait.ge [sflag:s24], $0x3200  }
0x118: {  	[sflag:s24] =	ssyncset.done $0x0  }
0x119: {  	[sflag:s24] =	ssyncadd.s32 $0xFFFFCE00  }
0x11a: {  	_ =	swait.ge [sflag:s1], $0x3200  }
0x11b: {  	[sflag:s1] =	ssyncset.done $0x0  }
0x11c: {  	s16 =	sor.u32 $0x1380, s11;
	[sflag:s1] =	ssyncadd.s32 $0xFFFFCE00  }
0x11d: {  	[spmem:s2] =	stream.indirect.scatter.add.f32 [tilespmem:s30], [sflag:$0x5], $0x80, s16, s28, $0xb8;
	[tilespmem:$0x1F480] =	vst v63  }
0x11e: {  	s17 =	sor.u32 $0x480, s11  }
0x11f: {  	[tilespmem:s29], [sflag:$0x1] =	stream.indirect.gather [hbm4b:s5+s28], $0x80, s17, s28, $0xb8;
	[tilespmem:$0x1F480] =	vst v63  }
0x120: {  	_ =	swait.ge [sflag:s6], $0x3200  }
0x121: {  	[sflag:s6] =	ssyncset.done $0x0  }
0x122: {  	[sflag:s6] =	ssyncadd.s32 $0xFFFFCE00  }
0x123: {  	_ =	swait.ge [sflag:s7], $0x3200  }
0x124: {  	[sflag:s7] =	ssyncset.done $0x0  }
0x125: {  	s18 =	sor.u32 $0x1400, s11;
	[sflag:s7] =	ssyncadd.s32 $0xFFFFCE00  }
0x126: {  	[spmem:s2] =	stream.indirect.scatter.add.f32 [tilespmem:s0], [sflag:$0x6], $0x80, s18, s28, $0xb8;
	[tilespmem:$0x1F480] =	vst v63  }
0x127: {  	_ =	swait.ge [sflag:s31], $0x3200  }
0x128: {  	s10 =	sadd.s32 $0x1000, s10;
	[sflag:s31] =	ssyncset.done $0x0  }
0x129: {  	p1 =	sne.s32 s10, $0xA000;
	[sflag:s31] =	ssyncadd.s32 $0xFFFFCE00  }
.Ltmp1:
0x12a: {  	_ =	swait.ge [sflag:s8], $0x3200;
	(pc) =	sbr.rel @p1 .LBB2_4-.Ltmp1, $4  }
0x12b: {  	[sflag:s8] =	ssyncset.done $0x0  }
0x12c: {  	s11 =	sor.u32 $0x1480, s11;
	[sflag:s8] =	ssyncadd.s32 $0xFFFFCE00  }
0x12d: {  	[spmem:s2] =	stream.indirect.scatter.add.f32 [tilespmem:s29], [sflag:$0x4], $0x80, s11, s28, $0xb8;
	[tilespmem:$0x1F480] =	vst v63  }
0x12e: {  	_ =	swait.ge [sflag:s1], $0x3200  }
0x12f: {  	[sflag:s1] =	ssyncset.done $0x0  }
0x130: {  	[sflag:s1] =	ssyncadd.s32 $0xFFFFCE00  }
0x131: {  	s9 =	sshrl.u32 @p0 s12, $0x3;
	s10 =	simm.s32 @p0 $0x1FC9;
	[bflag:$0x0] =	sbarrier.arrive $0xFFFF  }
0x132: {  	[hbm:s22], [sflag:s10] =	dma.local @p0 [spmem:s9], $0x2800  }
0x133: {  	s9 =	simm.s32 @p0 $0x9  }
0x134: {  	s3 =	sadd.s32 $0x1, s3;
	s10 =	stileid.u32;
	_ =	swait.ge @p0 [sflag:s9], $0x2800  }
0x135: {  	p1 =	sne.s32 s3, s23;
	s10 =	sshll.u32 @!p0 s10, $0x6;
	[sflag:s9] =	ssyncset.done @p0 $0x0  }
0x136: {  	[sflag:s9] =	ssyncadd.s32 @p0 $0xFFFFD800;
	s9 =	sor.u32 @!p0 $0x1C09, s10;
	s10 =	sshrl.u32 @!p0 s4, $0x3  }
0x137: {  	[hbm:s19], [sflag:s9] =	dma.local @!p0 [spmem:s10], $0x2700  }
.Ltmp2:
0x138: {  	_ = 	snop;
	(pc) =	sbr.rel @p1 .LBB2_1-.Ltmp2, $4  }
0x139: {  	s9 =	simm.s32 @!p0 $0x9  }
0x13a: {  	_ =	swait.ge @!p0 [sflag:s9], $0x2700  }
0x13b: {  	[sflag:s9] =	ssyncset.done @!p0 $0x0  }
0x13c: {  	[sflag:s9] =	ssyncadd.s32 @!p0 $0xFFFFD900  }
0x13d: {  	_ =	sfence.sel $0x180000  }
0x13e: {  	[bflag:$0x0] =	sbarrier.arrive $0xFFFF  }
0x13f: {  	_ =	strace $0x9000004A  }
0x140: {  	s0 =	stileid.u32;
	[bflag:$0x2] =	sbarrier.arrive $0xFFFF  }
0x141: {  	p0 =	sne.s32 s0, $0x0;
	s0 =	rddreg [dreg:$0x3]  }
0x142: {  	s0 =	sadd.s32 @!p0 $0x100000, s0  }
0x143: {  	[sflag:s0] =	ssyncadd.tile.s32 @!p0 $0x1;
	_ =	shalt  }
.Lfunc_end2:
_tile_overlayer_lowered:
.L_overlay_start_2:
0x144: {  	(tag) =	ssettag $0x2  }
0x145: {  	s0 =	rddreg [dreg:$0x0];
	s2 =	stileid.u32  }
0x146: {  	s1 =	rddreg [dreg:$0x1];
	p0 =	sne.s32 s2, $0x0  }
0x147: {  	s3 =	rddreg [dreg:$0x2];
	[bflag:$0x3] =	sbarrier.arrive $0xFFFF;
	s2 =	simm.s32 @!p0 $0x1C09  }
0x148: {  	[timem:s3], [sflag:s2] =	dma.local @!p0 [hbm:s0], s1  }
0x149: {  	s0 =	simm.s32 @!p0 $0x9  }
0x14a: {  	_ =	swait.ge @!p0 [sflag:s0], s1  }
0x14b: {  	s1 =	ssub.s32 @!p0 $0x0, s1;
	[sflag:s0] =	ssyncset.done @!p0 $0x0  }
0x14c: {  	[sflag:s0] =	ssyncadd.s32 @!p0 s1  }
0x14d: {  	[bflag:$0x3] =	sbarrier.arrive $0xFFFF  }
0x14e: {  	_ =	shalt  }

</sc_bundles>
